<compile_context>
chip_gen: v7x
topology: tpu7x:2x2x1
jax: 0.10.2.dev20260603
libtpu: 0.0.44.dev20260713+nightly
codegen_flags: <defaults>
</compile_context>

<pallas_src>
import functools

import jax
import jax.numpy as jnp
from jax import lax
from jax.experimental import pallas as pl
from jax.experimental.pallas import tpu as pltpu
from jax.experimental.pallas import tpu_sc as plsc

_N = 10000
_E = 320000
_IN_DIM = 128
_H1 = 256
_H2 = 128
_NC = 16

_NCORES = 2
_NSUB = 16
_EB = 128
_NB = _E // _EB
_NPAD = 10240
_ROWS_PER_TILE = _NPAD // _NSUB
_RCHUNK = 128

_MESH = dict(core_axis_name="c", subcore_axis_name="s",
             num_cores=_NCORES, num_subcores=_NSUB)


def _zero_vmem_2d(buf, rows, cols):
    def row_body(r, carry):
        for k in range(cols // 16):
            buf[r, pl.ds(k * 16, 16)] = jnp.zeros((16,), jnp.float32)
        return carry
    lax.fori_loop(0, rows, row_body, 0)


def _zero_shared_chunk(zbuf, acc_sh, base):
    for c in range(_ROWS_PER_TILE // _RCHUNK):
        pltpu.sync_copy(zbuf, acc_sh.at[pl.ds(base + c * _RCHUNK, _RCHUNK)])


def _readout_shared_chunk(buf, acc_sh, out_hbm, base):
    for c in range(_ROWS_PER_TILE // _RCHUNK):
        pltpu.sync_copy(acc_sh.at[pl.ds(base + c * _RCHUNK, _RCHUNK)], buf)
        pltpu.sync_copy(buf, out_hbm.at[pl.ds(base + c * _RCHUNK, _RCHUNK)])


@functools.cache
def _get_sc_degrees():
    return functools.partial(
        pl.kernel,
        out_type=[jax.ShapeDtypeStruct((_NPAD, 128), jnp.float32),
                  jax.ShapeDtypeStruct((_NPAD, 128), jnp.float32)],
        mesh=plsc.VectorSubcoreMesh(**_MESH),
        scratch_types=[
            pltpu.VMEM_SHARED((_NPAD, 128), jnp.float32),
            pltpu.VMEM((_EB,), jnp.int32),
            pltpu.VMEM((_EB, 128), jnp.float32),
        ],
    )(_sc_degrees)


def _sc_degrees(src_hbm, dst_hbm, ones_hbm, osrc_hbm, odst_hbm,
                acc_sh, idx_v, ones_v):
    cid = lax.axis_index("c")
    sid = lax.axis_index("s")
    base = sid * _ROWS_PER_TILE

    _zero_vmem_2d(ones_v, _EB, 128)
    for c in range(_ROWS_PER_TILE // _RCHUNK):
        pltpu.sync_copy(ones_v, acc_sh.at[pl.ds(base + c * _RCHUNK, _RCHUNK)])
    pltpu.sync_copy(ones_hbm, ones_v)
    plsc.subcore_barrier()

    def hist(edges_hbm):
        def body(j, carry):
            b = sid + j * _NSUB

            @pl.when(b < _NB)
            def _():
                pltpu.sync_copy(edges_hbm.at[pl.ds(b * _EB, _EB)], idx_v)
                pltpu.sync_copy(ones_v, acc_sh.at[idx_v], add=True)
            return carry
        lax.fori_loop(0, (_NB + _NSUB - 1) // _NSUB, body, 0)

    pl.when(cid == 0)(lambda: hist(src_hbm))
    pl.when(cid == 1)(lambda: hist(dst_hbm))
    plsc.subcore_barrier()

    pl.when(cid == 0)(lambda: _readout_shared_chunk(ones_v, acc_sh, osrc_hbm, base))
    pl.when(cid == 1)(lambda: _readout_shared_chunk(ones_v, acc_sh, odst_hbm, base))


def _prop_body(xs_hbm, out_hbm, src_hbm, dst_hbm,
               acc_sh, sidx_v, didx_v, rows_v, buf_v, sem,
               sid, b_lo, b_hi):
    def body(j, carry):
        b = b_lo + sid + j * _NSUB

        @pl.when(b < b_hi)
        def _():
            pltpu.sync_copy(src_hbm.at[pl.ds(b * _EB, _EB)], sidx_v)
            pltpu.sync_copy(dst_hbm.at[pl.ds(b * _EB, _EB)], didx_v)
            pltpu.async_copy(xs_hbm.at[sidx_v], rows_v, sem).wait()
            pltpu.sync_copy(rows_v, acc_sh.at[didx_v], add=True)
        return carry
    nloop = (b_hi - b_lo + _NSUB - 1) // _NSUB
    lax.fori_loop(0, nloop, body, 0)


@functools.cache
def _make_prop(col_split):
    C = 128

    def prop(xs0_hbm, xs1_hbm, src_hbm, dst_hbm, o0_hbm, o1_hbm,
             acc_sh, sidx_v, didx_v, rows_v, buf_v, sem):
        cid = lax.axis_index("c")
        sid = lax.axis_index("s")
        base = sid * _ROWS_PER_TILE

        _zero_vmem_2d(buf_v, _RCHUNK, C)
        _zero_shared_chunk(buf_v, acc_sh, base)
        plsc.subcore_barrier()

        if col_split:
            pl.when(cid == 0)(lambda: _prop_body(
                xs0_hbm, o0_hbm, src_hbm, dst_hbm,
                acc_sh, sidx_v, didx_v, rows_v, buf_v, sem, sid, 0, _NB))
            pl.when(cid == 1)(lambda: _prop_body(
                xs1_hbm, o1_hbm, src_hbm, dst_hbm,
                acc_sh, sidx_v, didx_v, rows_v, buf_v, sem, sid, 0, _NB))
        else:
            pl.when(cid == 0)(lambda: _prop_body(
                xs0_hbm, o0_hbm, src_hbm, dst_hbm,
                acc_sh, sidx_v, didx_v, rows_v, buf_v, sem, sid, 0, _NB // 2))
            pl.when(cid == 1)(lambda: _prop_body(
                xs1_hbm, o1_hbm, src_hbm, dst_hbm,
                acc_sh, sidx_v, didx_v, rows_v, buf_v, sem, sid, _NB // 2, _NB))

        plsc.subcore_barrier()
        pl.when(cid == 0)(lambda: _readout_shared_chunk(buf_v, acc_sh, o0_hbm, base))
        pl.when(cid == 1)(lambda: _readout_shared_chunk(buf_v, acc_sh, o1_hbm, base))

    return functools.partial(
        pl.kernel,
        out_type=[jax.ShapeDtypeStruct((_NPAD, C), jnp.float32),
                  jax.ShapeDtypeStruct((_NPAD, C), jnp.float32)],
        mesh=plsc.VectorSubcoreMesh(**_MESH),
        scratch_types=[
            pltpu.VMEM_SHARED((_NPAD, C), jnp.float32),
            pltpu.VMEM((_EB,), jnp.int32),
            pltpu.VMEM((_EB,), jnp.int32),
            pltpu.VMEM((_EB, C), jnp.float32),
            pltpu.VMEM((_RCHUNK, C), jnp.float32),
            pltpu.SemaphoreType.DMA,
        ],
    )(prop)


def _row_scale(hist_blk):
    return lax.rsqrt(jnp.maximum(hist_blk[:, 0:1], 1.0))


def _tc_scale_kernel(f_ref, hs_ref, o_ref):
    o_ref[...] = f_ref[...] * _row_scale(hs_ref[...])


def _tc_encode_kernel(p0a_ref, p0b_ref, hd_ref, hs_ref, y_ref,
                      w0_ref, b0_ref, wlin_ref, blin_ref, wcat_ref,
                      h_ref, glo_ref, ghi_ref):
    s_in = _row_scale(hd_ref[...])
    s_out = _row_scale(hs_ref[...])
    p0 = (p0a_ref[...] + p0b_ref[...]) * s_in
    h0 = jnp.maximum(jnp.dot(p0, w0_ref[...],
                             preferred_element_type=jnp.float32) + b0_ref[...], 0.0)
    hcat = jnp.concatenate([h0, y_ref[...]], axis=1)
    h = jnp.maximum(jnp.dot(hcat, wlin_ref[...],
                            preferred_element_type=jnp.float32) + blin_ref[...], 0.0)
    g = jnp.dot(h, wcat_ref[...], preferred_element_type=jnp.float32) * s_out
    h_ref[...] = h
    glo_ref[...] = g[:, :128]
    ghi_ref[...] = g[:, 128:]


def _l2norm(x):
    n = jnp.sqrt(jnp.sum(x * x, axis=-1, keepdims=True))
    return x / jnp.maximum(n, 1e-12)


def _tc_decode_kernel(qlo_ref, qhi_ref, hd_ref, b1_ref, b2_ref,
                      n1_ref, n2_ref, y_ref, wd_ref, bd_ref,
                      mean_ref, ls_ref, z1_ref, z2_ref,
                      f1_ref, f2_ref, kl_ref, zc1_ref):
    s_in = _row_scale(hd_ref[...])
    mean = _l2norm(qlo_ref[...] * s_in + b1_ref[...])
    log_std = _l2norm(qhi_ref[...] * s_in + b2_ref[...])
    e = jnp.exp(log_std)
    z1 = mean + n1_ref[...] * e
    z2 = mean + n2_ref[...] * e
    y = y_ref[...]
    zc1 = jnp.concatenate([z1, y], axis=1)
    zc2 = jnp.concatenate([z2, y], axis=1)
    f1 = jnp.maximum(jnp.dot(zc1, wd_ref[...],
                             preferred_element_type=jnp.float32) + bd_ref[...], 0.0)
    f2 = jnp.maximum(jnp.dot(zc2, wd_ref[...],
                             preferred_element_type=jnp.float32) + bd_ref[...], 0.0)
    d = z1 - mean
    kl = jnp.sum(0.5 * (z1 * z1 - log_std - d * d / e), axis=-1, keepdims=True)
    mean_ref[...] = mean
    ls_ref[...] = log_std
    z1_ref[...] = z1
    z2_ref[...] = z2
    f1_ref[...] = f1
    f2_ref[...] = f2
    kl_ref[...] = kl
    zc1_ref[...] = zc1


def _tc_adj_kernel(a_ref, bt_ref, o_ref):
    o_ref[...] = jax.nn.sigmoid(
        jnp.dot(a_ref[...], bt_ref[...], preferred_element_type=jnp.float32))


def _full(shape):
    return pl.BlockSpec(shape, lambda *_: (0,) * len(shape))


def _rows(tm, cols):
    return pl.BlockSpec((tm, cols), lambda i: (i, 0))


def kernel(features, edge_index, y_onehot, noise1, noise2,
           W0, b0, Wlin, blin, W1, b1, W2, b2, Wd, bd):
    src = edge_index[0]
    dst = edge_index[1]

    hist_src, hist_dst = _get_sc_degrees()(
        src, dst, jnp.ones((_EB, 128), jnp.float32))

    TM = 1000
    grid = (_N // TM,)
    xs0 = pl.pallas_call(
        _tc_scale_kernel,
        grid=grid,
        in_specs=[_rows(TM, _IN_DIM), _rows(TM, 128)],
        out_specs=_rows(TM, _IN_DIM),
        out_shape=jax.ShapeDtypeStruct((_N, _IN_DIM), jnp.float32),
    )(features, hist_src)

    p0a, p0b = _make_prop(col_split=False)(xs0, xs0, src, dst)

    Wcat = jnp.concatenate([W1, W2], axis=1)
    h, glo, ghi = pl.pallas_call(
        _tc_encode_kernel,
        grid=grid,
        in_specs=[_rows(TM, _IN_DIM), _rows(TM, _IN_DIM),
                  _rows(TM, 128), _rows(TM, 128), _rows(TM, _NC),
                  _full((_IN_DIM, _H1)), _full((1, _H1)),
                  _full((_H1 + _NC, _H1 + _NC)), _full((1, _H1 + _NC)),
                  _full((_H1 + _NC, 2 * _H2))],
        out_specs=[_rows(TM, _H1 + _NC), _rows(TM, _H2), _rows(TM, _H2)],
        out_shape=[jax.ShapeDtypeStruct((_N, _H1 + _NC), jnp.float32),
                   jax.ShapeDtypeStruct((_N, _H2), jnp.float32),
                   jax.ShapeDtypeStruct((_N, _H2), jnp.float32)],
    )(p0a, p0b, hist_dst, hist_src, y_onehot,
      W0, b0.reshape(1, -1), Wlin, blin.reshape(1, -1), Wcat)

    qlo, qhi = _make_prop(col_split=True)(glo, ghi, src, dst)

    (mean, log_std, z1, z2, fea_rec1, fea_rec2, kl2d, zc1) = pl.pallas_call(
        _tc_decode_kernel,
        grid=grid,
        in_specs=[_rows(TM, _H2), _rows(TM, _H2), _rows(TM, 128),
                  _full((1, _H2)), _full((1, _H2)),
                  _rows(TM, _H2), _rows(TM, _H2), _rows(TM, _NC),
                  _full((_H2 + _NC, _H1)), _full((1, _H1))],
        out_specs=[_rows(TM, _H2), _rows(TM, _H2), _rows(TM, _H2),
                   _rows(TM, _H2), _rows(TM, _H1), _rows(TM, _H1),
                   _rows(TM, 1), _rows(TM, _H2 + _NC)],
        out_shape=[jax.ShapeDtypeStruct((_N, _H2), jnp.float32),
                   jax.ShapeDtypeStruct((_N, _H2), jnp.float32),
                   jax.ShapeDtypeStruct((_N, _H2), jnp.float32),
                   jax.ShapeDtypeStruct((_N, _H2), jnp.float32),
                   jax.ShapeDtypeStruct((_N, _H1), jnp.float32),
                   jax.ShapeDtypeStruct((_N, _H1), jnp.float32),
                   jax.ShapeDtypeStruct((_N, 1), jnp.float32),
                   jax.ShapeDtypeStruct((_N, _H2 + _NC), jnp.float32)],
    )(qlo, qhi, hist_dst, b1.reshape(1, -1), b2.reshape(1, -1),
      noise1, noise2, y_onehot, Wd, bd.reshape(1, -1))

    zc1T = zc1.T
    AM, AN = 512, 1024
    adj_rec = pl.pallas_call(
        _tc_adj_kernel,
        grid=(pl.cdiv(_N, AM), pl.cdiv(_N, AN)),
        in_specs=[pl.BlockSpec((AM, _H2 + _NC), lambda i, j: (i, 0)),
                  pl.BlockSpec((_H2 + _NC, AN), lambda i, j: (0, j))],
        out_specs=pl.BlockSpec((AM, AN), lambda i, j: (i, j)),
        out_shape=jax.ShapeDtypeStruct((_N, _N), jnp.float32),
    )(zc1, zc1T)

    return (adj_rec, z1, z2, h, fea_rec1, fea_rec2, mean, log_std,
            kl2d.reshape(_N))

# --- scband reference (transcript-rebuilt; emitter-appended) ---
"""Pipeline reference for scband-vgaemodel-26731876450812 (READ-ONLY COPY).

The authoritative reference and input builder live on the scoring server;
editing this copy changes nothing except your own understanding.
"""

import jax, jax.numpy as jnp
import numpy as np

N = 10000
E = 320000
IN_DIM = 128
H1 = 256
H2 = 128
NC = 16


def log_gaussian(x, mu, log_var):
    return jnp.sum(-0.5 * (jnp.log(2.0 * jnp.pi) + log_var + (x - mu) ** 2 / jnp.exp(log_var)), axis=-1)


def log_standard_gaussian(x):
    return jnp.sum(-0.5 * (jnp.log(2.0 * jnp.pi) + x ** 2), axis=-1)


def l2_normalize(x, eps=1e-12):
    n = jnp.linalg.norm(x, axis=-1, keepdims=True)
    return x / jnp.maximum(n, eps)


def graph_conv(x, src, dst, W, b, n_nodes):
    # DGL GraphConv with norm='both', allow_zero_in_degree=True (degrees clamped to min 1)
    deg_out = jnp.clip(jnp.zeros((n_nodes,), x.dtype).at[src].add(1.0), 1.0)
    deg_in = jnp.clip(jnp.zeros((n_nodes,), x.dtype).at[dst].add(1.0), 1.0)
    h = (x * (deg_out ** -0.5)[:, None]) @ W
    msg = h[src]
    agg = jnp.zeros((n_nodes, W.shape[1]), x.dtype).at[dst].add(msg)
    agg = agg * (deg_in ** -0.5)[:, None]
    return agg + b


def setup_inputs(seed: int = 0):
    key = jax.random.key(seed)
    ks = jax.random.split(key, 16)
    features = jax.random.normal(ks[0], (N, IN_DIM), dtype=jnp.float32)
    edge_index = jax.random.randint(ks[1], (2, E), 0, N, dtype=jnp.int32)
    y_idx = jax.random.randint(ks[2], (N,), 0, NC)
    y_onehot = jax.nn.one_hot(y_idx, NC, dtype=jnp.float32)
    noise1 = jax.random.normal(ks[3], (N, H2), dtype=jnp.float32)
    noise2 = jax.random.normal(ks[4], (N, H2), dtype=jnp.float32)
    W0 = jax.random.normal(ks[5], (IN_DIM, H1), dtype=jnp.float32) / np.sqrt(IN_DIM)
    b0 = jnp.zeros((H1,), jnp.float32)
    Wlin = jax.random.normal(ks[6], (H1 + NC, H1 + NC), dtype=jnp.float32) / np.sqrt(H1 + NC)
    blin = jnp.zeros((H1 + NC,), jnp.float32)
    W1 = jax.random.normal(ks[7], (H1 + NC, H2), dtype=jnp.float32) / np.sqrt(H1 + NC)
    b1 = jnp.zeros((H2,), jnp.float32)
    W2 = jax.random.normal(ks[8], (H1 + NC, H2), dtype=jnp.float32) / np.sqrt(H1 + NC)
    b2 = jnp.zeros((H2,), jnp.float32)
    Wd = jax.random.normal(ks[9], (H2 + NC, H1), dtype=jnp.float32) / np.sqrt(H2 + NC)
    bd = jnp.zeros((H1,), jnp.float32)
    return {"features": features, "edge_index": edge_index, "y_onehot": y_onehot,
            "noise1": noise1, "noise2": noise2,
            "W0": W0, "b0": b0, "Wlin": Wlin, "blin": blin,
            "W1": W1, "b1": b1, "W2": W2, "b2": b2, "Wd": Wd, "bd": bd}


def reference(features, edge_index, y_onehot, noise1, noise2, W0, b0, Wlin, blin, W1, b1, W2, b2, Wd, bd):
    src = edge_index[0]
    dst = edge_index[1]
    # encoder
    h0 = jax.nn.relu(graph_conv(features, src, dst, W0, b0, N))
    h = jnp.concatenate([h0, y_onehot], axis=1)
    h = jax.nn.relu(h @ Wlin + blin)
    mean = l2_normalize(graph_conv(h, src, dst, W1, b1, N))
    log_std = l2_normalize(graph_conv(h, src, dst, W2, b2, N))
    z1 = mean + noise1 * jnp.exp(log_std)
    z2 = mean + noise2 * jnp.exp(log_std)
    # adj decoder
    zc1 = jnp.concatenate([z1, y_onehot], axis=1)
    zc2 = jnp.concatenate([z2, y_onehot], axis=1)
    adj_rec = jax.nn.sigmoid(zc1 @ zc1.T)
    # feature decoders
    fea_rec1 = jax.nn.relu(zc1 @ Wd + bd)
    fea_rec2 = jax.nn.relu(zc2 @ Wd + bd)
    # KL divergence
    kl_div = log_gaussian(z1, mean, log_std) - log_standard_gaussian(z1)
    return (adj_rec, z1, z2, h, fea_rec1, fea_rec2, mean, log_std, kl_div)

if __name__ == "__main__":
    import jax
    _d = setup_inputs()
    print(jax.jit(kernel)(*tuple(_d.values())))

</pallas_src>

<mosaic_0001>
#map = affine_map<(d0, d1) -> (0)>
#map1 = affine_map<(d0, d1) -> (0, 0)>
module attributes {stable_mosaic.version = 14 : i64} {
  func.func @_sc_degrees(%arg0: i32, %arg1: i32, %arg2: memref<320000xi32, #tpu.memory_space<hbm>>, %arg3: memref<320000xi32, #tpu.memory_space<hbm>>, %arg4: memref<128x128xf32, #tpu.memory_space<hbm>>, %arg5: memref<10240x128xf32, #tpu.memory_space<hbm>>, %arg6: memref<10240x128xf32, #tpu.memory_space<hbm>>, %arg7: memref<10240x128xf32, #tpu.memory_space<vmem_shared>>, %arg8: memref<128xi32, #tpu.memory_space<vmem>>, %arg9: memref<128x128xf32, #tpu.memory_space<vmem>>) attributes {dimension_semantics = [#tpu.dimension_semantics<core_parallel>, #tpu.dimension_semantics<subcore_parallel>], iteration_bounds = array<i64: 2, 16>, scalar_prefetch = 0 : i64, scratch_operands = 3 : i64, tpu.core_type = #tpu.core_type<sc_vector_subcore>, window_params = [{transform_indices = #map}, {transform_indices = #map}, {transform_indices = #map1}, {transform_indices = #map1}, {transform_indices = #map1}]} {
    %mul3A = arith.constant 640 : i32
    %mul3A_0 = arith.muli %arg1, %mul3A : i32
    %scan3A = arith.constant 0 : i32
    %scan3A_1 = arith.constant 0 : i32
    %scan3A_2 = arith.constant 128 : i32
    %scan3A_3 = arith.addi %scan3A_1, %scan3A_2 : i32
    %scan3A_4 = arith.constant 1 : i32
    scf.for %scan3A_33 = %scan3A_1 to %scan3A_3 step %scan3A_4  : i32 {
      %broadcast_in_dim3A = arith.constant 0.000000e+00 : f32
      %broadcast_in_dim3A_34 = vector.broadcast %broadcast_in_dim3A : f32 to vector<16xf32>
      %swap3A = arith.index_cast %scan3A_33 : i32 to index
      %swap3A_35 = arith.constant 0 : index
      %swap3A_36 = tpu.vector_load %arg9[%swap3A, %swap3A_35] {strides = array<i32>} : memref<128x128xf32, #tpu.memory_space<vmem>>, vector<1x16xf32>,
      %swap3A_37 = vector.shape_cast %swap3A_36 : vector<1x16xf32> to vector<16xf32>
      %swap3A_38 = vector.shape_cast %broadcast_in_dim3A_34 : vector<16xf32> to vector<1x16xf32>
      tpu.vector_store %arg9[%swap3A, %swap3A_35], %swap3A_38 {strides = array<i32>} : memref<128x128xf32, #tpu.memory_space<vmem>>, vector<1x16xf32>,
      %broadcast_in_dim3A_39 = arith.constant 0.000000e+00 : f32
      %broadcast_in_dim3A_40 = vector.broadcast %broadcast_in_dim3A_39 : f32 to vector<16xf32>
      %swap3A_41 = arith.index_cast %scan3A_33 : i32 to index
      %swap3A_42 = arith.constant 16 : index
      %swap3A_43 = tpu.vector_load %arg9[%swap3A_41, %swap3A_42] {strides = array<i32>} : memref<128x128xf32, #tpu.memory_space<vmem>>, vector<1x16xf32>,
      %swap3A_44 = vector.shape_cast %swap3A_43 : vector<1x16xf32> to vector<16xf32>
      %swap3A_45 = vector.shape_cast %broadcast_in_dim3A_40 : vector<16xf32> to vector<1x16xf32>
      tpu.vector_store %arg9[%swap3A_41, %swap3A_42], %swap3A_45 {strides = array<i32>} : memref<128x128xf32, #tpu.memory_space<vmem>>, vector<1x16xf32>,
      %broadcast_in_dim3A_46 = arith.constant 0.000000e+00 : f32
      %broadcast_in_dim3A_47 = vector.broadcast %broadcast_in_dim3A_46 : f32 to vector<16xf32>
      %swap3A_48 = arith.index_cast %scan3A_33 : i32 to index
      %swap3A_49 = arith.constant 32 : index
      %swap3A_50 = tpu.vector_load %arg9[%swap3A_48, %swap3A_49] {strides = array<i32>} : memref<128x128xf32, #tpu.memory_space<vmem>>, vector<1x16xf32>,
      %swap3A_51 = vector.shape_cast %swap3A_50 : vector<1x16xf32> to vector<16xf32>
      %swap3A_52 = vector.shape_cast %broadcast_in_dim3A_47 : vector<16xf32> to vector<1x16xf32>
      tpu.vector_store %arg9[%swap3A_48, %swap3A_49], %swap3A_52 {strides = array<i32>} : memref<128x128xf32, #tpu.memory_space<vmem>>, vector<1x16xf32>,
      %broadcast_in_dim3A_53 = arith.constant 0.000000e+00 : f32
      %broadcast_in_dim3A_54 = vector.broadcast %broadcast_in_dim3A_53 : f32 to vector<16xf32>
      %swap3A_55 = arith.index_cast %scan3A_33 : i32 to index
      %swap3A_56 = arith.constant 48 : index
      %swap3A_57 = tpu.vector_load %arg9[%swap3A_55, %swap3A_56] {strides = array<i32>} : memref<128x128xf32, #tpu.memory_space<vmem>>, vector<1x16xf32>,
      %swap3A_58 = vector.shape_cast %swap3A_57 : vector<1x16xf32> to vector<16xf32>
      %swap3A_59 = vector.shape_cast %broadcast_in_dim3A_54 : vector<16xf32> to vector<1x16xf32>
      tpu.vector_store %arg9[%swap3A_55, %swap3A_56], %swap3A_59 {strides = array<i32>} : memref<128x128xf32, #tpu.memory_space<vmem>>, vector<1x16xf32>,
      %broadcast_in_dim3A_60 = arith.constant 0.000000e+00 : f32
      %broadcast_in_dim3A_61 = vector.broadcast %broadcast_in_dim3A_60 : f32 to vector<16xf32>
      %swap3A_62 = arith.index_cast %scan3A_33 : i32 to index
      %swap3A_63 = arith.constant 64 : index
      %swap3A_64 = tpu.vector_load %arg9[%swap3A_62, %swap3A_63] {strides = array<i32>} : memref<128x128xf32, #tpu.memory_space<vmem>>, vector<1x16xf32>,
      %swap3A_65 = vector.shape_cast %swap3A_64 : vector<1x16xf32> to vector<16xf32>
      %swap3A_66 = vector.shape_cast %broadcast_in_dim3A_61 : vector<16xf32> to vector<1x16xf32>
      tpu.vector_store %arg9[%swap3A_62, %swap3A_63], %swap3A_66 {strides = array<i32>} : memref<128x128xf32, #tpu.memory_space<vmem>>, vector<1x16xf32>,
      %broadcast_in_dim3A_67 = arith.constant 0.000000e+00 : f32
      %broadcast_in_dim3A_68 = vector.broadcast %broadcast_in_dim3A_67 : f32 to vector<16xf32>
      %swap3A_69 = arith.index_cast %scan3A_33 : i32 to index
      %swap3A_70 = arith.constant 80 : index
      %swap3A_71 = tpu.vector_load %arg9[%swap3A_69, %swap3A_70] {strides = array<i32>} : memref<128x128xf32, #tpu.memory_space<vmem>>, vector<1x16xf32>,
      %swap3A_72 = vector.shape_cast %swap3A_71 : vector<1x16xf32> to vector<16xf32>
      %swap3A_73 = vector.shape_cast %broadcast_in_dim3A_68 : vector<16xf32> to vector<1x16xf32>
      tpu.vector_store %arg9[%swap3A_69, %swap3A_70], %swap3A_73 {strides = array<i32>} : memref<128x128xf32, #tpu.memory_space<vmem>>, vector<1x16xf32>,
      %broadcast_in_dim3A_74 = arith.constant 0.000000e+00 : f32
      %broadcast_in_dim3A_75 = vector.broadcast %broadcast_in_dim3A_74 : f32 to vector<16xf32>
      %swap3A_76 = arith.index_cast %scan3A_33 : i32 to index
      %swap3A_77 = arith.constant 96 : index
      %swap3A_78 = tpu.vector_load %arg9[%swap3A_76, %swap3A_77] {strides = array<i32>} : memref<128x128xf32, #tpu.memory_space<vmem>>, vector<1x16xf32>,
      %swap3A_79 = vector.shape_cast %swap3A_78 : vector<1x16xf32> to vector<16xf32>
      %swap3A_80 = vector.shape_cast %broadcast_in_dim3A_75 : vector<16xf32> to vector<1x16xf32>
      tpu.vector_store %arg9[%swap3A_76, %swap3A_77], %swap3A_80 {strides = array<i32>} : memref<128x128xf32, #tpu.memory_space<vmem>>, vector<1x16xf32>,
      %broadcast_in_dim3A_81 = arith.constant 0.000000e+00 : f32
      %broadcast_in_dim3A_82 = vector.broadcast %broadcast_in_dim3A_81 : f32 to vector<16xf32>
      %swap3A_83 = arith.index_cast %scan3A_33 : i32 to index
      %swap3A_84 = arith.constant 112 : index
      %swap3A_85 = tpu.vector_load %arg9[%swap3A_83, %swap3A_84] {strides = array<i32>} : memref<128x128xf32, #tpu.memory_space<vmem>>, vector<1x16xf32>,
      %swap3A_86 = vector.shape_cast %swap3A_85 : vector<1x16xf32> to vector<16xf32>
      %swap3A_87 = vector.shape_cast %broadcast_in_dim3A_82 : vector<16xf32> to vector<1x16xf32>
      tpu.vector_store %arg9[%swap3A_83, %swap3A_84], %swap3A_87 {strides = array<i32>} : memref<128x128xf32, #tpu.memory_space<vmem>>, vector<1x16xf32>,
    }
    %scan3A_5 = arith.constant 128 : i32
    %add3A = arith.constant 0 : i32
    %add3A_6 = arith.addi %mul3A_0, %add3A : i32
    "tpu.region"() ({
      %run_scoped3A = tpu.sem_alloc : memref<!tpu.dma_semaphore, #tpu.memory_space<semaphore_mem>>
      %dma_start3A = arith.constant 0 : i32
      %dma_start3A_33 = tpu.memref_slice %arg7[%add3A_6, %dma_start3A] : memref<10240x128xf32, #tpu.memory_space<vmem_shared>> -> memref<128x128xf32, #tpu.memory_space<vmem_shared>>
      %dma_start3A_34 = arith.constant 0 : i32
      %dma_start3A_35 = tpu.memref_slice %arg7[%add3A_6, %dma_start3A_34] : memref<10240x128xf32, #tpu.memory_space<vmem_shared>> -> memref<128x128xf32, #tpu.memory_space<vmem_shared>>
      tpu.enqueue_dma source(%arg9 : memref<128x128xf32, #tpu.memory_space<vmem>>) target(%dma_start3A_35 : memref<128x128xf32, #tpu.memory_space<vmem_shared>>) target_semaphore(%run_scoped3A : memref<!tpu.dma_semaphore, #tpu.memory_space<semaphore_mem>>)
      %dma_wait3A = arith.constant 0 : i32
      %dma_wait3A_36 = tpu.memref_slice %arg7[%add3A_6, %dma_wait3A] : memref<10240x128xf32, #tpu.memory_space<vmem_shared>> -> memref<128x128xf32, #tpu.memory_space<vmem_shared>>
      %dma_wait3A_37 = arith.constant 0 : i32
      %dma_wait3A_38 = tpu.memref_slice %arg7[%add3A_6, %dma_wait3A_37] : memref<10240x128xf32, #tpu.memory_space<vmem_shared>> -> memref<128x128xf32, #tpu.memory_space<vmem_shared>>
      tpu.wait_dma2 semaphore(%run_scoped3A : memref<!tpu.dma_semaphore, #tpu.memory_space<semaphore_mem>>) src(%arg9 : memref<128x128xf32, #tpu.memory_space<vmem>>) dst(%dma_wait3A_38 : memref<128x128xf32, #tpu.memory_space<vmem_shared>>)
      tpu.yield
    }) : () -> ()
    %add3A_7 = arith.constant 128 : i32
    %add3A_8 = arith.addi %mul3A_0, %add3A_7 : i32
    "tpu.region"() ({
      %run_scoped3A = tpu.sem_alloc : memref<!tpu.dma_semaphore, #tpu.memory_space<semaphore_mem>>
      %dma_start3A = arith.constant 0 : i32
      %dma_start3A_33 = tpu.memref_slice %arg7[%add3A_8, %dma_start3A] : memref<10240x128xf32, #tpu.memory_space<vmem_shared>> -> memref<128x128xf32, #tpu.memory_space<vmem_shared>>
      %dma_start3A_34 = arith.constant 0 : i32
      %dma_start3A_35 = tpu.memref_slice %arg7[%add3A_8, %dma_start3A_34] : memref<10240x128xf32, #tpu.memory_space<vmem_shared>> -> memref<128x128xf32, #tpu.memory_space<vmem_shared>>
      tpu.enqueue_dma source(%arg9 : memref<128x128xf32, #tpu.memory_space<vmem>>) target(%dma_start3A_35 : memref<128x128xf32, #tpu.memory_space<vmem_shared>>) target_semaphore(%run_scoped3A : memref<!tpu.dma_semaphore, #tpu.memory_space<semaphore_mem>>)
      %dma_wait3A = arith.constant 0 : i32
      %dma_wait3A_36 = tpu.memref_slice %arg7[%add3A_8, %dma_wait3A] : memref<10240x128xf32, #tpu.memory_space<vmem_shared>> -> memref<128x128xf32, #tpu.memory_space<vmem_shared>>
      %dma_wait3A_37 = arith.constant 0 : i32
      %dma_wait3A_38 = tpu.memref_slice %arg7[%add3A_8, %dma_wait3A_37] : memref<10240x128xf32, #tpu.memory_space<vmem_shared>> -> memref<128x128xf32, #tpu.memory_space<vmem_shared>>
      tpu.wait_dma2 semaphore(%run_scoped3A : memref<!tpu.dma_semaphore, #tpu.memory_space<semaphore_mem>>) src(%arg9 : memref<128x128xf32, #tpu.memory_space<vmem>>) dst(%dma_wait3A_38 : memref<128x128xf32, #tpu.memory_space<vmem_shared>>)
      tpu.yield
    }) : () -> ()
    %add3A_9 = arith.constant 256 : i32
    %add3A_10 = arith.addi %mul3A_0, %add3A_9 : i32
    "tpu.region"() ({
      %run_scoped3A = tpu.sem_alloc : memref<!tpu.dma_semaphore, #tpu.memory_space<semaphore_mem>>
      %dma_start3A = arith.constant 0 : i32
      %dma_start3A_33 = tpu.memref_slice %arg7[%add3A_10, %dma_start3A] : memref<10240x128xf32, #tpu.memory_space<vmem_shared>> -> memref<128x128xf32, #tpu.memory_space<vmem_shared>>
      %dma_start3A_34 = arith.constant 0 : i32
      %dma_start3A_35 = tpu.memref_slice %arg7[%add3A_10, %dma_start3A_34] : memref<10240x128xf32, #tpu.memory_space<vmem_shared>> -> memref<128x128xf32, #tpu.memory_space<vmem_shared>>
      tpu.enqueue_dma source(%arg9 : memref<128x128xf32, #tpu.memory_space<vmem>>) target(%dma_start3A_35 : memref<128x128xf32, #tpu.memory_space<vmem_shared>>) target_semaphore(%run_scoped3A : memref<!tpu.dma_semaphore, #tpu.memory_space<semaphore_mem>>)
      %dma_wait3A = arith.constant 0 : i32
      %dma_wait3A_36 = tpu.memref_slice %arg7[%add3A_10, %dma_wait3A] : memref<10240x128xf32, #tpu.memory_space<vmem_shared>> -> memref<128x128xf32, #tpu.memory_space<vmem_shared>>
      %dma_wait3A_37 = arith.constant 0 : i32
      %dma_wait3A_38 = tpu.memref_slice %arg7[%add3A_10, %dma_wait3A_37] : memref<10240x128xf32, #tpu.memory_space<vmem_shared>> -> memref<128x128xf32, #tpu.memory_space<vmem_shared>>
      tpu.wait_dma2 semaphore(%run_scoped3A : memref<!tpu.dma_semaphore, #tpu.memory_space<semaphore_mem>>) src(%arg9 : memref<128x128xf32, #tpu.memory_space<vmem>>) dst(%dma_wait3A_38 : memref<128x128xf32, #tpu.memory_space<vmem_shared>>)
      tpu.yield
    }) : () -> ()
    %add3A_11 = arith.constant 384 : i32
    %add3A_12 = arith.addi %mul3A_0, %add3A_11 : i32
    "tpu.region"() ({
      %run_scoped3A = tpu.sem_alloc : memref<!tpu.dma_semaphore, #tpu.memory_space<semaphore_mem>>
      %dma_start3A = arith.constant 0 : i32
      %dma_start3A_33 = tpu.memref_slice %arg7[%add3A_12, %dma_start3A] : memref<10240x128xf32, #tpu.memory_space<vmem_shared>> -> memref<128x128xf32, #tpu.memory_space<vmem_shared>>
      %dma_start3A_34 = arith.constant 0 : i32
      %dma_start3A_35 = tpu.memref_slice %arg7[%add3A_12, %dma_start3A_34] : memref<10240x128xf32, #tpu.memory_space<vmem_shared>> -> memref<128x128xf32, #tpu.memory_space<vmem_shared>>
      tpu.enqueue_dma source(%arg9 : memref<128x128xf32, #tpu.memory_space<vmem>>) target(%dma_start3A_35 : memref<128x128xf32, #tpu.memory_space<vmem_shared>>) target_semaphore(%run_scoped3A : memref<!tpu.dma_semaphore, #tpu.memory_space<semaphore_mem>>)
      %dma_wait3A = arith.constant 0 : i32
      %dma_wait3A_36 = tpu.memref_slice %arg7[%add3A_12, %dma_wait3A] : memref<10240x128xf32, #tpu.memory_space<vmem_shared>> -> memref<128x128xf32, #tpu.memory_space<vmem_shared>>
      %dma_wait3A_37 = arith.constant 0 : i32
      %dma_wait3A_38 = tpu.memref_slice %arg7[%add3A_12, %dma_wait3A_37] : memref<10240x128xf32, #tpu.memory_space<vmem_shared>> -> memref<128x128xf32, #tpu.memory_space<vmem_shared>>
      tpu.wait_dma2 semaphore(%run_scoped3A : memref<!tpu.dma_semaphore, #tpu.memory_space<semaphore_mem>>) src(%arg9 : memref<128x128xf32, #tpu.memory_space<vmem>>) dst(%dma_wait3A_38 : memref<128x128xf32, #tpu.memory_space<vmem_shared>>)
      tpu.yield
    }) : () -> ()
    %add3A_13 = arith.constant 512 : i32
    %add3A_14 = arith.addi %mul3A_0, %add3A_13 : i32
    "tpu.region"() ({
      %run_scoped3A = tpu.sem_alloc : memref<!tpu.dma_semaphore, #tpu.memory_space<semaphore_mem>>
      %dma_start3A = arith.constant 0 : i32
      %dma_start3A_33 = tpu.memref_slice %arg7[%add3A_14, %dma_start3A] : memref<10240x128xf32, #tpu.memory_space<vmem_shared>> -> memref<128x128xf32, #tpu.memory_space<vmem_shared>>
      %dma_start3A_34 = arith.constant 0 : i32
      %dma_start3A_35 = tpu.memref_slice %arg7[%add3A_14, %dma_start3A_34] : memref<10240x128xf32, #tpu.memory_space<vmem_shared>> -> memref<128x128xf32, #tpu.memory_space<vmem_shared>>
      tpu.enqueue_dma source(%arg9 : memref<128x128xf32, #tpu.memory_space<vmem>>) target(%dma_start3A_35 : memref<128x128xf32, #tpu.memory_space<vmem_shared>>) target_semaphore(%run_scoped3A : memref<!tpu.dma_semaphore, #tpu.memory_space<semaphore_mem>>)
      %dma_wait3A = arith.constant 0 : i32
      %dma_wait3A_36 = tpu.memref_slice %arg7[%add3A_14, %dma_wait3A] : memref<10240x128xf32, #tpu.memory_space<vmem_shared>> -> memref<128x128xf32, #tpu.memory_space<vmem_shared>>
      %dma_wait3A_37 = arith.constant 0 : i32
      %dma_wait3A_38 = tpu.memref_slice %arg7[%add3A_14, %dma_wait3A_37] : memref<10240x128xf32, #tpu.memory_space<vmem_shared>> -> memref<128x128xf32, #tpu.memory_space<vmem_shared>>
      tpu.wait_dma2 semaphore(%run_scoped3A : memref<!tpu.dma_semaphore, #tpu.memory_space<semaphore_mem>>) src(%arg9 : memref<128x128xf32, #tpu.memory_space<vmem>>) dst(%dma_wait3A_38 : memref<128x128xf32, #tpu.memory_space<vmem_shared>>)
      tpu.yield
    }) : () -> ()
    "tpu.region"() ({
      %run_scoped3A = tpu.sem_alloc : memref<!tpu.dma_semaphore, #tpu.memory_space<semaphore_mem>>
      tpu.enqueue_dma source(%arg4 : memref<128x128xf32, #tpu.memory_space<hbm>>) target(%arg9 : memref<128x128xf32, #tpu.memory_space<vmem>>) target_semaphore(%run_scoped3A : memref<!tpu.dma_semaphore, #tpu.memory_space<semaphore_mem>>)
      tpu.wait_dma2 semaphore(%run_scoped3A : memref<!tpu.dma_semaphore, #tpu.memory_space<semaphore_mem>>) src(%arg4 : memref<128x128xf32, #tpu.memory_space<hbm>>) dst(%arg9 : memref<128x128xf32, #tpu.memory_space<vmem>>)
      tpu.yield
    }) : () -> ()
    %barrier3A = arith.constant 0 : index
    tpu.barrier barrier_id(%barrier3A)
    %eq3A = arith.constant 0 : i32
    %eq3A_15 = arith.cmpi eq, %arg0, %eq3A : i32
    %convert_element_type3A = arith.extui %eq3A_15 : i1 to i32
    %cond3A = arith.constant 0 : i32
    %cond3A_16 = arith.cmpi ne, %convert_element_type3A, %cond3A : i32
    scf.if %cond3A_16 {
      %scan3A_33 = arith.constant 0 : i32
      %scan3A_34 = arith.constant 0 : i32
      %scan3A_35 = arith.constant 157 : i32
      %scan3A_36 = arith.addi %scan3A_34, %scan3A_35 : i32
      %scan3A_37 = arith.constant 1 : i32
      scf.for %scan3A_39 = %scan3A_34 to %scan3A_36 step %scan3A_37  : i32 {
        %mul3A_40 = arith.constant 16 : i32
        %mul3A_41 = arith.muli %scan3A_39, %mul3A_40 : i32
        %add3A_42 = arith.addi %arg1, %mul3A_41 : i32
        %lt3A = arith.constant 2500 : i32
        %lt3A_43 = arith.cmpi slt, %add3A_42, %lt3A : i32
        %convert_element_type3A_44 = arith.extui %lt3A_43 : i1 to i32
        %cond3A_45 = arith.constant 0 : i32
        %cond3A_46 = arith.cmpi ne, %convert_element_type3A_44, %cond3A_45 : i32
        scf.if %cond3A_46 {
          %mul3A_47 = arith.constant 128 : i32
          %mul3A_48 = arith.muli %add3A_42, %mul3A_47 : i32
          "tpu.region"() ({
            %run_scoped3A = tpu.sem_alloc : memref<!tpu.dma_semaphore, #tpu.memory_space<semaphore_mem>>
            %dma_start3A = tpu.memref_slice %arg2[%mul3A_48] : memref<320000xi32, #tpu.memory_space<hbm>> -> memref<128xi32, #tpu.memory_space<hbm>>
            %dma_start3A_49 = tpu.memref_slice %arg2[%mul3A_48] : memref<320000xi32, #tpu.memory_space<hbm>> -> memref<128xi32, #tpu.memory_space<hbm>>
            tpu.enqueue_dma source(%dma_start3A_49 : memref<128xi32, #tpu.memory_space<hbm>>) target(%arg8 : memref<128xi32, #tpu.memory_space<vmem>>) target_semaphore(%run_scoped3A : memref<!tpu.dma_semaphore, #tpu.memory_space<semaphore_mem>>)
            %dma_wait3A = tpu.memref_slice %arg2[%mul3A_48] : memref<320000xi32, #tpu.memory_space<hbm>> -> memref<128xi32, #tpu.memory_space<hbm>>
            %dma_wait3A_50 = tpu.memref_slice %arg2[%mul3A_48] : memref<320000xi32, #tpu.memory_space<hbm>> -> memref<128xi32, #tpu.memory_space<hbm>>
            tpu.wait_dma2 semaphore(%run_scoped3A : memref<!tpu.dma_semaphore, #tpu.memory_space<semaphore_mem>>) src(%dma_wait3A_50 : memref<128xi32, #tpu.memory_space<hbm>>) dst(%arg8 : memref<128xi32, #tpu.memory_space<vmem>>)
            tpu.yield
          }) : () -> ()
          "tpu.region"() ({
            %run_scoped3A = tpu.sem_alloc : memref<!tpu.dma_semaphore, #tpu.memory_space<semaphore_mem>>
            %dma_start3A = arith.constant 0 : i32
            %dma_start3A_49 = arith.constant 0 : i32
            %dma_start3A_50 = tpu.memref_slice %arg7[%dma_start3A, %dma_start3A_49] : memref<10240x128xf32, #tpu.memory_space<vmem_shared>> -> memref<10240x128xf32, #tpu.memory_space<vmem_shared>>
            tpu.enqueue_indirect_dma source(%arg9 : memref<128x128xf32, #tpu.memory_space<vmem>>) target(%dma_start3A_50 : memref<10240x128xf32, #tpu.memory_space<vmem_shared>>) offsets(%arg8 : memref<128xi32, #tpu.memory_space<vmem>>) semaphore(%run_scoped3A : memref<!tpu.dma_semaphore, #tpu.memory_space<semaphore_mem>>) {add = true}
            %dma_wait3A = arith.constant 0 : i32
            %dma_wait3A_51 = arith.constant 0 : i32
            %dma_wait3A_52 = tpu.memref_slice %arg7[%dma_wait3A, %dma_wait3A_51] : memref<10240x128xf32, #tpu.memory_space<vmem_shared>> -> memref<10240x128xf32, #tpu.memory_space<vmem_shared>>
            tpu.wait_indirect_dma semaphore(%run_scoped3A : memref<!tpu.dma_semaphore, #tpu.memory_space<semaphore_mem>>) src(%arg9 : memref<128x128xf32, #tpu.memory_space<vmem>>) dst(%dma_wait3A_52 : memref<10240x128xf32, #tpu.memory_space<vmem_shared>>)
            tpu.yield
          }) : () -> ()
        } else {
        }
      }
      %scan3A_38 = arith.constant 157 : i32
    } else {
    }
    %eq3A_17 = arith.constant 1 : i32
    %eq3A_18 = arith.cmpi eq, %arg0, %eq3A_17 : i32
    %convert_element_type3A_19 = arith.extui %eq3A_18 : i1 to i32
    %cond3A_20 = arith.constant 0 : i32
    %cond3A_21 = arith.cmpi ne, %convert_element_type3A_19, %cond3A_20 : i32
    scf.if %cond3A_21 {
      %scan3A_33 = arith.constant 0 : i32
      %scan3A_34 = arith.constant 0 : i32
      %scan3A_35 = arith.constant 157 : i32
      %scan3A_36 = arith.addi %scan3A_34, %scan3A_35 : i32
      %scan3A_37 = arith.constant 1 : i32
      scf.for %scan3A_39 = %scan3A_34 to %scan3A_36 step %scan3A_37  : i32 {
        %mul3A_40 = arith.constant 16 : i32
        %mul3A_41 = arith.muli %scan3A_39, %mul3A_40 : i32
        %add3A_42 = arith.addi %arg1, %mul3A_41 : i32
        %lt3A = arith.constant 2500 : i32
        %lt3A_43 = arith.cmpi slt, %add3A_42, %lt3A : i32
        %convert_element_type3A_44 = arith.extui %lt3A_43 : i1 to i32
        %cond3A_45 = arith.constant 0 : i32
        %cond3A_46 = arith.cmpi ne, %convert_element_type3A_44, %cond3A_45 : i32
        scf.if %cond3A_46 {
          %mul3A_47 = arith.constant 128 : i32
          %mul3A_48 = arith.muli %add3A_42, %mul3A_47 : i32
          "tpu.region"() ({
            %run_scoped3A = tpu.sem_alloc : memref<!tpu.dma_semaphore, #tpu.memory_space<semaphore_mem>>
            %dma_start3A = tpu.memref_slice %arg3[%mul3A_48] : memref<320000xi32, #tpu.memory_space<hbm>> -> memref<128xi32, #tpu.memory_space<hbm>>
            %dma_start3A_49 = tpu.memref_slice %arg3[%mul3A_48] : memref<320000xi32, #tpu.memory_space<hbm>> -> memref<128xi32, #tpu.memory_space<hbm>>
            tpu.enqueue_dma source(%dma_start3A_49 : memref<128xi32, #tpu.memory_space<hbm>>) target(%arg8 : memref<128xi32, #tpu.memory_space<vmem>>) target_semaphore(%run_scoped3A : memref<!tpu.dma_semaphore, #tpu.memory_space<semaphore_mem>>)
            %dma_wait3A = tpu.memref_slice %arg3[%mul3A_48] : memref<320000xi32, #tpu.memory_space<hbm>> -> memref<128xi32, #tpu.memory_space<hbm>>
            %dma_wait3A_50 = tpu.memref_slice %arg3[%mul3A_48] : memref<320000xi32, #tpu.memory_space<hbm>> -> memref<128xi32, #tpu.memory_space<hbm>>
            tpu.wait_dma2 semaphore(%run_scoped3A : memref<!tpu.dma_semaphore, #tpu.memory_space<semaphore_mem>>) src(%dma_wait3A_50 : memref<128xi32, #tpu.memory_space<hbm>>) dst(%arg8 : memref<128xi32, #tpu.memory_space<vmem>>)
            tpu.yield
          }) : () -> ()
          "tpu.region"() ({
            %run_scoped3A = tpu.sem_alloc : memref<!tpu.dma_semaphore, #tpu.memory_space<semaphore_mem>>
            %dma_start3A = arith.constant 0 : i32
            %dma_start3A_49 = arith.constant 0 : i32
            %dma_start3A_50 = tpu.memref_slice %arg7[%dma_start3A, %dma_start3A_49] : memref<10240x128xf32, #tpu.memory_space<vmem_shared>> -> memref<10240x128xf32, #tpu.memory_space<vmem_shared>>
            tpu.enqueue_indirect_dma source(%arg9 : memref<128x128xf32, #tpu.memory_space<vmem>>) target(%dma_start3A_50 : memref<10240x128xf32, #tpu.memory_space<vmem_shared>>) offsets(%arg8 : memref<128xi32, #tpu.memory_space<vmem>>) semaphore(%run_scoped3A : memref<!tpu.dma_semaphore, #tpu.memory_space<semaphore_mem>>) {add = true}
            %dma_wait3A = arith.constant 0 : i32
            %dma_wait3A_51 = arith.constant 0 : i32
            %dma_wait3A_52 = tpu.memref_slice %arg7[%dma_wait3A, %dma_wait3A_51] : memref<10240x128xf32, #tpu.memory_space<vmem_shared>> -> memref<10240x128xf32, #tpu.memory_space<vmem_shared>>
            tpu.wait_indirect_dma semaphore(%run_scoped3A : memref<!tpu.dma_semaphore, #tpu.memory_space<semaphore_mem>>) src(%arg9 : memref<128x128xf32, #tpu.memory_space<vmem>>) dst(%dma_wait3A_52 : memref<10240x128xf32, #tpu.memory_space<vmem_shared>>)
            tpu.yield
          }) : () -> ()
        } else {
        }
      }
      %scan3A_38 = arith.constant 157 : i32
    } else {
    }
    %barrier3A_22 = arith.constant 0 : index
    tpu.barrier barrier_id(%barrier3A_22)
    %eq3A_23 = arith.constant 0 : i32
    %eq3A_24 = arith.cmpi eq, %arg0, %eq3A_23 : i32
    %convert_element_type3A_25 = arith.extui %eq3A_24 : i1 to i32
    %cond3A_26 = arith.constant 0 : i32
    %cond3A_27 = arith.cmpi ne, %convert_element_type3A_25, %cond3A_26 : i32
    scf.if %cond3A_27 {
      %add3A_33 = arith.constant 0 : i32
      %add3A_34 = arith.addi %mul3A_0, %add3A_33 : i32
      "tpu.region"() ({
        %run_scoped3A = tpu.sem_alloc : memref<!tpu.dma_semaphore, #tpu.memory_space<semaphore_mem>>
        %dma_start3A = arith.constant 0 : i32
        %dma_start3A_53 = tpu.memref_slice %arg7[%add3A_34, %dma_start3A] : memref<10240x128xf32, #tpu.memory_space<vmem_shared>> -> memref<128x128xf32, #tpu.memory_space<vmem_shared>>
        %dma_start3A_54 = arith.constant 0 : i32
        %dma_start3A_55 = tpu.memref_slice %arg7[%add3A_34, %dma_start3A_54] : memref<10240x128xf32, #tpu.memory_space<vmem_shared>> -> memref<128x128xf32, #tpu.memory_space<vmem_shared>>
        tpu.enqueue_dma source(%dma_start3A_55 : memref<128x128xf32, #tpu.memory_space<vmem_shared>>) target(%arg9 : memref<128x128xf32, #tpu.memory_space<vmem>>) target_semaphore(%run_scoped3A : memref<!tpu.dma_semaphore, #tpu.memory_space<semaphore_mem>>)
        %dma_wait3A = arith.constant 0 : i32
        %dma_wait3A_56 = tpu.memref_slice %arg7[%add3A_34, %dma_wait3A] : memref<10240x128xf32, #tpu.memory_space<vmem_shared>> -> memref<128x128xf32, #tpu.memory_space<vmem_shared>>
        %dma_wait3A_57 = arith.constant 0 : i32
        %dma_wait3A_58 = tpu.memref_slice %arg7[%add3A_34, %dma_wait3A_57] : memref<10240x128xf32, #tpu.memory_space<vmem_shared>> -> memref<128x128xf32, #tpu.memory_space<vmem_shared>>
        tpu.wait_dma2 semaphore(%run_scoped3A : memref<!tpu.dma_semaphore, #tpu.memory_space<semaphore_mem>>) src(%dma_wait3A_58 : memref<128x128xf32, #tpu.memory_space<vmem_shared>>) dst(%arg9 : memref<128x128xf32, #tpu.memory_space<vmem>>)
        tpu.yield
      }) : () -> ()
      %add3A_35 = arith.constant 0 : i32
      %add3A_36 = arith.addi %mul3A_0, %add3A_35 : i32
      "tpu.region"() ({
        %run_scoped3A = tpu.sem_alloc : memref<!tpu.dma_semaphore, #tpu.memory_space<semaphore_mem>>
        %dma_start3A = arith.constant 0 : i32
        %dma_start3A_53 = tpu.memref_slice %arg5[%add3A_36, %dma_start3A] : memref<10240x128xf32, #tpu.memory_space<hbm>> -> memref<128x128xf32, #tpu.memory_space<hbm>>
        %dma_start3A_54 = arith.constant 0 : i32
        %dma_start3A_55 = tpu.memref_slice %arg5[%add3A_36, %dma_start3A_54] : memref<10240x128xf32, #tpu.memory_space<hbm>> -> memref<128x128xf32, #tpu.memory_space<hbm>>
        tpu.enqueue_dma source(%arg9 : memref<128x128xf32, #tpu.memory_space<vmem>>) target(%dma_start3A_55 : memref<128x128xf32, #tpu.memory_space<hbm>>) target_semaphore(%run_scoped3A : memref<!tpu.dma_semaphore, #tpu.memory_space<semaphore_mem>>)
        %dma_wait3A = arith.constant 0 : i32
        %dma_wait3A_56 = tpu.memref_slice %arg5[%add3A_36, %dma_wait3A] : memref<10240x128xf32, #tpu.memory_space<hbm>> -> memref<128x128xf32, #tpu.memory_space<hbm>>
        %dma_wait3A_57 = arith.constant 0 : i32
        %dma_wait3A_58 = tpu.memref_slice %arg5[%add3A_36, %dma_wait3A_57] : memref<10240x128xf32, #tpu.memory_space<hbm>> -> memref<128x128xf32, #tpu.memory_space<hbm>>
        tpu.wait_dma2 semaphore(%run_scoped3A : memref<!tpu.dma_semaphore, #tpu.memory_space<semaphore_mem>>) src(%arg9 : memref<128x128xf32, #tpu.memory_space<vmem>>) dst(%dma_wait3A_58 : memref<128x128xf32, #tpu.memory_space<hbm>>)
        tpu.yield
      }) : () -> ()
      %add3A_37 = arith.constant 128 : i32
      %add3A_38 = arith.addi %mul3A_0, %add3A_37 : i32
      "tpu.region"() ({
        %run_scoped3A = tpu.sem_alloc : memref<!tpu.dma_semaphore, #tpu.memory_space<semaphore_mem>>
        %dma_start3A = arith.constant 0 : i32
        %dma_start3A_53 = tpu.memref_slice %arg7[%add3A_38, %dma_start3A] : memref<10240x128xf32, #tpu.memory_space<vmem_shared>> -> memref<128x128xf32, #tpu.memory_space<vmem_shared>>
        %dma_start3A_54 = arith.constant 0 : i32
        %dma_start3A_55 = tpu.memref_slice %arg7[%add3A_38, %dma_start3A_54] : memref<10240x128xf32, #tpu.memory_space<vmem_shared>> -> memref<128x128xf32, #tpu.memory_space<vmem_shared>>
        tpu.enqueue_dma source(%dma_start3A_55 : memref<128x128xf32, #tpu.memory_space<vmem_shared>>) target(%arg9 : memref<128x128xf32, #tpu.memory_space<vmem>>) target_semaphore(%run_scoped3A : memref<!tpu.dma_semaphore, #tpu.memory_space<semaphore_mem>>)
        %dma_wait3A = arith.constant 0 : i32
        %dma_wait3A_56 = tpu.memref_slice %arg7[%add3A_38, %dma_wait3A] : memref<10240x128xf32, #tpu.memory_space<vmem_shared>> -> memref<128x128xf32, #tpu.memory_space<vmem_shared>>
        %dma_wait3A_57 = arith.constant 0 : i32
        %dma_wait3A_58 = tpu.memref_slice %arg7[%add3A_38, %dma_wait3A_57] : memref<10240x128xf32, #tpu.memory_space<vmem_shared>> -> memref<128x128xf32, #tpu.memory_space<vmem_shared>>
        tpu.wait_dma2 semaphore(%run_scoped3A : memref<!tpu.dma_semaphore, #tpu.memory_space<semaphore_mem>>) src(%dma_wait3A_58 : memref<128x128xf32, #tpu.memory_space<vmem_shared>>) dst(%arg9 : memref<128x128xf32, #tpu.memory_space<vmem>>)
        tpu.yield
      }) : () -> ()
      %add3A_39 = arith.constant 128 : i32
      %add3A_40 = arith.addi %mul3A_0, %add3A_39 : i32
      "tpu.region"() ({
        %run_scoped3A = tpu.sem_alloc : memref<!tpu.dma_semaphore, #tpu.memory_space<semaphore_mem>>
        %dma_start3A = arith.constant 0 : i32
        %dma_start3A_53 = tpu.memref_slice %arg5[%add3A_40, %dma_start3A] : memref<10240x128xf32, #tpu.memory_space<hbm>> -> memref<128x128xf32, #tpu.memory_space<hbm>>
        %dma_start3A_54 = arith.constant 0 : i32
        %dma_start3A_55 = tpu.memref_slice %arg5[%add3A_40, %dma_start3A_54] : memref<10240x128xf32, #tpu.memory_space<hbm>> -> memref<128x128xf32, #tpu.memory_space<hbm>>
        tpu.enqueue_dma source(%arg9 : memref<128x128xf32, #tpu.memory_space<vmem>>) target(%dma_start3A_55 : memref<128x128xf32, #tpu.memory_space<hbm>>) target_semaphore(%run_scoped3A : memref<!tpu.dma_semaphore, #tpu.memory_space<semaphore_mem>>)
        %dma_wait3A = arith.constant 0 : i32
        %dma_wait3A_56 = tpu.memref_slice %arg5[%add3A_40, %dma_wait3A] : memref<10240x128xf32, #tpu.memory_space<hbm>> -> memref<128x128xf32, #tpu.memory_space<hbm>>
        %dma_wait3A_57 = arith.constant 0 : i32
        %dma_wait3A_58 = tpu.memref_slice %arg5[%add3A_40, %dma_wait3A_57] : memref<10240x128xf32, #tpu.memory_space<hbm>> -> memref<128x128xf32, #tpu.memory_space<hbm>>
        tpu.wait_dma2 semaphore(%run_scoped3A : memref<!tpu.dma_semaphore, #tpu.memory_space<semaphore_mem>>) src(%arg9 : memref<128x128xf32, #tpu.memory_space<vmem>>) dst(%dma_wait3A_58 : memref<128x128xf32, #tpu.memory_space<hbm>>)
        tpu.yield
      }) : () -> ()
      %add3A_41 = arith.constant 256 : i32
      %add3A_42 = arith.addi %mul3A_0, %add3A_41 : i32
      "tpu.region"() ({
        %run_scoped3A = tpu.sem_alloc : memref<!tpu.dma_semaphore, #tpu.memory_space<semaphore_mem>>
        %dma_start3A = arith.constant 0 : i32
        %dma_start3A_53 = tpu.memref_slice %arg7[%add3A_42, %dma_start3A] : memref<10240x128xf32, #tpu.memory_space<vmem_shared>> -> memref<128x128xf32, #tpu.memory_space<vmem_shared>>
        %dma_start3A_54 = arith.constant 0 : i32
        %dma_start3A_55 = tpu.memref_slice %arg7[%add3A_42, %dma_start3A_54] : memref<10240x128xf32, #tpu.memory_space<vmem_shared>> -> memref<128x128xf32, #tpu.memory_space<vmem_shared>>
        tpu.enqueue_dma source(%dma_start3A_55 : memref<128x128xf32, #tpu.memory_space<vmem_shared>>) target(%arg9 : memref<128x128xf32, #tpu.memory_space<vmem>>) target_semaphore(%run_scoped3A : memref<!tpu.dma_semaphore, #tpu.memory_space<semaphore_mem>>)
        %dma_wait3A = arith.constant 0 : i32
        %dma_wait3A_56 = tpu.memref_slice %arg7[%add3A_42, %dma_wait3A] : memref<10240x128xf32, #tpu.memory_space<vmem_shared>> -> memref<128x128xf32, #tpu.memory_space<vmem_shared>>
        %dma_wait3A_57 = arith.constant 0 : i32
        %dma_wait3A_58 = tpu.memref_slice %arg7[%add3A_42, %dma_wait3A_57] : memref<10240x128xf32, #tpu.memory_space<vmem_shared>> -> memref<128x128xf32, #tpu.memory_space<vmem_shared>>
        tpu.wait_dma2 semaphore(%run_scoped3A : memref<!tpu.dma_semaphore, #tpu.memory_space<semaphore_mem>>) src(%dma_wait3A_58 : memref<128x128xf32, #tpu.memory_space<vmem_shared>>) dst(%arg9 : memref<128x128xf32, #tpu.memory_space<vmem>>)
        tpu.yield
      }) : () -> ()
      %add3A_43 = arith.constant 256 : i32
      %add3A_44 = arith.addi %mul3A_0, %add3A_43 : i32
      "tpu.region"() ({
        %run_scoped3A = tpu.sem_alloc : memref<!tpu.dma_semaphore, #tpu.memory_space<semaphore_mem>>
        %dma_start3A = arith.constant 0 : i32
        %dma_start3A_53 = tpu.memref_slice %arg5[%add3A_44, %dma_start3A] : memref<10240x128xf32, #tpu.memory_space<hbm>> -> memref<128x128xf32, #tpu.memory_space<hbm>>
        %dma_start3A_54 = arith.constant 0 : i32
        %dma_start3A_55 = tpu.memref_slice %arg5[%add3A_44, %dma_start3A_54] : memref<10240x128xf32, #tpu.memory_space<hbm>> -> memref<128x128xf32, #tpu.memory_space<hbm>>
        tpu.enqueue_dma source(%arg9 : memref<128x128xf32, #tpu.memory_space<vmem>>) target(%dma_start3A_55 : memref<128x128xf32, #tpu.memory_space<hbm>>) target_semaphore(%run_scoped3A : memref<!tpu.dma_semaphore, #tpu.memory_space<semaphore_mem>>)
        %dma_wait3A = arith.constant 0 : i32
        %dma_wait3A_56 = tpu.memref_slice %arg5[%add3A_44, %dma_wait3A] : memref<10240x128xf32, #tpu.memory_space<hbm>> -> memref<128x128xf32, #tpu.memory_space<hbm>>
        %dma_wait3A_57 = arith.constant 0 : i32
        %dma_wait3A_58 = tpu.memref_slice %arg5[%add3A_44, %dma_wait3A_57] : memref<10240x128xf32, #tpu.memory_space<hbm>> -> memref<128x128xf32, #tpu.memory_space<hbm>>
        tpu.wait_dma2 semaphore(%run_scoped3A : memref<!tpu.dma_semaphore, #tpu.memory_space<semaphore_mem>>) src(%arg9 : memref<128x128xf32, #tpu.memory_space<vmem>>) dst(%dma_wait3A_58 : memref<128x128xf32, #tpu.memory_space<hbm>>)
        tpu.yield
      }) : () -> ()
      %add3A_45 = arith.constant 384 : i32
      %add3A_46 = arith.addi %mul3A_0, %add3A_45 : i32
      "tpu.region"() ({
        %run_scoped3A = tpu.sem_alloc : memref<!tpu.dma_semaphore, #tpu.memory_space<semaphore_mem>>
        %dma_start3A = arith.constant 0 : i32
        %dma_start3A_53 = tpu.memref_slice %arg7[%add3A_46, %dma_start3A] : memref<10240x128xf32, #tpu.memory_space<vmem_shared>> -> memref<128x128xf32, #tpu.memory_space<vmem_shared>>
        %dma_start3A_54 = arith.constant 0 : i32
        %dma_start3A_55 = tpu.memref_slice %arg7[%add3A_46, %dma_start3A_54] : memref<10240x128xf32, #tpu.memory_space<vmem_shared>> -> memref<128x128xf32, #tpu.memory_space<vmem_shared>>
        tpu.enqueue_dma source(%dma_start3A_55 : memref<128x128xf32, #tpu.memory_space<vmem_shared>>) target(%arg9 : memref<128x128xf32, #tpu.memory_space<vmem>>) target_semaphore(%run_scoped3A : memref<!tpu.dma_semaphore, #tpu.memory_space<semaphore_mem>>)
        %dma_wait3A = arith.constant 0 : i32
        %dma_wait3A_56 = tpu.memref_slice %arg7[%add3A_46, %dma_wait3A] : memref<10240x128xf32, #tpu.memory_space<vmem_shared>> -> memref<128x128xf32, #tpu.memory_space<vmem_shared>>
        %dma_wait3A_57 = arith.constant 0 : i32
        %dma_wait3A_58 = tpu.memref_slice %arg7[%add3A_46, %dma_wait3A_57] : memref<10240x128xf32, #tpu.memory_space<vmem_shared>> -> memref<128x128xf32, #tpu.memory_space<vmem_shared>>
        tpu.wait_dma2 semaphore(%run_scoped3A : memref<!tpu.dma_semaphore, #tpu.memory_space<semaphore_mem>>) src(%dma_wait3A_58 : memref<128x128xf32, #tpu.memory_space<vmem_shared>>) dst(%arg9 : memref<128x128xf32, #tpu.memory_space<vmem>>)
        tpu.yield
      }) : () -> ()
      %add3A_47 = arith.constant 384 : i32
      %add3A_48 = arith.addi %mul3A_0, %add3A_47 : i32
      "tpu.region"() ({
        %run_scoped3A = tpu.sem_alloc : memref<!tpu.dma_semaphore, #tpu.memory_space<semaphore_mem>>
        %dma_start3A = arith.constant 0 : i32
        %dma_start3A_53 = tpu.memref_slice %arg5[%add3A_48, %dma_start3A] : memref<10240x128xf32, #tpu.memory_space<hbm>> -> memref<128x128xf32, #tpu.memory_space<hbm>>
        %dma_start3A_54 = arith.constant 0 : i32
        %dma_start3A_55 = tpu.memref_slice %arg5[%add3A_48, %dma_start3A_54] : memref<10240x128xf32, #tpu.memory_space<hbm>> -> memref<128x128xf32, #tpu.memory_space<hbm>>
        tpu.enqueue_dma source(%arg9 : memref<128x128xf32, #tpu.memory_space<vmem>>) target(%dma_start3A_55 : memref<128x128xf32, #tpu.memory_space<hbm>>) target_semaphore(%run_scoped3A : memref<!tpu.dma_semaphore, #tpu.memory_space<semaphore_mem>>)
        %dma_wait3A = arith.constant 0 : i32
        %dma_wait3A_56 = tpu.memref_slice %arg5[%add3A_48, %dma_wait3A] : memref<10240x128xf32, #tpu.memory_space<hbm>> -> memref<128x128xf32, #tpu.memory_space<hbm>>
        %dma_wait3A_57 = arith.constant 0 : i32
        %dma_wait3A_58 = tpu.memref_slice %arg5[%add3A_48, %dma_wait3A_57] : memref<10240x128xf32, #tpu.memory_space<hbm>> -> memref<128x128xf32, #tpu.memory_space<hbm>>
        tpu.wait_dma2 semaphore(%run_scoped3A : memref<!tpu.dma_semaphore, #tpu.memory_space<semaphore_mem>>) src(%arg9 : memref<128x128xf32, #tpu.memory_space<vmem>>) dst(%dma_wait3A_58 : memref<128x128xf32, #tpu.memory_space<hbm>>)
        tpu.yield
      }) : () -> ()
      %add3A_49 = arith.constant 512 : i32
      %add3A_50 = arith.addi %mul3A_0, %add3A_49 : i32
      "tpu.region"() ({
        %run_scoped3A = tpu.sem_alloc : memref<!tpu.dma_semaphore, #tpu.memory_space<semaphore_mem>>
        %dma_start3A = arith.constant 0 : i32
        %dma_start3A_53 = tpu.memref_slice %arg7[%add3A_50, %dma_start3A] : memref<10240x128xf32, #tpu.memory_space<vmem_shared>> -> memref<128x128xf32, #tpu.memory_space<vmem_shared>>
        %dma_start3A_54 = arith.constant 0 : i32
        %dma_start3A_55 = tpu.memref_slice %arg7[%add3A_50, %dma_start3A_54] : memref<10240x128xf32, #tpu.memory_space<vmem_shared>> -> memref<128x128xf32, #tpu.memory_space<vmem_shared>>
        tpu.enqueue_dma source(%dma_start3A_55 : memref<128x128xf32, #tpu.memory_space<vmem_shared>>) target(%arg9 : memref<128x128xf32, #tpu.memory_space<vmem>>) target_semaphore(%run_scoped3A : memref<!tpu.dma_semaphore, #tpu.memory_space<semaphore_mem>>)
        %dma_wait3A = arith.constant 0 : i32
        %dma_wait3A_56 = tpu.memref_slice %arg7[%add3A_50, %dma_wait3A] : memref<10240x128xf32, #tpu.memory_space<vmem_shared>> -> memref<128x128xf32, #tpu.memory_space<vmem_shared>>
        %dma_wait3A_57 = arith.constant 0 : i32
        %dma_wait3A_58 = tpu.memref_slice %arg7[%add3A_50, %dma_wait3A_57] : memref<10240x128xf32, #tpu.memory_space<vmem_shared>> -> memref<128x128xf32, #tpu.memory_space<vmem_shared>>
        tpu.wait_dma2 semaphore(%run_scoped3A : memref<!tpu.dma_semaphore, #tpu.memory_space<semaphore_mem>>) src(%dma_wait3A_58 : memref<128x128xf32, #tpu.memory_space<vmem_shared>>) dst(%arg9 : memref<128x128xf32, #tpu.memory_space<vmem>>)
        tpu.yield
      }) : () -> ()
      %add3A_51 = arith.constant 512 : i32
      %add3A_52 = arith.addi %mul3A_0, %add3A_51 : i32
      "tpu.region"() ({
        %run_scoped3A = tpu.sem_alloc : memref<!tpu.dma_semaphore, #tpu.memory_space<semaphore_mem>>
        %dma_start3A = arith.constant 0 : i32
        %dma_start3A_53 = tpu.memref_slice %arg5[%add3A_52, %dma_start3A] : memref<10240x128xf32, #tpu.memory_space<hbm>> -> memref<128x128xf32, #tpu.memory_space<hbm>>
        %dma_start3A_54 = arith.constant 0 : i32
        %dma_start3A_55 = tpu.memref_slice %arg5[%add3A_52, %dma_start3A_54] : memref<10240x128xf32, #tpu.memory_space<hbm>> -> memref<128x128xf32, #tpu.memory_space<hbm>>
        tpu.enqueue_dma source(%arg9 : memref<128x128xf32, #tpu.memory_space<vmem>>) target(%dma_start3A_55 : memref<128x128xf32, #tpu.memory_space<hbm>>) target_semaphore(%run_scoped3A : memref<!tpu.dma_semaphore, #tpu.memory_space<semaphore_mem>>)
        %dma_wait3A = arith.constant 0 : i32
        %dma_wait3A_56 = tpu.memref_slice %arg5[%add3A_52, %dma_wait3A] : memref<10240x128xf32, #tpu.memory_space<hbm>> -> memref<128x128xf32, #tpu.memory_space<hbm>>
        %dma_wait3A_57 = arith.constant 0 : i32
        %dma_wait3A_58 = tpu.memref_slice %arg5[%add3A_52, %dma_wait3A_57] : memref<10240x128xf32, #tpu.memory_space<hbm>> -> memref<128x128xf32, #tpu.memory_space<hbm>>
        tpu.wait_dma2 semaphore(%run_scoped3A : memref<!tpu.dma_semaphore, #tpu.memory_space<semaphore_mem>>) src(%arg9 : memref<128x128xf32, #tpu.memory_space<vmem>>) dst(%dma_wait3A_58 : memref<128x128xf32, #tpu.memory_space<hbm>>)
        tpu.yield
      }) : () -> ()
    } else {
    }
    %eq3A_28 = arith.constant 1 : i32
    %eq3A_29 = arith.cmpi eq, %arg0, %eq3A_28 : i32
    %convert_element_type3A_30 = arith.extui %eq3A_29 : i1 to i32
    %cond3A_31 = arith.constant 0 : i32
    %cond3A_32 = arith.cmpi ne, %convert_element_type3A_30, %cond3A_31 : i32
    scf.if %cond3A_32 {
      %add3A_33 = arith.constant 0 : i32
      %add3A_34 = arith.addi %mul3A_0, %add3A_33 : i32
      "tpu.region"() ({
        %run_scoped3A = tpu.sem_alloc : memref<!tpu.dma_semaphore, #tpu.memory_space<semaphore_mem>>
        %dma_start3A = arith.constant 0 : i32
        %dma_start3A_53 = tpu.memref_slice %arg7[%add3A_34, %dma_start3A] : memref<10240x128xf32, #tpu.memory_space<vmem_shared>> -> memref<128x128xf32, #tpu.memory_space<vmem_shared>>
        %dma_start3A_54 = arith.constant 0 : i32
        %dma_start3A_55 = tpu.memref_slice %arg7[%add3A_34, %dma_start3A_54] : memref<10240x128xf32, #tpu.memory_space<vmem_shared>> -> memref<128x128xf32, #tpu.memory_space<vmem_shared>>
        tpu.enqueue_dma source(%dma_start3A_55 : memref<128x128xf32, #tpu.memory_space<vmem_shared>>) target(%arg9 : memref<128x128xf32, #tpu.memory_space<vmem>>) target_semaphore(%run_scoped3A : memref<!tpu.dma_semaphore, #tpu.memory_space<semaphore_mem>>)
        %dma_wait3A = arith.constant 0 : i32
        %dma_wait3A_56 = tpu.memref_slice %arg7[%add3A_34, %dma_wait3A] : memref<10240x128xf32, #tpu.memory_space<vmem_shared>> -> memref<128x128xf32, #tpu.memory_space<vmem_shared>>
        %dma_wait3A_57 = arith.constant 0 : i32
        %dma_wait3A_58 = tpu.memref_slice %arg7[%add3A_34, %dma_wait3A_57] : memref<10240x128xf32, #tpu.memory_space<vmem_shared>> -> memref<128x128xf32, #tpu.memory_space<vmem_shared>>
        tpu.wait_dma2 semaphore(%run_scoped3A : memref<!tpu.dma_semaphore, #tpu.memory_space<semaphore_mem>>) src(%dma_wait3A_58 : memref<128x128xf32, #tpu.memory_space<vmem_shared>>) dst(%arg9 : memref<128x128xf32, #tpu.memory_space<vmem>>)
        tpu.yield
      }) : () -> ()
      %add3A_35 = arith.constant 0 : i32
      %add3A_36 = arith.addi %mul3A_0, %add3A_35 : i32
      "tpu.region"() ({
        %run_scoped3A = tpu.sem_alloc : memref<!tpu.dma_semaphore, #tpu.memory_space<semaphore_mem>>
        %dma_start3A = arith.constant 0 : i32
        %dma_start3A_53 = tpu.memref_slice %arg6[%add3A_36, %dma_start3A] : memref<10240x128xf32, #tpu.memory_space<hbm>> -> memref<128x128xf32, #tpu.memory_space<hbm>>
        %dma_start3A_54 = arith.constant 0 : i32
        %dma_start3A_55 = tpu.memref_slice %arg6[%add3A_36, %dma_start3A_54] : memref<10240x128xf32, #tpu.memory_space<hbm>> -> memref<128x128xf32, #tpu.memory_space<hbm>>
        tpu.enqueue_dma source(%arg9 : memref<128x128xf32, #tpu.memory_space<vmem>>) target(%dma_start3A_55 : memref<128x128xf32, #tpu.memory_space<hbm>>) target_semaphore(%run_scoped3A : memref<!tpu.dma_semaphore, #tpu.memory_space<semaphore_mem>>)
        %dma_wait3A = arith.constant 0 : i32
        %dma_wait3A_56 = tpu.memref_slice %arg6[%add3A_36, %dma_wait3A] : memref<10240x128xf32, #tpu.memory_space<hbm>> -> memref<128x128xf32, #tpu.memory_space<hbm>>
        %dma_wait3A_57 = arith.constant 0 : i32
        %dma_wait3A_58 = tpu.memref_slice %arg6[%add3A_36, %dma_wait3A_57] : memref<10240x128xf32, #tpu.memory_space<hbm>> -> memref<128x128xf32, #tpu.memory_space<hbm>>
        tpu.wait_dma2 semaphore(%run_scoped3A : memref<!tpu.dma_semaphore, #tpu.memory_space<semaphore_mem>>) src(%arg9 : memref<128x128xf32, #tpu.memory_space<vmem>>) dst(%dma_wait3A_58 : memref<128x128xf32, #tpu.memory_space<hbm>>)
        tpu.yield
      }) : () -> ()
      %add3A_37 = arith.constant 128 : i32
      %add3A_38 = arith.addi %mul3A_0, %add3A_37 : i32
      "tpu.region"() ({
        %run_scoped3A = tpu.sem_alloc : memref<!tpu.dma_semaphore, #tpu.memory_space<semaphore_mem>>
        %dma_start3A = arith.constant 0 : i32
        %dma_start3A_53 = tpu.memref_slice %arg7[%add3A_38, %dma_start3A] : memref<10240x128xf32, #tpu.memory_space<vmem_shared>> -> memref<128x128xf32, #tpu.memory_space<vmem_shared>>
        %dma_start3A_54 = arith.constant 0 : i32
        %dma_start3A_55 = tpu.memref_slice %arg7[%add3A_38, %dma_start3A_54] : memref<10240x128xf32, #tpu.memory_space<vmem_shared>> -> memref<128x128xf32, #tpu.memory_space<vmem_shared>>
        tpu.enqueue_dma source(%dma_start3A_55 : memref<128x128xf32, #tpu.memory_space<vmem_shared>>) target(%arg9 : memref<128x128xf32, #tpu.memory_space<vmem>>) target_semaphore(%run_scoped3A : memref<!tpu.dma_semaphore, #tpu.memory_space<semaphore_mem>>)
        %dma_wait3A = arith.constant 0 : i32
        %dma_wait3A_56 = tpu.memref_slice %arg7[%add3A_38, %dma_wait3A] : memref<10240x128xf32, #tpu.memory_space<vmem_shared>> -> memref<128x128xf32, #tpu.memory_space<vmem_shared>>
        %dma_wait3A_57 = arith.constant 0 : i32
        %dma_wait3A_58 = tpu.memref_slice %arg7[%add3A_38, %dma_wait3A_57] : memref<10240x128xf32, #tpu.memory_space<vmem_shared>> -> memref<128x128xf32, #tpu.memory_space<vmem_shared>>
        tpu.wait_dma2 semaphore(%run_scoped3A : memref<!tpu.dma_semaphore, #tpu.memory_space<semaphore_mem>>) src(%dma_wait3A_58 : memref<128x128xf32, #tpu.memory_space<vmem_shared>>) dst(%arg9 : memref<128x128xf32, #tpu.memory_space<vmem>>)
        tpu.yield
      }) : () -> ()
      %add3A_39 = arith.constant 128 : i32
      %add3A_40 = arith.addi %mul3A_0, %add3A_39 : i32
      "tpu.region"() ({
        %run_scoped3A = tpu.sem_alloc : memref<!tpu.dma_semaphore, #tpu.memory_space<semaphore_mem>>
        %dma_start3A = arith.constant 0 : i32
        %dma_start3A_53 = tpu.memref_slice %arg6[%add3A_40, %dma_start3A] : memref<10240x128xf32, #tpu.memory_space<hbm>> -> memref<128x128xf32, #tpu.memory_space<hbm>>
        %dma_start3A_54 = arith.constant 0 : i32
        %dma_start3A_55 = tpu.memref_slice %arg6[%add3A_40, %dma_start3A_54] : memref<10240x128xf32, #tpu.memory_space<hbm>> -> memref<128x128xf32, #tpu.memory_space<hbm>>
        tpu.enqueue_dma source(%arg9 : memref<128x128xf32, #tpu.memory_space<vmem>>) target(%dma_start3A_55 : memref<128x128xf32, #tpu.memory_space<hbm>>) target_semaphore(%run_scoped3A : memref<!tpu.dma_semaphore, #tpu.memory_space<semaphore_mem>>)
        %dma_wait3A = arith.constant 0 : i32
        %dma_wait3A_56 = tpu.memref_slice %arg6[%add3A_40, %dma_wait3A] : memref<10240x128xf32, #tpu.memory_space<hbm>> -> memref<128x128xf32, #tpu.memory_space<hbm>>
        %dma_wait3A_57 = arith.constant 0 : i32
        %dma_wait3A_58 = tpu.memref_slice %arg6[%add3A_40, %dma_wait3A_57] : memref<10240x128xf32, #tpu.memory_space<hbm>> -> memref<128x128xf32, #tpu.memory_space<hbm>>
        tpu.wait_dma2 semaphore(%run_scoped3A : memref<!tpu.dma_semaphore, #tpu.memory_space<semaphore_mem>>) src(%arg9 : memref<128x128xf32, #tpu.memory_space<vmem>>) dst(%dma_wait3A_58 : memref<128x128xf32, #tpu.memory_space<hbm>>)
        tpu.yield
      }) : () -> ()
      %add3A_41 = arith.constant 256 : i32
      %add3A_42 = arith.addi %mul3A_0, %add3A_41 : i32
      "tpu.region"() ({
        %run_scoped3A = tpu.sem_alloc : memref<!tpu.dma_semaphore, #tpu.memory_space<semaphore_mem>>
        %dma_start3A = arith.constant 0 : i32
        %dma_start3A_53 = tpu.memref_slice %arg7[%add3A_42, %dma_start3A] : memref<10240x128xf32, #tpu.memory_space<vmem_shared>> -> memref<128x128xf32, #tpu.memory_space<vmem_shared>>
        %dma_start3A_54 = arith.constant 0 : i32
        %dma_start3A_55 = tpu.memref_slice %arg7[%add3A_42, %dma_start3A_54] : memref<10240x128xf32, #tpu.memory_space<vmem_shared>> -> memref<128x128xf32, #tpu.memory_space<vmem_shared>>
        tpu.enqueue_dma source(%dma_start3A_55 : memref<128x128xf32, #tpu.memory_space<vmem_shared>>) target(%arg9 : memref<128x128xf32, #tpu.memory_space<vmem>>) target_semaphore(%run_scoped3A : memref<!tpu.dma_semaphore, #tpu.memory_space<semaphore_mem>>)
        %dma_wait3A = arith.constant 0 : i32
        %dma_wait3A_56 = tpu.memref_slice %arg7[%add3A_42, %dma_wait3A] : memref<10240x128xf32, #tpu.memory_space<vmem_shared>> -> memref<128x128xf32, #tpu.memory_space<vmem_shared>>
        %dma_wait3A_57 = arith.constant 0 : i32
        %dma_wait3A_58 = tpu.memref_slice %arg7[%add3A_42, %dma_wait3A_57] : memref<10240x128xf32, #tpu.memory_space<vmem_shared>> -> memref<128x128xf32, #tpu.memory_space<vmem_shared>>
        tpu.wait_dma2 semaphore(%run_scoped3A : memref<!tpu.dma_semaphore, #tpu.memory_space<semaphore_mem>>) src(%dma_wait3A_58 : memref<128x128xf32, #tpu.memory_space<vmem_shared>>) dst(%arg9 : memref<128x128xf32, #tpu.memory_space<vmem>>)
        tpu.yield
      }) : () -> ()
      %add3A_43 = arith.constant 256 : i32
      %add3A_44 = arith.addi %mul3A_0, %add3A_43 : i32
      "tpu.region"() ({
        %run_scoped3A = tpu.sem_alloc : memref<!tpu.dma_semaphore, #tpu.memory_space<semaphore_mem>>
        %dma_start3A = arith.constant 0 : i32
        %dma_start3A_53 = tpu.memref_slice %arg6[%add3A_44, %dma_start3A] : memref<10240x128xf32, #tpu.memory_space<hbm>> -> memref<128x128xf32, #tpu.memory_space<hbm>>
        %dma_start3A_54 = arith.constant 0 : i32
        %dma_start3A_55 = tpu.memref_slice %arg6[%add3A_44, %dma_start3A_54] : memref<10240x128xf32, #tpu.memory_space<hbm>> -> memref<128x128xf32, #tpu.memory_space<hbm>>
        tpu.enqueue_dma source(%arg9 : memref<128x128xf32, #tpu.memory_space<vmem>>) target(%dma_start3A_55 : memref<128x128xf32, #tpu.memory_space<hbm>>) target_semaphore(%run_scoped3A : memref<!tpu.dma_semaphore, #tpu.memory_space<semaphore_mem>>)
        %dma_wait3A = arith.constant 0 : i32
        %dma_wait3A_56 = tpu.memref_slice %arg6[%add3A_44, %dma_wait3A] : memref<10240x128xf32, #tpu.memory_space<hbm>> -> memref<128x128xf32, #tpu.memory_space<hbm>>
        %dma_wait3A_57 = arith.constant 0 : i32
        %dma_wait3A_58 = tpu.memref_slice %arg6[%add3A_44, %dma_wait3A_57] : memref<10240x128xf32, #tpu.memory_space<hbm>> -> memref<128x128xf32, #tpu.memory_space<hbm>>
        tpu.wait_dma2 semaphore(%run_scoped3A : memref<!tpu.dma_semaphore, #tpu.memory_space<semaphore_mem>>) src(%arg9 : memref<128x128xf32, #tpu.memory_space<vmem>>) dst(%dma_wait3A_58 : memref<128x128xf32, #tpu.memory_space<hbm>>)
        tpu.yield
      }) : () -> ()
      %add3A_45 = arith.constant 384 : i32
      %add3A_46 = arith.addi %mul3A_0, %add3A_45 : i32
      "tpu.region"() ({
        %run_scoped3A = tpu.sem_alloc : memref<!tpu.dma_semaphore, #tpu.memory_space<semaphore_mem>>
        %dma_start3A = arith.constant 0 : i32
        %dma_start3A_53 = tpu.memref_slice %arg7[%add3A_46, %dma_start3A] : memref<10240x128xf32, #tpu.memory_space<vmem_shared>> -> memref<128x128xf32, #tpu.memory_space<vmem_shared>>
        %dma_start3A_54 = arith.constant 0 : i32
        %dma_start3A_55 = tpu.memref_slice %arg7[%add3A_46, %dma_start3A_54] : memref<10240x128xf32, #tpu.memory_space<vmem_shared>> -> memref<128x128xf32, #tpu.memory_space<vmem_shared>>
        tpu.enqueue_dma source(%dma_start3A_55 : memref<128x128xf32, #tpu.memory_space<vmem_shared>>) target(%arg9 : memref<128x128xf32, #tpu.memory_space<vmem>>) target_semaphore(%run_scoped3A : memref<!tpu.dma_semaphore, #tpu.memory_space<semaphore_mem>>)
        %dma_wait3A = arith.constant 0 : i32
        %dma_wait3A_56 = tpu.memref_slice %arg7[%add3A_46, %dma_wait3A] : memref<10240x128xf32, #tpu.memory_space<vmem_shared>> -> memref<128x128xf32, #tpu.memory_space<vmem_shared>>
        %dma_wait3A_57 = arith.constant 0 : i32
        %dma_wait3A_58 = tpu.memref_slice %arg7[%add3A_46, %dma_wait3A_57] : memref<10240x128xf32, #tpu.memory_space<vmem_shared>> -> memref<128x128xf32, #tpu.memory_space<vmem_shared>>
        tpu.wait_dma2 semaphore(%run_scoped3A : memref<!tpu.dma_semaphore, #tpu.memory_space<semaphore_mem>>) src(%dma_wait3A_58 : memref<128x128xf32, #tpu.memory_space<vmem_shared>>) dst(%arg9 : memref<128x128xf32, #tpu.memory_space<vmem>>)
        tpu.yield
      }) : () -> ()
      %add3A_47 = arith.constant 384 : i32
      %add3A_48 = arith.addi %mul3A_0, %add3A_47 : i32
      "tpu.region"() ({
        %run_scoped3A = tpu.sem_alloc : memref<!tpu.dma_semaphore, #tpu.memory_space<semaphore_mem>>
        %dma_start3A = arith.constant 0 : i32
        %dma_start3A_53 = tpu.memref_slice %arg6[%add3A_48, %dma_start3A] : memref<10240x128xf32, #tpu.memory_space<hbm>> -> memref<128x128xf32, #tpu.memory_space<hbm>>
        %dma_start3A_54 = arith.constant 0 : i32
        %dma_start3A_55 = tpu.memref_slice %arg6[%add3A_48, %dma_start3A_54] : memref<10240x128xf32, #tpu.memory_space<hbm>> -> memref<128x128xf32, #tpu.memory_space<hbm>>
        tpu.enqueue_dma source(%arg9 : memref<128x128xf32, #tpu.memory_space<vmem>>) target(%dma_start3A_55 : memref<128x128xf32, #tpu.memory_space<hbm>>) target_semaphore(%run_scoped3A : memref<!tpu.dma_semaphore, #tpu.memory_space<semaphore_mem>>)
        %dma_wait3A = arith.constant 0 : i32
        %dma_wait3A_56 = tpu.memref_slice %arg6[%add3A_48, %dma_wait3A] : memref<10240x128xf32, #tpu.memory_space<hbm>> -> memref<128x128xf32, #tpu.memory_space<hbm>>
        %dma_wait3A_57 = arith.constant 0 : i32
        %dma_wait3A_58 = tpu.memref_slice %arg6[%add3A_48, %dma_wait3A_57] : memref<10240x128xf32, #tpu.memory_space<hbm>> -> memref<128x128xf32, #tpu.memory_space<hbm>>
        tpu.wait_dma2 semaphore(%run_scoped3A : memref<!tpu.dma_semaphore, #tpu.memory_space<semaphore_mem>>) src(%arg9 : memref<128x128xf32, #tpu.memory_space<vmem>>) dst(%dma_wait3A_58 : memref<128x128xf32, #tpu.memory_space<hbm>>)
        tpu.yield
      }) : () -> ()
      %add3A_49 = arith.constant 512 : i32
      %add3A_50 = arith.addi %mul3A_0, %add3A_49 : i32
      "tpu.region"() ({
        %run_scoped3A = tpu.sem_alloc : memref<!tpu.dma_semaphore, #tpu.memory_space<semaphore_mem>>
        %dma_start3A = arith.constant 0 : i32
        %dma_start3A_53 = tpu.memref_slice %arg7[%add3A_50, %dma_start3A] : memref<10240x128xf32, #tpu.memory_space<vmem_shared>> -> memref<128x128xf32, #tpu.memory_space<vmem_shared>>
        %dma_start3A_54 = arith.constant 0 : i32
        %dma_start3A_55 = tpu.memref_slice %arg7[%add3A_50, %dma_start3A_54] : memref<10240x128xf32, #tpu.memory_space<vmem_shared>> -> memref<128x128xf32, #tpu.memory_space<vmem_shared>>
        tpu.enqueue_dma source(%dma_start3A_55 : memref<128x128xf32, #tpu.memory_space<vmem_shared>>) target(%arg9 : memref<128x128xf32, #tpu.memory_space<vmem>>) target_semaphore(%run_scoped3A : memref<!tpu.dma_semaphore, #tpu.memory_space<semaphore_mem>>)
        %dma_wait3A = arith.constant 0 : i32
        %dma_wait3A_56 = tpu.memref_slice %arg7[%add3A_50, %dma_wait3A] : memref<10240x128xf32, #tpu.memory_space<vmem_shared>> -> memref<128x128xf32, #tpu.memory_space<vmem_shared>>
        %dma_wait3A_57 = arith.constant 0 : i32
        %dma_wait3A_58 = tpu.memref_slice %arg7[%add3A_50, %dma_wait3A_57] : memref<10240x128xf32, #tpu.memory_space<vmem_shared>> -> memref<128x128xf32, #tpu.memory_space<vmem_shared>>
        tpu.wait_dma2 semaphore(%run_scoped3A : memref<!tpu.dma_semaphore, #tpu.memory_space<semaphore_mem>>) src(%dma_wait3A_58 : memref<128x128xf32, #tpu.memory_space<vmem_shared>>) dst(%arg9 : memref<128x128xf32, #tpu.memory_space<vmem>>)
        tpu.yield
      }) : () -> ()
      %add3A_51 = arith.constant 512 : i32
      %add3A_52 = arith.addi %mul3A_0, %add3A_51 : i32
      "tpu.region"() ({
        %run_scoped3A = tpu.sem_alloc : memref<!tpu.dma_semaphore, #tpu.memory_space<semaphore_mem>>
        %dma_start3A = arith.constant 0 : i32
        %dma_start3A_53 = tpu.memref_slice %arg6[%add3A_52, %dma_start3A] : memref<10240x128xf32, #tpu.memory_space<hbm>> -> memref<128x128xf32, #tpu.memory_space<hbm>>
        %dma_start3A_54 = arith.constant 0 : i32
        %dma_start3A_55 = tpu.memref_slice %arg6[%add3A_52, %dma_start3A_54] : memref<10240x128xf32, #tpu.memory_space<hbm>> -> memref<128x128xf32, #tpu.memory_space<hbm>>
        tpu.enqueue_dma source(%arg9 : memref<128x128xf32, #tpu.memory_space<vmem>>) target(%dma_start3A_55 : memref<128x128xf32, #tpu.memory_space<hbm>>) target_semaphore(%run_scoped3A : memref<!tpu.dma_semaphore, #tpu.memory_space<semaphore_mem>>)
        %dma_wait3A = arith.constant 0 : i32
        %dma_wait3A_56 = tpu.memref_slice %arg6[%add3A_52, %dma_wait3A] : memref<10240x128xf32, #tpu.memory_space<hbm>> -> memref<128x128xf32, #tpu.memory_space<hbm>>
        %dma_wait3A_57 = arith.constant 0 : i32
        %dma_wait3A_58 = tpu.memref_slice %arg6[%add3A_52, %dma_wait3A_57] : memref<10240x128xf32, #tpu.memory_space<hbm>> -> memref<128x128xf32, #tpu.memory_space<hbm>>
        tpu.wait_dma2 semaphore(%run_scoped3A : memref<!tpu.dma_semaphore, #tpu.memory_space<semaphore_mem>>) src(%arg9 : memref<128x128xf32, #tpu.memory_space<vmem>>) dst(%dma_wait3A_58 : memref<128x128xf32, #tpu.memory_space<hbm>>)
        tpu.yield
      }) : () -> ()
    } else {
    }
    return
  }
}

#map = affine_map<(d0, d1) -> (0, 0)>
#map1 = affine_map<(d0, d1) -> (0)>
module attributes {stable_mosaic.version = 14 : i64} {
  func.func @prop(%arg0: i32, %arg1: i32, %arg2: memref<10000x128xf32, #tpu.memory_space<hbm>>, %arg3: memref<10000x128xf32, #tpu.memory_space<hbm>>, %arg4: memref<320000xi32, #tpu.memory_space<hbm>>, %arg5: memref<320000xi32, #tpu.memory_space<hbm>>, %arg6: memref<10240x128xf32, #tpu.memory_space<hbm>>, %arg7: memref<10240x128xf32, #tpu.memory_space<hbm>>, %arg8: memref<10240x128xf32, #tpu.memory_space<vmem_shared>>, %arg9: memref<128xi32, #tpu.memory_space<vmem>>, %arg10: memref<128xi32, #tpu.memory_space<vmem>>, %arg11: memref<128x128xf32, #tpu.memory_space<vmem>>, %arg12: memref<128x128xf32, #tpu.memory_space<vmem>>, %arg13: memref<!tpu.dma_semaphore, #tpu.memory_space<semaphore_mem>>) attributes {dimension_semantics = [#tpu.dimension_semantics<core_parallel>, #tpu.dimension_semantics<subcore_parallel>], iteration_bounds = array<i64: 2, 16>, scalar_prefetch = 0 : i64, scratch_operands = 6 : i64, tpu.core_type = #tpu.core_type<sc_vector_subcore>, window_params = [{transform_indices = #map}, {transform_indices = #map}, {transform_indices = #map1}, {transform_indices = #map1}, {transform_indices = #map}, {transform_indices = #map}]} {
    %mul3A = arith.constant 640 : i32
    %mul3A_0 = arith.muli %arg1, %mul3A : i32
    %scan3A = arith.constant 0 : i32
    %scan3A_1 = arith.constant 0 : i32
    %scan3A_2 = arith.constant 128 : i32
    %scan3A_3 = arith.addi %scan3A_1, %scan3A_2 : i32
    %scan3A_4 = arith.constant 1 : i32
    scf.for %scan3A_33 = %scan3A_1 to %scan3A_3 step %scan3A_4  : i32 {
      %broadcast_in_dim3A = arith.constant 0.000000e+00 : f32
      %broadcast_in_dim3A_34 = vector.broadcast %broadcast_in_dim3A : f32 to vector<16xf32>
      %swap3A = arith.index_cast %scan3A_33 : i32 to index
      %swap3A_35 = arith.constant 0 : index
      %swap3A_36 = tpu.vector_load %arg12[%swap3A, %swap3A_35] {strides = array<i32>} : memref<128x128xf32, #tpu.memory_space<vmem>>, vector<1x16xf32>,
      %swap3A_37 = vector.shape_cast %swap3A_36 : vector<1x16xf32> to vector<16xf32>
      %swap3A_38 = vector.shape_cast %broadcast_in_dim3A_34 : vector<16xf32> to vector<1x16xf32>
      tpu.vector_store %arg12[%swap3A, %swap3A_35], %swap3A_38 {strides = array<i32>} : memref<128x128xf32, #tpu.memory_space<vmem>>, vector<1x16xf32>,
      %broadcast_in_dim3A_39 = arith.constant 0.000000e+00 : f32
      %broadcast_in_dim3A_40 = vector.broadcast %broadcast_in_dim3A_39 : f32 to vector<16xf32>
      %swap3A_41 = arith.index_cast %scan3A_33 : i32 to index
      %swap3A_42 = arith.constant 16 : index
      %swap3A_43 = tpu.vector_load %arg12[%swap3A_41, %swap3A_42] {strides = array<i32>} : memref<128x128xf32, #tpu.memory_space<vmem>>, vector<1x16xf32>,
      %swap3A_44 = vector.shape_cast %swap3A_43 : vector<1x16xf32> to vector<16xf32>
      %swap3A_45 = vector.shape_cast %broadcast_in_dim3A_40 : vector<16xf32> to vector<1x16xf32>
      tpu.vector_store %arg12[%swap3A_41, %swap3A_42], %swap3A_45 {strides = array<i32>} : memref<128x128xf32, #tpu.memory_space<vmem>>, vector<1x16xf32>,
      %broadcast_in_dim3A_46 = arith.constant 0.000000e+00 : f32
      %broadcast_in_dim3A_47 = vector.broadcast %broadcast_in_dim3A_46 : f32 to vector<16xf32>
      %swap3A_48 = arith.index_cast %scan3A_33 : i32 to index
      %swap3A_49 = arith.constant 32 : index
      %swap3A_50 = tpu.vector_load %arg12[%swap3A_48, %swap3A_49] {strides = array<i32>} : memref<128x128xf32, #tpu.memory_space<vmem>>, vector<1x16xf32>,
      %swap3A_51 = vector.shape_cast %swap3A_50 : vector<1x16xf32> to vector<16xf32>
      %swap3A_52 = vector.shape_cast %broadcast_in_dim3A_47 : vector<16xf32> to vector<1x16xf32>
      tpu.vector_store %arg12[%swap3A_48, %swap3A_49], %swap3A_52 {strides = array<i32>} : memref<128x128xf32, #tpu.memory_space<vmem>>, vector<1x16xf32>,
      %broadcast_in_dim3A_53 = arith.constant 0.000000e+00 : f32
      %broadcast_in_dim3A_54 = vector.broadcast %broadcast_in_dim3A_53 : f32 to vector<16xf32>
      %swap3A_55 = arith.index_cast %scan3A_33 : i32 to index
      %swap3A_56 = arith.constant 48 : index
      %swap3A_57 = tpu.vector_load %arg12[%swap3A_55, %swap3A_56] {strides = array<i32>} : memref<128x128xf32, #tpu.memory_space<vmem>>, vector<1x16xf32>,
      %swap3A_58 = vector.shape_cast %swap3A_57 : vector<1x16xf32> to vector<16xf32>
      %swap3A_59 = vector.shape_cast %broadcast_in_dim3A_54 : vector<16xf32> to vector<1x16xf32>
      tpu.vector_store %arg12[%swap3A_55, %swap3A_56], %swap3A_59 {strides = array<i32>} : memref<128x128xf32, #tpu.memory_space<vmem>>, vector<1x16xf32>,
      %broadcast_in_dim3A_60 = arith.constant 0.000000e+00 : f32
      %broadcast_in_dim3A_61 = vector.broadcast %broadcast_in_dim3A_60 : f32 to vector<16xf32>
      %swap3A_62 = arith.index_cast %scan3A_33 : i32 to index
      %swap3A_63 = arith.constant 64 : index
      %swap3A_64 = tpu.vector_load %arg12[%swap3A_62, %swap3A_63] {strides = array<i32>} : memref<128x128xf32, #tpu.memory_space<vmem>>, vector<1x16xf32>,
      %swap3A_65 = vector.shape_cast %swap3A_64 : vector<1x16xf32> to vector<16xf32>
      %swap3A_66 = vector.shape_cast %broadcast_in_dim3A_61 : vector<16xf32> to vector<1x16xf32>
      tpu.vector_store %arg12[%swap3A_62, %swap3A_63], %swap3A_66 {strides = array<i32>} : memref<128x128xf32, #tpu.memory_space<vmem>>, vector<1x16xf32>,
      %broadcast_in_dim3A_67 = arith.constant 0.000000e+00 : f32
      %broadcast_in_dim3A_68 = vector.broadcast %broadcast_in_dim3A_67 : f32 to vector<16xf32>
      %swap3A_69 = arith.index_cast %scan3A_33 : i32 to index
      %swap3A_70 = arith.constant 80 : index
      %swap3A_71 = tpu.vector_load %arg12[%swap3A_69, %swap3A_70] {strides = array<i32>} : memref<128x128xf32, #tpu.memory_space<vmem>>, vector<1x16xf32>,
      %swap3A_72 = vector.shape_cast %swap3A_71 : vector<1x16xf32> to vector<16xf32>
      %swap3A_73 = vector.shape_cast %broadcast_in_dim3A_68 : vector<16xf32> to vector<1x16xf32>
      tpu.vector_store %arg12[%swap3A_69, %swap3A_70], %swap3A_73 {strides = array<i32>} : memref<128x128xf32, #tpu.memory_space<vmem>>, vector<1x16xf32>,
      %broadcast_in_dim3A_74 = arith.constant 0.000000e+00 : f32
      %broadcast_in_dim3A_75 = vector.broadcast %broadcast_in_dim3A_74 : f32 to vector<16xf32>
      %swap3A_76 = arith.index_cast %scan3A_33 : i32 to index
      %swap3A_77 = arith.constant 96 : index
      %swap3A_78 = tpu.vector_load %arg12[%swap3A_76, %swap3A_77] {strides = array<i32>} : memref<128x128xf32, #tpu.memory_space<vmem>>, vector<1x16xf32>,
      %swap3A_79 = vector.shape_cast %swap3A_78 : vector<1x16xf32> to vector<16xf32>
      %swap3A_80 = vector.shape_cast %broadcast_in_dim3A_75 : vector<16xf32> to vector<1x16xf32>
      tpu.vector_store %arg12[%swap3A_76, %swap3A_77], %swap3A_80 {strides = array<i32>} : memref<128x128xf32, #tpu.memory_space<vmem>>, vector<1x16xf32>,
      %broadcast_in_dim3A_81 = arith.constant 0.000000e+00 : f32
      %broadcast_in_dim3A_82 = vector.broadcast %broadcast_in_dim3A_81 : f32 to vector<16xf32>
      %swap3A_83 = arith.index_cast %scan3A_33 : i32 to index
      %swap3A_84 = arith.constant 112 : index
      %swap3A_85 = tpu.vector_load %arg12[%swap3A_83, %swap3A_84] {strides = array<i32>} : memref<128x128xf32, #tpu.memory_space<vmem>>, vector<1x16xf32>,
      %swap3A_86 = vector.shape_cast %swap3A_85 : vector<1x16xf32> to vector<16xf32>
      %swap3A_87 = vector.shape_cast %broadcast_in_dim3A_82 : vector<16xf32> to vector<1x16xf32>
      tpu.vector_store %arg12[%swap3A_83, %swap3A_84], %swap3A_87 {strides = array<i32>} : memref<128x128xf32, #tpu.memory_space<vmem>>, vector<1x16xf32>,
    }
    %scan3A_5 = arith.constant 128 : i32
    %add3A = arith.constant 0 : i32
    %add3A_6 = arith.addi %mul3A_0, %add3A : i32
    "tpu.region"() ({
      %run_scoped3A = tpu.sem_alloc : memref<!tpu.dma_semaphore, #tpu.memory_space<semaphore_mem>>
      %dma_start3A = arith.constant 0 : i32
      %dma_start3A_33 = tpu.memref_slice %arg8[%add3A_6, %dma_start3A] : memref<10240x128xf32, #tpu.memory_space<vmem_shared>> -> memref<128x128xf32, #tpu.memory_space<vmem_shared>>
      %dma_start3A_34 = arith.constant 0 : i32
      %dma_start3A_35 = tpu.memref_slice %arg8[%add3A_6, %dma_start3A_34] : memref<10240x128xf32, #tpu.memory_space<vmem_shared>> -> memref<128x128xf32, #tpu.memory_space<vmem_shared>>
      tpu.enqueue_dma source(%arg12 : memref<128x128xf32, #tpu.memory_space<vmem>>) target(%dma_start3A_35 : memref<128x128xf32, #tpu.memory_space<vmem_shared>>) target_semaphore(%run_scoped3A : memref<!tpu.dma_semaphore, #tpu.memory_space<semaphore_mem>>)
      %dma_wait3A = arith.constant 0 : i32
      %dma_wait3A_36 = tpu.memref_slice %arg8[%add3A_6, %dma_wait3A] : memref<10240x128xf32, #tpu.memory_space<vmem_shared>> -> memref<128x128xf32, #tpu.memory_space<vmem_shared>>
      %dma_wait3A_37 = arith.constant 0 : i32
      %dma_wait3A_38 = tpu.memref_slice %arg8[%add3A_6, %dma_wait3A_37] : memref<10240x128xf32, #tpu.memory_space<vmem_shared>> -> memref<128x128xf32, #tpu.memory_space<vmem_shared>>
      tpu.wait_dma2 semaphore(%run_scoped3A : memref<!tpu.dma_semaphore, #tpu.memory_space<semaphore_mem>>) src(%arg12 : memref<128x128xf32, #tpu.memory_space<vmem>>) dst(%dma_wait3A_38 : memref<128x128xf32, #tpu.memory_space<vmem_shared>>)
      tpu.yield
    }) : () -> ()
    %add3A_7 = arith.constant 128 : i32
    %add3A_8 = arith.addi %mul3A_0, %add3A_7 : i32
    "tpu.region"() ({
      %run_scoped3A = tpu.sem_alloc : memref<!tpu.dma_semaphore, #tpu.memory_space<semaphore_mem>>
      %dma_start3A = arith.constant 0 : i32
      %dma_start3A_33 = tpu.memref_slice %arg8[%add3A_8, %dma_start3A] : memref<10240x128xf32, #tpu.memory_space<vmem_shared>> -> memref<128x128xf32, #tpu.memory_space<vmem_shared>>
      %dma_start3A_34 = arith.constant 0 : i32
      %dma_start3A_35 = tpu.memref_slice %arg8[%add3A_8, %dma_start3A_34] : memref<10240x128xf32, #tpu.memory_space<vmem_shared>> -> memref<128x128xf32, #tpu.memory_space<vmem_shared>>
      tpu.enqueue_dma source(%arg12 : memref<128x128xf32, #tpu.memory_space<vmem>>) target(%dma_start3A_35 : memref<128x128xf32, #tpu.memory_space<vmem_shared>>) target_semaphore(%run_scoped3A : memref<!tpu.dma_semaphore, #tpu.memory_space<semaphore_mem>>)
      %dma_wait3A = arith.constant 0 : i32
      %dma_wait3A_36 = tpu.memref_slice %arg8[%add3A_8, %dma_wait3A] : memref<10240x128xf32, #tpu.memory_space<vmem_shared>> -> memref<128x128xf32, #tpu.memory_space<vmem_shared>>
      %dma_wait3A_37 = arith.constant 0 : i32
      %dma_wait3A_38 = tpu.memref_slice %arg8[%add3A_8, %dma_wait3A_37] : memref<10240x128xf32, #tpu.memory_space<vmem_shared>> -> memref<128x128xf32, #tpu.memory_space<vmem_shared>>
      tpu.wait_dma2 semaphore(%run_scoped3A : memref<!tpu.dma_semaphore, #tpu.memory_space<semaphore_mem>>) src(%arg12 : memref<128x128xf32, #tpu.memory_space<vmem>>) dst(%dma_wait3A_38 : memref<128x128xf32, #tpu.memory_space<vmem_shared>>)
      tpu.yield
    }) : () -> ()
    %add3A_9 = arith.constant 256 : i32
    %add3A_10 = arith.addi %mul3A_0, %add3A_9 : i32
    "tpu.region"() ({
      %run_scoped3A = tpu.sem_alloc : memref<!tpu.dma_semaphore, #tpu.memory_space<semaphore_mem>>
      %dma_start3A = arith.constant 0 : i32
      %dma_start3A_33 = tpu.memref_slice %arg8[%add3A_10, %dma_start3A] : memref<10240x128xf32, #tpu.memory_space<vmem_shared>> -> memref<128x128xf32, #tpu.memory_space<vmem_shared>>
      %dma_start3A_34 = arith.constant 0 : i32
      %dma_start3A_35 = tpu.memref_slice %arg8[%add3A_10, %dma_start3A_34] : memref<10240x128xf32, #tpu.memory_space<vmem_shared>> -> memref<128x128xf32, #tpu.memory_space<vmem_shared>>
      tpu.enqueue_dma source(%arg12 : memref<128x128xf32, #tpu.memory_space<vmem>>) target(%dma_start3A_35 : memref<128x128xf32, #tpu.memory_space<vmem_shared>>) target_semaphore(%run_scoped3A : memref<!tpu.dma_semaphore, #tpu.memory_space<semaphore_mem>>)
      %dma_wait3A = arith.constant 0 : i32
      %dma_wait3A_36 = tpu.memref_slice %arg8[%add3A_10, %dma_wait3A] : memref<10240x128xf32, #tpu.memory_space<vmem_shared>> -> memref<128x128xf32, #tpu.memory_space<vmem_shared>>
      %dma_wait3A_37 = arith.constant 0 : i32
      %dma_wait3A_38 = tpu.memref_slice %arg8[%add3A_10, %dma_wait3A_37] : memref<10240x128xf32, #tpu.memory_space<vmem_shared>> -> memref<128x128xf32, #tpu.memory_space<vmem_shared>>
      tpu.wait_dma2 semaphore(%run_scoped3A : memref<!tpu.dma_semaphore, #tpu.memory_space<semaphore_mem>>) src(%arg12 : memref<128x128xf32, #tpu.memory_space<vmem>>) dst(%dma_wait3A_38 : memref<128x128xf32, #tpu.memory_space<vmem_shared>>)
      tpu.yield
    }) : () -> ()
    %add3A_11 = arith.constant 384 : i32
    %add3A_12 = arith.addi %mul3A_0, %add3A_11 : i32
    "tpu.region"() ({
      %run_scoped3A = tpu.sem_alloc : memref<!tpu.dma_semaphore, #tpu.memory_space<semaphore_mem>>
      %dma_start3A = arith.constant 0 : i32
      %dma_start3A_33 = tpu.memref_slice %arg8[%add3A_12, %dma_start3A] : memref<10240x128xf32, #tpu.memory_space<vmem_shared>> -> memref<128x128xf32, #tpu.memory_space<vmem_shared>>
      %dma_start3A_34 = arith.constant 0 : i32
      %dma_start3A_35 = tpu.memref_slice %arg8[%add3A_12, %dma_start3A_34] : memref<10240x128xf32, #tpu.memory_space<vmem_shared>> -> memref<128x128xf32, #tpu.memory_space<vmem_shared>>
      tpu.enqueue_dma source(%arg12 : memref<128x128xf32, #tpu.memory_space<vmem>>) target(%dma_start3A_35 : memref<128x128xf32, #tpu.memory_space<vmem_shared>>) target_semaphore(%run_scoped3A : memref<!tpu.dma_semaphore, #tpu.memory_space<semaphore_mem>>)
      %dma_wait3A = arith.constant 0 : i32
      %dma_wait3A_36 = tpu.memref_slice %arg8[%add3A_12, %dma_wait3A] : memref<10240x128xf32, #tpu.memory_space<vmem_shared>> -> memref<128x128xf32, #tpu.memory_space<vmem_shared>>
      %dma_wait3A_37 = arith.constant 0 : i32
      %dma_wait3A_38 = tpu.memref_slice %arg8[%add3A_12, %dma_wait3A_37] : memref<10240x128xf32, #tpu.memory_space<vmem_shared>> -> memref<128x128xf32, #tpu.memory_space<vmem_shared>>
      tpu.wait_dma2 semaphore(%run_scoped3A : memref<!tpu.dma_semaphore, #tpu.memory_space<semaphore_mem>>) src(%arg12 : memref<128x128xf32, #tpu.memory_space<vmem>>) dst(%dma_wait3A_38 : memref<128x128xf32, #tpu.memory_space<vmem_shared>>)
      tpu.yield
    }) : () -> ()
    %add3A_13 = arith.constant 512 : i32
    %add3A_14 = arith.addi %mul3A_0, %add3A_13 : i32
    "tpu.region"() ({
      %run_scoped3A = tpu.sem_alloc : memref<!tpu.dma_semaphore, #tpu.memory_space<semaphore_mem>>
      %dma_start3A = arith.constant 0 : i32
      %dma_start3A_33 = tpu.memref_slice %arg8[%add3A_14, %dma_start3A] : memref<10240x128xf32, #tpu.memory_space<vmem_shared>> -> memref<128x128xf32, #tpu.memory_space<vmem_shared>>
      %dma_start3A_34 = arith.constant 0 : i32
      %dma_start3A_35 = tpu.memref_slice %arg8[%add3A_14, %dma_start3A_34] : memref<10240x128xf32, #tpu.memory_space<vmem_shared>> -> memref<128x128xf32, #tpu.memory_space<vmem_shared>>
      tpu.enqueue_dma source(%arg12 : memref<128x128xf32, #tpu.memory_space<vmem>>) target(%dma_start3A_35 : memref<128x128xf32, #tpu.memory_space<vmem_shared>>) target_semaphore(%run_scoped3A : memref<!tpu.dma_semaphore, #tpu.memory_space<semaphore_mem>>)
      %dma_wait3A = arith.constant 0 : i32
      %dma_wait3A_36 = tpu.memref_slice %arg8[%add3A_14, %dma_wait3A] : memref<10240x128xf32, #tpu.memory_space<vmem_shared>> -> memref<128x128xf32, #tpu.memory_space<vmem_shared>>
      %dma_wait3A_37 = arith.constant 0 : i32
      %dma_wait3A_38 = tpu.memref_slice %arg8[%add3A_14, %dma_wait3A_37] : memref<10240x128xf32, #tpu.memory_space<vmem_shared>> -> memref<128x128xf32, #tpu.memory_space<vmem_shared>>
      tpu.wait_dma2 semaphore(%run_scoped3A : memref<!tpu.dma_semaphore, #tpu.memory_space<semaphore_mem>>) src(%arg12 : memref<128x128xf32, #tpu.memory_space<vmem>>) dst(%dma_wait3A_38 : memref<128x128xf32, #tpu.memory_space<vmem_shared>>)
      tpu.yield
    }) : () -> ()
    %barrier3A = arith.constant 0 : index
    tpu.barrier barrier_id(%barrier3A)
    %eq3A = arith.constant 0 : i32
    %eq3A_15 = arith.cmpi eq, %arg0, %eq3A : i32
    %convert_element_type3A = arith.extui %eq3A_15 : i1 to i32
    %cond3A = arith.constant 0 : i32
    %cond3A_16 = arith.cmpi ne, %convert_element_type3A, %cond3A : i32
    scf.if %cond3A_16 {
      %scan3A_33 = arith.constant 0 : i32
      %scan3A_34 = arith.constant 0 : i32
      %scan3A_35 = arith.constant 157 : i32
      %scan3A_36 = arith.addi %scan3A_34, %scan3A_35 : i32
      %scan3A_37 = arith.constant 1 : i32
      scf.for %scan3A_39 = %scan3A_34 to %scan3A_36 step %scan3A_37  : i32 {
        %add3A_40 = arith.constant 0 : i32
        %add3A_41 = arith.addi %add3A_40, %arg1 : i32
        %mul3A_42 = arith.constant 16 : i32
        %mul3A_43 = arith.muli %scan3A_39, %mul3A_42 : i32
        %add3A_44 = arith.addi %add3A_41, %mul3A_43 : i32
        %lt3A = arith.constant 2500 : i32
        %lt3A_45 = arith.cmpi slt, %add3A_44, %lt3A : i32
        %convert_element_type3A_46 = arith.extui %lt3A_45 : i1 to i32
        %cond3A_47 = arith.constant 0 : i32
        %cond3A_48 = arith.cmpi ne, %convert_element_type3A_46, %cond3A_47 : i32
        scf.if %cond3A_48 {
          %mul3A_49 = arith.constant 128 : i32
          %mul3A_50 = arith.muli %add3A_44, %mul3A_49 : i32
          "tpu.region"() ({
            %run_scoped3A = tpu.sem_alloc : memref<!tpu.dma_semaphore, #tpu.memory_space<semaphore_mem>>
            %dma_start3A_57 = tpu.memref_slice %arg4[%mul3A_50] : memref<320000xi32, #tpu.memory_space<hbm>> -> memref<128xi32, #tpu.memory_space<hbm>>
            %dma_start3A_58 = tpu.memref_slice %arg4[%mul3A_50] : memref<320000xi32, #tpu.memory_space<hbm>> -> memref<128xi32, #tpu.memory_space<hbm>>
            tpu.enqueue_dma source(%dma_start3A_58 : memref<128xi32, #tpu.memory_space<hbm>>) target(%arg9 : memref<128xi32, #tpu.memory_space<vmem>>) target_semaphore(%run_scoped3A : memref<!tpu.dma_semaphore, #tpu.memory_space<semaphore_mem>>)
            %dma_wait3A_59 = tpu.memref_slice %arg4[%mul3A_50] : memref<320000xi32, #tpu.memory_space<hbm>> -> memref<128xi32, #tpu.memory_space<hbm>>
            %dma_wait3A_60 = tpu.memref_slice %arg4[%mul3A_50] : memref<320000xi32, #tpu.memory_space<hbm>> -> memref<128xi32, #tpu.memory_space<hbm>>
            tpu.wait_dma2 semaphore(%run_scoped3A : memref<!tpu.dma_semaphore, #tpu.memory_space<semaphore_mem>>) src(%dma_wait3A_60 : memref<128xi32, #tpu.memory_space<hbm>>) dst(%arg9 : memref<128xi32, #tpu.memory_space<vmem>>)
            tpu.yield
          }) : () -> ()
          %mul3A_51 = arith.constant 128 : i32
          %mul3A_52 = arith.muli %add3A_44, %mul3A_51 : i32
          "tpu.region"() ({
            %run_scoped3A = tpu.sem_alloc : memref<!tpu.dma_semaphore, #tpu.memory_space<semaphore_mem>>
            %dma_start3A_57 = tpu.memref_slice %arg5[%mul3A_52] : memref<320000xi32, #tpu.memory_space<hbm>> -> memref<128xi32, #tpu.memory_space<hbm>>
            %dma_start3A_58 = tpu.memref_slice %arg5[%mul3A_52] : memref<320000xi32, #tpu.memory_space<hbm>> -> memref<128xi32, #tpu.memory_space<hbm>>
            tpu.enqueue_dma source(%dma_start3A_58 : memref<128xi32, #tpu.memory_space<hbm>>) target(%arg10 : memref<128xi32, #tpu.memory_space<vmem>>) target_semaphore(%run_scoped3A : memref<!tpu.dma_semaphore, #tpu.memory_space<semaphore_mem>>)
            %dma_wait3A_59 = tpu.memref_slice %arg5[%mul3A_52] : memref<320000xi32, #tpu.memory_space<hbm>> -> memref<128xi32, #tpu.memory_space<hbm>>
            %dma_wait3A_60 = tpu.memref_slice %arg5[%mul3A_52] : memref<320000xi32, #tpu.memory_space<hbm>> -> memref<128xi32, #tpu.memory_space<hbm>>
            tpu.wait_dma2 semaphore(%run_scoped3A : memref<!tpu.dma_semaphore, #tpu.memory_space<semaphore_mem>>) src(%dma_wait3A_60 : memref<128xi32, #tpu.memory_space<hbm>>) dst(%arg10 : memref<128xi32, #tpu.memory_space<vmem>>)
            tpu.yield
          }) : () -> ()
          %dma_start3A = arith.constant 0 : i32
          %dma_start3A_53 = arith.constant 0 : i32
          %dma_start3A_54 = tpu.memref_slice %arg2[%dma_start3A, %dma_start3A_53] : memref<10000x128xf32, #tpu.memory_space<hbm>> -> memref<10000x128xf32, #tpu.memory_space<hbm>>
          tpu.enqueue_indirect_dma source(%dma_start3A_54 : memref<10000x128xf32, #tpu.memory_space<hbm>>) target(%arg11 : memref<128x128xf32, #tpu.memory_space<vmem>>) offsets(%arg9 : memref<128xi32, #tpu.memory_space<vmem>>) semaphore(%arg13 : memref<!tpu.dma_semaphore, #tpu.memory_space<semaphore_mem>>)
          %dma_wait3A = arith.constant 0 : i32
          %dma_wait3A_55 = arith.constant 0 : i32
          %dma_wait3A_56 = tpu.memref_slice %arg2[%dma_wait3A, %dma_wait3A_55] : memref<10000x128xf32, #tpu.memory_space<hbm>> -> memref<10000x128xf32, #tpu.memory_space<hbm>>
          tpu.wait_indirect_dma semaphore(%arg13 : memref<!tpu.dma_semaphore, #tpu.memory_space<semaphore_mem>>) src(%dma_wait3A_56 : memref<10000x128xf32, #tpu.memory_space<hbm>>) dst(%arg11 : memref<128x128xf32, #tpu.memory_space<vmem>>)
          "tpu.region"() ({
            %run_scoped3A = tpu.sem_alloc : memref<!tpu.dma_semaphore, #tpu.memory_space<semaphore_mem>>
            %dma_start3A_57 = arith.constant 0 : i32
            %dma_start3A_58 = arith.constant 0 : i32
            %dma_start3A_59 = tpu.memref_slice %arg8[%dma_start3A_57, %dma_start3A_58] : memref<10240x128xf32, #tpu.memory_space<vmem_shared>> -> memref<10240x128xf32, #tpu.memory_space<vmem_shared>>
            tpu.enqueue_indirect_dma source(%arg11 : memref<128x128xf32, #tpu.memory_space<vmem>>) target(%dma_start3A_59 : memref<10240x128xf32, #tpu.memory_space<vmem_shared>>) offsets(%arg10 : memref<128xi32, #tpu.memory_space<vmem>>) semaphore(%run_scoped3A : memref<!tpu.dma_semaphore, #tpu.memory_space<semaphore_mem>>) {add = true}
            %dma_wait3A_60 = arith.constant 0 : i32
            %dma_wait3A_61 = arith.constant 0 : i32
            %dma_wait3A_62 = tpu.memref_slice %arg8[%dma_wait3A_60, %dma_wait3A_61] : memref<10240x128xf32, #tpu.memory_space<vmem_shared>> -> memref<10240x128xf32, #tpu.memory_space<vmem_shared>>
            tpu.wait_indirect_dma semaphore(%run_scoped3A : memref<!tpu.dma_semaphore, #tpu.memory_space<semaphore_mem>>) src(%arg11 : memref<128x128xf32, #tpu.memory_space<vmem>>) dst(%dma_wait3A_62 : memref<10240x128xf32, #tpu.memory_space<vmem_shared>>)
            tpu.yield
          }) : () -> ()
        } else {
        }
      }
      %scan3A_38 = arith.constant 157 : i32
    } else {
    }
    %eq3A_17 = arith.constant 1 : i32
    %eq3A_18 = arith.cmpi eq, %arg0, %eq3A_17 : i32
    %convert_element_type3A_19 = arith.extui %eq3A_18 : i1 to i32
    %cond3A_20 = arith.constant 0 : i32
    %cond3A_21 = arith.cmpi ne, %convert_element_type3A_19, %cond3A_20 : i32
    scf.if %cond3A_21 {
      %scan3A_33 = arith.constant 0 : i32
      %scan3A_34 = arith.constant 0 : i32
      %scan3A_35 = arith.constant 157 : i32
      %scan3A_36 = arith.addi %scan3A_34, %scan3A_35 : i32
      %scan3A_37 = arith.constant 1 : i32
      scf.for %scan3A_39 = %scan3A_34 to %scan3A_36 step %scan3A_37  : i32 {
        %add3A_40 = arith.constant 0 : i32
        %add3A_41 = arith.addi %add3A_40, %arg1 : i32
        %mul3A_42 = arith.constant 16 : i32
        %mul3A_43 = arith.muli %scan3A_39, %mul3A_42 : i32
        %add3A_44 = arith.addi %add3A_41, %mul3A_43 : i32
        %lt3A = arith.constant 2500 : i32
        %lt3A_45 = arith.cmpi slt, %add3A_44, %lt3A : i32
        %convert_element_type3A_46 = arith.extui %lt3A_45 : i1 to i32
        %cond3A_47 = arith.constant 0 : i32
        %cond3A_48 = arith.cmpi ne, %convert_element_type3A_46, %cond3A_47 : i32
        scf.if %cond3A_48 {
          %mul3A_49 = arith.constant 128 : i32
          %mul3A_50 = arith.muli %add3A_44, %mul3A_49 : i32
          "tpu.region"() ({
            %run_scoped3A = tpu.sem_alloc : memref<!tpu.dma_semaphore, #tpu.memory_space<semaphore_mem>>
            %dma_start3A_57 = tpu.memref_slice %arg4[%mul3A_50] : memref<320000xi32, #tpu.memory_space<hbm>> -> memref<128xi32, #tpu.memory_space<hbm>>
            %dma_start3A_58 = tpu.memref_slice %arg4[%mul3A_50] : memref<320000xi32, #tpu.memory_space<hbm>> -> memref<128xi32, #tpu.memory_space<hbm>>
            tpu.enqueue_dma source(%dma_start3A_58 : memref<128xi32, #tpu.memory_space<hbm>>) target(%arg9 : memref<128xi32, #tpu.memory_space<vmem>>) target_semaphore(%run_scoped3A : memref<!tpu.dma_semaphore, #tpu.memory_space<semaphore_mem>>)
            %dma_wait3A_59 = tpu.memref_slice %arg4[%mul3A_50] : memref<320000xi32, #tpu.memory_space<hbm>> -> memref<128xi32, #tpu.memory_space<hbm>>
            %dma_wait3A_60 = tpu.memref_slice %arg4[%mul3A_50] : memref<320000xi32, #tpu.memory_space<hbm>> -> memref<128xi32, #tpu.memory_space<hbm>>
            tpu.wait_dma2 semaphore(%run_scoped3A : memref<!tpu.dma_semaphore, #tpu.memory_space<semaphore_mem>>) src(%dma_wait3A_60 : memref<128xi32, #tpu.memory_space<hbm>>) dst(%arg9 : memref<128xi32, #tpu.memory_space<vmem>>)
            tpu.yield
          }) : () -> ()
          %mul3A_51 = arith.constant 128 : i32
          %mul3A_52 = arith.muli %add3A_44, %mul3A_51 : i32
          "tpu.region"() ({
            %run_scoped3A = tpu.sem_alloc : memref<!tpu.dma_semaphore, #tpu.memory_space<semaphore_mem>>
            %dma_start3A_57 = tpu.memref_slice %arg5[%mul3A_52] : memref<320000xi32, #tpu.memory_space<hbm>> -> memref<128xi32, #tpu.memory_space<hbm>>
            %dma_start3A_58 = tpu.memref_slice %arg5[%mul3A_52] : memref<320000xi32, #tpu.memory_space<hbm>> -> memref<128xi32, #tpu.memory_space<hbm>>
            tpu.enqueue_dma source(%dma_start3A_58 : memref<128xi32, #tpu.memory_space<hbm>>) target(%arg10 : memref<128xi32, #tpu.memory_space<vmem>>) target_semaphore(%run_scoped3A : memref<!tpu.dma_semaphore, #tpu.memory_space<semaphore_mem>>)
            %dma_wait3A_59 = tpu.memref_slice %arg5[%mul3A_52] : memref<320000xi32, #tpu.memory_space<hbm>> -> memref<128xi32, #tpu.memory_space<hbm>>
            %dma_wait3A_60 = tpu.memref_slice %arg5[%mul3A_52] : memref<320000xi32, #tpu.memory_space<hbm>> -> memref<128xi32, #tpu.memory_space<hbm>>
            tpu.wait_dma2 semaphore(%run_scoped3A : memref<!tpu.dma_semaphore, #tpu.memory_space<semaphore_mem>>) src(%dma_wait3A_60 : memref<128xi32, #tpu.memory_space<hbm>>) dst(%arg10 : memref<128xi32, #tpu.memory_space<vmem>>)
            tpu.yield
          }) : () -> ()
          %dma_start3A = arith.constant 0 : i32
          %dma_start3A_53 = arith.constant 0 : i32
          %dma_start3A_54 = tpu.memref_slice %arg3[%dma_start3A, %dma_start3A_53] : memref<10000x128xf32, #tpu.memory_space<hbm>> -> memref<10000x128xf32, #tpu.memory_space<hbm>>
          tpu.enqueue_indirect_dma source(%dma_start3A_54 : memref<10000x128xf32, #tpu.memory_space<hbm>>) target(%arg11 : memref<128x128xf32, #tpu.memory_space<vmem>>) offsets(%arg9 : memref<128xi32, #tpu.memory_space<vmem>>) semaphore(%arg13 : memref<!tpu.dma_semaphore, #tpu.memory_space<semaphore_mem>>)
          %dma_wait3A = arith.constant 0 : i32
          %dma_wait3A_55 = arith.constant 0 : i32
          %dma_wait3A_56 = tpu.memref_slice %arg3[%dma_wait3A, %dma_wait3A_55] : memref<10000x128xf32, #tpu.memory_space<hbm>> -> memref<10000x128xf32, #tpu.memory_space<hbm>>
          tpu.wait_indirect_dma semaphore(%arg13 : memref<!tpu.dma_semaphore, #tpu.memory_space<semaphore_mem>>) src(%dma_wait3A_56 : memref<10000x128xf32, #tpu.memory_space<hbm>>) dst(%arg11 : memref<128x128xf32, #tpu.memory_space<vmem>>)
          "tpu.region"() ({
            %run_scoped3A = tpu.sem_alloc : memref<!tpu.dma_semaphore, #tpu.memory_space<semaphore_mem>>
            %dma_start3A_57 = arith.constant 0 : i32
            %dma_start3A_58 = arith.constant 0 : i32
            %dma_start3A_59 = tpu.memref_slice %arg8[%dma_start3A_57, %dma_start3A_58] : memref<10240x128xf32, #tpu.memory_space<vmem_shared>> -> memref<10240x128xf32, #tpu.memory_space<vmem_shared>>
            tpu.enqueue_indirect_dma source(%arg11 : memref<128x128xf32, #tpu.memory_space<vmem>>) target(%dma_start3A_59 : memref<10240x128xf32, #tpu.memory_space<vmem_shared>>) offsets(%arg10 : memref<128xi32, #tpu.memory_space<vmem>>) semaphore(%run_scoped3A : memref<!tpu.dma_semaphore, #tpu.memory_space<semaphore_mem>>) {add = true}
            %dma_wait3A_60 = arith.constant 0 : i32
            %dma_wait3A_61 = arith.constant 0 : i32
            %dma_wait3A_62 = tpu.memref_slice %arg8[%dma_wait3A_60, %dma_wait3A_61] : memref<10240x128xf32, #tpu.memory_space<vmem_shared>> -> memref<10240x128xf32, #tpu.memory_space<vmem_shared>>
            tpu.wait_indirect_dma semaphore(%run_scoped3A : memref<!tpu.dma_semaphore, #tpu.memory_space<semaphore_mem>>) src(%arg11 : memref<128x128xf32, #tpu.memory_space<vmem>>) dst(%dma_wait3A_62 : memref<10240x128xf32, #tpu.memory_space<vmem_shared>>)
            tpu.yield
          }) : () -> ()
        } else {
        }
      }
      %scan3A_38 = arith.constant 157 : i32
    } else {
    }
    %barrier3A_22 = arith.constant 0 : index
    tpu.barrier barrier_id(%barrier3A_22)
    %eq3A_23 = arith.constant 0 : i32
    %eq3A_24 = arith.cmpi eq, %arg0, %eq3A_23 : i32
    %convert_element_type3A_25 = arith.extui %eq3A_24 : i1 to i32
    %cond3A_26 = arith.constant 0 : i32
    %cond3A_27 = arith.cmpi ne, %convert_element_type3A_25, %cond3A_26 : i32
    scf.if %cond3A_27 {
      %add3A_33 = arith.constant 0 : i32
      %add3A_34 = arith.addi %mul3A_0, %add3A_33 : i32
      "tpu.region"() ({
        %run_scoped3A = tpu.sem_alloc : memref<!tpu.dma_semaphore, #tpu.memory_space<semaphore_mem>>
        %dma_start3A = arith.constant 0 : i32
        %dma_start3A_53 = tpu.memref_slice %arg8[%add3A_34, %dma_start3A] : memref<10240x128xf32, #tpu.memory_space<vmem_shared>> -> memref<128x128xf32, #tpu.memory_space<vmem_shared>>
        %dma_start3A_54 = arith.constant 0 : i32
        %dma_start3A_55 = tpu.memref_slice %arg8[%add3A_34, %dma_start3A_54] : memref<10240x128xf32, #tpu.memory_space<vmem_shared>> -> memref<128x128xf32, #tpu.memory_space<vmem_shared>>
        tpu.enqueue_dma source(%dma_start3A_55 : memref<128x128xf32, #tpu.memory_space<vmem_shared>>) target(%arg12 : memref<128x128xf32, #tpu.memory_space<vmem>>) target_semaphore(%run_scoped3A : memref<!tpu.dma_semaphore, #tpu.memory_space<semaphore_mem>>)
        %dma_wait3A = arith.constant 0 : i32
        %dma_wait3A_56 = tpu.memref_slice %arg8[%add3A_34, %dma_wait3A] : memref<10240x128xf32, #tpu.memory_space<vmem_shared>> -> memref<128x128xf32, #tpu.memory_space<vmem_shared>>
        %dma_wait3A_57 = arith.constant 0 : i32
        %dma_wait3A_58 = tpu.memref_slice %arg8[%add3A_34, %dma_wait3A_57] : memref<10240x128xf32, #tpu.memory_space<vmem_shared>> -> memref<128x128xf32, #tpu.memory_space<vmem_shared>>
        tpu.wait_dma2 semaphore(%run_scoped3A : memref<!tpu.dma_semaphore, #tpu.memory_space<semaphore_mem>>) src(%dma_wait3A_58 : memref<128x128xf32, #tpu.memory_space<vmem_shared>>) dst(%arg12 : memref<128x128xf32, #tpu.memory_space<vmem>>)
        tpu.yield
      }) : () -> ()
      %add3A_35 = arith.constant 0 : i32
      %add3A_36 = arith.addi %mul3A_0, %add3A_35 : i32
      "tpu.region"() ({
        %run_scoped3A = tpu.sem_alloc : memref<!tpu.dma_semaphore, #tpu.memory_space<semaphore_mem>>
        %dma_start3A = arith.constant 0 : i32
        %dma_start3A_53 = tpu.memref_slice %arg6[%add3A_36, %dma_start3A] : memref<10240x128xf32, #tpu.memory_space<hbm>> -> memref<128x128xf32, #tpu.memory_space<hbm>>
        %dma_start3A_54 = arith.constant 0 : i32
        %dma_start3A_55 = tpu.memref_slice %arg6[%add3A_36, %dma_start3A_54] : memref<10240x128xf32, #tpu.memory_space<hbm>> -> memref<128x128xf32, #tpu.memory_space<hbm>>
        tpu.enqueue_dma source(%arg12 : memref<128x128xf32, #tpu.memory_space<vmem>>) target(%dma_start3A_55 : memref<128x128xf32, #tpu.memory_space<hbm>>) target_semaphore(%run_scoped3A : memref<!tpu.dma_semaphore, #tpu.memory_space<semaphore_mem>>)
        %dma_wait3A = arith.constant 0 : i32
        %dma_wait3A_56 = tpu.memref_slice %arg6[%add3A_36, %dma_wait3A] : memref<10240x128xf32, #tpu.memory_space<hbm>> -> memref<128x128xf32, #tpu.memory_space<hbm>>
        %dma_wait3A_57 = arith.constant 0 : i32
        %dma_wait3A_58 = tpu.memref_slice %arg6[%add3A_36, %dma_wait3A_57] : memref<10240x128xf32, #tpu.memory_space<hbm>> -> memref<128x128xf32, #tpu.memory_space<hbm>>
        tpu.wait_dma2 semaphore(%run_scoped3A : memref<!tpu.dma_semaphore, #tpu.memory_space<semaphore_mem>>) src(%arg12 : memref<128x128xf32, #tpu.memory_space<vmem>>) dst(%dma_wait3A_58 : memref<128x128xf32, #tpu.memory_space<hbm>>)
        tpu.yield
      }) : () -> ()
      %add3A_37 = arith.constant 128 : i32
      %add3A_38 = arith.addi %mul3A_0, %add3A_37 : i32
      "tpu.region"() ({
        %run_scoped3A = tpu.sem_alloc : memref<!tpu.dma_semaphore, #tpu.memory_space<semaphore_mem>>
        %dma_start3A = arith.constant 0 : i32
        %dma_start3A_53 = tpu.memref_slice %arg8[%add3A_38, %dma_start3A] : memref<10240x128xf32, #tpu.memory_space<vmem_shared>> -> memref<128x128xf32, #tpu.memory_space<vmem_shared>>
        %dma_start3A_54 = arith.constant 0 : i32
        %dma_start3A_55 = tpu.memref_slice %arg8[%add3A_38, %dma_start3A_54] : memref<10240x128xf32, #tpu.memory_space<vmem_shared>> -> memref<128x128xf32, #tpu.memory_space<vmem_shared>>
        tpu.enqueue_dma source(%dma_start3A_55 : memref<128x128xf32, #tpu.memory_space<vmem_shared>>) target(%arg12 : memref<128x128xf32, #tpu.memory_space<vmem>>) target_semaphore(%run_scoped3A : memref<!tpu.dma_semaphore, #tpu.memory_space<semaphore_mem>>)
        %dma_wait3A = arith.constant 0 : i32
        %dma_wait3A_56 = tpu.memref_slice %arg8[%add3A_38, %dma_wait3A] : memref<10240x128xf32, #tpu.memory_space<vmem_shared>> -> memref<128x128xf32, #tpu.memory_space<vmem_shared>>
        %dma_wait3A_57 = arith.constant 0 : i32
        %dma_wait3A_58 = tpu.memref_slice %arg8[%add3A_38, %dma_wait3A_57] : memref<10240x128xf32, #tpu.memory_space<vmem_shared>> -> memref<128x128xf32, #tpu.memory_space<vmem_shared>>
        tpu.wait_dma2 semaphore(%run_scoped3A : memref<!tpu.dma_semaphore, #tpu.memory_space<semaphore_mem>>) src(%dma_wait3A_58 : memref<128x128xf32, #tpu.memory_space<vmem_shared>>) dst(%arg12 : memref<128x128xf32, #tpu.memory_space<vmem>>)
        tpu.yield
      }) : () -> ()
      %add3A_39 = arith.constant 128 : i32
      %add3A_40 = arith.addi %mul3A_0, %add3A_39 : i32
      "tpu.region"() ({
        %run_scoped3A = tpu.sem_alloc : memref<!tpu.dma_semaphore, #tpu.memory_space<semaphore_mem>>
        %dma_start3A = arith.constant 0 : i32
        %dma_start3A_53 = tpu.memref_slice %arg6[%add3A_40, %dma_start3A] : memref<10240x128xf32, #tpu.memory_space<hbm>> -> memref<128x128xf32, #tpu.memory_space<hbm>>
        %dma_start3A_54 = arith.constant 0 : i32
        %dma_start3A_55 = tpu.memref_slice %arg6[%add3A_40, %dma_start3A_54] : memref<10240x128xf32, #tpu.memory_space<hbm>> -> memref<128x128xf32, #tpu.memory_space<hbm>>
        tpu.enqueue_dma source(%arg12 : memref<128x128xf32, #tpu.memory_space<vmem>>) target(%dma_start3A_55 : memref<128x128xf32, #tpu.memory_space<hbm>>) target_semaphore(%run_scoped3A : memref<!tpu.dma_semaphore, #tpu.memory_space<semaphore_mem>>)
        %dma_wait3A = arith.constant 0 : i32
        %dma_wait3A_56 = tpu.memref_slice %arg6[%add3A_40, %dma_wait3A] : memref<10240x128xf32, #tpu.memory_space<hbm>> -> memref<128x128xf32, #tpu.memory_space<hbm>>
        %dma_wait3A_57 = arith.constant 0 : i32
        %dma_wait3A_58 = tpu.memref_slice %arg6[%add3A_40, %dma_wait3A_57] : memref<10240x128xf32, #tpu.memory_space<hbm>> -> memref<128x128xf32, #tpu.memory_space<hbm>>
        tpu.wait_dma2 semaphore(%run_scoped3A : memref<!tpu.dma_semaphore, #tpu.memory_space<semaphore_mem>>) src(%arg12 : memref<128x128xf32, #tpu.memory_space<vmem>>) dst(%dma_wait3A_58 : memref<128x128xf32, #tpu.memory_space<hbm>>)
        tpu.yield
      }) : () -> ()
      %add3A_41 = arith.constant 256 : i32
      %add3A_42 = arith.addi %mul3A_0, %add3A_41 : i32
      "tpu.region"() ({
        %run_scoped3A = tpu.sem_alloc : memref<!tpu.dma_semaphore, #tpu.memory_space<semaphore_mem>>
        %dma_start3A = arith.constant 0 : i32
        %dma_start3A_53 = tpu.memref_slice %arg8[%add3A_42, %dma_start3A] : memref<10240x128xf32, #tpu.memory_space<vmem_shared>> -> memref<128x128xf32, #tpu.memory_space<vmem_shared>>
        %dma_start3A_54 = arith.constant 0 : i32
        %dma_start3A_55 = tpu.memref_slice %arg8[%add3A_42, %dma_start3A_54] : memref<10240x128xf32, #tpu.memory_space<vmem_shared>> -> memref<128x128xf32, #tpu.memory_space<vmem_shared>>
        tpu.enqueue_dma source(%dma_start3A_55 : memref<128x128xf32, #tpu.memory_space<vmem_shared>>) target(%arg12 : memref<128x128xf32, #tpu.memory_space<vmem>>) target_semaphore(%run_scoped3A : memref<!tpu.dma_semaphore, #tpu.memory_space<semaphore_mem>>)
        %dma_wait3A = arith.constant 0 : i32
        %dma_wait3A_56 = tpu.memref_slice %arg8[%add3A_42, %dma_wait3A] : memref<10240x128xf32, #tpu.memory_space<vmem_shared>> -> memref<128x128xf32, #tpu.memory_space<vmem_shared>>
        %dma_wait3A_57 = arith.constant 0 : i32
        %dma_wait3A_58 = tpu.memref_slice %arg8[%add3A_42, %dma_wait3A_57] : memref<10240x128xf32, #tpu.memory_space<vmem_shared>> -> memref<128x128xf32, #tpu.memory_space<vmem_shared>>
        tpu.wait_dma2 semaphore(%run_scoped3A : memref<!tpu.dma_semaphore, #tpu.memory_space<semaphore_mem>>) src(%dma_wait3A_58 : memref<128x128xf32, #tpu.memory_space<vmem_shared>>) dst(%arg12 : memref<128x128xf32, #tpu.memory_space<vmem>>)
        tpu.yield
      }) : () -> ()
      %add3A_43 = arith.constant 256 : i32
      %add3A_44 = arith.addi %mul3A_0, %add3A_43 : i32
      "tpu.region"() ({
        %run_scoped3A = tpu.sem_alloc : memref<!tpu.dma_semaphore, #tpu.memory_space<semaphore_mem>>
        %dma_start3A = arith.constant 0 : i32
        %dma_start3A_53 = tpu.memref_slice %arg6[%add3A_44, %dma_start3A] : memref<10240x128xf32, #tpu.memory_space<hbm>> -> memref<128x128xf32, #tpu.memory_space<hbm>>
        %dma_start3A_54 = arith.constant 0 : i32
        %dma_start3A_55 = tpu.memref_slice %arg6[%add3A_44, %dma_start3A_54] : memref<10240x128xf32, #tpu.memory_space<hbm>> -> memref<128x128xf32, #tpu.memory_space<hbm>>
        tpu.enqueue_dma source(%arg12 : memref<128x128xf32, #tpu.memory_space<vmem>>) target(%dma_start3A_55 : memref<128x128xf32, #tpu.memory_space<hbm>>) target_semaphore(%run_scoped3A : memref<!tpu.dma_semaphore, #tpu.memory_space<semaphore_mem>>)
        %dma_wait3A = arith.constant 0 : i32
        %dma_wait3A_56 = tpu.memref_slice %arg6[%add3A_44, %dma_wait3A] : memref<10240x128xf32, #tpu.memory_space<hbm>> -> memref<128x128xf32, #tpu.memory_space<hbm>>
        %dma_wait3A_57 = arith.constant 0 : i32
        %dma_wait3A_58 = tpu.memref_slice %arg6[%add3A_44, %dma_wait3A_57] : memref<10240x128xf32, #tpu.memory_space<hbm>> -> memref<128x128xf32, #tpu.memory_space<hbm>>
        tpu.wait_dma2 semaphore(%run_scoped3A : memref<!tpu.dma_semaphore, #tpu.memory_space<semaphore_mem>>) src(%arg12 : memref<128x128xf32, #tpu.memory_space<vmem>>) dst(%dma_wait3A_58 : memref<128x128xf32, #tpu.memory_space<hbm>>)
        tpu.yield
      }) : () -> ()
      %add3A_45 = arith.constant 384 : i32
      %add3A_46 = arith.addi %mul3A_0, %add3A_45 : i32
      "tpu.region"() ({
        %run_scoped3A = tpu.sem_alloc : memref<!tpu.dma_semaphore, #tpu.memory_space<semaphore_mem>>
        %dma_start3A = arith.constant 0 : i32
        %dma_start3A_53 = tpu.memref_slice %arg8[%add3A_46, %dma_start3A] : memref<10240x128xf32, #tpu.memory_space<vmem_shared>> -> memref<128x128xf32, #tpu.memory_space<vmem_shared>>
        %dma_start3A_54 = arith.constant 0 : i32
        %dma_start3A_55 = tpu.memref_slice %arg8[%add3A_46, %dma_start3A_54] : memref<10240x128xf32, #tpu.memory_space<vmem_shared>> -> memref<128x128xf32, #tpu.memory_space<vmem_shared>>
        tpu.enqueue_dma source(%dma_start3A_55 : memref<128x128xf32, #tpu.memory_space<vmem_shared>>) target(%arg12 : memref<128x128xf32, #tpu.memory_space<vmem>>) target_semaphore(%run_scoped3A : memref<!tpu.dma_semaphore, #tpu.memory_space<semaphore_mem>>)
        %dma_wait3A = arith.constant 0 : i32
        %dma_wait3A_56 = tpu.memref_slice %arg8[%add3A_46, %dma_wait3A] : memref<10240x128xf32, #tpu.memory_space<vmem_shared>> -> memref<128x128xf32, #tpu.memory_space<vmem_shared>>
        %dma_wait3A_57 = arith.constant 0 : i32
        %dma_wait3A_58 = tpu.memref_slice %arg8[%add3A_46, %dma_wait3A_57] : memref<10240x128xf32, #tpu.memory_space<vmem_shared>> -> memref<128x128xf32, #tpu.memory_space<vmem_shared>>
        tpu.wait_dma2 semaphore(%run_scoped3A : memref<!tpu.dma_semaphore, #tpu.memory_space<semaphore_mem>>) src(%dma_wait3A_58 : memref<128x128xf32, #tpu.memory_space<vmem_shared>>) dst(%arg12 : memref<128x128xf32, #tpu.memory_space<vmem>>)
        tpu.yield
      }) : () -> ()
      %add3A_47 = arith.constant 384 : i32
      %add3A_48 = arith.addi %mul3A_0, %add3A_47 : i32
      "tpu.region"() ({
        %run_scoped3A = tpu.sem_alloc : memref<!tpu.dma_semaphore, #tpu.memory_space<semaphore_mem>>
        %dma_start3A = arith.constant 0 : i32
        %dma_start3A_53 = tpu.memref_slice %arg6[%add3A_48, %dma_start3A] : memref<10240x128xf32, #tpu.memory_space<hbm>> -> memref<128x128xf32, #tpu.memory_space<hbm>>
        %dma_start3A_54 = arith.constant 0 : i32
        %dma_start3A_55 = tpu.memref_slice %arg6[%add3A_48, %dma_start3A_54] : memref<10240x128xf32, #tpu.memory_space<hbm>> -> memref<128x128xf32, #tpu.memory_space<hbm>>
        tpu.enqueue_dma source(%arg12 : memref<128x128xf32, #tpu.memory_space<vmem>>) target(%dma_start3A_55 : memref<128x128xf32, #tpu.memory_space<hbm>>) target_semaphore(%run_scoped3A : memref<!tpu.dma_semaphore, #tpu.memory_space<semaphore_mem>>)
        %dma_wait3A = arith.constant 0 : i32
        %dma_wait3A_56 = tpu.memref_slice %arg6[%add3A_48, %dma_wait3A] : memref<10240x128xf32, #tpu.memory_space<hbm>> -> memref<128x128xf32, #tpu.memory_space<hbm>>
        %dma_wait3A_57 = arith.constant 0 : i32
        %dma_wait3A_58 = tpu.memref_slice %arg6[%add3A_48, %dma_wait3A_57] : memref<10240x128xf32, #tpu.memory_space<hbm>> -> memref<128x128xf32, #tpu.memory_space<hbm>>
        tpu.wait_dma2 semaphore(%run_scoped3A : memref<!tpu.dma_semaphore, #tpu.memory_space<semaphore_mem>>) src(%arg12 : memref<128x128xf32, #tpu.memory_space<vmem>>) dst(%dma_wait3A_58 : memref<128x128xf32, #tpu.memory_space<hbm>>)
        tpu.yield
      }) : () -> ()
      %add3A_49 = arith.constant 512 : i32
      %add3A_50 = arith.addi %mul3A_0, %add3A_49 : i32
      "tpu.region"() ({
        %run_scoped3A = tpu.sem_alloc : memref<!tpu.dma_semaphore, #tpu.memory_space<semaphore_mem>>
        %dma_start3A = arith.constant 0 : i32
        %dma_start3A_53 = tpu.memref_slice %arg8[%add3A_50, %dma_start3A] : memref<10240x128xf32, #tpu.memory_space<vmem_shared>> -> memref<128x128xf32, #tpu.memory_space<vmem_shared>>
        %dma_start3A_54 = arith.constant 0 : i32
        %dma_start3A_55 = tpu.memref_slice %arg8[%add3A_50, %dma_start3A_54] : memref<10240x128xf32, #tpu.memory_space<vmem_shared>> -> memref<128x128xf32, #tpu.memory_space<vmem_shared>>
        tpu.enqueue_dma source(%dma_start3A_55 : memref<128x128xf32, #tpu.memory_space<vmem_shared>>) target(%arg12 : memref<128x128xf32, #tpu.memory_space<vmem>>) target_semaphore(%run_scoped3A : memref<!tpu.dma_semaphore, #tpu.memory_space<semaphore_mem>>)
        %dma_wait3A = arith.constant 0 : i32
        %dma_wait3A_56 = tpu.memref_slice %arg8[%add3A_50, %dma_wait3A] : memref<10240x128xf32, #tpu.memory_space<vmem_shared>> -> memref<128x128xf32, #tpu.memory_space<vmem_shared>>
        %dma_wait3A_57 = arith.constant 0 : i32
        %dma_wait3A_58 = tpu.memref_slice %arg8[%add3A_50, %dma_wait3A_57] : memref<10240x128xf32, #tpu.memory_space<vmem_shared>> -> memref<128x128xf32, #tpu.memory_space<vmem_shared>>
        tpu.wait_dma2 semaphore(%run_scoped3A : memref<!tpu.dma_semaphore, #tpu.memory_space<semaphore_mem>>) src(%dma_wait3A_58 : memref<128x128xf32, #tpu.memory_space<vmem_shared>>) dst(%arg12 : memref<128x128xf32, #tpu.memory_space<vmem>>)
        tpu.yield
      }) : () -> ()
      %add3A_51 = arith.constant 512 : i32
      %add3A_52 = arith.addi %mul3A_0, %add3A_51 : i32
      "tpu.region"() ({
        %run_scoped3A = tpu.sem_alloc : memref<!tpu.dma_semaphore, #tpu.memory_space<semaphore_mem>>
        %dma_start3A = arith.constant 0 : i32
        %dma_start3A_53 = tpu.memref_slice %arg6[%add3A_52, %dma_start3A] : memref<10240x128xf32, #tpu.memory_space<hbm>> -> memref<128x128xf32, #tpu.memory_space<hbm>>
        %dma_start3A_54 = arith.constant 0 : i32
        %dma_start3A_55 = tpu.memref_slice %arg6[%add3A_52, %dma_start3A_54] : memref<10240x128xf32, #tpu.memory_space<hbm>> -> memref<128x128xf32, #tpu.memory_space<hbm>>
        tpu.enqueue_dma source(%arg12 : memref<128x128xf32, #tpu.memory_space<vmem>>) target(%dma_start3A_55 : memref<128x128xf32, #tpu.memory_space<hbm>>) target_semaphore(%run_scoped3A : memref<!tpu.dma_semaphore, #tpu.memory_space<semaphore_mem>>)
        %dma_wait3A = arith.constant 0 : i32
        %dma_wait3A_56 = tpu.memref_slice %arg6[%add3A_52, %dma_wait3A] : memref<10240x128xf32, #tpu.memory_space<hbm>> -> memref<128x128xf32, #tpu.memory_space<hbm>>
        %dma_wait3A_57 = arith.constant 0 : i32
        %dma_wait3A_58 = tpu.memref_slice %arg6[%add3A_52, %dma_wait3A_57] : memref<10240x128xf32, #tpu.memory_space<hbm>> -> memref<128x128xf32, #tpu.memory_space<hbm>>
        tpu.wait_dma2 semaphore(%run_scoped3A : memref<!tpu.dma_semaphore, #tpu.memory_space<semaphore_mem>>) src(%arg12 : memref<128x128xf32, #tpu.memory_space<vmem>>) dst(%dma_wait3A_58 : memref<128x128xf32, #tpu.memory_space<hbm>>)
        tpu.yield
      }) : () -> ()
    } else {
    }
    %eq3A_28 = arith.constant 1 : i32
    %eq3A_29 = arith.cmpi eq, %arg0, %eq3A_28 : i32
    %convert_element_type3A_30 = arith.extui %eq3A_29 : i1 to i32
    %cond3A_31 = arith.constant 0 : i32
    %cond3A_32 = arith.cmpi ne, %convert_element_type3A_30, %cond3A_31 : i32
    scf.if %cond3A_32 {
      %add3A_33 = arith.constant 0 : i32
      %add3A_34 = arith.addi %mul3A_0, %add3A_33 : i32
      "tpu.region"() ({
        %run_scoped3A = tpu.sem_alloc : memref<!tpu.dma_semaphore, #tpu.memory_space<semaphore_mem>>
        %dma_start3A = arith.constant 0 : i32
        %dma_start3A_53 = tpu.memref_slice %arg8[%add3A_34, %dma_start3A] : memref<10240x128xf32, #tpu.memory_space<vmem_shared>> -> memref<128x128xf32, #tpu.memory_space<vmem_shared>>
        %dma_start3A_54 = arith.constant 0 : i32
        %dma_start3A_55 = tpu.memref_slice %arg8[%add3A_34, %dma_start3A_54] : memref<10240x128xf32, #tpu.memory_space<vmem_shared>> -> memref<128x128xf32, #tpu.memory_space<vmem_shared>>
        tpu.enqueue_dma source(%dma_start3A_55 : memref<128x128xf32, #tpu.memory_space<vmem_shared>>) target(%arg12 : memref<128x128xf32, #tpu.memory_space<vmem>>) target_semaphore(%run_scoped3A : memref<!tpu.dma_semaphore, #tpu.memory_space<semaphore_mem>>)
        %dma_wait3A = arith.constant 0 : i32
        %dma_wait3A_56 = tpu.memref_slice %arg8[%add3A_34, %dma_wait3A] : memref<10240x128xf32, #tpu.memory_space<vmem_shared>> -> memref<128x128xf32, #tpu.memory_space<vmem_shared>>
        %dma_wait3A_57 = arith.constant 0 : i32
        %dma_wait3A_58 = tpu.memref_slice %arg8[%add3A_34, %dma_wait3A_57] : memref<10240x128xf32, #tpu.memory_space<vmem_shared>> -> memref<128x128xf32, #tpu.memory_space<vmem_shared>>
        tpu.wait_dma2 semaphore(%run_scoped3A : memref<!tpu.dma_semaphore, #tpu.memory_space<semaphore_mem>>) src(%dma_wait3A_58 : memref<128x128xf32, #tpu.memory_space<vmem_shared>>) dst(%arg12 : memref<128x128xf32, #tpu.memory_space<vmem>>)
        tpu.yield
      }) : () -> ()
      %add3A_35 = arith.constant 0 : i32
      %add3A_36 = arith.addi %mul3A_0, %add3A_35 : i32
      "tpu.region"() ({
        %run_scoped3A = tpu.sem_alloc : memref<!tpu.dma_semaphore, #tpu.memory_space<semaphore_mem>>
        %dma_start3A = arith.constant 0 : i32
        %dma_start3A_53 = tpu.memref_slice %arg7[%add3A_36, %dma_start3A] : memref<10240x128xf32, #tpu.memory_space<hbm>> -> memref<128x128xf32, #tpu.memory_space<hbm>>
        %dma_start3A_54 = arith.constant 0 : i32
        %dma_start3A_55 = tpu.memref_slice %arg7[%add3A_36, %dma_start3A_54] : memref<10240x128xf32, #tpu.memory_space<hbm>> -> memref<128x128xf32, #tpu.memory_space<hbm>>
        tpu.enqueue_dma source(%arg12 : memref<128x128xf32, #tpu.memory_space<vmem>>) target(%dma_start3A_55 : memref<128x128xf32, #tpu.memory_space<hbm>>) target_semaphore(%run_scoped3A : memref<!tpu.dma_semaphore, #tpu.memory_space<semaphore_mem>>)
        %dma_wait3A = arith.constant 0 : i32
        %dma_wait3A_56 = tpu.memref_slice %arg7[%add3A_36, %dma_wait3A] : memref<10240x128xf32, #tpu.memory_space<hbm>> -> memref<128x128xf32, #tpu.memory_space<hbm>>
        %dma_wait3A_57 = arith.constant 0 : i32
        %dma_wait3A_58 = tpu.memref_slice %arg7[%add3A_36, %dma_wait3A_57] : memref<10240x128xf32, #tpu.memory_space<hbm>> -> memref<128x128xf32, #tpu.memory_space<hbm>>
        tpu.wait_dma2 semaphore(%run_scoped3A : memref<!tpu.dma_semaphore, #tpu.memory_space<semaphore_mem>>) src(%arg12 : memref<128x128xf32, #tpu.memory_space<vmem>>) dst(%dma_wait3A_58 : memref<128x128xf32, #tpu.memory_space<hbm>>)
        tpu.yield
      }) : () -> ()
      %add3A_37 = arith.constant 128 : i32
      %add3A_38 = arith.addi %mul3A_0, %add3A_37 : i32
      "tpu.region"() ({
        %run_scoped3A = tpu.sem_alloc : memref<!tpu.dma_semaphore, #tpu.memory_space<semaphore_mem>>
        %dma_start3A = arith.constant 0 : i32
        %dma_start3A_53 = tpu.memref_slice %arg8[%add3A_38, %dma_start3A] : memref<10240x128xf32, #tpu.memory_space<vmem_shared>> -> memref<128x128xf32, #tpu.memory_space<vmem_shared>>
        %dma_start3A_54 = arith.constant 0 : i32
        %dma_start3A_55 = tpu.memref_slice %arg8[%add3A_38, %dma_start3A_54] : memref<10240x128xf32, #tpu.memory_space<vmem_shared>> -> memref<128x128xf32, #tpu.memory_space<vmem_shared>>
        tpu.enqueue_dma source(%dma_start3A_55 : memref<128x128xf32, #tpu.memory_space<vmem_shared>>) target(%arg12 : memref<128x128xf32, #tpu.memory_space<vmem>>) target_semaphore(%run_scoped3A : memref<!tpu.dma_semaphore, #tpu.memory_space<semaphore_mem>>)
        %dma_wait3A = arith.constant 0 : i32
        %dma_wait3A_56 = tpu.memref_slice %arg8[%add3A_38, %dma_wait3A] : memref<10240x128xf32, #tpu.memory_space<vmem_shared>> -> memref<128x128xf32, #tpu.memory_space<vmem_shared>>
        %dma_wait3A_57 = arith.constant 0 : i32
        %dma_wait3A_58 = tpu.memref_slice %arg8[%add3A_38, %dma_wait3A_57] : memref<10240x128xf32, #tpu.memory_space<vmem_shared>> -> memref<128x128xf32, #tpu.memory_space<vmem_shared>>
        tpu.wait_dma2 semaphore(%run_scoped3A : memref<!tpu.dma_semaphore, #tpu.memory_space<semaphore_mem>>) src(%dma_wait3A_58 : memref<128x128xf32, #tpu.memory_space<vmem_shared>>) dst(%arg12 : memref<128x128xf32, #tpu.memory_space<vmem>>)
        tpu.yield
      }) : () -> ()
      %add3A_39 = arith.constant 128 : i32
      %add3A_40 = arith.addi %mul3A_0, %add3A_39 : i32
      "tpu.region"() ({
        %run_scoped3A = tpu.sem_alloc : memref<!tpu.dma_semaphore, #tpu.memory_space<semaphore_mem>>
        %dma_start3A = arith.constant 0 : i32
        %dma_start3A_53 = tpu.memref_slice %arg7[%add3A_40, %dma_start3A] : memref<10240x128xf32, #tpu.memory_space<hbm>> -> memref<128x128xf32, #tpu.memory_space<hbm>>
        %dma_start3A_54 = arith.constant 0 : i32
        %dma_start3A_55 = tpu.memref_slice %arg7[%add3A_40, %dma_start3A_54] : memref<10240x128xf32, #tpu.memory_space<hbm>> -> memref<128x128xf32, #tpu.memory_space<hbm>>
        tpu.enqueue_dma source(%arg12 : memref<128x128xf32, #tpu.memory_space<vmem>>) target(%dma_start3A_55 : memref<128x128xf32, #tpu.memory_space<hbm>>) target_semaphore(%run_scoped3A : memref<!tpu.dma_semaphore, #tpu.memory_space<semaphore_mem>>)
        %dma_wait3A = arith.constant 0 : i32
        %dma_wait3A_56 = tpu.memref_slice %arg7[%add3A_40, %dma_wait3A] : memref<10240x128xf32, #tpu.memory_space<hbm>> -> memref<128x128xf32, #tpu.memory_space<hbm>>
        %dma_wait3A_57 = arith.constant 0 : i32
        %dma_wait3A_58 = tpu.memref_slice %arg7[%add3A_40, %dma_wait3A_57] : memref<10240x128xf32, #tpu.memory_space<hbm>> -> memref<128x128xf32, #tpu.memory_space<hbm>>
        tpu.wait_dma2 semaphore(%run_scoped3A : memref<!tpu.dma_semaphore, #tpu.memory_space<semaphore_mem>>) src(%arg12 : memref<128x128xf32, #tpu.memory_space<vmem>>) dst(%dma_wait3A_58 : memref<128x128xf32, #tpu.memory_space<hbm>>)
        tpu.yield
      }) : () -> ()
      %add3A_41 = arith.constant 256 : i32
      %add3A_42 = arith.addi %mul3A_0, %add3A_41 : i32
      "tpu.region"() ({
        %run_scoped3A = tpu.sem_alloc : memref<!tpu.dma_semaphore, #tpu.memory_space<semaphore_mem>>
        %dma_start3A = arith.constant 0 : i32
        %dma_start3A_53 = tpu.memref_slice %arg8[%add3A_42, %dma_start3A] : memref<10240x128xf32, #tpu.memory_space<vmem_shared>> -> memref<128x128xf32, #tpu.memory_space<vmem_shared>>
        %dma_start3A_54 = arith.constant 0 : i32
        %dma_start3A_55 = tpu.memref_slice %arg8[%add3A_42, %dma_start3A_54] : memref<10240x128xf32, #tpu.memory_space<vmem_shared>> -> memref<128x128xf32, #tpu.memory_space<vmem_shared>>
        tpu.enqueue_dma source(%dma_start3A_55 : memref<128x128xf32, #tpu.memory_space<vmem_shared>>) target(%arg12 : memref<128x128xf32, #tpu.memory_space<vmem>>) target_semaphore(%run_scoped3A : memref<!tpu.dma_semaphore, #tpu.memory_space<semaphore_mem>>)
        %dma_wait3A = arith.constant 0 : i32
        %dma_wait3A_56 = tpu.memref_slice %arg8[%add3A_42, %dma_wait3A] : memref<10240x128xf32, #tpu.memory_space<vmem_shared>> -> memref<128x128xf32, #tpu.memory_space<vmem_shared>>
        %dma_wait3A_57 = arith.constant 0 : i32
        %dma_wait3A_58 = tpu.memref_slice %arg8[%add3A_42, %dma_wait3A_57] : memref<10240x128xf32, #tpu.memory_space<vmem_shared>> -> memref<128x128xf32, #tpu.memory_space<vmem_shared>>
        tpu.wait_dma2 semaphore(%run_scoped3A : memref<!tpu.dma_semaphore, #tpu.memory_space<semaphore_mem>>) src(%dma_wait3A_58 : memref<128x128xf32, #tpu.memory_space<vmem_shared>>) dst(%arg12 : memref<128x128xf32, #tpu.memory_space<vmem>>)
        tpu.yield
      }) : () -> ()
      %add3A_43 = arith.constant 256 : i32
      %add3A_44 = arith.addi %mul3A_0, %add3A_43 : i32
      "tpu.region"() ({
        %run_scoped3A = tpu.sem_alloc : memref<!tpu.dma_semaphore, #tpu.memory_space<semaphore_mem>>
        %dma_start3A = arith.constant 0 : i32
        %dma_start3A_53 = tpu.memref_slice %arg7[%add3A_44, %dma_start3A] : memref<10240x128xf32, #tpu.memory_space<hbm>> -> memref<128x128xf32, #tpu.memory_space<hbm>>
        %dma_start3A_54 = arith.constant 0 : i32
        %dma_start3A_55 = tpu.memref_slice %arg7[%add3A_44, %dma_start3A_54] : memref<10240x128xf32, #tpu.memory_space<hbm>> -> memref<128x128xf32, #tpu.memory_space<hbm>>
        tpu.enqueue_dma source(%arg12 : memref<128x128xf32, #tpu.memory_space<vmem>>) target(%dma_start3A_55 : memref<128x128xf32, #tpu.memory_space<hbm>>) target_semaphore(%run_scoped3A : memref<!tpu.dma_semaphore, #tpu.memory_space<semaphore_mem>>)
        %dma_wait3A = arith.constant 0 : i32
        %dma_wait3A_56 = tpu.memref_slice %arg7[%add3A_44, %dma_wait3A] : memref<10240x128xf32, #tpu.memory_space<hbm>> -> memref<128x128xf32, #tpu.memory_space<hbm>>
        %dma_wait3A_57 = arith.constant 0 : i32
        %dma_wait3A_58 = tpu.memref_slice %arg7[%add3A_44, %dma_wait3A_57] : memref<10240x128xf32, #tpu.memory_space<hbm>> -> memref<128x128xf32, #tpu.memory_space<hbm>>
        tpu.wait_dma2 semaphore(%run_scoped3A : memref<!tpu.dma_semaphore, #tpu.memory_space<semaphore_mem>>) src(%arg12 : memref<128x128xf32, #tpu.memory_space<vmem>>) dst(%dma_wait3A_58 : memref<128x128xf32, #tpu.memory_space<hbm>>)
        tpu.yield
      }) : () -> ()
      %add3A_45 = arith.constant 384 : i32
      %add3A_46 = arith.addi %mul3A_0, %add3A_45 : i32
      "tpu.region"() ({
        %run_scoped3A = tpu.sem_alloc : memref<!tpu.dma_semaphore, #tpu.memory_space<semaphore_mem>>
        %dma_start3A = arith.constant 0 : i32
        %dma_start3A_53 = tpu.memref_slice %arg8[%add3A_46, %dma_start3A] : memref<10240x128xf32, #tpu.memory_space<vmem_shared>> -> memref<128x128xf32, #tpu.memory_space<vmem_shared>>
        %dma_start3A_54 = arith.constant 0 : i32
        %dma_start3A_55 = tpu.memref_slice %arg8[%add3A_46, %dma_start3A_54] : memref<10240x128xf32, #tpu.memory_space<vmem_shared>> -> memref<128x128xf32, #tpu.memory_space<vmem_shared>>
        tpu.enqueue_dma source(%dma_start3A_55 : memref<128x128xf32, #tpu.memory_space<vmem_shared>>) target(%arg12 : memref<128x128xf32, #tpu.memory_space<vmem>>) target_semaphore(%run_scoped3A : memref<!tpu.dma_semaphore, #tpu.memory_space<semaphore_mem>>)
        %dma_wait3A = arith.constant 0 : i32
        %dma_wait3A_56 = tpu.memref_slice %arg8[%add3A_46, %dma_wait3A] : memref<10240x128xf32, #tpu.memory_space<vmem_shared>> -> memref<128x128xf32, #tpu.memory_space<vmem_shared>>
        %dma_wait3A_57 = arith.constant 0 : i32
        %dma_wait3A_58 = tpu.memref_slice %arg8[%add3A_46, %dma_wait3A_57] : memref<10240x128xf32, #tpu.memory_space<vmem_shared>> -> memref<128x128xf32, #tpu.memory_space<vmem_shared>>
        tpu.wait_dma2 semaphore(%run_scoped3A : memref<!tpu.dma_semaphore, #tpu.memory_space<semaphore_mem>>) src(%dma_wait3A_58 : memref<128x128xf32, #tpu.memory_space<vmem_shared>>) dst(%arg12 : memref<128x128xf32, #tpu.memory_space<vmem>>)
        tpu.yield
      }) : () -> ()
      %add3A_47 = arith.constant 384 : i32
      %add3A_48 = arith.addi %mul3A_0, %add3A_47 : i32
      "tpu.region"() ({
        %run_scoped3A = tpu.sem_alloc : memref<!tpu.dma_semaphore, #tpu.memory_space<semaphore_mem>>
        %dma_start3A = arith.constant 0 : i32
        %dma_start3A_53 = tpu.memref_slice %arg7[%add3A_48, %dma_start3A] : memref<10240x128xf32, #tpu.memory_space<hbm>> -> memref<128x128xf32, #tpu.memory_space<hbm>>
        %dma_start3A_54 = arith.constant 0 : i32
        %dma_start3A_55 = tpu.memref_slice %arg7[%add3A_48, %dma_start3A_54] : memref<10240x128xf32, #tpu.memory_space<hbm>> -> memref<128x128xf32, #tpu.memory_space<hbm>>
        tpu.enqueue_dma source(%arg12 : memref<128x128xf32, #tpu.memory_space<vmem>>) target(%dma_start3A_55 : memref<128x128xf32, #tpu.memory_space<hbm>>) target_semaphore(%run_scoped3A : memref<!tpu.dma_semaphore, #tpu.memory_space<semaphore_mem>>)
        %dma_wait3A = arith.constant 0 : i32
        %dma_wait3A_56 = tpu.memref_slice %arg7[%add3A_48, %dma_wait3A] : memref<10240x128xf32, #tpu.memory_space<hbm>> -> memref<128x128xf32, #tpu.memory_space<hbm>>
        %dma_wait3A_57 = arith.constant 0 : i32
        %dma_wait3A_58 = tpu.memref_slice %arg7[%add3A_48, %dma_wait3A_57] : memref<10240x128xf32, #tpu.memory_space<hbm>> -> memref<128x128xf32, #tpu.memory_space<hbm>>
        tpu.wait_dma2 semaphore(%run_scoped3A : memref<!tpu.dma_semaphore, #tpu.memory_space<semaphore_mem>>) src(%arg12 : memref<128x128xf32, #tpu.memory_space<vmem>>) dst(%dma_wait3A_58 : memref<128x128xf32, #tpu.memory_space<hbm>>)
        tpu.yield
      }) : () -> ()
      %add3A_49 = arith.constant 512 : i32
      %add3A_50 = arith.addi %mul3A_0, %add3A_49 : i32
      "tpu.region"() ({
        %run_scoped3A = tpu.sem_alloc : memref<!tpu.dma_semaphore, #tpu.memory_space<semaphore_mem>>
        %dma_start3A = arith.constant 0 : i32
        %dma_start3A_53 = tpu.memref_slice %arg8[%add3A_50, %dma_start3A] : memref<10240x128xf32, #tpu.memory_space<vmem_shared>> -> memref<128x128xf32, #tpu.memory_space<vmem_shared>>
        %dma_start3A_54 = arith.constant 0 : i32
        %dma_start3A_55 = tpu.memref_slice %arg8[%add3A_50, %dma_start3A_54] : memref<10240x128xf32, #tpu.memory_space<vmem_shared>> -> memref<128x128xf32, #tpu.memory_space<vmem_shared>>
        tpu.enqueue_dma source(%dma_start3A_55 : memref<128x128xf32, #tpu.memory_space<vmem_shared>>) target(%arg12 : memref<128x128xf32, #tpu.memory_space<vmem>>) target_semaphore(%run_scoped3A : memref<!tpu.dma_semaphore, #tpu.memory_space<semaphore_mem>>)
        %dma_wait3A = arith.constant 0 : i32
        %dma_wait3A_56 = tpu.memref_slice %arg8[%add3A_50, %dma_wait3A] : memref<10240x128xf32, #tpu.memory_space<vmem_shared>> -> memref<128x128xf32, #tpu.memory_space<vmem_shared>>
        %dma_wait3A_57 = arith.constant 0 : i32
        %dma_wait3A_58 = tpu.memref_slice %arg8[%add3A_50, %dma_wait3A_57] : memref<10240x128xf32, #tpu.memory_space<vmem_shared>> -> memref<128x128xf32, #tpu.memory_space<vmem_shared>>
        tpu.wait_dma2 semaphore(%run_scoped3A : memref<!tpu.dma_semaphore, #tpu.memory_space<semaphore_mem>>) src(%dma_wait3A_58 : memref<128x128xf32, #tpu.memory_space<vmem_shared>>) dst(%arg12 : memref<128x128xf32, #tpu.memory_space<vmem>>)
        tpu.yield
      }) : () -> ()
      %add3A_51 = arith.constant 512 : i32
      %add3A_52 = arith.addi %mul3A_0, %add3A_51 : i32
      "tpu.region"() ({
        %run_scoped3A = tpu.sem_alloc : memref<!tpu.dma_semaphore, #tpu.memory_space<semaphore_mem>>
        %dma_start3A = arith.constant 0 : i32
        %dma_start3A_53 = tpu.memref_slice %arg7[%add3A_52, %dma_start3A] : memref<10240x128xf32, #tpu.memory_space<hbm>> -> memref<128x128xf32, #tpu.memory_space<hbm>>
        %dma_start3A_54 = arith.constant 0 : i32
        %dma_start3A_55 = tpu.memref_slice %arg7[%add3A_52, %dma_start3A_54] : memref<10240x128xf32, #tpu.memory_space<hbm>> -> memref<128x128xf32, #tpu.memory_space<hbm>>
        tpu.enqueue_dma source(%arg12 : memref<128x128xf32, #tpu.memory_space<vmem>>) target(%dma_start3A_55 : memref<128x128xf32, #tpu.memory_space<hbm>>) target_semaphore(%run_scoped3A : memref<!tpu.dma_semaphore, #tpu.memory_space<semaphore_mem>>)
        %dma_wait3A = arith.constant 0 : i32
        %dma_wait3A_56 = tpu.memref_slice %arg7[%add3A_52, %dma_wait3A] : memref<10240x128xf32, #tpu.memory_space<hbm>> -> memref<128x128xf32, #tpu.memory_space<hbm>>
        %dma_wait3A_57 = arith.constant 0 : i32
        %dma_wait3A_58 = tpu.memref_slice %arg7[%add3A_52, %dma_wait3A_57] : memref<10240x128xf32, #tpu.memory_space<hbm>> -> memref<128x128xf32, #tpu.memory_space<hbm>>
        tpu.wait_dma2 semaphore(%run_scoped3A : memref<!tpu.dma_semaphore, #tpu.memory_space<semaphore_mem>>) src(%arg12 : memref<128x128xf32, #tpu.memory_space<vmem>>) dst(%dma_wait3A_58 : memref<128x128xf32, #tpu.memory_space<hbm>>)
        tpu.yield
      }) : () -> ()
    } else {
    }
    return
  }
}

#map = affine_map<(d0, d1) -> (0, 0)>
#map1 = affine_map<(d0, d1) -> (0)>
module attributes {stable_mosaic.version = 14 : i64} {
  func.func @prop(%arg0: i32, %arg1: i32, %arg2: memref<10000x128xf32, #tpu.memory_space<hbm>>, %arg3: memref<10000x128xf32, #tpu.memory_space<hbm>>, %arg4: memref<320000xi32, #tpu.memory_space<hbm>>, %arg5: memref<320000xi32, #tpu.memory_space<hbm>>, %arg6: memref<10240x128xf32, #tpu.memory_space<hbm>>, %arg7: memref<10240x128xf32, #tpu.memory_space<hbm>>, %arg8: memref<10240x128xf32, #tpu.memory_space<vmem_shared>>, %arg9: memref<128xi32, #tpu.memory_space<vmem>>, %arg10: memref<128xi32, #tpu.memory_space<vmem>>, %arg11: memref<128x128xf32, #tpu.memory_space<vmem>>, %arg12: memref<128x128xf32, #tpu.memory_space<vmem>>, %arg13: memref<!tpu.dma_semaphore, #tpu.memory_space<semaphore_mem>>) attributes {dimension_semantics = [#tpu.dimension_semantics<core_parallel>, #tpu.dimension_semantics<subcore_parallel>], iteration_bounds = array<i64: 2, 16>, scalar_prefetch = 0 : i64, scratch_operands = 6 : i64, tpu.core_type = #tpu.core_type<sc_vector_subcore>, window_params = [{transform_indices = #map}, {transform_indices = #map}, {transform_indices = #map1}, {transform_indices = #map1}, {transform_indices = #map}, {transform_indices = #map}]} {
    %mul3A = arith.constant 640 : i32
    %mul3A_0 = arith.muli %arg1, %mul3A : i32
    %scan3A = arith.constant 0 : i32
    %scan3A_1 = arith.constant 0 : i32
    %scan3A_2 = arith.constant 128 : i32
    %scan3A_3 = arith.addi %scan3A_1, %scan3A_2 : i32
    %scan3A_4 = arith.constant 1 : i32
    scf.for %scan3A_33 = %scan3A_1 to %scan3A_3 step %scan3A_4  : i32 {
      %broadcast_in_dim3A = arith.constant 0.000000e+00 : f32
      %broadcast_in_dim3A_34 = vector.broadcast %broadcast_in_dim3A : f32 to vector<16xf32>
      %swap3A = arith.index_cast %scan3A_33 : i32 to index
      %swap3A_35 = arith.constant 0 : index
      %swap3A_36 = tpu.vector_load %arg12[%swap3A, %swap3A_35] {strides = array<i32>} : memref<128x128xf32, #tpu.memory_space<vmem>>, vector<1x16xf32>,
      %swap3A_37 = vector.shape_cast %swap3A_36 : vector<1x16xf32> to vector<16xf32>
      %swap3A_38 = vector.shape_cast %broadcast_in_dim3A_34 : vector<16xf32> to vector<1x16xf32>
      tpu.vector_store %arg12[%swap3A, %swap3A_35], %swap3A_38 {strides = array<i32>} : memref<128x128xf32, #tpu.memory_space<vmem>>, vector<1x16xf32>,
      %broadcast_in_dim3A_39 = arith.constant 0.000000e+00 : f32
      %broadcast_in_dim3A_40 = vector.broadcast %broadcast_in_dim3A_39 : f32 to vector<16xf32>
      %swap3A_41 = arith.index_cast %scan3A_33 : i32 to index
      %swap3A_42 = arith.constant 16 : index
      %swap3A_43 = tpu.vector_load %arg12[%swap3A_41, %swap3A_42] {strides = array<i32>} : memref<128x128xf32, #tpu.memory_space<vmem>>, vector<1x16xf32>,
      %swap3A_44 = vector.shape_cast %swap3A_43 : vector<1x16xf32> to vector<16xf32>
      %swap3A_45 = vector.shape_cast %broadcast_in_dim3A_40 : vector<16xf32> to vector<1x16xf32>
      tpu.vector_store %arg12[%swap3A_41, %swap3A_42], %swap3A_45 {strides = array<i32>} : memref<128x128xf32, #tpu.memory_space<vmem>>, vector<1x16xf32>,
      %broadcast_in_dim3A_46 = arith.constant 0.000000e+00 : f32
      %broadcast_in_dim3A_47 = vector.broadcast %broadcast_in_dim3A_46 : f32 to vector<16xf32>
      %swap3A_48 = arith.index_cast %scan3A_33 : i32 to index
      %swap3A_49 = arith.constant 32 : index
      %swap3A_50 = tpu.vector_load %arg12[%swap3A_48, %swap3A_49] {strides = array<i32>} : memref<128x128xf32, #tpu.memory_space<vmem>>, vector<1x16xf32>,
      %swap3A_51 = vector.shape_cast %swap3A_50 : vector<1x16xf32> to vector<16xf32>
      %swap3A_52 = vector.shape_cast %broadcast_in_dim3A_47 : vector<16xf32> to vector<1x16xf32>
      tpu.vector_store %arg12[%swap3A_48, %swap3A_49], %swap3A_52 {strides = array<i32>} : memref<128x128xf32, #tpu.memory_space<vmem>>, vector<1x16xf32>,
      %broadcast_in_dim3A_53 = arith.constant 0.000000e+00 : f32
      %broadcast_in_dim3A_54 = vector.broadcast %broadcast_in_dim3A_53 : f32 to vector<16xf32>
      %swap3A_55 = arith.index_cast %scan3A_33 : i32 to index
      %swap3A_56 = arith.constant 48 : index
      %swap3A_57 = tpu.vector_load %arg12[%swap3A_55, %swap3A_56] {strides = array<i32>} : memref<128x128xf32, #tpu.memory_space<vmem>>, vector<1x16xf32>,
      %swap3A_58 = vector.shape_cast %swap3A_57 : vector<1x16xf32> to vector<16xf32>
      %swap3A_59 = vector.shape_cast %broadcast_in_dim3A_54 : vector<16xf32> to vector<1x16xf32>
      tpu.vector_store %arg12[%swap3A_55, %swap3A_56], %swap3A_59 {strides = array<i32>} : memref<128x128xf32, #tpu.memory_space<vmem>>, vector<1x16xf32>,
      %broadcast_in_dim3A_60 = arith.constant 0.000000e+00 : f32
      %broadcast_in_dim3A_61 = vector.broadcast %broadcast_in_dim3A_60 : f32 to vector<16xf32>
      %swap3A_62 = arith.index_cast %scan3A_33 : i32 to index
      %swap3A_63 = arith.constant 64 : index
      %swap3A_64 = tpu.vector_load %arg12[%swap3A_62, %swap3A_63] {strides = array<i32>} : memref<128x128xf32, #tpu.memory_space<vmem>>, vector<1x16xf32>,
      %swap3A_65 = vector.shape_cast %swap3A_64 : vector<1x16xf32> to vector<16xf32>
      %swap3A_66 = vector.shape_cast %broadcast_in_dim3A_61 : vector<16xf32> to vector<1x16xf32>
      tpu.vector_store %arg12[%swap3A_62, %swap3A_63], %swap3A_66 {strides = array<i32>} : memref<128x128xf32, #tpu.memory_space<vmem>>, vector<1x16xf32>,
      %broadcast_in_dim3A_67 = arith.constant 0.000000e+00 : f32
      %broadcast_in_dim3A_68 = vector.broadcast %broadcast_in_dim3A_67 : f32 to vector<16xf32>
      %swap3A_69 = arith.index_cast %scan3A_33 : i32 to index
      %swap3A_70 = arith.constant 80 : index
      %swap3A_71 = tpu.vector_load %arg12[%swap3A_69, %swap3A_70] {strides = array<i32>} : memref<128x128xf32, #tpu.memory_space<vmem>>, vector<1x16xf32>,
      %swap3A_72 = vector.shape_cast %swap3A_71 : vector<1x16xf32> to vector<16xf32>
      %swap3A_73 = vector.shape_cast %broadcast_in_dim3A_68 : vector<16xf32> to vector<1x16xf32>
      tpu.vector_store %arg12[%swap3A_69, %swap3A_70], %swap3A_73 {strides = array<i32>} : memref<128x128xf32, #tpu.memory_space<vmem>>, vector<1x16xf32>,
      %broadcast_in_dim3A_74 = arith.constant 0.000000e+00 : f32
      %broadcast_in_dim3A_75 = vector.broadcast %broadcast_in_dim3A_74 : f32 to vector<16xf32>
      %swap3A_76 = arith.index_cast %scan3A_33 : i32 to index
      %swap3A_77 = arith.constant 96 : index
      %swap3A_78 = tpu.vector_load %arg12[%swap3A_76, %swap3A_77] {strides = array<i32>} : memref<128x128xf32, #tpu.memory_space<vmem>>, vector<1x16xf32>,
      %swap3A_79 = vector.shape_cast %swap3A_78 : vector<1x16xf32> to vector<16xf32>
      %swap3A_80 = vector.shape_cast %broadcast_in_dim3A_75 : vector<16xf32> to vector<1x16xf32>
      tpu.vector_store %arg12[%swap3A_76, %swap3A_77], %swap3A_80 {strides = array<i32>} : memref<128x128xf32, #tpu.memory_space<vmem>>, vector<1x16xf32>,
      %broadcast_in_dim3A_81 = arith.constant 0.000000e+00 : f32
      %broadcast_in_dim3A_82 = vector.broadcast %broadcast_in_dim3A_81 : f32 to vector<16xf32>
      %swap3A_83 = arith.index_cast %scan3A_33 : i32 to index
      %swap3A_84 = arith.constant 112 : index
      %swap3A_85 = tpu.vector_load %arg12[%swap3A_83, %swap3A_84] {strides = array<i32>} : memref<128x128xf32, #tpu.memory_space<vmem>>, vector<1x16xf32>,
      %swap3A_86 = vector.shape_cast %swap3A_85 : vector<1x16xf32> to vector<16xf32>
      %swap3A_87 = vector.shape_cast %broadcast_in_dim3A_82 : vector<16xf32> to vector<1x16xf32>
      tpu.vector_store %arg12[%swap3A_83, %swap3A_84], %swap3A_87 {strides = array<i32>} : memref<128x128xf32, #tpu.memory_space<vmem>>, vector<1x16xf32>,
    }
    %scan3A_5 = arith.constant 128 : i32
    %add3A = arith.constant 0 : i32
    %add3A_6 = arith.addi %mul3A_0, %add3A : i32
    "tpu.region"() ({
      %run_scoped3A = tpu.sem_alloc : memref<!tpu.dma_semaphore, #tpu.memory_space<semaphore_mem>>
      %dma_start3A = arith.constant 0 : i32
      %dma_start3A_33 = tpu.memref_slice %arg8[%add3A_6, %dma_start3A] : memref<10240x128xf32, #tpu.memory_space<vmem_shared>> -> memref<128x128xf32, #tpu.memory_space<vmem_shared>>
      %dma_start3A_34 = arith.constant 0 : i32
      %dma_start3A_35 = tpu.memref_slice %arg8[%add3A_6, %dma_start3A_34] : memref<10240x128xf32, #tpu.memory_space<vmem_shared>> -> memref<128x128xf32, #tpu.memory_space<vmem_shared>>
      tpu.enqueue_dma source(%arg12 : memref<128x128xf32, #tpu.memory_space<vmem>>) target(%dma_start3A_35 : memref<128x128xf32, #tpu.memory_space<vmem_shared>>) target_semaphore(%run_scoped3A : memref<!tpu.dma_semaphore, #tpu.memory_space<semaphore_mem>>)
      %dma_wait3A = arith.constant 0 : i32
      %dma_wait3A_36 = tpu.memref_slice %arg8[%add3A_6, %dma_wait3A] : memref<10240x128xf32, #tpu.memory_space<vmem_shared>> -> memref<128x128xf32, #tpu.memory_space<vmem_shared>>
      %dma_wait3A_37 = arith.constant 0 : i32
      %dma_wait3A_38 = tpu.memref_slice %arg8[%add3A_6, %dma_wait3A_37] : memref<10240x128xf32, #tpu.memory_space<vmem_shared>> -> memref<128x128xf32, #tpu.memory_space<vmem_shared>>
      tpu.wait_dma2 semaphore(%run_scoped3A : memref<!tpu.dma_semaphore, #tpu.memory_space<semaphore_mem>>) src(%arg12 : memref<128x128xf32, #tpu.memory_space<vmem>>) dst(%dma_wait3A_38 : memref<128x128xf32, #tpu.memory_space<vmem_shared>>)
      tpu.yield
    }) : () -> ()
    %add3A_7 = arith.constant 128 : i32
    %add3A_8 = arith.addi %mul3A_0, %add3A_7 : i32
    "tpu.region"() ({
      %run_scoped3A = tpu.sem_alloc : memref<!tpu.dma_semaphore, #tpu.memory_space<semaphore_mem>>
      %dma_start3A = arith.constant 0 : i32
      %dma_start3A_33 = tpu.memref_slice %arg8[%add3A_8, %dma_start3A] : memref<10240x128xf32, #tpu.memory_space<vmem_shared>> -> memref<128x128xf32, #tpu.memory_space<vmem_shared>>
      %dma_start3A_34 = arith.constant 0 : i32
      %dma_start3A_35 = tpu.memref_slice %arg8[%add3A_8, %dma_start3A_34] : memref<10240x128xf32, #tpu.memory_space<vmem_shared>> -> memref<128x128xf32, #tpu.memory_space<vmem_shared>>
      tpu.enqueue_dma source(%arg12 : memref<128x128xf32, #tpu.memory_space<vmem>>) target(%dma_start3A_35 : memref<128x128xf32, #tpu.memory_space<vmem_shared>>) target_semaphore(%run_scoped3A : memref<!tpu.dma_semaphore, #tpu.memory_space<semaphore_mem>>)
      %dma_wait3A = arith.constant 0 : i32
      %dma_wait3A_36 = tpu.memref_slice %arg8[%add3A_8, %dma_wait3A] : memref<10240x128xf32, #tpu.memory_space<vmem_shared>> -> memref<128x128xf32, #tpu.memory_space<vmem_shared>>
      %dma_wait3A_37 = arith.constant 0 : i32
      %dma_wait3A_38 = tpu.memref_slice %arg8[%add3A_8, %dma_wait3A_37] : memref<10240x128xf32, #tpu.memory_space<vmem_shared>> -> memref<128x128xf32, #tpu.memory_space<vmem_shared>>
      tpu.wait_dma2 semaphore(%run_scoped3A : memref<!tpu.dma_semaphore, #tpu.memory_space<semaphore_mem>>) src(%arg12 : memref<128x128xf32, #tpu.memory_space<vmem>>) dst(%dma_wait3A_38 : memref<128x128xf32, #tpu.memory_space<vmem_shared>>)
      tpu.yield
    }) : () -> ()
    %add3A_9 = arith.constant 256 : i32
    %add3A_10 = arith.addi %mul3A_0, %add3A_9 : i32
    "tpu.region"() ({
      %run_scoped3A = tpu.sem_alloc : memref<!tpu.dma_semaphore, #tpu.memory_space<semaphore_mem>>
      %dma_start3A = arith.constant 0 : i32
      %dma_start3A_33 = tpu.memref_slice %arg8[%add3A_10, %dma_start3A] : memref<10240x128xf32, #tpu.memory_space<vmem_shared>> -> memref<128x128xf32, #tpu.memory_space<vmem_shared>>
      %dma_start3A_34 = arith.constant 0 : i32
      %dma_start3A_35 = tpu.memref_slice %arg8[%add3A_10, %dma_start3A_34] : memref<10240x128xf32, #tpu.memory_space<vmem_shared>> -> memref<128x128xf32, #tpu.memory_space<vmem_shared>>
      tpu.enqueue_dma source(%arg12 : memref<128x128xf32, #tpu.memory_space<vmem>>) target(%dma_start3A_35 : memref<128x128xf32, #tpu.memory_space<vmem_shared>>) target_semaphore(%run_scoped3A : memref<!tpu.dma_semaphore, #tpu.memory_space<semaphore_mem>>)
      %dma_wait3A = arith.constant 0 : i32
      %dma_wait3A_36 = tpu.memref_slice %arg8[%add3A_10, %dma_wait3A] : memref<10240x128xf32, #tpu.memory_space<vmem_shared>> -> memref<128x128xf32, #tpu.memory_space<vmem_shared>>
      %dma_wait3A_37 = arith.constant 0 : i32
      %dma_wait3A_38 = tpu.memref_slice %arg8[%add3A_10, %dma_wait3A_37] : memref<10240x128xf32, #tpu.memory_space<vmem_shared>> -> memref<128x128xf32, #tpu.memory_space<vmem_shared>>
      tpu.wait_dma2 semaphore(%run_scoped3A : memref<!tpu.dma_semaphore, #tpu.memory_space<semaphore_mem>>) src(%arg12 : memref<128x128xf32, #tpu.memory_space<vmem>>) dst(%dma_wait3A_38 : memref<128x128xf32, #tpu.memory_space<vmem_shared>>)
      tpu.yield
    }) : () -> ()
    %add3A_11 = arith.constant 384 : i32
    %add3A_12 = arith.addi %mul3A_0, %add3A_11 : i32
    "tpu.region"() ({
      %run_scoped3A = tpu.sem_alloc : memref<!tpu.dma_semaphore, #tpu.memory_space<semaphore_mem>>
      %dma_start3A = arith.constant 0 : i32
      %dma_start3A_33 = tpu.memref_slice %arg8[%add3A_12, %dma_start3A] : memref<10240x128xf32, #tpu.memory_space<vmem_shared>> -> memref<128x128xf32, #tpu.memory_space<vmem_shared>>
      %dma_start3A_34 = arith.constant 0 : i32
      %dma_start3A_35 = tpu.memref_slice %arg8[%add3A_12, %dma_start3A_34] : memref<10240x128xf32, #tpu.memory_space<vmem_shared>> -> memref<128x128xf32, #tpu.memory_space<vmem_shared>>
      tpu.enqueue_dma source(%arg12 : memref<128x128xf32, #tpu.memory_space<vmem>>) target(%dma_start3A_35 : memref<128x128xf32, #tpu.memory_space<vmem_shared>>) target_semaphore(%run_scoped3A : memref<!tpu.dma_semaphore, #tpu.memory_space<semaphore_mem>>)
      %dma_wait3A = arith.constant 0 : i32
      %dma_wait3A_36 = tpu.memref_slice %arg8[%add3A_12, %dma_wait3A] : memref<10240x128xf32, #tpu.memory_space<vmem_shared>> -> memref<128x128xf32, #tpu.memory_space<vmem_shared>>
      %dma_wait3A_37 = arith.constant 0 : i32
      %dma_wait3A_38 = tpu.memref_slice %arg8[%add3A_12, %dma_wait3A_37] : memref<10240x128xf32, #tpu.memory_space<vmem_shared>> -> memref<128x128xf32, #tpu.memory_space<vmem_shared>>
      tpu.wait_dma2 semaphore(%run_scoped3A : memref<!tpu.dma_semaphore, #tpu.memory_space<semaphore_mem>>) src(%arg12 : memref<128x128xf32, #tpu.memory_space<vmem>>) dst(%dma_wait3A_38 : memref<128x128xf32, #tpu.memory_space<vmem_shared>>)
      tpu.yield
    }) : () -> ()
    %add3A_13 = arith.constant 512 : i32
    %add3A_14 = arith.addi %mul3A_0, %add3A_13 : i32
    "tpu.region"() ({
      %run_scoped3A = tpu.sem_alloc : memref<!tpu.dma_semaphore, #tpu.memory_space<semaphore_mem>>
      %dma_start3A = arith.constant 0 : i32
      %dma_start3A_33 = tpu.memref_slice %arg8[%add3A_14, %dma_start3A] : memref<10240x128xf32, #tpu.memory_space<vmem_shared>> -> memref<128x128xf32, #tpu.memory_space<vmem_shared>>
      %dma_start3A_34 = arith.constant 0 : i32
      %dma_start3A_35 = tpu.memref_slice %arg8[%add3A_14, %dma_start3A_34] : memref<10240x128xf32, #tpu.memory_space<vmem_shared>> -> memref<128x128xf32, #tpu.memory_space<vmem_shared>>
      tpu.enqueue_dma source(%arg12 : memref<128x128xf32, #tpu.memory_space<vmem>>) target(%dma_start3A_35 : memref<128x128xf32, #tpu.memory_space<vmem_shared>>) target_semaphore(%run_scoped3A : memref<!tpu.dma_semaphore, #tpu.memory_space<semaphore_mem>>)
      %dma_wait3A = arith.constant 0 : i32
      %dma_wait3A_36 = tpu.memref_slice %arg8[%add3A_14, %dma_wait3A] : memref<10240x128xf32, #tpu.memory_space<vmem_shared>> -> memref<128x128xf32, #tpu.memory_space<vmem_shared>>
      %dma_wait3A_37 = arith.constant 0 : i32
      %dma_wait3A_38 = tpu.memref_slice %arg8[%add3A_14, %dma_wait3A_37] : memref<10240x128xf32, #tpu.memory_space<vmem_shared>> -> memref<128x128xf32, #tpu.memory_space<vmem_shared>>
      tpu.wait_dma2 semaphore(%run_scoped3A : memref<!tpu.dma_semaphore, #tpu.memory_space<semaphore_mem>>) src(%arg12 : memref<128x128xf32, #tpu.memory_space<vmem>>) dst(%dma_wait3A_38 : memref<128x128xf32, #tpu.memory_space<vmem_shared>>)
      tpu.yield
    }) : () -> ()
    %barrier3A = arith.constant 0 : index
    tpu.barrier barrier_id(%barrier3A)
    %eq3A = arith.constant 0 : i32
    %eq3A_15 = arith.cmpi eq, %arg0, %eq3A : i32
    %convert_element_type3A = arith.extui %eq3A_15 : i1 to i32
    %cond3A = arith.constant 0 : i32
    %cond3A_16 = arith.cmpi ne, %convert_element_type3A, %cond3A : i32
    scf.if %cond3A_16 {
      %scan3A_33 = arith.constant 0 : i32
      %scan3A_34 = arith.constant 0 : i32
      %scan3A_35 = arith.constant 79 : i32
      %scan3A_36 = arith.addi %scan3A_34, %scan3A_35 : i32
      %scan3A_37 = arith.constant 1 : i32
      scf.for %scan3A_39 = %scan3A_34 to %scan3A_36 step %scan3A_37  : i32 {
        %add3A_40 = arith.constant 0 : i32
        %add3A_41 = arith.addi %add3A_40, %arg1 : i32
        %mul3A_42 = arith.constant 16 : i32
        %mul3A_43 = arith.muli %scan3A_39, %mul3A_42 : i32
        %add3A_44 = arith.addi %add3A_41, %mul3A_43 : i32
        %lt3A = arith.constant 1250 : i32
        %lt3A_45 = arith.cmpi slt, %add3A_44, %lt3A : i32
        %convert_element_type3A_46 = arith.extui %lt3A_45 : i1 to i32
        %cond3A_47 = arith.constant 0 : i32
        %cond3A_48 = arith.cmpi ne, %convert_element_type3A_46, %cond3A_47 : i32
        scf.if %cond3A_48 {
          %mul3A_49 = arith.constant 128 : i32
          %mul3A_50 = arith.muli %add3A_44, %mul3A_49 : i32
          "tpu.region"() ({
            %run_scoped3A = tpu.sem_alloc : memref<!tpu.dma_semaphore, #tpu.memory_space<semaphore_mem>>
            %dma_start3A_57 = tpu.memref_slice %arg4[%mul3A_50] : memref<320000xi32, #tpu.memory_space<hbm>> -> memref<128xi32, #tpu.memory_space<hbm>>
            %dma_start3A_58 = tpu.memref_slice %arg4[%mul3A_50] : memref<320000xi32, #tpu.memory_space<hbm>> -> memref<128xi32, #tpu.memory_space<hbm>>
            tpu.enqueue_dma source(%dma_start3A_58 : memref<128xi32, #tpu.memory_space<hbm>>) target(%arg9 : memref<128xi32, #tpu.memory_space<vmem>>) target_semaphore(%run_scoped3A : memref<!tpu.dma_semaphore, #tpu.memory_space<semaphore_mem>>)
            %dma_wait3A_59 = tpu.memref_slice %arg4[%mul3A_50] : memref<320000xi32, #tpu.memory_space<hbm>> -> memref<128xi32, #tpu.memory_space<hbm>>
            %dma_wait3A_60 = tpu.memref_slice %arg4[%mul3A_50] : memref<320000xi32, #tpu.memory_space<hbm>> -> memref<128xi32, #tpu.memory_space<hbm>>
            tpu.wait_dma2 semaphore(%run_scoped3A : memref<!tpu.dma_semaphore, #tpu.memory_space<semaphore_mem>>) src(%dma_wait3A_60 : memref<128xi32, #tpu.memory_space<hbm>>) dst(%arg9 : memref<128xi32, #tpu.memory_space<vmem>>)
            tpu.yield
          }) : () -> ()
          %mul3A_51 = arith.constant 128 : i32
          %mul3A_52 = arith.muli %add3A_44, %mul3A_51 : i32
          "tpu.region"() ({
            %run_scoped3A = tpu.sem_alloc : memref<!tpu.dma_semaphore, #tpu.memory_space<semaphore_mem>>
            %dma_start3A_57 = tpu.memref_slice %arg5[%mul3A_52] : memref<320000xi32, #tpu.memory_space<hbm>> -> memref<128xi32, #tpu.memory_space<hbm>>
            %dma_start3A_58 = tpu.memref_slice %arg5[%mul3A_52] : memref<320000xi32, #tpu.memory_space<hbm>> -> memref<128xi32, #tpu.memory_space<hbm>>
            tpu.enqueue_dma source(%dma_start3A_58 : memref<128xi32, #tpu.memory_space<hbm>>) target(%arg10 : memref<128xi32, #tpu.memory_space<vmem>>) target_semaphore(%run_scoped3A : memref<!tpu.dma_semaphore, #tpu.memory_space<semaphore_mem>>)
            %dma_wait3A_59 = tpu.memref_slice %arg5[%mul3A_52] : memref<320000xi32, #tpu.memory_space<hbm>> -> memref<128xi32, #tpu.memory_space<hbm>>
            %dma_wait3A_60 = tpu.memref_slice %arg5[%mul3A_52] : memref<320000xi32, #tpu.memory_space<hbm>> -> memref<128xi32, #tpu.memory_space<hbm>>
            tpu.wait_dma2 semaphore(%run_scoped3A : memref<!tpu.dma_semaphore, #tpu.memory_space<semaphore_mem>>) src(%dma_wait3A_60 : memref<128xi32, #tpu.memory_space<hbm>>) dst(%arg10 : memref<128xi32, #tpu.memory_space<vmem>>)
            tpu.yield
          }) : () -> ()
          %dma_start3A = arith.constant 0 : i32
          %dma_start3A_53 = arith.constant 0 : i32
          %dma_start3A_54 = tpu.memref_slice %arg2[%dma_start3A, %dma_start3A_53] : memref<10000x128xf32, #tpu.memory_space<hbm>> -> memref<10000x128xf32, #tpu.memory_space<hbm>>
          tpu.enqueue_indirect_dma source(%dma_start3A_54 : memref<10000x128xf32, #tpu.memory_space<hbm>>) target(%arg11 : memref<128x128xf32, #tpu.memory_space<vmem>>) offsets(%arg9 : memref<128xi32, #tpu.memory_space<vmem>>) semaphore(%arg13 : memref<!tpu.dma_semaphore, #tpu.memory_space<semaphore_mem>>)
          %dma_wait3A = arith.constant 0 : i32
          %dma_wait3A_55 = arith.constant 0 : i32
          %dma_wait3A_56 = tpu.memref_slice %arg2[%dma_wait3A, %dma_wait3A_55] : memref<10000x128xf32, #tpu.memory_space<hbm>> -> memref<10000x128xf32, #tpu.memory_space<hbm>>
          tpu.wait_indirect_dma semaphore(%arg13 : memref<!tpu.dma_semaphore, #tpu.memory_space<semaphore_mem>>) src(%dma_wait3A_56 : memref<10000x128xf32, #tpu.memory_space<hbm>>) dst(%arg11 : memref<128x128xf32, #tpu.memory_space<vmem>>)
          "tpu.region"() ({
            %run_scoped3A = tpu.sem_alloc : memref<!tpu.dma_semaphore, #tpu.memory_space<semaphore_mem>>
            %dma_start3A_57 = arith.constant 0 : i32
            %dma_start3A_58 = arith.constant 0 : i32
            %dma_start3A_59 = tpu.memref_slice %arg8[%dma_start3A_57, %dma_start3A_58] : memref<10240x128xf32, #tpu.memory_space<vmem_shared>> -> memref<10240x128xf32, #tpu.memory_space<vmem_shared>>
            tpu.enqueue_indirect_dma source(%arg11 : memref<128x128xf32, #tpu.memory_space<vmem>>) target(%dma_start3A_59 : memref<10240x128xf32, #tpu.memory_space<vmem_shared>>) offsets(%arg10 : memref<128xi32, #tpu.memory_space<vmem>>) semaphore(%run_scoped3A : memref<!tpu.dma_semaphore, #tpu.memory_space<semaphore_mem>>) {add = true}
            %dma_wait3A_60 = arith.constant 0 : i32
            %dma_wait3A_61 = arith.constant 0 : i32
            %dma_wait3A_62 = tpu.memref_slice %arg8[%dma_wait3A_60, %dma_wait3A_61] : memref<10240x128xf32, #tpu.memory_space<vmem_shared>> -> memref<10240x128xf32, #tpu.memory_space<vmem_shared>>
            tpu.wait_indirect_dma semaphore(%run_scoped3A : memref<!tpu.dma_semaphore, #tpu.memory_space<semaphore_mem>>) src(%arg11 : memref<128x128xf32, #tpu.memory_space<vmem>>) dst(%dma_wait3A_62 : memref<10240x128xf32, #tpu.memory_space<vmem_shared>>)
            tpu.yield
          }) : () -> ()
        } else {
        }
      }
      %scan3A_38 = arith.constant 79 : i32
    } else {
    }
    %eq3A_17 = arith.constant 1 : i32
    %eq3A_18 = arith.cmpi eq, %arg0, %eq3A_17 : i32
    %convert_element_type3A_19 = arith.extui %eq3A_18 : i1 to i32
    %cond3A_20 = arith.constant 0 : i32
    %cond3A_21 = arith.cmpi ne, %convert_element_type3A_19, %cond3A_20 : i32
    scf.if %cond3A_21 {
      %scan3A_33 = arith.constant 0 : i32
      %scan3A_34 = arith.constant 0 : i32
      %scan3A_35 = arith.constant 79 : i32
      %scan3A_36 = arith.addi %scan3A_34, %scan3A_35 : i32
      %scan3A_37 = arith.constant 1 : i32
      scf.for %scan3A_39 = %scan3A_34 to %scan3A_36 step %scan3A_37  : i32 {
        %add3A_40 = arith.constant 1250 : i32
        %add3A_41 = arith.addi %add3A_40, %arg1 : i32
        %mul3A_42 = arith.constant 16 : i32
        %mul3A_43 = arith.muli %scan3A_39, %mul3A_42 : i32
        %add3A_44 = arith.addi %add3A_41, %mul3A_43 : i32
        %lt3A = arith.constant 2500 : i32
        %lt3A_45 = arith.cmpi slt, %add3A_44, %lt3A : i32
        %convert_element_type3A_46 = arith.extui %lt3A_45 : i1 to i32
        %cond3A_47 = arith.constant 0 : i32
        %cond3A_48 = arith.cmpi ne, %convert_element_type3A_46, %cond3A_47 : i32
        scf.if %cond3A_48 {
          %mul3A_49 = arith.constant 128 : i32
          %mul3A_50 = arith.muli %add3A_44, %mul3A_49 : i32
          "tpu.region"() ({
            %run_scoped3A = tpu.sem_alloc : memref<!tpu.dma_semaphore, #tpu.memory_space<semaphore_mem>>
            %dma_start3A_57 = tpu.memref_slice %arg4[%mul3A_50] : memref<320000xi32, #tpu.memory_space<hbm>> -> memref<128xi32, #tpu.memory_space<hbm>>
            %dma_start3A_58 = tpu.memref_slice %arg4[%mul3A_50] : memref<320000xi32, #tpu.memory_space<hbm>> -> memref<128xi32, #tpu.memory_space<hbm>>
            tpu.enqueue_dma source(%dma_start3A_58 : memref<128xi32, #tpu.memory_space<hbm>>) target(%arg9 : memref<128xi32, #tpu.memory_space<vmem>>) target_semaphore(%run_scoped3A : memref<!tpu.dma_semaphore, #tpu.memory_space<semaphore_mem>>)
            %dma_wait3A_59 = tpu.memref_slice %arg4[%mul3A_50] : memref<320000xi32, #tpu.memory_space<hbm>> -> memref<128xi32, #tpu.memory_space<hbm>>
            %dma_wait3A_60 = tpu.memref_slice %arg4[%mul3A_50] : memref<320000xi32, #tpu.memory_space<hbm>> -> memref<128xi32, #tpu.memory_space<hbm>>
            tpu.wait_dma2 semaphore(%run_scoped3A : memref<!tpu.dma_semaphore, #tpu.memory_space<semaphore_mem>>) src(%dma_wait3A_60 : memref<128xi32, #tpu.memory_space<hbm>>) dst(%arg9 : memref<128xi32, #tpu.memory_space<vmem>>)
            tpu.yield
          }) : () -> ()
          %mul3A_51 = arith.constant 128 : i32
          %mul3A_52 = arith.muli %add3A_44, %mul3A_51 : i32
          "tpu.region"() ({
            %run_scoped3A = tpu.sem_alloc : memref<!tpu.dma_semaphore, #tpu.memory_space<semaphore_mem>>
            %dma_start3A_57 = tpu.memref_slice %arg5[%mul3A_52] : memref<320000xi32, #tpu.memory_space<hbm>> -> memref<128xi32, #tpu.memory_space<hbm>>
            %dma_start3A_58 = tpu.memref_slice %arg5[%mul3A_52] : memref<320000xi32, #tpu.memory_space<hbm>> -> memref<128xi32, #tpu.memory_space<hbm>>
            tpu.enqueue_dma source(%dma_start3A_58 : memref<128xi32, #tpu.memory_space<hbm>>) target(%arg10 : memref<128xi32, #tpu.memory_space<vmem>>) target_semaphore(%run_scoped3A : memref<!tpu.dma_semaphore, #tpu.memory_space<semaphore_mem>>)
            %dma_wait3A_59 = tpu.memref_slice %arg5[%mul3A_52] : memref<320000xi32, #tpu.memory_space<hbm>> -> memref<128xi32, #tpu.memory_space<hbm>>
            %dma_wait3A_60 = tpu.memref_slice %arg5[%mul3A_52] : memref<320000xi32, #tpu.memory_space<hbm>> -> memref<128xi32, #tpu.memory_space<hbm>>
            tpu.wait_dma2 semaphore(%run_scoped3A : memref<!tpu.dma_semaphore, #tpu.memory_space<semaphore_mem>>) src(%dma_wait3A_60 : memref<128xi32, #tpu.memory_space<hbm>>) dst(%arg10 : memref<128xi32, #tpu.memory_space<vmem>>)
            tpu.yield
          }) : () -> ()
          %dma_start3A = arith.constant 0 : i32
          %dma_start3A_53 = arith.constant 0 : i32
          %dma_start3A_54 = tpu.memref_slice %arg3[%dma_start3A, %dma_start3A_53] : memref<10000x128xf32, #tpu.memory_space<hbm>> -> memref<10000x128xf32, #tpu.memory_space<hbm>>
          tpu.enqueue_indirect_dma source(%dma_start3A_54 : memref<10000x128xf32, #tpu.memory_space<hbm>>) target(%arg11 : memref<128x128xf32, #tpu.memory_space<vmem>>) offsets(%arg9 : memref<128xi32, #tpu.memory_space<vmem>>) semaphore(%arg13 : memref<!tpu.dma_semaphore, #tpu.memory_space<semaphore_mem>>)
          %dma_wait3A = arith.constant 0 : i32
          %dma_wait3A_55 = arith.constant 0 : i32
          %dma_wait3A_56 = tpu.memref_slice %arg3[%dma_wait3A, %dma_wait3A_55] : memref<10000x128xf32, #tpu.memory_space<hbm>> -> memref<10000x128xf32, #tpu.memory_space<hbm>>
          tpu.wait_indirect_dma semaphore(%arg13 : memref<!tpu.dma_semaphore, #tpu.memory_space<semaphore_mem>>) src(%dma_wait3A_56 : memref<10000x128xf32, #tpu.memory_space<hbm>>) dst(%arg11 : memref<128x128xf32, #tpu.memory_space<vmem>>)
          "tpu.region"() ({
            %run_scoped3A = tpu.sem_alloc : memref<!tpu.dma_semaphore, #tpu.memory_space<semaphore_mem>>
            %dma_start3A_57 = arith.constant 0 : i32
            %dma_start3A_58 = arith.constant 0 : i32
            %dma_start3A_59 = tpu.memref_slice %arg8[%dma_start3A_57, %dma_start3A_58] : memref<10240x128xf32, #tpu.memory_space<vmem_shared>> -> memref<10240x128xf32, #tpu.memory_space<vmem_shared>>
            tpu.enqueue_indirect_dma source(%arg11 : memref<128x128xf32, #tpu.memory_space<vmem>>) target(%dma_start3A_59 : memref<10240x128xf32, #tpu.memory_space<vmem_shared>>) offsets(%arg10 : memref<128xi32, #tpu.memory_space<vmem>>) semaphore(%run_scoped3A : memref<!tpu.dma_semaphore, #tpu.memory_space<semaphore_mem>>) {add = true}
            %dma_wait3A_60 = arith.constant 0 : i32
            %dma_wait3A_61 = arith.constant 0 : i32
            %dma_wait3A_62 = tpu.memref_slice %arg8[%dma_wait3A_60, %dma_wait3A_61] : memref<10240x128xf32, #tpu.memory_space<vmem_shared>> -> memref<10240x128xf32, #tpu.memory_space<vmem_shared>>
            tpu.wait_indirect_dma semaphore(%run_scoped3A : memref<!tpu.dma_semaphore, #tpu.memory_space<semaphore_mem>>) src(%arg11 : memref<128x128xf32, #tpu.memory_space<vmem>>) dst(%dma_wait3A_62 : memref<10240x128xf32, #tpu.memory_space<vmem_shared>>)
            tpu.yield
          }) : () -> ()
        } else {
        }
      }
      %scan3A_38 = arith.constant 79 : i32
    } else {
    }
    %barrier3A_22 = arith.constant 0 : index
    tpu.barrier barrier_id(%barrier3A_22)
    %eq3A_23 = arith.constant 0 : i32
    %eq3A_24 = arith.cmpi eq, %arg0, %eq3A_23 : i32
    %convert_element_type3A_25 = arith.extui %eq3A_24 : i1 to i32
    %cond3A_26 = arith.constant 0 : i32
    %cond3A_27 = arith.cmpi ne, %convert_element_type3A_25, %cond3A_26 : i32
    scf.if %cond3A_27 {
      %add3A_33 = arith.constant 0 : i32
      %add3A_34 = arith.addi %mul3A_0, %add3A_33 : i32
      "tpu.region"() ({
        %run_scoped3A = tpu.sem_alloc : memref<!tpu.dma_semaphore, #tpu.memory_space<semaphore_mem>>
        %dma_start3A = arith.constant 0 : i32
        %dma_start3A_53 = tpu.memref_slice %arg8[%add3A_34, %dma_start3A] : memref<10240x128xf32, #tpu.memory_space<vmem_shared>> -> memref<128x128xf32, #tpu.memory_space<vmem_shared>>
        %dma_start3A_54 = arith.constant 0 : i32
        %dma_start3A_55 = tpu.memref_slice %arg8[%add3A_34, %dma_start3A_54] : memref<10240x128xf32, #tpu.memory_space<vmem_shared>> -> memref<128x128xf32, #tpu.memory_space<vmem_shared>>
        tpu.enqueue_dma source(%dma_start3A_55 : memref<128x128xf32, #tpu.memory_space<vmem_shared>>) target(%arg12 : memref<128x128xf32, #tpu.memory_space<vmem>>) target_semaphore(%run_scoped3A : memref<!tpu.dma_semaphore, #tpu.memory_space<semaphore_mem>>)
        %dma_wait3A = arith.constant 0 : i32
        %dma_wait3A_56 = tpu.memref_slice %arg8[%add3A_34, %dma_wait3A] : memref<10240x128xf32, #tpu.memory_space<vmem_shared>> -> memref<128x128xf32, #tpu.memory_space<vmem_shared>>
        %dma_wait3A_57 = arith.constant 0 : i32
        %dma_wait3A_58 = tpu.memref_slice %arg8[%add3A_34, %dma_wait3A_57] : memref<10240x128xf32, #tpu.memory_space<vmem_shared>> -> memref<128x128xf32, #tpu.memory_space<vmem_shared>>
        tpu.wait_dma2 semaphore(%run_scoped3A : memref<!tpu.dma_semaphore, #tpu.memory_space<semaphore_mem>>) src(%dma_wait3A_58 : memref<128x128xf32, #tpu.memory_space<vmem_shared>>) dst(%arg12 : memref<128x128xf32, #tpu.memory_space<vmem>>)
        tpu.yield
      }) : () -> ()
      %add3A_35 = arith.constant 0 : i32
      %add3A_36 = arith.addi %mul3A_0, %add3A_35 : i32
      "tpu.region"() ({
        %run_scoped3A = tpu.sem_alloc : memref<!tpu.dma_semaphore, #tpu.memory_space<semaphore_mem>>
        %dma_start3A = arith.constant 0 : i32
        %dma_start3A_53 = tpu.memref_slice %arg6[%add3A_36, %dma_start3A] : memref<10240x128xf32, #tpu.memory_space<hbm>> -> memref<128x128xf32, #tpu.memory_space<hbm>>
        %dma_start3A_54 = arith.constant 0 : i32
        %dma_start3A_55 = tpu.memref_slice %arg6[%add3A_36, %dma_start3A_54] : memref<10240x128xf32, #tpu.memory_space<hbm>> -> memref<128x128xf32, #tpu.memory_space<hbm>>
        tpu.enqueue_dma source(%arg12 : memref<128x128xf32, #tpu.memory_space<vmem>>) target(%dma_start3A_55 : memref<128x128xf32, #tpu.memory_space<hbm>>) target_semaphore(%run_scoped3A : memref<!tpu.dma_semaphore, #tpu.memory_space<semaphore_mem>>)
        %dma_wait3A = arith.constant 0 : i32
        %dma_wait3A_56 = tpu.memref_slice %arg6[%add3A_36, %dma_wait3A] : memref<10240x128xf32, #tpu.memory_space<hbm>> -> memref<128x128xf32, #tpu.memory_space<hbm>>
        %dma_wait3A_57 = arith.constant 0 : i32
        %dma_wait3A_58 = tpu.memref_slice %arg6[%add3A_36, %dma_wait3A_57] : memref<10240x128xf32, #tpu.memory_space<hbm>> -> memref<128x128xf32, #tpu.memory_space<hbm>>
        tpu.wait_dma2 semaphore(%run_scoped3A : memref<!tpu.dma_semaphore, #tpu.memory_space<semaphore_mem>>) src(%arg12 : memref<128x128xf32, #tpu.memory_space<vmem>>) dst(%dma_wait3A_58 : memref<128x128xf32, #tpu.memory_space<hbm>>)
        tpu.yield
      }) : () -> ()
      %add3A_37 = arith.constant 128 : i32
      %add3A_38 = arith.addi %mul3A_0, %add3A_37 : i32
      "tpu.region"() ({
        %run_scoped3A = tpu.sem_alloc : memref<!tpu.dma_semaphore, #tpu.memory_space<semaphore_mem>>
        %dma_start3A = arith.constant 0 : i32
        %dma_start3A_53 = tpu.memref_slice %arg8[%add3A_38, %dma_start3A] : memref<10240x128xf32, #tpu.memory_space<vmem_shared>> -> memref<128x128xf32, #tpu.memory_space<vmem_shared>>
        %dma_start3A_54 = arith.constant 0 : i32
        %dma_start3A_55 = tpu.memref_slice %arg8[%add3A_38, %dma_start3A_54] : memref<10240x128xf32, #tpu.memory_space<vmem_shared>> -> memref<128x128xf32, #tpu.memory_space<vmem_shared>>
        tpu.enqueue_dma source(%dma_start3A_55 : memref<128x128xf32, #tpu.memory_space<vmem_shared>>) target(%arg12 : memref<128x128xf32, #tpu.memory_space<vmem>>) target_semaphore(%run_scoped3A : memref<!tpu.dma_semaphore, #tpu.memory_space<semaphore_mem>>)
        %dma_wait3A = arith.constant 0 : i32
        %dma_wait3A_56 = tpu.memref_slice %arg8[%add3A_38, %dma_wait3A] : memref<10240x128xf32, #tpu.memory_space<vmem_shared>> -> memref<128x128xf32, #tpu.memory_space<vmem_shared>>
        %dma_wait3A_57 = arith.constant 0 : i32
        %dma_wait3A_58 = tpu.memref_slice %arg8[%add3A_38, %dma_wait3A_57] : memref<10240x128xf32, #tpu.memory_space<vmem_shared>> -> memref<128x128xf32, #tpu.memory_space<vmem_shared>>
        tpu.wait_dma2 semaphore(%run_scoped3A : memref<!tpu.dma_semaphore, #tpu.memory_space<semaphore_mem>>) src(%dma_wait3A_58 : memref<128x128xf32, #tpu.memory_space<vmem_shared>>) dst(%arg12 : memref<128x128xf32, #tpu.memory_space<vmem>>)
        tpu.yield
      }) : () -> ()
      %add3A_39 = arith.constant 128 : i32
      %add3A_40 = arith.addi %mul3A_0, %add3A_39 : i32
      "tpu.region"() ({
        %run_scoped3A = tpu.sem_alloc : memref<!tpu.dma_semaphore, #tpu.memory_space<semaphore_mem>>
        %dma_start3A = arith.constant 0 : i32
        %dma_start3A_53 = tpu.memref_slice %arg6[%add3A_40, %dma_start3A] : memref<10240x128xf32, #tpu.memory_space<hbm>> -> memref<128x128xf32, #tpu.memory_space<hbm>>
        %dma_start3A_54 = arith.constant 0 : i32
        %dma_start3A_55 = tpu.memref_slice %arg6[%add3A_40, %dma_start3A_54] : memref<10240x128xf32, #tpu.memory_space<hbm>> -> memref<128x128xf32, #tpu.memory_space<hbm>>
        tpu.enqueue_dma source(%arg12 : memref<128x128xf32, #tpu.memory_space<vmem>>) target(%dma_start3A_55 : memref<128x128xf32, #tpu.memory_space<hbm>>) target_semaphore(%run_scoped3A : memref<!tpu.dma_semaphore, #tpu.memory_space<semaphore_mem>>)
        %dma_wait3A = arith.constant 0 : i32
        %dma_wait3A_56 = tpu.memref_slice %arg6[%add3A_40, %dma_wait3A] : memref<10240x128xf32, #tpu.memory_space<hbm>> -> memref<128x128xf32, #tpu.memory_space<hbm>>
        %dma_wait3A_57 = arith.constant 0 : i32
        %dma_wait3A_58 = tpu.memref_slice %arg6[%add3A_40, %dma_wait3A_57] : memref<10240x128xf32, #tpu.memory_space<hbm>> -> memref<128x128xf32, #tpu.memory_space<hbm>>
        tpu.wait_dma2 semaphore(%run_scoped3A : memref<!tpu.dma_semaphore, #tpu.memory_space<semaphore_mem>>) src(%arg12 : memref<128x128xf32, #tpu.memory_space<vmem>>) dst(%dma_wait3A_58 : memref<128x128xf32, #tpu.memory_space<hbm>>)
        tpu.yield
      }) : () -> ()
      %add3A_41 = arith.constant 256 : i32
      %add3A_42 = arith.addi %mul3A_0, %add3A_41 : i32
      "tpu.region"() ({
        %run_scoped3A = tpu.sem_alloc : memref<!tpu.dma_semaphore, #tpu.memory_space<semaphore_mem>>
        %dma_start3A = arith.constant 0 : i32
        %dma_start3A_53 = tpu.memref_slice %arg8[%add3A_42, %dma_start3A] : memref<10240x128xf32, #tpu.memory_space<vmem_shared>> -> memref<128x128xf32, #tpu.memory_space<vmem_shared>>
        %dma_start3A_54 = arith.constant 0 : i32
        %dma_start3A_55 = tpu.memref_slice %arg8[%add3A_42, %dma_start3A_54] : memref<10240x128xf32, #tpu.memory_space<vmem_shared>> -> memref<128x128xf32, #tpu.memory_space<vmem_shared>>
        tpu.enqueue_dma source(%dma_start3A_55 : memref<128x128xf32, #tpu.memory_space<vmem_shared>>) target(%arg12 : memref<128x128xf32, #tpu.memory_space<vmem>>) target_semaphore(%run_scoped3A : memref<!tpu.dma_semaphore, #tpu.memory_space<semaphore_mem>>)
        %dma_wait3A = arith.constant 0 : i32
        %dma_wait3A_56 = tpu.memref_slice %arg8[%add3A_42, %dma_wait3A] : memref<10240x128xf32, #tpu.memory_space<vmem_shared>> -> memref<128x128xf32, #tpu.memory_space<vmem_shared>>
        %dma_wait3A_57 = arith.constant 0 : i32
        %dma_wait3A_58 = tpu.memref_slice %arg8[%add3A_42, %dma_wait3A_57] : memref<10240x128xf32, #tpu.memory_space<vmem_shared>> -> memref<128x128xf32, #tpu.memory_space<vmem_shared>>
        tpu.wait_dma2 semaphore(%run_scoped3A : memref<!tpu.dma_semaphore, #tpu.memory_space<semaphore_mem>>) src(%dma_wait3A_58 : memref<128x128xf32, #tpu.memory_space<vmem_shared>>) dst(%arg12 : memref<128x128xf32, #tpu.memory_space<vmem>>)
        tpu.yield
      }) : () -> ()
      %add3A_43 = arith.constant 256 : i32
      %add3A_44 = arith.addi %mul3A_0, %add3A_43 : i32
      "tpu.region"() ({
        %run_scoped3A = tpu.sem_alloc : memref<!tpu.dma_semaphore, #tpu.memory_space<semaphore_mem>>
        %dma_start3A = arith.constant 0 : i32
        %dma_start3A_53 = tpu.memref_slice %arg6[%add3A_44, %dma_start3A] : memref<10240x128xf32, #tpu.memory_space<hbm>> -> memref<128x128xf32, #tpu.memory_space<hbm>>
        %dma_start3A_54 = arith.constant 0 : i32
        %dma_start3A_55 = tpu.memref_slice %arg6[%add3A_44, %dma_start3A_54] : memref<10240x128xf32, #tpu.memory_space<hbm>> -> memref<128x128xf32, #tpu.memory_space<hbm>>
        tpu.enqueue_dma source(%arg12 : memref<128x128xf32, #tpu.memory_space<vmem>>) target(%dma_start3A_55 : memref<128x128xf32, #tpu.memory_space<hbm>>) target_semaphore(%run_scoped3A : memref<!tpu.dma_semaphore, #tpu.memory_space<semaphore_mem>>)
        %dma_wait3A = arith.constant 0 : i32
        %dma_wait3A_56 = tpu.memref_slice %arg6[%add3A_44, %dma_wait3A] : memref<10240x128xf32, #tpu.memory_space<hbm>> -> memref<128x128xf32, #tpu.memory_space<hbm>>
        %dma_wait3A_57 = arith.constant 0 : i32
        %dma_wait3A_58 = tpu.memref_slice %arg6[%add3A_44, %dma_wait3A_57] : memref<10240x128xf32, #tpu.memory_space<hbm>> -> memref<128x128xf32, #tpu.memory_space<hbm>>
        tpu.wait_dma2 semaphore(%run_scoped3A : memref<!tpu.dma_semaphore, #tpu.memory_space<semaphore_mem>>) src(%arg12 : memref<128x128xf32, #tpu.memory_space<vmem>>) dst(%dma_wait3A_58 : memref<128x128xf32, #tpu.memory_space<hbm>>)
        tpu.yield
      }) : () -> ()
      %add3A_45 = arith.constant 384 : i32
      %add3A_46 = arith.addi %mul3A_0, %add3A_45 : i32
      "tpu.region"() ({
        %run_scoped3A = tpu.sem_alloc : memref<!tpu.dma_semaphore, #tpu.memory_space<semaphore_mem>>
        %dma_start3A = arith.constant 0 : i32
        %dma_start3A_53 = tpu.memref_slice %arg8[%add3A_46, %dma_start3A] : memref<10240x128xf32, #tpu.memory_space<vmem_shared>> -> memref<128x128xf32, #tpu.memory_space<vmem_shared>>
        %dma_start3A_54 = arith.constant 0 : i32
        %dma_start3A_55 = tpu.memref_slice %arg8[%add3A_46, %dma_start3A_54] : memref<10240x128xf32, #tpu.memory_space<vmem_shared>> -> memref<128x128xf32, #tpu.memory_space<vmem_shared>>
        tpu.enqueue_dma source(%dma_start3A_55 : memref<128x128xf32, #tpu.memory_space<vmem_shared>>) target(%arg12 : memref<128x128xf32, #tpu.memory_space<vmem>>) target_semaphore(%run_scoped3A : memref<!tpu.dma_semaphore, #tpu.memory_space<semaphore_mem>>)
        %dma_wait3A = arith.constant 0 : i32
        %dma_wait3A_56 = tpu.memref_slice %arg8[%add3A_46, %dma_wait3A] : memref<10240x128xf32, #tpu.memory_space<vmem_shared>> -> memref<128x128xf32, #tpu.memory_space<vmem_shared>>
        %dma_wait3A_57 = arith.constant 0 : i32
        %dma_wait3A_58 = tpu.memref_slice %arg8[%add3A_46, %dma_wait3A_57] : memref<10240x128xf32, #tpu.memory_space<vmem_shared>> -> memref<128x128xf32, #tpu.memory_space<vmem_shared>>
        tpu.wait_dma2 semaphore(%run_scoped3A : memref<!tpu.dma_semaphore, #tpu.memory_space<semaphore_mem>>) src(%dma_wait3A_58 : memref<128x128xf32, #tpu.memory_space<vmem_shared>>) dst(%arg12 : memref<128x128xf32, #tpu.memory_space<vmem>>)
        tpu.yield
      }) : () -> ()
      %add3A_47 = arith.constant 384 : i32
      %add3A_48 = arith.addi %mul3A_0, %add3A_47 : i32
      "tpu.region"() ({
        %run_scoped3A = tpu.sem_alloc : memref<!tpu.dma_semaphore, #tpu.memory_space<semaphore_mem>>
        %dma_start3A = arith.constant 0 : i32
        %dma_start3A_53 = tpu.memref_slice %arg6[%add3A_48, %dma_start3A] : memref<10240x128xf32, #tpu.memory_space<hbm>> -> memref<128x128xf32, #tpu.memory_space<hbm>>
        %dma_start3A_54 = arith.constant 0 : i32
        %dma_start3A_55 = tpu.memref_slice %arg6[%add3A_48, %dma_start3A_54] : memref<10240x128xf32, #tpu.memory_space<hbm>> -> memref<128x128xf32, #tpu.memory_space<hbm>>
        tpu.enqueue_dma source(%arg12 : memref<128x128xf32, #tpu.memory_space<vmem>>) target(%dma_start3A_55 : memref<128x128xf32, #tpu.memory_space<hbm>>) target_semaphore(%run_scoped3A : memref<!tpu.dma_semaphore, #tpu.memory_space<semaphore_mem>>)
        %dma_wait3A = arith.constant 0 : i32
        %dma_wait3A_56 = tpu.memref_slice %arg6[%add3A_48, %dma_wait3A] : memref<10240x128xf32, #tpu.memory_space<hbm>> -> memref<128x128xf32, #tpu.memory_space<hbm>>
        %dma_wait3A_57 = arith.constant 0 : i32
        %dma_wait3A_58 = tpu.memref_slice %arg6[%add3A_48, %dma_wait3A_57] : memref<10240x128xf32, #tpu.memory_space<hbm>> -> memref<128x128xf32, #tpu.memory_space<hbm>>
        tpu.wait_dma2 semaphore(%run_scoped3A : memref<!tpu.dma_semaphore, #tpu.memory_space<semaphore_mem>>) src(%arg12 : memref<128x128xf32, #tpu.memory_space<vmem>>) dst(%dma_wait3A_58 : memref<128x128xf32, #tpu.memory_space<hbm>>)
        tpu.yield
      }) : () -> ()
      %add3A_49 = arith.constant 512 : i32
      %add3A_50 = arith.addi %mul3A_0, %add3A_49 : i32
      "tpu.region"() ({
        %run_scoped3A = tpu.sem_alloc : memref<!tpu.dma_semaphore, #tpu.memory_space<semaphore_mem>>
        %dma_start3A = arith.constant 0 : i32
        %dma_start3A_53 = tpu.memref_slice %arg8[%add3A_50, %dma_start3A] : memref<10240x128xf32, #tpu.memory_space<vmem_shared>> -> memref<128x128xf32, #tpu.memory_space<vmem_shared>>
        %dma_start3A_54 = arith.constant 0 : i32
        %dma_start3A_55 = tpu.memref_slice %arg8[%add3A_50, %dma_start3A_54] : memref<10240x128xf32, #tpu.memory_space<vmem_shared>> -> memref<128x128xf32, #tpu.memory_space<vmem_shared>>
        tpu.enqueue_dma source(%dma_start3A_55 : memref<128x128xf32, #tpu.memory_space<vmem_shared>>) target(%arg12 : memref<128x128xf32, #tpu.memory_space<vmem>>) target_semaphore(%run_scoped3A : memref<!tpu.dma_semaphore, #tpu.memory_space<semaphore_mem>>)
        %dma_wait3A = arith.constant 0 : i32
        %dma_wait3A_56 = tpu.memref_slice %arg8[%add3A_50, %dma_wait3A] : memref<10240x128xf32, #tpu.memory_space<vmem_shared>> -> memref<128x128xf32, #tpu.memory_space<vmem_shared>>
        %dma_wait3A_57 = arith.constant 0 : i32
        %dma_wait3A_58 = tpu.memref_slice %arg8[%add3A_50, %dma_wait3A_57] : memref<10240x128xf32, #tpu.memory_space<vmem_shared>> -> memref<128x128xf32, #tpu.memory_space<vmem_shared>>
        tpu.wait_dma2 semaphore(%run_scoped3A : memref<!tpu.dma_semaphore, #tpu.memory_space<semaphore_mem>>) src(%dma_wait3A_58 : memref<128x128xf32, #tpu.memory_space<vmem_shared>>) dst(%arg12 : memref<128x128xf32, #tpu.memory_space<vmem>>)
        tpu.yield
      }) : () -> ()
      %add3A_51 = arith.constant 512 : i32
      %add3A_52 = arith.addi %mul3A_0, %add3A_51 : i32
      "tpu.region"() ({
        %run_scoped3A = tpu.sem_alloc : memref<!tpu.dma_semaphore, #tpu.memory_space<semaphore_mem>>
        %dma_start3A = arith.constant 0 : i32
        %dma_start3A_53 = tpu.memref_slice %arg6[%add3A_52, %dma_start3A] : memref<10240x128xf32, #tpu.memory_space<hbm>> -> memref<128x128xf32, #tpu.memory_space<hbm>>
        %dma_start3A_54 = arith.constant 0 : i32
        %dma_start3A_55 = tpu.memref_slice %arg6[%add3A_52, %dma_start3A_54] : memref<10240x128xf32, #tpu.memory_space<hbm>> -> memref<128x128xf32, #tpu.memory_space<hbm>>
        tpu.enqueue_dma source(%arg12 : memref<128x128xf32, #tpu.memory_space<vmem>>) target(%dma_start3A_55 : memref<128x128xf32, #tpu.memory_space<hbm>>) target_semaphore(%run_scoped3A : memref<!tpu.dma_semaphore, #tpu.memory_space<semaphore_mem>>)
        %dma_wait3A = arith.constant 0 : i32
        %dma_wait3A_56 = tpu.memref_slice %arg6[%add3A_52, %dma_wait3A] : memref<10240x128xf32, #tpu.memory_space<hbm>> -> memref<128x128xf32, #tpu.memory_space<hbm>>
        %dma_wait3A_57 = arith.constant 0 : i32
        %dma_wait3A_58 = tpu.memref_slice %arg6[%add3A_52, %dma_wait3A_57] : memref<10240x128xf32, #tpu.memory_space<hbm>> -> memref<128x128xf32, #tpu.memory_space<hbm>>
        tpu.wait_dma2 semaphore(%run_scoped3A : memref<!tpu.dma_semaphore, #tpu.memory_space<semaphore_mem>>) src(%arg12 : memref<128x128xf32, #tpu.memory_space<vmem>>) dst(%dma_wait3A_58 : memref<128x128xf32, #tpu.memory_space<hbm>>)
        tpu.yield
      }) : () -> ()
    } else {
    }
    %eq3A_28 = arith.constant 1 : i32
    %eq3A_29 = arith.cmpi eq, %arg0, %eq3A_28 : i32
    %convert_element_type3A_30 = arith.extui %eq3A_29 : i1 to i32
    %cond3A_31 = arith.constant 0 : i32
    %cond3A_32 = arith.cmpi ne, %convert_element_type3A_30, %cond3A_31 : i32
    scf.if %cond3A_32 {
      %add3A_33 = arith.constant 0 : i32
      %add3A_34 = arith.addi %mul3A_0, %add3A_33 : i32
      "tpu.region"() ({
        %run_scoped3A = tpu.sem_alloc : memref<!tpu.dma_semaphore, #tpu.memory_space<semaphore_mem>>
        %dma_start3A = arith.constant 0 : i32
        %dma_start3A_53 = tpu.memref_slice %arg8[%add3A_34, %dma_start3A] : memref<10240x128xf32, #tpu.memory_space<vmem_shared>> -> memref<128x128xf32, #tpu.memory_space<vmem_shared>>
        %dma_start3A_54 = arith.constant 0 : i32
        %dma_start3A_55 = tpu.memref_slice %arg8[%add3A_34, %dma_start3A_54] : memref<10240x128xf32, #tpu.memory_space<vmem_shared>> -> memref<128x128xf32, #tpu.memory_space<vmem_shared>>
        tpu.enqueue_dma source(%dma_start3A_55 : memref<128x128xf32, #tpu.memory_space<vmem_shared>>) target(%arg12 : memref<128x128xf32, #tpu.memory_space<vmem>>) target_semaphore(%run_scoped3A : memref<!tpu.dma_semaphore, #tpu.memory_space<semaphore_mem>>)
        %dma_wait3A = arith.constant 0 : i32
        %dma_wait3A_56 = tpu.memref_slice %arg8[%add3A_34, %dma_wait3A] : memref<10240x128xf32, #tpu.memory_space<vmem_shared>> -> memref<128x128xf32, #tpu.memory_space<vmem_shared>>
        %dma_wait3A_57 = arith.constant 0 : i32
        %dma_wait3A_58 = tpu.memref_slice %arg8[%add3A_34, %dma_wait3A_57] : memref<10240x128xf32, #tpu.memory_space<vmem_shared>> -> memref<128x128xf32, #tpu.memory_space<vmem_shared>>
        tpu.wait_dma2 semaphore(%run_scoped3A : memref<!tpu.dma_semaphore, #tpu.memory_space<semaphore_mem>>) src(%dma_wait3A_58 : memref<128x128xf32, #tpu.memory_space<vmem_shared>>) dst(%arg12 : memref<128x128xf32, #tpu.memory_space<vmem>>)
        tpu.yield
      }) : () -> ()
      %add3A_35 = arith.constant 0 : i32
      %add3A_36 = arith.addi %mul3A_0, %add3A_35 : i32
      "tpu.region"() ({
        %run_scoped3A = tpu.sem_alloc : memref<!tpu.dma_semaphore, #tpu.memory_space<semaphore_mem>>
        %dma_start3A = arith.constant 0 : i32
        %dma_start3A_53 = tpu.memref_slice %arg7[%add3A_36, %dma_start3A] : memref<10240x128xf32, #tpu.memory_space<hbm>> -> memref<128x128xf32, #tpu.memory_space<hbm>>
        %dma_start3A_54 = arith.constant 0 : i32
        %dma_start3A_55 = tpu.memref_slice %arg7[%add3A_36, %dma_start3A_54] : memref<10240x128xf32, #tpu.memory_space<hbm>> -> memref<128x128xf32, #tpu.memory_space<hbm>>
        tpu.enqueue_dma source(%arg12 : memref<128x128xf32, #tpu.memory_space<vmem>>) target(%dma_start3A_55 : memref<128x128xf32, #tpu.memory_space<hbm>>) target_semaphore(%run_scoped3A : memref<!tpu.dma_semaphore, #tpu.memory_space<semaphore_mem>>)
        %dma_wait3A = arith.constant 0 : i32
        %dma_wait3A_56 = tpu.memref_slice %arg7[%add3A_36, %dma_wait3A] : memref<10240x128xf32, #tpu.memory_space<hbm>> -> memref<128x128xf32, #tpu.memory_space<hbm>>
        %dma_wait3A_57 = arith.constant 0 : i32
        %dma_wait3A_58 = tpu.memref_slice %arg7[%add3A_36, %dma_wait3A_57] : memref<10240x128xf32, #tpu.memory_space<hbm>> -> memref<128x128xf32, #tpu.memory_space<hbm>>
        tpu.wait_dma2 semaphore(%run_scoped3A : memref<!tpu.dma_semaphore, #tpu.memory_space<semaphore_mem>>) src(%arg12 : memref<128x128xf32, #tpu.memory_space<vmem>>) dst(%dma_wait3A_58 : memref<128x128xf32, #tpu.memory_space<hbm>>)
        tpu.yield
      }) : () -> ()
      %add3A_37 = arith.constant 128 : i32
      %add3A_38 = arith.addi %mul3A_0, %add3A_37 : i32
      "tpu.region"() ({
        %run_scoped3A = tpu.sem_alloc : memref<!tpu.dma_semaphore, #tpu.memory_space<semaphore_mem>>
        %dma_start3A = arith.constant 0 : i32
        %dma_start3A_53 = tpu.memref_slice %arg8[%add3A_38, %dma_start3A] : memref<10240x128xf32, #tpu.memory_space<vmem_shared>> -> memref<128x128xf32, #tpu.memory_space<vmem_shared>>
        %dma_start3A_54 = arith.constant 0 : i32
        %dma_start3A_55 = tpu.memref_slice %arg8[%add3A_38, %dma_start3A_54] : memref<10240x128xf32, #tpu.memory_space<vmem_shared>> -> memref<128x128xf32, #tpu.memory_space<vmem_shared>>
        tpu.enqueue_dma source(%dma_start3A_55 : memref<128x128xf32, #tpu.memory_space<vmem_shared>>) target(%arg12 : memref<128x128xf32, #tpu.memory_space<vmem>>) target_semaphore(%run_scoped3A : memref<!tpu.dma_semaphore, #tpu.memory_space<semaphore_mem>>)
        %dma_wait3A = arith.constant 0 : i32
        %dma_wait3A_56 = tpu.memref_slice %arg8[%add3A_38, %dma_wait3A] : memref<10240x128xf32, #tpu.memory_space<vmem_shared>> -> memref<128x128xf32, #tpu.memory_space<vmem_shared>>
        %dma_wait3A_57 = arith.constant 0 : i32
        %dma_wait3A_58 = tpu.memref_slice %arg8[%add3A_38, %dma_wait3A_57] : memref<10240x128xf32, #tpu.memory_space<vmem_shared>> -> memref<128x128xf32, #tpu.memory_space<vmem_shared>>
        tpu.wait_dma2 semaphore(%run_scoped3A : memref<!tpu.dma_semaphore, #tpu.memory_space<semaphore_mem>>) src(%dma_wait3A_58 : memref<128x128xf32, #tpu.memory_space<vmem_shared>>) dst(%arg12 : memref<128x128xf32, #tpu.memory_space<vmem>>)
        tpu.yield
      }) : () -> ()
      %add3A_39 = arith.constant 128 : i32
      %add3A_40 = arith.addi %mul3A_0, %add3A_39 : i32
      "tpu.region"() ({
        %run_scoped3A = tpu.sem_alloc : memref<!tpu.dma_semaphore, #tpu.memory_space<semaphore_mem>>
        %dma_start3A = arith.constant 0 : i32
        %dma_start3A_53 = tpu.memref_slice %arg7[%add3A_40, %dma_start3A] : memref<10240x128xf32, #tpu.memory_space<hbm>> -> memref<128x128xf32, #tpu.memory_space<hbm>>
        %dma_start3A_54 = arith.constant 0 : i32
        %dma_start3A_55 = tpu.memref_slice %arg7[%add3A_40, %dma_start3A_54] : memref<10240x128xf32, #tpu.memory_space<hbm>> -> memref<128x128xf32, #tpu.memory_space<hbm>>
        tpu.enqueue_dma source(%arg12 : memref<128x128xf32, #tpu.memory_space<vmem>>) target(%dma_start3A_55 : memref<128x128xf32, #tpu.memory_space<hbm>>) target_semaphore(%run_scoped3A : memref<!tpu.dma_semaphore, #tpu.memory_space<semaphore_mem>>)
        %dma_wait3A = arith.constant 0 : i32
        %dma_wait3A_56 = tpu.memref_slice %arg7[%add3A_40, %dma_wait3A] : memref<10240x128xf32, #tpu.memory_space<hbm>> -> memref<128x128xf32, #tpu.memory_space<hbm>>
        %dma_wait3A_57 = arith.constant 0 : i32
        %dma_wait3A_58 = tpu.memref_slice %arg7[%add3A_40, %dma_wait3A_57] : memref<10240x128xf32, #tpu.memory_space<hbm>> -> memref<128x128xf32, #tpu.memory_space<hbm>>
        tpu.wait_dma2 semaphore(%run_scoped3A : memref<!tpu.dma_semaphore, #tpu.memory_space<semaphore_mem>>) src(%arg12 : memref<128x128xf32, #tpu.memory_space<vmem>>) dst(%dma_wait3A_58 : memref<128x128xf32, #tpu.memory_space<hbm>>)
        tpu.yield
      }) : () -> ()
      %add3A_41 = arith.constant 256 : i32
      %add3A_42 = arith.addi %mul3A_0, %add3A_41 : i32
      "tpu.region"() ({
        %run_scoped3A = tpu.sem_alloc : memref<!tpu.dma_semaphore, #tpu.memory_space<semaphore_mem>>
        %dma_start3A = arith.constant 0 : i32
        %dma_start3A_53 = tpu.memref_slice %arg8[%add3A_42, %dma_start3A] : memref<10240x128xf32, #tpu.memory_space<vmem_shared>> -> memref<128x128xf32, #tpu.memory_space<vmem_shared>>
        %dma_start3A_54 = arith.constant 0 : i32
        %dma_start3A_55 = tpu.memref_slice %arg8[%add3A_42, %dma_start3A_54] : memref<10240x128xf32, #tpu.memory_space<vmem_shared>> -> memref<128x128xf32, #tpu.memory_space<vmem_shared>>
        tpu.enqueue_dma source(%dma_start3A_55 : memref<128x128xf32, #tpu.memory_space<vmem_shared>>) target(%arg12 : memref<128x128xf32, #tpu.memory_space<vmem>>) target_semaphore(%run_scoped3A : memref<!tpu.dma_semaphore, #tpu.memory_space<semaphore_mem>>)
        %dma_wait3A = arith.constant 0 : i32
        %dma_wait3A_56 = tpu.memref_slice %arg8[%add3A_42, %dma_wait3A] : memref<10240x128xf32, #tpu.memory_space<vmem_shared>> -> memref<128x128xf32, #tpu.memory_space<vmem_shared>>
        %dma_wait3A_57 = arith.constant 0 : i32
        %dma_wait3A_58 = tpu.memref_slice %arg8[%add3A_42, %dma_wait3A_57] : memref<10240x128xf32, #tpu.memory_space<vmem_shared>> -> memref<128x128xf32, #tpu.memory_space<vmem_shared>>
        tpu.wait_dma2 semaphore(%run_scoped3A : memref<!tpu.dma_semaphore, #tpu.memory_space<semaphore_mem>>) src(%dma_wait3A_58 : memref<128x128xf32, #tpu.memory_space<vmem_shared>>) dst(%arg12 : memref<128x128xf32, #tpu.memory_space<vmem>>)
        tpu.yield
      }) : () -> ()
      %add3A_43 = arith.constant 256 : i32
      %add3A_44 = arith.addi %mul3A_0, %add3A_43 : i32
      "tpu.region"() ({
        %run_scoped3A = tpu.sem_alloc : memref<!tpu.dma_semaphore, #tpu.memory_space<semaphore_mem>>
        %dma_start3A = arith.constant 0 : i32
        %dma_start3A_53 = tpu.memref_slice %arg7[%add3A_44, %dma_start3A] : memref<10240x128xf32, #tpu.memory_space<hbm>> -> memref<128x128xf32, #tpu.memory_space<hbm>>
        %dma_start3A_54 = arith.constant 0 : i32
        %dma_start3A_55 = tpu.memref_slice %arg7[%add3A_44, %dma_start3A_54] : memref<10240x128xf32, #tpu.memory_space<hbm>> -> memref<128x128xf32, #tpu.memory_space<hbm>>
        tpu.enqueue_dma source(%arg12 : memref<128x128xf32, #tpu.memory_space<vmem>>) target(%dma_start3A_55 : memref<128x128xf32, #tpu.memory_space<hbm>>) target_semaphore(%run_scoped3A : memref<!tpu.dma_semaphore, #tpu.memory_space<semaphore_mem>>)
        %dma_wait3A = arith.constant 0 : i32
        %dma_wait3A_56 = tpu.memref_slice %arg7[%add3A_44, %dma_wait3A] : memref<10240x128xf32, #tpu.memory_space<hbm>> -> memref<128x128xf32, #tpu.memory_space<hbm>>
        %dma_wait3A_57 = arith.constant 0 : i32
        %dma_wait3A_58 = tpu.memref_slice %arg7[%add3A_44, %dma_wait3A_57] : memref<10240x128xf32, #tpu.memory_space<hbm>> -> memref<128x128xf32, #tpu.memory_space<hbm>>
        tpu.wait_dma2 semaphore(%run_scoped3A : memref<!tpu.dma_semaphore, #tpu.memory_space<semaphore_mem>>) src(%arg12 : memref<128x128xf32, #tpu.memory_space<vmem>>) dst(%dma_wait3A_58 : memref<128x128xf32, #tpu.memory_space<hbm>>)
        tpu.yield
      }) : () -> ()
      %add3A_45 = arith.constant 384 : i32
      %add3A_46 = arith.addi %mul3A_0, %add3A_45 : i32
      "tpu.region"() ({
        %run_scoped3A = tpu.sem_alloc : memref<!tpu.dma_semaphore, #tpu.memory_space<semaphore_mem>>
        %dma_start3A = arith.constant 0 : i32
        %dma_start3A_53 = tpu.memref_slice %arg8[%add3A_46, %dma_start3A] : memref<10240x128xf32, #tpu.memory_space<vmem_shared>> -> memref<128x128xf32, #tpu.memory_space<vmem_shared>>
        %dma_start3A_54 = arith.constant 0 : i32
        %dma_start3A_55 = tpu.memref_slice %arg8[%add3A_46, %dma_start3A_54] : memref<10240x128xf32, #tpu.memory_space<vmem_shared>> -> memref<128x128xf32, #tpu.memory_space<vmem_shared>>
        tpu.enqueue_dma source(%dma_start3A_55 : memref<128x128xf32, #tpu.memory_space<vmem_shared>>) target(%arg12 : memref<128x128xf32, #tpu.memory_space<vmem>>) target_semaphore(%run_scoped3A : memref<!tpu.dma_semaphore, #tpu.memory_space<semaphore_mem>>)
        %dma_wait3A = arith.constant 0 : i32
        %dma_wait3A_56 = tpu.memref_slice %arg8[%add3A_46, %dma_wait3A] : memref<10240x128xf32, #tpu.memory_space<vmem_shared>> -> memref<128x128xf32, #tpu.memory_space<vmem_shared>>
        %dma_wait3A_57 = arith.constant 0 : i32
        %dma_wait3A_58 = tpu.memref_slice %arg8[%add3A_46, %dma_wait3A_57] : memref<10240x128xf32, #tpu.memory_space<vmem_shared>> -> memref<128x128xf32, #tpu.memory_space<vmem_shared>>
        tpu.wait_dma2 semaphore(%run_scoped3A : memref<!tpu.dma_semaphore, #tpu.memory_space<semaphore_mem>>) src(%dma_wait3A_58 : memref<128x128xf32, #tpu.memory_space<vmem_shared>>) dst(%arg12 : memref<128x128xf32, #tpu.memory_space<vmem>>)
        tpu.yield
      }) : () -> ()
      %add3A_47 = arith.constant 384 : i32
      %add3A_48 = arith.addi %mul3A_0, %add3A_47 : i32
      "tpu.region"() ({
        %run_scoped3A = tpu.sem_alloc : memref<!tpu.dma_semaphore, #tpu.memory_space<semaphore_mem>>
        %dma_start3A = arith.constant 0 : i32
        %dma_start3A_53 = tpu.memref_slice %arg7[%add3A_48, %dma_start3A] : memref<10240x128xf32, #tpu.memory_space<hbm>> -> memref<128x128xf32, #tpu.memory_space<hbm>>
        %dma_start3A_54 = arith.constant 0 : i32
        %dma_start3A_55 = tpu.memref_slice %arg7[%add3A_48, %dma_start3A_54] : memref<10240x128xf32, #tpu.memory_space<hbm>> -> memref<128x128xf32, #tpu.memory_space<hbm>>
        tpu.enqueue_dma source(%arg12 : memref<128x128xf32, #tpu.memory_space<vmem>>) target(%dma_start3A_55 : memref<128x128xf32, #tpu.memory_space<hbm>>) target_semaphore(%run_scoped3A : memref<!tpu.dma_semaphore, #tpu.memory_space<semaphore_mem>>)
        %dma_wait3A = arith.constant 0 : i32
        %dma_wait3A_56 = tpu.memref_slice %arg7[%add3A_48, %dma_wait3A] : memref<10240x128xf32, #tpu.memory_space<hbm>> -> memref<128x128xf32, #tpu.memory_space<hbm>>
        %dma_wait3A_57 = arith.constant 0 : i32
        %dma_wait3A_58 = tpu.memref_slice %arg7[%add3A_48, %dma_wait3A_57] : memref<10240x128xf32, #tpu.memory_space<hbm>> -> memref<128x128xf32, #tpu.memory_space<hbm>>
        tpu.wait_dma2 semaphore(%run_scoped3A : memref<!tpu.dma_semaphore, #tpu.memory_space<semaphore_mem>>) src(%arg12 : memref<128x128xf32, #tpu.memory_space<vmem>>) dst(%dma_wait3A_58 : memref<128x128xf32, #tpu.memory_space<hbm>>)
        tpu.yield
      }) : () -> ()
      %add3A_49 = arith.constant 512 : i32
      %add3A_50 = arith.addi %mul3A_0, %add3A_49 : i32
      "tpu.region"() ({
        %run_scoped3A = tpu.sem_alloc : memref<!tpu.dma_semaphore, #tpu.memory_space<semaphore_mem>>
        %dma_start3A = arith.constant 0 : i32
        %dma_start3A_53 = tpu.memref_slice %arg8[%add3A_50, %dma_start3A] : memref<10240x128xf32, #tpu.memory_space<vmem_shared>> -> memref<128x128xf32, #tpu.memory_space<vmem_shared>>
        %dma_start3A_54 = arith.constant 0 : i32
        %dma_start3A_55 = tpu.memref_slice %arg8[%add3A_50, %dma_start3A_54] : memref<10240x128xf32, #tpu.memory_space<vmem_shared>> -> memref<128x128xf32, #tpu.memory_space<vmem_shared>>
        tpu.enqueue_dma source(%dma_start3A_55 : memref<128x128xf32, #tpu.memory_space<vmem_shared>>) target(%arg12 : memref<128x128xf32, #tpu.memory_space<vmem>>) target_semaphore(%run_scoped3A : memref<!tpu.dma_semaphore, #tpu.memory_space<semaphore_mem>>)
        %dma_wait3A = arith.constant 0 : i32
        %dma_wait3A_56 = tpu.memref_slice %arg8[%add3A_50, %dma_wait3A] : memref<10240x128xf32, #tpu.memory_space<vmem_shared>> -> memref<128x128xf32, #tpu.memory_space<vmem_shared>>
        %dma_wait3A_57 = arith.constant 0 : i32
        %dma_wait3A_58 = tpu.memref_slice %arg8[%add3A_50, %dma_wait3A_57] : memref<10240x128xf32, #tpu.memory_space<vmem_shared>> -> memref<128x128xf32, #tpu.memory_space<vmem_shared>>
        tpu.wait_dma2 semaphore(%run_scoped3A : memref<!tpu.dma_semaphore, #tpu.memory_space<semaphore_mem>>) src(%dma_wait3A_58 : memref<128x128xf32, #tpu.memory_space<vmem_shared>>) dst(%arg12 : memref<128x128xf32, #tpu.memory_space<vmem>>)
        tpu.yield
      }) : () -> ()
      %add3A_51 = arith.constant 512 : i32
      %add3A_52 = arith.addi %mul3A_0, %add3A_51 : i32
      "tpu.region"() ({
        %run_scoped3A = tpu.sem_alloc : memref<!tpu.dma_semaphore, #tpu.memory_space<semaphore_mem>>
        %dma_start3A = arith.constant 0 : i32
        %dma_start3A_53 = tpu.memref_slice %arg7[%add3A_52, %dma_start3A] : memref<10240x128xf32, #tpu.memory_space<hbm>> -> memref<128x128xf32, #tpu.memory_space<hbm>>
        %dma_start3A_54 = arith.constant 0 : i32
        %dma_start3A_55 = tpu.memref_slice %arg7[%add3A_52, %dma_start3A_54] : memref<10240x128xf32, #tpu.memory_space<hbm>> -> memref<128x128xf32, #tpu.memory_space<hbm>>
        tpu.enqueue_dma source(%arg12 : memref<128x128xf32, #tpu.memory_space<vmem>>) target(%dma_start3A_55 : memref<128x128xf32, #tpu.memory_space<hbm>>) target_semaphore(%run_scoped3A : memref<!tpu.dma_semaphore, #tpu.memory_space<semaphore_mem>>)
        %dma_wait3A = arith.constant 0 : i32
        %dma_wait3A_56 = tpu.memref_slice %arg7[%add3A_52, %dma_wait3A] : memref<10240x128xf32, #tpu.memory_space<hbm>> -> memref<128x128xf32, #tpu.memory_space<hbm>>
        %dma_wait3A_57 = arith.constant 0 : i32
        %dma_wait3A_58 = tpu.memref_slice %arg7[%add3A_52, %dma_wait3A_57] : memref<10240x128xf32, #tpu.memory_space<hbm>> -> memref<128x128xf32, #tpu.memory_space<hbm>>
        tpu.wait_dma2 semaphore(%run_scoped3A : memref<!tpu.dma_semaphore, #tpu.memory_space<semaphore_mem>>) src(%arg12 : memref<128x128xf32, #tpu.memory_space<vmem>>) dst(%dma_wait3A_58 : memref<128x128xf32, #tpu.memory_space<hbm>>)
        tpu.yield
      }) : () -> ()
    } else {
    }
    return
  }
}

module attributes {stable_mosaic.version = 14 : i64} {
  func.func @_tc_scale_kernel(%arg0: i32, %arg1: memref<1000x128xf32, #tpu.memory_space<vmem>>, %arg2: memref<1000x128xf32, #tpu.memory_space<vmem>>, %arg3: memref<1000x128xf32, #tpu.memory_space<vmem>>) attributes {dimension_semantics = [#tpu.dimension_semantics<arbitrary>], iteration_bounds = array<i64: 10>, scalar_prefetch = 0 : i64, scratch_operands = 0 : i64, tpu.core_type = #tpu.core_type<tc>, window_params = [{transform_indices = @transform_0, window_bounds = array<i64: 1000, 128>}, {transform_indices = @transform_1, window_bounds = array<i64: 1000, 128>}, {transform_indices = @transform_2, window_bounds = array<i64: 1000, 128>}]} {
    %get3A = arith.constant 0 : index
    %get3A_0 = arith.constant 0 : index
    %get3A_1 = vector.load %arg1[%get3A, %get3A_0] : memref<1000x128xf32, #tpu.memory_space<vmem>>, vector<1000x128xf32>
    %get3A_2 = arith.constant 0 : index
    %get3A_3 = arith.constant 0 : index
    %get3A_4 = vector.load %arg2[%get3A_2, %get3A_3] : memref<1000x128xf32, #tpu.memory_space<vmem>>, vector<1000x128xf32>
    %slice3A = vector.extract_strided_slice %get3A_4 {offsets = [0, 0], sizes = [1000, 1], strides = [1, 1]} : vector<1000x128xf32> to vector<1000x1xf32>
    %max3A = arith.constant 1.000000e+00 : f32
    %max3A_5 = vector.broadcast %max3A : f32 to vector<1000x1xf32>
    %max3A_6 = arith.maximumf %slice3A, %max3A_5 : vector<1000x1xf32>
    %rsqrt3A = math.rsqrt %max3A_6 : vector<1000x1xf32>
    %mul3A = vector.broadcast %rsqrt3A : vector<1000x1xf32> to vector<1000x128xf32>
    %mul3A_7 = arith.mulf %get3A_1, %mul3A : vector<1000x128xf32>
    %swap3A = arith.constant 0 : index
    %swap3A_8 = arith.constant 0 : index
    %swap3A_9 = vector.load %arg3[%swap3A, %swap3A_8] : memref<1000x128xf32, #tpu.memory_space<vmem>>, vector<1000x128xf32>
    tpu.vector_store %arg3[%swap3A, %swap3A_8], %mul3A_7 {strides = array<i32>} : memref<1000x128xf32, #tpu.memory_space<vmem>>, vector<1000x128xf32>,
    return
  }
  func.func @transform_0(%arg0: i32) -> (i32, i32) {
    %c0_i32 = arith.constant 0 : i32
    %c0_i32_0 = arith.constant 0 : i32
    return %arg0, %c0_i32 : i32, i32
  }
  func.func @transform_1(%arg0: i32) -> (i32, i32) {
    %c0_i32 = arith.constant 0 : i32
    %c0_i32_0 = arith.constant 0 : i32
    return %arg0, %c0_i32 : i32, i32
  }
  func.func @transform_2(%arg0: i32) -> (i32, i32) {
    %c0_i32 = arith.constant 0 : i32
    %c0_i32_0 = arith.constant 0 : i32
    return %arg0, %c0_i32 : i32, i32
  }
}

module attributes {stable_mosaic.version = 14 : i64} {
  func.func @_tc_encode_kernel(%arg0: i32, %arg1: memref<1000x128xf32, #tpu.memory_space<vmem>>, %arg2: memref<1000x128xf32, #tpu.memory_space<vmem>>, %arg3: memref<1000x128xf32, #tpu.memory_space<vmem>>, %arg4: memref<1000x128xf32, #tpu.memory_space<vmem>>, %arg5: memref<1000x16xf32, #tpu.memory_space<vmem>>, %arg6: memref<128x256xf32, #tpu.memory_space<vmem>>, %arg7: memref<1x256xf32, #tpu.memory_space<vmem>>, %arg8: memref<272x272xf32, #tpu.memory_space<vmem>>, %arg9: memref<1x272xf32, #tpu.memory_space<vmem>>, %arg10: memref<272x256xf32, #tpu.memory_space<vmem>>, %arg11: memref<1000x272xf32, #tpu.memory_space<vmem>>, %arg12: memref<1000x128xf32, #tpu.memory_space<vmem>>, %arg13: memref<1000x128xf32, #tpu.memory_space<vmem>>) attributes {dimension_semantics = [#tpu.dimension_semantics<arbitrary>], iteration_bounds = array<i64: 10>, scalar_prefetch = 0 : i64, scratch_operands = 0 : i64, tpu.core_type = #tpu.core_type<tc>, window_params = [{transform_indices = @transform_0, window_bounds = array<i64: 1000, 128>}, {transform_indices = @transform_1, window_bounds = array<i64: 1000, 128>}, {transform_indices = @transform_2, window_bounds = array<i64: 1000, 128>}, {transform_indices = @transform_3, window_bounds = array<i64: 1000, 128>}, {transform_indices = @transform_4, window_bounds = array<i64: 1000, 16>}, {pipeline_mode = #tpu.pipeline_mode<synchronous>, transform_indices = @transform_5, window_bounds = array<i64: 128, 256>}, {pipeline_mode = #tpu.pipeline_mode<synchronous>, transform_indices = @transform_6, window_bounds = array<i64: 1, 256>}, {pipeline_mode = #tpu.pipeline_mode<synchronous>, transform_indices = @transform_7, window_bounds = array<i64: 272, 272>}, {pipeline_mode = #tpu.pipeline_mode<synchronous>, transform_indices = @transform_8, window_bounds = array<i64: 1, 272>}, {pipeline_mode = #tpu.pipeline_mode<synchronous>, transform_indices = @transform_9, window_bounds = array<i64: 272, 256>}, {transform_indices = @transform_10, window_bounds = array<i64: 1000, 272>}, {transform_indices = @transform_11, window_bounds = array<i64: 1000, 128>}, {transform_indices = @transform_12, window_bounds = array<i64: 1000, 128>}]} {
    %get3A = arith.constant 0 : index
    %get3A_0 = arith.constant 0 : index
    %get3A_1 = vector.load %arg3[%get3A, %get3A_0] : memref<1000x128xf32, #tpu.memory_space<vmem>>, vector<1000x128xf32>
    %slice3A = vector.extract_strided_slice %get3A_1 {offsets = [0, 0], sizes = [1000, 1], strides = [1, 1]} : vector<1000x128xf32> to vector<1000x1xf32>
    %max3A = arith.constant 1.000000e+00 : f32
    %max3A_2 = vector.broadcast %max3A : f32 to vector<1000x1xf32>
    %max3A_3 = arith.maximumf %slice3A, %max3A_2 : vector<1000x1xf32>
    %rsqrt3A = math.rsqrt %max3A_3 : vector<1000x1xf32>
    %get3A_4 = arith.constant 0 : index
    %get3A_5 = arith.constant 0 : index
    %get3A_6 = vector.load %arg4[%get3A_4, %get3A_5] : memref<1000x128xf32, #tpu.memory_space<vmem>>, vector<1000x128xf32>
    %slice3A_7 = vector.extract_strided_slice %get3A_6 {offsets = [0, 0], sizes = [1000, 1], strides = [1, 1]} : vector<1000x128xf32> to vector<1000x1xf32>
    %max3A_8 = arith.constant 1.000000e+00 : f32
    %max3A_9 = vector.broadcast %max3A_8 : f32 to vector<1000x1xf32>
    %max3A_10 = arith.maximumf %slice3A_7, %max3A_9 : vector<1000x1xf32>
    %rsqrt3A_11 = math.rsqrt %max3A_10 : vector<1000x1xf32>
    %get3A_12 = arith.constant 0 : index
    %get3A_13 = arith.constant 0 : index
    %get3A_14 = vector.load %arg1[%get3A_12, %get3A_13] : memref<1000x128xf32, #tpu.memory_space<vmem>>, vector<1000x128xf32>
    %get3A_15 = arith.constant 0 : index
    %get3A_16 = arith.constant 0 : index
    %get3A_17 = vector.load %arg2[%get3A_15, %get3A_16] : memref<1000x128xf32, #tpu.memory_space<vmem>>, vector<1000x128xf32>
    %add3A = arith.addf %get3A_14, %get3A_17 : vector<1000x128xf32>
    %mul3A = vector.broadcast %rsqrt3A : vector<1000x1xf32> to vector<1000x128xf32>
    %mul3A_18 = arith.mulf %add3A, %mul3A : vector<1000x128xf32>
    %get3A_19 = arith.constant 0 : index
    %get3A_20 = arith.constant 0 : index
    %get3A_21 = vector.load %arg6[%get3A_19, %get3A_20] : memref<128x256xf32, #tpu.memory_space<vmem>>, vector<128x256xf32>
    %dot_general3A = arith.constant dense<0.000000e+00> : vector<1000x256xf32>
    %dot_general3A_22 = tpu.matmul %mul3A_18, %get3A_21, %dot_general3A {dimension_numbers = #tpu.dot_dimension_numbers<[1], [0], [0], [1], [0, 0, 1, 1], [], []>, transpose_lhs_hint = false} : vector<1000x128xf32>, vector<128x256xf32>, vector<1000x256xf32> -> vector<1000x256xf32>
    %get3A_23 = arith.constant 0 : index
    %get3A_24 = arith.constant 0 : index
    %get3A_25 = vector.load %arg7[%get3A_23, %get3A_24] : memref<1x256xf32, #tpu.memory_space<vmem>>, vector<1x256xf32>
    %add3A_26 = vector.broadcast %get3A_25 : vector<1x256xf32> to vector<1000x256xf32>
    %add3A_27 = arith.addf %dot_general3A_22, %add3A_26 : vector<1000x256xf32>
    %max3A_28 = arith.constant 0.000000e+00 : f32
    %max3A_29 = vector.broadcast %max3A_28 : f32 to vector<1000x256xf32>
    %max3A_30 = arith.maximumf %add3A_27, %max3A_29 : vector<1000x256xf32>
    %get3A_31 = arith.constant 0 : index
    %get3A_32 = arith.constant 0 : index
    %get3A_33 = vector.load %arg5[%get3A_31, %get3A_32] : memref<1000x16xf32, #tpu.memory_space<vmem>>, vector<1000x16xf32>
    %concatenate3A = tpu.concatenate %max3A_30, %get3A_33 in 1 : vector<1000x256xf32>, vector<1000x16xf32> -> vector<1000x272xf32>
    %get3A_34 = arith.constant 0 : index
    %get3A_35 = arith.constant 0 : index
    %get3A_36 = vector.load %arg8[%get3A_34, %get3A_35] : memref<272x272xf32, #tpu.memory_space<vmem>>, vector<272x272xf32>
    %dot_general3A_37 = arith.constant dense<0.000000e+00> : vector<1000x272xf32>
    %dot_general3A_38 = tpu.matmul %concatenate3A, %get3A_36, %dot_general3A_37 {dimension_numbers = #tpu.dot_dimension_numbers<[1], [0], [0], [1], [0, 0, 1, 1], [], []>, transpose_lhs_hint = false} : vector<1000x272xf32>, vector<272x272xf32>, vector<1000x272xf32> -> vector<1000x272xf32>
    %get3A_39 = arith.constant 0 : index
    %get3A_40 = arith.constant 0 : index
    %get3A_41 = vector.load %arg9[%get3A_39, %get3A_40] : memref<1x272xf32, #tpu.memory_space<vmem>>, vector<1x272xf32>
    %add3A_42 = vector.broadcast %get3A_41 : vector<1x272xf32> to vector<1000x272xf32>
    %add3A_43 = arith.addf %dot_general3A_38, %add3A_42 : vector<1000x272xf32>
    %max3A_44 = arith.constant 0.000000e+00 : f32
    %max3A_45 = vector.broadcast %max3A_44 : f32 to vector<1000x272xf32>
    %max3A_46 = arith.maximumf %add3A_43, %max3A_45 : vector<1000x272xf32>
    %get3A_47 = arith.constant 0 : index
    %get3A_48 = arith.constant 0 : index
    %get3A_49 = vector.load %arg10[%get3A_47, %get3A_48] : memref<272x256xf32, #tpu.memory_space<vmem>>, vector<272x256xf32>
    %dot_general3A_50 = arith.constant dense<0.000000e+00> : vector<1000x256xf32>
    %dot_general3A_51 = tpu.matmul %max3A_46, %get3A_49, %dot_general3A_50 {dimension_numbers = #tpu.dot_dimension_numbers<[1], [0], [0], [1], [0, 0, 1, 1], [], []>, transpose_lhs_hint = false} : vector<1000x272xf32>, vector<272x256xf32>, vector<1000x256xf32> -> vector<1000x256xf32>
    %mul3A_52 = vector.broadcast %rsqrt3A_11 : vector<1000x1xf32> to vector<1000x256xf32>
    %mul3A_53 = arith.mulf %dot_general3A_51, %mul3A_52 : vector<1000x256xf32>
    %swap3A = arith.constant 0 : index
    %swap3A_54 = arith.constant 0 : index
    %swap3A_55 = vector.load %arg11[%swap3A, %swap3A_54] : memref<1000x272xf32, #tpu.memory_space<vmem>>, vector<1000x272xf32>
    tpu.vector_store %arg11[%swap3A, %swap3A_54], %max3A_46 {strides = array<i32>} : memref<1000x272xf32, #tpu.memory_space<vmem>>, vector<1000x272xf32>,
    %slice3A_56 = vector.extract_strided_slice %mul3A_53 {offsets = [0, 0], sizes = [1000, 128], strides = [1, 1]} : vector<1000x256xf32> to vector<1000x128xf32>
    %swap3A_57 = arith.constant 0 : index
    %swap3A_58 = arith.constant 0 : index
    %swap3A_59 = vector.load %arg12[%swap3A_57, %swap3A_58] : memref<1000x128xf32, #tpu.memory_space<vmem>>, vector<1000x128xf32>
    tpu.vector_store %arg12[%swap3A_57, %swap3A_58], %slice3A_56 {strides = array<i32>} : memref<1000x128xf32, #tpu.memory_space<vmem>>, vector<1000x128xf32>,
    %slice3A_60 = vector.extract_strided_slice %mul3A_53 {offsets = [0, 128], sizes = [1000, 128], strides = [1, 1]} : vector<1000x256xf32> to vector<1000x128xf32>
    %swap3A_61 = arith.constant 0 : index
    %swap3A_62 = arith.constant 0 : index
    %swap3A_63 = vector.load %arg13[%swap3A_61, %swap3A_62] : memref<1000x128xf32, #tpu.memory_space<vmem>>, vector<1000x128xf32>
    tpu.vector_store %arg13[%swap3A_61, %swap3A_62], %slice3A_60 {strides = array<i32>} : memref<1000x128xf32, #tpu.memory_space<vmem>>, vector<1000x128xf32>,
    return
  }
  func.func @transform_0(%arg0: i32) -> (i32, i32) {
    %c0_i32 = arith.constant 0 : i32
    %c0_i32_0 = arith.constant 0 : i32
    return %arg0, %c0_i32 : i32, i32
  }
  func.func @transform_1(%arg0: i32) -> (i32, i32) {
    %c0_i32 = arith.constant 0 : i32
    %c0_i32_0 = arith.constant 0 : i32
    return %arg0, %c0_i32 : i32, i32
  }
  func.func @transform_2(%arg0: i32) -> (i32, i32) {
    %c0_i32 = arith.constant 0 : i32
    %c0_i32_0 = arith.constant 0 : i32
    return %arg0, %c0_i32 : i32, i32
  }
  func.func @transform_3(%arg0: i32) -> (i32, i32) {
    %c0_i32 = arith.constant 0 : i32
    %c0_i32_0 = arith.constant 0 : i32
    return %arg0, %c0_i32 : i32, i32
  }
  func.func @transform_4(%arg0: i32) -> (i32, i32) {
    %c0_i32 = arith.constant 0 : i32
    %c0_i32_0 = arith.constant 0 : i32
    return %arg0, %c0_i32 : i32, i32
  }
  func.func @transform_5(%arg0: i32) -> (i32, i32) {
    %c0_i32 = arith.constant 0 : i32
    %c0_i32_0 = arith.constant 0 : i32
    %c0_i32_1 = arith.constant 0 : i32
    return %c0_i32, %c0_i32_0 : i32, i32
  }
  func.func @transform_6(%arg0: i32) -> (i32, i32) {
    %c0_i32 = arith.constant 0 : i32
    %c0_i32_0 = arith.constant 0 : i32
    %c0_i32_1 = arith.constant 0 : i32
    return %c0_i32, %c0_i32_0 : i32, i32
  }
  func.func @transform_7(%arg0: i32) -> (i32, i32) {
    %c0_i32 = arith.constant 0 : i32
    %c0_i32_0 = arith.constant 0 : i32
    %c0_i32_1 = arith.constant 0 : i32
    return %c0_i32, %c0_i32_0 : i32, i32
  }
  func.func @transform_8(%arg0: i32) -> (i32, i32) {
    %c0_i32 = arith.constant 0 : i32
    %c0_i32_0 = arith.constant 0 : i32
    %c0_i32_1 = arith.constant 0 : i32
    return %c0_i32, %c0_i32_0 : i32, i32
  }
  func.func @transform_9(%arg0: i32) -> (i32, i32) {
    %c0_i32 = arith.constant 0 : i32
    %c0_i32_0 = arith.constant 0 : i32
    %c0_i32_1 = arith.constant 0 : i32
    return %c0_i32, %c0_i32_0 : i32, i32
  }
  func.func @transform_10(%arg0: i32) -> (i32, i32) {
    %c0_i32 = arith.constant 0 : i32
    %c0_i32_0 = arith.constant 0 : i32
    return %arg0, %c0_i32 : i32, i32
  }
  func.func @transform_11(%arg0: i32) -> (i32, i32) {
    %c0_i32 = arith.constant 0 : i32
    %c0_i32_0 = arith.constant 0 : i32
    return %arg0, %c0_i32 : i32, i32
  }
  func.func @transform_12(%arg0: i32) -> (i32, i32) {
    %c0_i32 = arith.constant 0 : i32
    %c0_i32_0 = arith.constant 0 : i32
    return %arg0, %c0_i32 : i32, i32
  }
}

module attributes {stable_mosaic.version = 14 : i64} {
  func.func @_tc_decode_kernel(%arg0: i32, %arg1: memref<1000x128xf32, #tpu.memory_space<vmem>>, %arg2: memref<1000x128xf32, #tpu.memory_space<vmem>>, %arg3: memref<1000x128xf32, #tpu.memory_space<vmem>>, %arg4: memref<1x128xf32, #tpu.memory_space<vmem>>, %arg5: memref<1x128xf32, #tpu.memory_space<vmem>>, %arg6: memref<1000x128xf32, #tpu.memory_space<vmem>>, %arg7: memref<1000x128xf32, #tpu.memory_space<vmem>>, %arg8: memref<1000x16xf32, #tpu.memory_space<vmem>>, %arg9: memref<144x256xf32, #tpu.memory_space<vmem>>, %arg10: memref<1x256xf32, #tpu.memory_space<vmem>>, %arg11: memref<1000x128xf32, #tpu.memory_space<vmem>>, %arg12: memref<1000x128xf32, #tpu.memory_space<vmem>>, %arg13: memref<1000x128xf32, #tpu.memory_space<vmem>>, %arg14: memref<1000x128xf32, #tpu.memory_space<vmem>>, %arg15: memref<1000x256xf32, #tpu.memory_space<vmem>>, %arg16: memref<1000x256xf32, #tpu.memory_space<vmem>>, %arg17: memref<1000x1xf32, #tpu.memory_space<vmem>>, %arg18: memref<1000x144xf32, #tpu.memory_space<vmem>>) attributes {dimension_semantics = [#tpu.dimension_semantics<arbitrary>], iteration_bounds = array<i64: 10>, scalar_prefetch = 0 : i64, scratch_operands = 0 : i64, tpu.core_type = #tpu.core_type<tc>, window_params = [{transform_indices = @transform_0, window_bounds = array<i64: 1000, 128>}, {transform_indices = @transform_1, window_bounds = array<i64: 1000, 128>}, {transform_indices = @transform_2, window_bounds = array<i64: 1000, 128>}, {pipeline_mode = #tpu.pipeline_mode<synchronous>, transform_indices = @transform_3, window_bounds = array<i64: 1, 128>}, {pipeline_mode = #tpu.pipeline_mode<synchronous>, transform_indices = @transform_4, window_bounds = array<i64: 1, 128>}, {transform_indices = @transform_5, window_bounds = array<i64: 1000, 128>}, {transform_indices = @transform_6, window_bounds = array<i64: 1000, 128>}, {transform_indices = @transform_7, window_bounds = array<i64: 1000, 16>}, {pipeline_mode = #tpu.pipeline_mode<synchronous>, transform_indices = @transform_8, window_bounds = array<i64: 144, 256>}, {pipeline_mode = #tpu.pipeline_mode<synchronous>, transform_indices = @transform_9, window_bounds = array<i64: 1, 256>}, {transform_indices = @transform_10, window_bounds = array<i64: 1000, 128>}, {transform_indices = @transform_11, window_bounds = array<i64: 1000, 128>}, {transform_indices = @transform_12, window_bounds = array<i64: 1000, 128>}, {transform_indices = @transform_13, window_bounds = array<i64: 1000, 128>}, {transform_indices = @transform_14, window_bounds = array<i64: 1000, 256>}, {transform_indices = @transform_15, window_bounds = array<i64: 1000, 256>}, {transform_indices = @transform_16, window_bounds = array<i64: 1000, 1>}, {transform_indices = @transform_17, window_bounds = array<i64: 1000, 144>}]} {
    %get3A = arith.constant 0 : index
    %get3A_0 = arith.constant 0 : index
    %get3A_1 = vector.load %arg3[%get3A, %get3A_0] : memref<1000x128xf32, #tpu.memory_space<vmem>>, vector<1000x128xf32>
    %slice3A = vector.extract_strided_slice %get3A_1 {offsets = [0, 0], sizes = [1000, 1], strides = [1, 1]} : vector<1000x128xf32> to vector<1000x1xf32>
    %max3A = arith.constant 1.000000e+00 : f32
    %max3A_2 = vector.broadcast %max3A : f32 to vector<1000x1xf32>
    %max3A_3 = arith.maximumf %slice3A, %max3A_2 : vector<1000x1xf32>
    %rsqrt3A = math.rsqrt %max3A_3 : vector<1000x1xf32>
    %get3A_4 = arith.constant 0 : index
    %get3A_5 = arith.constant 0 : index
    %get3A_6 = vector.load %arg1[%get3A_4, %get3A_5] : memref<1000x128xf32, #tpu.memory_space<vmem>>, vector<1000x128xf32>
    %mul3A = vector.broadcast %rsqrt3A : vector<1000x1xf32> to vector<1000x128xf32>
    %mul3A_7 = arith.mulf %get3A_6, %mul3A : vector<1000x128xf32>
    %get3A_8 = arith.constant 0 : index
    %get3A_9 = arith.constant 0 : index
    %get3A_10 = vector.load %arg4[%get3A_8, %get3A_9] : memref<1x128xf32, #tpu.memory_space<vmem>>, vector<1x128xf32>
    %add3A = vector.broadcast %get3A_10 : vector<1x128xf32> to vector<1000x128xf32>
    %add3A_11 = arith.addf %mul3A_7, %add3A : vector<1000x128xf32>
    %mul3A_12 = arith.mulf %add3A_11, %add3A_11 : vector<1000x128xf32>
    %reduce_sum3A = arith.constant dense<0.000000e+00> : vector<1000xf32>
    %reduce_sum3A_13 = vector.multi_reduction <add>, %mul3A_12, %reduce_sum3A [1] : vector<1000x128xf32> to vector<1000xf32>
    %broadcast_in_dim3A = vector.shape_cast %reduce_sum3A_13 : vector<1000xf32> to vector<1000x1xf32>
    %sqrt3A = math.sqrt %broadcast_in_dim3A : vector<1000x1xf32>
    %max3A_14 = arith.constant 9.99999996E-13 : f32
    %max3A_15 = vector.broadcast %max3A_14 : f32 to vector<1000x1xf32>
    %max3A_16 = arith.maximumf %sqrt3A, %max3A_15 : vector<1000x1xf32>
    %div3A = vector.broadcast %max3A_16 : vector<1000x1xf32> to vector<1000x128xf32>
    %div3A_17 = arith.divf %add3A_11, %div3A : vector<1000x128xf32>
    %get3A_18 = arith.constant 0 : index
    %get3A_19 = arith.constant 0 : index
    %get3A_20 = vector.load %arg2[%get3A_18, %get3A_19] : memref<1000x128xf32, #tpu.memory_space<vmem>>, vector<1000x128xf32>
    %mul3A_21 = vector.broadcast %rsqrt3A : vector<1000x1xf32> to vector<1000x128xf32>
    %mul3A_22 = arith.mulf %get3A_20, %mul3A_21 : vector<1000x128xf32>
    %get3A_23 = arith.constant 0 : index
    %get3A_24 = arith.constant 0 : index
    %get3A_25 = vector.load %arg5[%get3A_23, %get3A_24] : memref<1x128xf32, #tpu.memory_space<vmem>>, vector<1x128xf32>
    %add3A_26 = vector.broadcast %get3A_25 : vector<1x128xf32> to vector<1000x128xf32>
    %add3A_27 = arith.addf %mul3A_22, %add3A_26 : vector<1000x128xf32>
    %mul3A_28 = arith.mulf %add3A_27, %add3A_27 : vector<1000x128xf32>
    %reduce_sum3A_29 = arith.constant dense<0.000000e+00> : vector<1000xf32>
    %reduce_sum3A_30 = vector.multi_reduction <add>, %mul3A_28, %reduce_sum3A_29 [1] : vector<1000x128xf32> to vector<1000xf32>
    %broadcast_in_dim3A_31 = vector.shape_cast %reduce_sum3A_30 : vector<1000xf32> to vector<1000x1xf32>
    %sqrt3A_32 = math.sqrt %broadcast_in_dim3A_31 : vector<1000x1xf32>
    %max3A_33 = arith.constant 9.99999996E-13 : f32
    %max3A_34 = vector.broadcast %max3A_33 : f32 to vector<1000x1xf32>
    %max3A_35 = arith.maximumf %sqrt3A_32, %max3A_34 : vector<1000x1xf32>
    %div3A_36 = vector.broadcast %max3A_35 : vector<1000x1xf32> to vector<1000x128xf32>
    %div3A_37 = arith.divf %add3A_27, %div3A_36 : vector<1000x128xf32>
    %exp3A = math.exp %div3A_37 : vector<1000x128xf32>
    %get3A_38 = arith.constant 0 : index
    %get3A_39 = arith.constant 0 : index
    %get3A_40 = vector.load %arg6[%get3A_38, %get3A_39] : memref<1000x128xf32, #tpu.memory_space<vmem>>, vector<1000x128xf32>
    %mul3A_41 = arith.mulf %get3A_40, %exp3A : vector<1000x128xf32>
    %add3A_42 = arith.addf %div3A_17, %mul3A_41 : vector<1000x128xf32>
    %get3A_43 = arith.constant 0 : index
    %get3A_44 = arith.constant 0 : index
    %get3A_45 = vector.load %arg7[%get3A_43, %get3A_44] : memref<1000x128xf32, #tpu.memory_space<vmem>>, vector<1000x128xf32>
    %mul3A_46 = arith.mulf %get3A_45, %exp3A : vector<1000x128xf32>
    %add3A_47 = arith.addf %div3A_17, %mul3A_46 : vector<1000x128xf32>
    %get3A_48 = arith.constant 0 : index
    %get3A_49 = arith.constant 0 : index
    %get3A_50 = vector.load %arg8[%get3A_48, %get3A_49] : memref<1000x16xf32, #tpu.memory_space<vmem>>, vector<1000x16xf32>
    %concatenate3A = tpu.concatenate %add3A_42, %get3A_50 in 1 : vector<1000x128xf32>, vector<1000x16xf32> -> vector<1000x144xf32>
    %concatenate3A_51 = tpu.concatenate %add3A_47, %get3A_50 in 1 : vector<1000x128xf32>, vector<1000x16xf32> -> vector<1000x144xf32>
    %get3A_52 = arith.constant 0 : index
    %get3A_53 = arith.constant 0 : index
    %get3A_54 = vector.load %arg9[%get3A_52, %get3A_53] : memref<144x256xf32, #tpu.memory_space<vmem>>, vector<144x256xf32>
    %dot_general3A = arith.constant dense<0.000000e+00> : vector<1000x256xf32>
    %dot_general3A_55 = tpu.matmul %concatenate3A, %get3A_54, %dot_general3A {dimension_numbers = #tpu.dot_dimension_numbers<[1], [0], [0], [1], [0, 0, 1, 1], [], []>, transpose_lhs_hint = false} : vector<1000x144xf32>, vector<144x256xf32>, vector<1000x256xf32> -> vector<1000x256xf32>
    %get3A_56 = arith.constant 0 : index
    %get3A_57 = arith.constant 0 : index
    %get3A_58 = vector.load %arg10[%get3A_56, %get3A_57] : memref<1x256xf32, #tpu.memory_space<vmem>>, vector<1x256xf32>
    %add3A_59 = vector.broadcast %get3A_58 : vector<1x256xf32> to vector<1000x256xf32>
    %add3A_60 = arith.addf %dot_general3A_55, %add3A_59 : vector<1000x256xf32>
    %max3A_61 = arith.constant 0.000000e+00 : f32
    %max3A_62 = vector.broadcast %max3A_61 : f32 to vector<1000x256xf32>
    %max3A_63 = arith.maximumf %add3A_60, %max3A_62 : vector<1000x256xf32>
    %get3A_64 = arith.constant 0 : index
    %get3A_65 = arith.constant 0 : index
    %get3A_66 = vector.load %arg9[%get3A_64, %get3A_65] : memref<144x256xf32, #tpu.memory_space<vmem>>, vector<144x256xf32>
    %dot_general3A_67 = arith.constant dense<0.000000e+00> : vector<1000x256xf32>
    %dot_general3A_68 = tpu.matmul %concatenate3A_51, %get3A_66, %dot_general3A_67 {dimension_numbers = #tpu.dot_dimension_numbers<[1], [0], [0], [1], [0, 0, 1, 1], [], []>, transpose_lhs_hint = false} : vector<1000x144xf32>, vector<144x256xf32>, vector<1000x256xf32> -> vector<1000x256xf32>
    %get3A_69 = arith.constant 0 : index
    %get3A_70 = arith.constant 0 : index
    %get3A_71 = vector.load %arg10[%get3A_69, %get3A_70] : memref<1x256xf32, #tpu.memory_space<vmem>>, vector<1x256xf32>
    %add3A_72 = vector.broadcast %get3A_71 : vector<1x256xf32> to vector<1000x256xf32>
    %add3A_73 = arith.addf %dot_general3A_68, %add3A_72 : vector<1000x256xf32>
    %max3A_74 = arith.constant 0.000000e+00 : f32
    %max3A_75 = vector.broadcast %max3A_74 : f32 to vector<1000x256xf32>
    %max3A_76 = arith.maximumf %add3A_73, %max3A_75 : vector<1000x256xf32>
    %sub3A = arith.subf %add3A_42, %div3A_17 : vector<1000x128xf32>
    %mul3A_77 = arith.mulf %add3A_42, %add3A_42 : vector<1000x128xf32>
    %sub3A_78 = arith.subf %mul3A_77, %div3A_37 : vector<1000x128xf32>
    %mul3A_79 = arith.mulf %sub3A, %sub3A : vector<1000x128xf32>
    %div3A_80 = arith.divf %mul3A_79, %exp3A : vector<1000x128xf32>
    %sub3A_81 = arith.subf %sub3A_78, %div3A_80 : vector<1000x128xf32>
    %mul3A_82 = arith.constant 5.000000e-01 : f32
    %mul3A_83 = vector.broadcast %mul3A_82 : f32 to vector<1000x128xf32>
    %mul3A_84 = arith.mulf %mul3A_83, %sub3A_81 : vector<1000x128xf32>
    %reduce_sum3A_85 = arith.constant dense<0.000000e+00> : vector<1000xf32>
    %reduce_sum3A_86 = vector.multi_reduction <add>, %mul3A_84, %reduce_sum3A_85 [1] : vector<1000x128xf32> to vector<1000xf32>
    %broadcast_in_dim3A_87 = vector.shape_cast %reduce_sum3A_86 : vector<1000xf32> to vector<1000x1xf32>
    %swap3A = arith.constant 0 : index
    %swap3A_88 = arith.constant 0 : index
    %swap3A_89 = vector.load %arg11[%swap3A, %swap3A_88] : memref<1000x128xf32, #tpu.memory_space<vmem>>, vector<1000x128xf32>
    tpu.vector_store %arg11[%swap3A, %swap3A_88], %div3A_17 {strides = array<i32>} : memref<1000x128xf32, #tpu.memory_space<vmem>>, vector<1000x128xf32>,
    %swap3A_90 = arith.constant 0 : index
    %swap3A_91 = arith.constant 0 : index
    %swap3A_92 = vector.load %arg12[%swap3A_90, %swap3A_91] : memref<1000x128xf32, #tpu.memory_space<vmem>>, vector<1000x128xf32>
    tpu.vector_store %arg12[%swap3A_90, %swap3A_91], %div3A_37 {strides = array<i32>} : memref<1000x128xf32, #tpu.memory_space<vmem>>, vector<1000x128xf32>,
    %swap3A_93 = arith.constant 0 : index
    %swap3A_94 = arith.constant 0 : index
    %swap3A_95 = vector.load %arg13[%swap3A_93, %swap3A_94] : memref<1000x128xf32, #tpu.memory_space<vmem>>, vector<1000x128xf32>
    tpu.vector_store %arg13[%swap3A_93, %swap3A_94], %add3A_42 {strides = array<i32>} : memref<1000x128xf32, #tpu.memory_space<vmem>>, vector<1000x128xf32>,
    %swap3A_96 = arith.constant 0 : index
    %swap3A_97 = arith.constant 0 : index
    %swap3A_98 = vector.load %arg14[%swap3A_96, %swap3A_97] : memref<1000x128xf32, #tpu.memory_space<vmem>>, vector<1000x128xf32>
    tpu.vector_store %arg14[%swap3A_96, %swap3A_97], %add3A_47 {strides = array<i32>} : memref<1000x128xf32, #tpu.memory_space<vmem>>, vector<1000x128xf32>,
    %swap3A_99 = arith.constant 0 : index
    %swap3A_100 = arith.constant 0 : index
    %swap3A_101 = vector.load %arg15[%swap3A_99, %swap3A_100] : memref<1000x256xf32, #tpu.memory_space<vmem>>, vector<1000x256xf32>
    tpu.vector_store %arg15[%swap3A_99, %swap3A_100], %max3A_63 {strides = array<i32>} : memref<1000x256xf32, #tpu.memory_space<vmem>>, vector<1000x256xf32>,
    %swap3A_102 = arith.constant 0 : index
    %swap3A_103 = arith.constant 0 : index
    %swap3A_104 = vector.load %arg16[%swap3A_102, %swap3A_103] : memref<1000x256xf32, #tpu.memory_space<vmem>>, vector<1000x256xf32>
    tpu.vector_store %arg16[%swap3A_102, %swap3A_103], %max3A_76 {strides = array<i32>} : memref<1000x256xf32, #tpu.memory_space<vmem>>, vector<1000x256xf32>,
    %swap3A_105 = arith.constant 0 : index
    %swap3A_106 = arith.constant 0 : index
    %swap3A_107 = vector.load %arg17[%swap3A_105, %swap3A_106] : memref<1000x1xf32, #tpu.memory_space<vmem>>, vector<1000x1xf32>
    tpu.vector_store %arg17[%swap3A_105, %swap3A_106], %broadcast_in_dim3A_87 {strides = array<i32>} : memref<1000x1xf32, #tpu.memory_space<vmem>>, vector<1000x1xf32>,
    %swap3A_108 = arith.constant 0 : index
    %swap3A_109 = arith.constant 0 : index
    %swap3A_110 = vector.load %arg18[%swap3A_108, %swap3A_109] : memref<1000x144xf32, #tpu.memory_space<vmem>>, vector<1000x144xf32>
    tpu.vector_store %arg18[%swap3A_108, %swap3A_109], %concatenate3A {strides = array<i32>} : memref<1000x144xf32, #tpu.memory_space<vmem>>, vector<1000x144xf32>,
    return
  }
  func.func @transform_0(%arg0: i32) -> (i32, i32) {
    %c0_i32 = arith.constant 0 : i32
    %c0_i32_0 = arith.constant 0 : i32
    return %arg0, %c0_i32 : i32, i32
  }
  func.func @transform_1(%arg0: i32) -> (i32, i32) {
    %c0_i32 = arith.constant 0 : i32
    %c0_i32_0 = arith.constant 0 : i32
    return %arg0, %c0_i32 : i32, i32
  }
  func.func @transform_2(%arg0: i32) -> (i32, i32) {
    %c0_i32 = arith.constant 0 : i32
    %c0_i32_0 = arith.constant 0 : i32
    return %arg0, %c0_i32 : i32, i32
  }
  func.func @transform_3(%arg0: i32) -> (i32, i32) {
    %c0_i32 = arith.constant 0 : i32
    %c0_i32_0 = arith.constant 0 : i32
    %c0_i32_1 = arith.constant 0 : i32
    return %c0_i32, %c0_i32_0 : i32, i32
  }
  func.func @transform_4(%arg0: i32) -> (i32, i32) {
    %c0_i32 = arith.constant 0 : i32
    %c0_i32_0 = arith.constant 0 : i32
    %c0_i32_1 = arith.constant 0 : i32
    return %c0_i32, %c0_i32_0 : i32, i32
  }
  func.func @transform_5(%arg0: i32) -> (i32, i32) {
    %c0_i32 = arith.constant 0 : i32
    %c0_i32_0 = arith.constant 0 : i32
    return %arg0, %c0_i32 : i32, i32
  }
  func.func @transform_6(%arg0: i32) -> (i32, i32) {
    %c0_i32 = arith.constant 0 : i32
    %c0_i32_0 = arith.constant 0 : i32
    return %arg0, %c0_i32 : i32, i32
  }
  func.func @transform_7(%arg0: i32) -> (i32, i32) {
    %c0_i32 = arith.constant 0 : i32
    %c0_i32_0 = arith.constant 0 : i32
    return %arg0, %c0_i32 : i32, i32
  }
  func.func @transform_8(%arg0: i32) -> (i32, i32) {
    %c0_i32 = arith.constant 0 : i32
    %c0_i32_0 = arith.constant 0 : i32
    %c0_i32_1 = arith.constant 0 : i32
    return %c0_i32, %c0_i32_0 : i32, i32
  }
  func.func @transform_9(%arg0: i32) -> (i32, i32) {
    %c0_i32 = arith.constant 0 : i32
    %c0_i32_0 = arith.constant 0 : i32
    %c0_i32_1 = arith.constant 0 : i32
    return %c0_i32, %c0_i32_0 : i32, i32
  }
  func.func @transform_10(%arg0: i32) -> (i32, i32) {
    %c0_i32 = arith.constant 0 : i32
    %c0_i32_0 = arith.constant 0 : i32
    return %arg0, %c0_i32 : i32, i32
  }
  func.func @transform_11(%arg0: i32) -> (i32, i32) {
    %c0_i32 = arith.constant 0 : i32
    %c0_i32_0 = arith.constant 0 : i32
    return %arg0, %c0_i32 : i32, i32
  }
  func.func @transform_12(%arg0: i32) -> (i32, i32) {
    %c0_i32 = arith.constant 0 : i32
    %c0_i32_0 = arith.constant 0 : i32
    return %arg0, %c0_i32 : i32, i32
  }
  func.func @transform_13(%arg0: i32) -> (i32, i32) {
    %c0_i32 = arith.constant 0 : i32
    %c0_i32_0 = arith.constant 0 : i32
    return %arg0, %c0_i32 : i32, i32
  }
  func.func @transform_14(%arg0: i32) -> (i32, i32) {
    %c0_i32 = arith.constant 0 : i32
    %c0_i32_0 = arith.constant 0 : i32
    return %arg0, %c0_i32 : i32, i32
  }
  func.func @transform_15(%arg0: i32) -> (i32, i32) {
    %c0_i32 = arith.constant 0 : i32
    %c0_i32_0 = arith.constant 0 : i32
    return %arg0, %c0_i32 : i32, i32
  }
  func.func @transform_16(%arg0: i32) -> (i32, i32) {
    %c0_i32 = arith.constant 0 : i32
    %c0_i32_0 = arith.constant 0 : i32
    return %arg0, %c0_i32 : i32, i32
  }
  func.func @transform_17(%arg0: i32) -> (i32, i32) {
    %c0_i32 = arith.constant 0 : i32
    %c0_i32_0 = arith.constant 0 : i32
    return %arg0, %c0_i32 : i32, i32
  }
}

module attributes {stable_mosaic.version = 14 : i64} {
  func.func @_tc_adj_kernel(%arg0: i32, %arg1: i32, %arg2: memref<512x144xf32, #tpu.memory_space<vmem>>, %arg3: memref<144x1024xf32, #tpu.memory_space<vmem>>, %arg4: memref<512x1024xf32, #tpu.memory_space<vmem>>) attributes {dimension_semantics = [#tpu.dimension_semantics<arbitrary>, #tpu.dimension_semantics<arbitrary>], iteration_bounds = array<i64: 20, 10>, scalar_prefetch = 0 : i64, scratch_operands = 0 : i64, tpu.core_type = #tpu.core_type<tc>, window_params = [{transform_indices = @transform_0, window_bounds = array<i64: 512, 144>}, {transform_indices = @transform_1, window_bounds = array<i64: 144, 1024>}, {transform_indices = @transform_2, window_bounds = array<i64: 512, 1024>}]} {
    %get3A = arith.constant 0 : index
    %get3A_0 = arith.constant 0 : index
    %get3A_1 = vector.load %arg2[%get3A, %get3A_0] : memref<512x144xf32, #tpu.memory_space<vmem>>, vector<512x144xf32>
    %get3A_2 = arith.constant 0 : index
    %get3A_3 = arith.constant 0 : index
    %get3A_4 = vector.load %arg3[%get3A_2, %get3A_3] : memref<144x1024xf32, #tpu.memory_space<vmem>>, vector<144x1024xf32>
    %dot_general3A = arith.constant dense<0.000000e+00> : vector<512x1024xf32>
    %dot_general3A_5 = tpu.matmul %get3A_1, %get3A_4, %dot_general3A {dimension_numbers = #tpu.dot_dimension_numbers<[1], [0], [0], [1], [0, 0, 1, 1], [], []>, transpose_lhs_hint = false} : vector<512x144xf32>, vector<144x1024xf32>, vector<512x1024xf32> -> vector<512x1024xf32>
    %logistic3A = arith.negf %dot_general3A_5 : vector<512x1024xf32>
    %logistic3A_6 = math.exp %logistic3A : vector<512x1024xf32>
    %logistic3A_7 = arith.constant 1.000000e+00 : f32
    %logistic3A_8 = vector.broadcast %logistic3A_7 : f32 to vector<512x1024xf32>
    %logistic3A_9 = arith.addf %logistic3A_8, %logistic3A_6 : vector<512x1024xf32>
    %logistic3A_10 = arith.divf %logistic3A_8, %logistic3A_9 : vector<512x1024xf32>
    %swap3A = arith.constant 0 : index
    %swap3A_11 = arith.constant 0 : index
    %swap3A_12 = vector.load %arg4[%swap3A, %swap3A_11] : memref<512x1024xf32, #tpu.memory_space<vmem>>, vector<512x1024xf32>
    tpu.vector_store %arg4[%swap3A, %swap3A_11], %logistic3A_10 {strides = array<i32>} : memref<512x1024xf32, #tpu.memory_space<vmem>>, vector<512x1024xf32>,
    return
  }
  func.func @transform_0(%arg0: i32, %arg1: i32) -> (i32, i32) {
    %c0_i32 = arith.constant 0 : i32
    %c0_i32_0 = arith.constant 0 : i32
    return %arg0, %c0_i32 : i32, i32
  }
  func.func @transform_1(%arg0: i32, %arg1: i32) -> (i32, i32) {
    %c0_i32 = arith.constant 0 : i32
    %c0_i32_0 = arith.constant 0 : i32
    return %c0_i32, %arg1 : i32, i32
  }
  func.func @transform_2(%arg0: i32, %arg1: i32) -> (i32, i32) {
    %c0_i32 = arith.constant 0 : i32
    return %arg0, %arg1 : i32, i32
  }
}

</mosaic_0001>

<sc_bundles>
// kernel: kernel.12.cloned.1.call-start
scs
__scs_entry_jumppad:
0x0: {  	(pc) =	sbr.rel $0x88, $3  }
0x1: {  	(tag) =	ssettag $0x0;
	lr =	simm.s32 $0x1  }
0x2: {  	[smem:$0x3F92] =	sst lr;
	_ =	strace $0xD0000000  }
0x3: {  	_ = 	snop  }
0x4: {  	_ = 	snop  }
0x5: {  	_ = 	snop  }
0x6: {  	_ = 	snop  }
0x7: {  	_ = 	snop  }
__scs_overlays_trampoline_lowered:
0x8: {  	[smem:$0x3FA1] =	sst s0  }
0x9: {  	[smem:$0x3FA2] =	sst s1  }
0xa: {  	[smem:$0x3FA3] =	sst s2  }
0xb: {  	[smem:$0x3FA4] =	sst s3  }
0xc: {  	[smem:$0x3FA5] =	sst s4  }
0xd: {  	[smem:$0x3FA6] =	sst s5  }
0xe: {  	[smem:$0x3FA7] =	sst s6  }
0xf: {  	[smem:$0x3FA8] =	sst s7  }
0x10: {  	[smem:$0x3FA9] =	sst s8  }
0x11: {  	[smem:$0x3FAA] =	sst s9;
	s0 =	simm.s32 @!p0 $0x0  }
0x12: {  	s1 =	sld [smem:$0x3F90];
	s0 =	simm.s32 @p0 $0x1  }
0x13: {  	[smem:$0x3FAB] =	sst s0;
	s0 =	simm.s32 @!p1 $0x0  }
0x14: {  	s2 =	sld [smem:$0x3F8F];
	s0 =	simm.s32 @p1 $0x1  }
0x15: {  	[smem:$0x3FAC] =	sst s0;
	s0 =	simm.s32 @!p2 $0x0  }
0x16: {  	s3 =	sld [smem:$0x3FDB];
	s0 =	simm.s32 @p2 $0x1  }
0x17: {  	s4 =	simm.s32 $0x1BF5;
	[smem:$0x3FAE] =	sst s0  }
0x18: {  	s0 =	sld [smem:$0x3F91];
	_ =	swait.ge [sflag:s4], $0x0  }
0x19: {  	s7 =	sld [smem:$0x3F92]  }
0x1a: {  	s8 =	sadd.s32 $0xFFFFE003, lr  }
0x1b: {  	s9 =	sadd.s32 $0xFFFFFEF7, lr;
	s5 =	simm.s32 $0xFFFFFFFF;
	p2 =	slt.u32 s8, $0xFFFFF086  }
0x1c: {  	p1 =	slt.u32 s9, $0xF7A;
	s5 =	simm.s32 @!p2 $0x0  }
0x1d: {  	s5 =	simm.s32 @p1 $0x1;
	p0 =	seq.s32 s7, s2  }
0x1e: {  	s7 =	smul.u32 @!p0 $0xF7A, s2;
	p2 =	seq.s32 @!p0 s5, $0x0  }
0x1f: {  	s9 =	smul.u32 $0xF7A, s1;
	s8 =	simm.s32 @!p0 $0x1BF5;
	p2 =	por !p2, p0  }
0x20: {  	[sflag:s8] =	ssyncset.s32 @!p0 $0xFFFFF086;
	s6 =	sadd.s32 @!p0 s3, s7;
	s7 =	simm.s32 @!p0 $0x108  }
0x21: {  	s3 =	sadd.s32 s3, s9;
	s6 =	sadd.s32 @!p0 $0x88, s6;
	s7 =	simm.s32 @p2 $0x1082  }
0x22: {  	[simem:s7], [sflag:s8] =	dma.local @!p0 [hbm:s6], $0xF7A  }
0x23: {  	s9 =	sor.u32 $0xD0000000, s2;
	s6 =	simm.s32 $0x108;
	_ =	swait.ge @!p0 [sflag:s8], $0x0  }
0x24: {  	s3 =	sadd.s32 $0x88, s3;
	s6 =	simm.s32 @!p1 $0x1082;
	[sflag:s4] =	ssyncset.s32 $0xFFFFF086  }
0x25: {  	[simem:s6], [sflag:s4] =	dma.local [hbm:s3], $0xF7A  }
0x26: {  	[smem:$0x3F92] =	sst s1;
	(tag) =	ssettag s2;
	_ =	strace s9  }
0x27: {  	s1 =	sld [smem:$0x3FA2]  }
0x28: {  	s2 =	sld [smem:$0x3FA3]  }
0x29: {  	s4 =	sld [smem:$0x3FA5]  }
0x2a: {  	p0 =	seq.s32 s5, $0x0;
	s5 =	sld [smem:$0x3FA6]  }
0x2b: {  	s6 =	sld [smem:$0x3FA7]  }
0x2c: {  	s7 =	sld [smem:$0x3FA8]  }
0x2d: {  	s3 =	simm.s32 $0x108;
	s8 =	sld [smem:$0x3FA9]  }
0x2e: {  	s3 =	simm.s32 @!p0 $0x1082;
	s9 =	sld [smem:$0x3FAA]  }
0x2f: {  	lr =	sadd.s32 s0, s3;
	s0 =	sld [smem:$0x3FA1]  }
0x30: {  	s3 =	sld [smem:$0x3FA4]  }
0x31: {  	[smem:$0x3FAD] =	sst s10  }
0x32: {  	s10 =	sld [smem:$0x3FAB];
	_ =	sdelay $0x3  }
0x33: {  	p0 =	seq.s32 s10, $0x1;
	s10 =	sld [smem:$0x3FAD];
	_ =	sdelay $0x3  }
0x34: {  	[smem:$0x3FAD] =	sst s10  }
0x35: {  	s10 =	sld [smem:$0x3FAC];
	_ =	sdelay $0x3  }
0x36: {  	p1 =	seq.s32 s10, $0x1;
	s10 =	sld [smem:$0x3FAD];
	_ =	sdelay $0x3  }
0x37: {  	[smem:$0x3FAD] =	sst s10  }
0x38: {  	s10 =	sld [smem:$0x3FAE]  }
0x39: {  	_ = 	snop;
	(pc) =	sbr.ind lr, $3  }
0x3a: {  	_ = 	snop  }
0x3b: {  	_ = 	snop  }
0x3c: {  	p2 =	seq.s32 s10, $0x1;
	s10 =	sld [smem:$0x3FAD]  }
0x3d: {  	_ =	shalt  }
0x3e: {  	_ =	shalt  }
0x3f: {  	_ =	shalt  }
0x40: {  	_ =	shalt  }
0x41: {  	_ =	shalt  }
0x42: {  	_ =	shalt  }
0x43: {  	_ =	shalt  }
0x44: {  	_ =	shalt  }
0x45: {  	_ =	shalt  }
0x46: {  	_ =	shalt  }
0x47: {  	_ =	shalt  }
0x48: {  	_ =	shalt  }
0x49: {  	_ =	shalt  }
0x4a: {  	_ =	shalt  }
0x4b: {  	_ =	shalt  }
0x4c: {  	_ =	shalt  }
0x4d: {  	_ =	shalt  }
0x4e: {  	_ =	shalt  }
0x4f: {  	_ =	shalt  }
0x50: {  	_ =	shalt  }
0x51: {  	_ =	shalt  }
0x52: {  	_ =	shalt  }
0x53: {  	_ =	shalt  }
0x54: {  	_ =	shalt  }
0x55: {  	_ =	shalt  }
0x56: {  	_ =	shalt  }
0x57: {  	_ =	shalt  }
0x58: {  	_ =	shalt  }
0x59: {  	_ =	shalt  }
0x5a: {  	_ =	shalt  }
0x5b: {  	_ =	shalt  }
0x5c: {  	_ =	shalt  }
0x5d: {  	_ =	shalt  }
0x5e: {  	_ =	shalt  }
0x5f: {  	_ =	shalt  }
0x60: {  	_ =	shalt  }
0x61: {  	_ =	shalt  }
0x62: {  	_ =	shalt  }
0x63: {  	_ =	shalt  }
0x64: {  	_ =	shalt  }
0x65: {  	_ =	shalt  }
0x66: {  	_ =	shalt  }
0x67: {  	_ =	shalt  }
0x68: {  	_ =	shalt  }
0x69: {  	_ =	shalt  }
0x6a: {  	_ =	shalt  }
0x6b: {  	_ =	shalt  }
0x6c: {  	_ =	shalt  }
0x6d: {  	_ =	shalt  }
0x6e: {  	_ =	shalt  }
0x6f: {  	_ =	shalt  }
0x70: {  	_ =	shalt  }
0x71: {  	_ =	shalt  }
0x72: {  	_ =	shalt  }
0x73: {  	_ =	shalt  }
0x74: {  	_ =	shalt  }
0x75: {  	_ =	shalt  }
0x76: {  	_ =	shalt  }
0x77: {  	_ =	shalt  }
0x78: {  	_ =	shalt  }
0x79: {  	_ =	shalt  }
0x7a: {  	_ =	shalt  }
0x7b: {  	_ =	shalt  }
0x7c: {  	_ =	shalt  }
0x7d: {  	_ =	shalt  }
0x7e: {  	_ =	shalt  }
0x7f: {  	_ =	shalt  }
0x80: {  	_ =	shalt  }
0x81: {  	_ =	shalt  }
0x82: {  	_ =	shalt  }
0x83: {  	_ =	shalt  }
0x84: {  	_ =	shalt  }
0x85: {  	_ =	shalt  }
0x86: {  	_ =	shalt  }
0x87: {  	_ =	shalt  }
.Lfunc_end0:
.L_simem_size_0:
called_computation.1_lowered:
.L_overlay_start_0:
0x88: {  	s2 =	sld [smem:$0x3FD9]  }
0x89: {  	s3 =	sld [smem:$0x3FFE];
	_ =	sdelay $0x1  }
0x8a: {  	s1 =	srdreg.scid  }
0x8b: {  	s0 =	sand.u32 $0x1, s1  }
0x8c: {  	s15 =	sshll.u32 s0, $0xA;
	s2 =	sadd.s32 s3, s2  }
0x8d: {  	s2 =	sadd.s32 s2, s15  }
0x8e: {  	[smem:$0x3FB9] =	sst s2  }
0x8f: {  	_ = 	snop  }
0x90: {  	s2 =	sld [smem:$0x3FD0];
	_ =	sdelay $0x2  }
0x91: {  	s16 =	simm.s32 $0xA;
	s4 =	simm.s32 $0x10  }
0x92: {  	[smem:s4], [sflag:s16] =	dma.local [hbm:s2], $0x1  }
0x93: {  	_ =	swait.eq [sflag:s16], $0x1  }
0x94: {  	s17 =	sld [smem:$0x12]  }
0x95: {  	s18 =	sld [smem:$0x14]  }
0x96: {  	s5 =	sld [smem:$0x15];
	[sflag:s16] =	ssyncset.done $0x0  }
0x97: {  	s6 =	sld [smem:$0x16];
	[sflag:s16] =	ssyncadd.s32 $0xFFFFFFFF  }
0x98: {  	s19 =	sld [smem:$0x17];
	(tm) =	ssettm $0x1  }
0x99: {  	s7 =	sld [smem:$0x3FFB];
	_ =	sdelay $0x3  }
0x9a: {  	_ =	strace s7  }
0x9b: {  	s7 =	sld [smem:$0x3FFC];
	_ =	sdelay $0x3  }
0x9c: {  	_ =	strace s7  }
0x9d: {  	s7 =	sld [smem:$0x3FFD];
	_ =	sdelay $0x3  }
0x9e: {  	_ =	strace s7  }
0x9f: {  	_ =	strace $0x8FFFFFFF  }
0xa0: {  	s20 =	sld [smem:$0x3FDB];
	_ =	sdelay $0x1  }
0xa1: {  	s8 =	simm.s32 $_scs_section_size  }
0xa2: {  	s9 =	simm.s32 $_size__tile_overlayer_lowered;
	s10 =	simm.s32 $_tile_overlayer_lowered  }
0xa3: {  	s23 =	simm.s32 $0x1BFF;
	s22 =	sshll.u32 s10, $0x1;
	s7 =	sadd.s32 s8, s20  }
0xa4: {  	s11 =	simm.s32 $0x0;
	s21 =	sshll.u32 s9, $0x1;
	s9 =	sadd.s32 s22, s7  }
0xa5: {  	[timem:s11], [sflag:s23] =	dma.local [hbm:s9], s21  }
0xa6: {  	_ =	swait.ge [sflag:s23], s21  }
0xa7: {  	s8 =	ssub.s32 $0x0, s21;
	[sflag:s23] =	ssyncset.done $0x0  }
0xa8: {  	[sflag:s23] =	ssyncadd.s32 s8;
	_ =	sdelay $0x1  }
0xa9: {  	s24 =	simm.s32 $0x1B8B  }
0xaa: {  	_ =	swait.ge [sflag:s24], $0x1  }
0xab: {  	[sflag:s24] =	ssyncset.done $0x0  }
0xac: {  	s25 =	simm.s32 $0x1B8E;
	[sflag:s24] =	ssyncadd.s32 $0xFFFFFFFF  }
0xad: {  	s26 =	simm.s32 $execute0_lowered;
	[smem:$0x3FD2] =	sst s25  }
0xae: {  	s8 =	sshll.u32 s26, $0x1;
	_ =	strace $0x80000049;
	[dreg:$0x1] =	wrdreg $0xFFFFFFFF  }
0xaf: {  	s28 =	simm.s32 $_size_execute0_lowered;
	s7 =	sadd.s32 s7, s8;
	[dreg:$0x0] =	wrdreg $0x0  }
0xb0: {  	s8 =	sshll.u32 s28, $0x1;
	[dreg:$0x2] =	wrdreg s7  }
0xb1: {  	[dreg:$0x3] =	wrdreg s8  }
0xb2: {  	[dreg:$0x4] =	wrdreg $0xC0  }
0xb3: {  	_ =	task [dreg:s11], $0x5FFFF  }
0xb4: {  	[dreg:$0x1] =	wrdreg $0xFFFFFFFF  }
0xb5: {  	[dreg:$0x0] =	wrdreg $0x60  }
0xb6: {  	[dreg:$0x2] =	wrdreg s17  }
0xb7: {  	[dreg:$0x3] =	wrdreg s6  }
0xb8: {  	[dreg:$0x4] =	wrdreg s19  }
0xb9: {  	[dreg:$0x5] =	wrdreg s5  }
0xba: {  	[dreg:$0x6] =	wrdreg s18  }
0xbb: {  	[dreg:$0x7] =	wrdreg $0x0  }
0xbc: {  	[dreg:$0x8] =	wrdreg $0x9  }
0xbd: {  	_ =	task.clear_ibuf [dreg:s11], $0x9FFFF;
	_ =	strace $0x90000049  }
0xbe: {  	s29 =	simm.s32 $0x9;
	_ =	strace $0x8000004B  }
0xbf: {  	_ =	swait.ge [sflag:s29], $0x1  }
0xc0: {  	[sflag:s29] =	ssyncadd.s32 $0xFFFFFFFF  }
0xc1: {  	_ =	strace $0x9000004B  }
0xc2: {  	_ =	sfence  }
0xc3: {  	s30 =	sld [smem:$0x0];
	_ =	sdelay $0x2  }
0xc4: {  	s31 =	sshll.u32 s1, $0xD;
	s1 =	sshrl.u32 s1, $0x2  }
0xc5: {  	s3 =	sand.u32 $0x4000, s31;
	s1 =	sadd.s32 s1, s30  }
0xc6: {  	s0 =	sor.u32 s3, s0;
	s1 =	sshll.u32 s1, $0x11  }
0xc7: {  	s0 =	sor.u32 s1, s0  }
0xc8: {  	s0 =	sadd.s32 $0x8F2B, s0  }
0xc9: {  	[sflag:s0] =	ssyncadd.remote.s32 $0x1  }
0xca: {  	_ =	sfence.sel $0xFFFF  }
0xcb: {  	[dreg:$0x0] =	wrdreg $0xFFFFFFFF;
	(pc) =	sbr.abs _section_cstart, $3  }
0xcc: {  	[dreg:$0x1] =	wrdreg $0xFFFFFFFF  }
0xcd: {  	_ =	task.clear_ibuf [dreg:s11], $0x2FFFF;
	_ =	strace $0x9FFFFFFF  }
0xce: {  	(tm) =	ssettm $0x7FFFFFFF  }
0xcf: {  	_ =	shalt  }
tec
execute0_lowered:
.L_overlay_start_1:
0x0: {  	(tag) =	ssettag $0x1  }
0x1: {  	s1 =	rddreg [dreg:$0x0]  }
0x2: {  	s20 =	rddreg [dreg:$0x1]  }
0x3: {  	s19 =	rddreg [dreg:$0x2]  }
0x4: {  	s5 =	rddreg [dreg:$0x5]  }
0x5: {  	s7 =	srdreg.scid;
	s0 =	stileid.u32;
	s6 =	simm.s32 $0x0  }
0x6: {  	s24 =	simm.s32 $0x2;
	s25 =	simm.s32 $0x0;
	s9 =	smul.u32 $0x280, s0  }
0x7: {  	s23 =	sand.u32 $0x1, s7;
	[smem:$0x7FF] =	sst s6;
	s8 =	smul.u32 $0x50000, s0  }
0x8: {  	s12 =	sadd.s32 $0x4E2, s0;
	s13 =	smul.u32 $0x2800, s0;
	s21 =	sshll.u32 s0, $0x4  }
0x9: {  	s7 =	ssub.s32 $0x2, s23;
	_ =	strace $0x8000004A;
	s19 =	sadd.s32 s21, s19  }
0xa: {  	s20 =	sadd.s32 s21, s20;
	p0 =	sne.s32 s23, $0x0;
	s23 =	simm.s32 $0x18100  }
0xb: {  	s10 =	sshrl.u32 s7, $0x1;
	s14 =	sadd.s32 $0x80, s9;
	s28 =	sshrl.u32 s8, $0x2  }
0xc: {  	s15 =	sadd.s32 $0x100, s9;
	s16 =	sadd.s32 $0x180, s9;
	s17 =	sadd.s32 $0x200, s9  }
0xd: {  	s21 =	sadd.s32 $0x4E20, s19;
	s22 =	sadd.s32 $0x4E20, s20;
	s18 =	ssub.s32 s7, s10  }
.Ltmp0:
0xe: {  	s29 =	sshll.u32 s14, $0x7;
	s7 =	sadd.s32 s28, s5;
	(pc) =	sbr.rel .LBB2_1-.Ltmp0, $4  }
0xf: {  	s30 =	sshll.u32 s15, $0x7;
	s31 =	sshll.u32 s16, $0x7;
	s11 =	sshll.u32 s17, $0x7  }
0x10: {  	s14 =	sshll.u32 s14, $0x4;
	s15 =	sshll.u32 s15, $0x4;
	s16 =	sshll.u32 s16, $0x4  }
0x11: {  	s17 =	sshll.u32 s17, $0x4;
	s8 =	sadd.s32 s29, s5;
	s9 =	sadd.s32 s30, s5  }
0x12: {  	v0 =	vimm.f32 $0.0e+00;
	s10 =	sadd.s32 s31, s5;
	s11 =	sadd.s32 s11, s5;
	s18 =	smax.u32 s18, $0x1  }
.LBB2_9:
0x13: {  	s0 =	sadd.s32 @!p2 s26, s22;
	s2 =	simm.s32 @!p2 $0x0;
	[sflag:s30] =	ssyncset.done @!p1 $0x0  }
0x14: {  	s3 =	simm.s32 @!p2 $0x14000;
	s4 =	simm.s32 @!p2 $0x3;
	[sflag:s30] =	ssyncadd.s32 @!p1 $0xFFFFC000  }
0x15: {  	[tilespmem:s3], [sflag:$0x3] =	stream.linear.gather @!p2 [hbm4b:s0+s2], $0x80, $0x38;
	[tilespmem:$0x1C100] =	vst v63  }
0x16: {  	_ =	swait.ge @!p2 [sflag:s4], $0x80  }
0x17: {  	[sflag:s4] =	ssyncset.done @!p2 $0x0  }
0x18: {  	s0 =	sadd.s32 @!p2 s26, s21;
	s26 =	simm.s32 @!p2 $0x14080;
	[sflag:s4] =	ssyncadd.s32 @!p2 $0xFFFFFF80  }
0x19: {  	[tilespmem:s26], [sflag:$0x3] =	stream.linear.gather @!p2 [hbm4b:s0+s2], $0x80, $0x38;
	[tilespmem:$0x1C100] =	vst v63  }
0x1a: {  	p1 =	por p2, p2;
	_ =	swait.ge @!p2 [sflag:s4], $0x80  }
0x1b: {  	s0 =	simm.s32 @!p1 $0x80;
	[sflag:s4] =	ssyncset.done @!p1 $0x0  }
0x1c: {  	s2 =	simm.s32 @!p1 $0x14100;
	[sflag:s4] =	ssyncadd.s32 @!p1 $0xFFFFFF80;
	s4 =	simm.s32 @!p1 $0x1  }
0x1d: {  	[tilespmem:s2], [sflag:$0x1] =	stream.indirect.gather @!p1 [hbm4b:s1+s0], $0x80, s3, s0, $0xb8;
	[tilespmem:$0x1C100] =	vst v63  }
0x1e: {  	_ =	swait.ge @!p1 [sflag:s4], $0x4000  }
0x1f: {  	[sflag:s4] =	ssyncset.done @!p1 $0x0  }
0x20: {  	s3 =	simm.s32 @!p1 $0x2;
	[sflag:s4] =	ssyncadd.s32 @!p1 $0xFFFFC000  }
0x21: {  	[spmem:s5] =	stream.indirect.scatter.add.f32 @!p1 [tilespmem:s2], [sflag:$0x2], $0x80, s26, s0, $0xb8;
	[tilespmem:$0x1C100] =	vst v63  }
0x22: {  	_ =	swait.ge @!p1 [sflag:s3], $0x4000  }
0x23: {  	[sflag:s3] =	ssyncset.done @!p1 $0x0  }
0x24: {  	[sflag:s3] =	ssyncadd.s32 @!p1 $0xFFFFC000  }
0x25: {  	s26 =	rddreg [dreg:$0x4]  }
.LBB2_10:
0x26: {  	[bflag:$0x0] =	sbarrier.arrive $0xFFFF  }
0x27: {  	[tilespmem:s23], [sflag:$0x2] =	stream.linear.gather [spmem:s7], $0x4000, $0x38;
	[tilespmem:$0x1C100] =	vst v63  }
0x28: {  	_ =	swait.ge [sflag:s24], $0x4000  }
0x29: {  	[sflag:s24] =	ssyncset.done $0x0  }
0x2a: {  	s0 =	sadd.s32 s26, s13;
	[sflag:s24] =	ssyncadd.s32 $0xFFFFC000  }
0x2b: {  	[hbm4b:s0+s6] =	stream.linear.scatter [tilespmem:s23], [sflag:$0x2], $0x4000, $0x38;
	[tilespmem:$0x1C100] =	vst v63  }
0x2c: {  	_ =	swait.ge [sflag:s24], $0x4000  }
0x2d: {  	[sflag:s24] =	ssyncset.done $0x0  }
0x2e: {  	[sflag:s24] =	ssyncadd.s32 $0xFFFFC000  }
0x2f: {  	[tilespmem:s23], [sflag:$0x2] =	stream.linear.gather [spmem:s8], $0x4000, $0x38;
	[tilespmem:$0x1C100] =	vst v63  }
0x30: {  	_ =	swait.ge [sflag:s24], $0x4000  }
0x31: {  	[sflag:s24] =	ssyncset.done $0x0  }
0x32: {  	s28 =	sadd.s32 s26, s14;
	[sflag:s24] =	ssyncadd.s32 $0xFFFFC000  }
0x33: {  	[hbm4b:s28+s6] =	stream.linear.scatter [tilespmem:s23], [sflag:$0x2], $0x4000, $0x38;
	[tilespmem:$0x1C100] =	vst v63  }
0x34: {  	_ =	swait.ge [sflag:s24], $0x4000  }
0x35: {  	[sflag:s24] =	ssyncset.done $0x0  }
0x36: {  	[sflag:s24] =	ssyncadd.s32 $0xFFFFC000  }
0x37: {  	[tilespmem:s23], [sflag:$0x2] =	stream.linear.gather [spmem:s9], $0x4000, $0x38;
	[tilespmem:$0x1C100] =	vst v63  }
0x38: {  	_ =	swait.ge [sflag:s24], $0x4000  }
0x39: {  	[sflag:s24] =	ssyncset.done $0x0  }
0x3a: {  	s29 =	sadd.s32 s26, s15;
	[sflag:s24] =	ssyncadd.s32 $0xFFFFC000  }
0x3b: {  	[hbm4b:s29+s6] =	stream.linear.scatter [tilespmem:s23], [sflag:$0x2], $0x4000, $0x38;
	[tilespmem:$0x1C100] =	vst v63  }
0x3c: {  	_ =	swait.ge [sflag:s24], $0x4000  }
0x3d: {  	[sflag:s24] =	ssyncset.done $0x0  }
0x3e: {  	[sflag:s24] =	ssyncadd.s32 $0xFFFFC000  }
0x3f: {  	[tilespmem:s23], [sflag:$0x2] =	stream.linear.gather [spmem:s10], $0x4000, $0x38;
	[tilespmem:$0x1C100] =	vst v63  }
0x40: {  	_ =	swait.ge [sflag:s24], $0x4000  }
0x41: {  	[sflag:s24] =	ssyncset.done $0x0  }
0x42: {  	s30 =	sadd.s32 s26, s16;
	[sflag:s24] =	ssyncadd.s32 $0xFFFFC000  }
0x43: {  	[hbm4b:s30+s6] =	stream.linear.scatter [tilespmem:s23], [sflag:$0x2], $0x4000, $0x38;
	[tilespmem:$0x1C100] =	vst v63  }
0x44: {  	_ =	swait.ge [sflag:s24], $0x4000  }
0x45: {  	[sflag:s24] =	ssyncset.done $0x0  }
0x46: {  	[sflag:s24] =	ssyncadd.s32 $0xFFFFC000  }
0x47: {  	[tilespmem:s23], [sflag:$0x2] =	stream.linear.gather [spmem:s11], $0x4000, $0x38;
	[tilespmem:$0x1C100] =	vst v63  }
0x48: {  	s25 =	sadd.s32 $0x1, s25;
	_ =	swait.ge [sflag:s24], $0x4000  }
0x49: {  	p1 =	sne.s32 s25, s18;
	[sflag:s24] =	ssyncset.done $0x0  }
.Ltmp1:
0x4a: {  	s31 =	sadd.s32 s26, s17;
	[sflag:s24] =	ssyncadd.s32 $0xFFFFC000;
	(pc) =	sbr.rel @!p1 .LBB2_11-.Ltmp1, $4  }
0x4b: {  	[hbm4b:s31+s6] =	stream.linear.scatter [tilespmem:s23], [sflag:$0x2], $0x4000, $0x38;
	[tilespmem:$0x1C100] =	vst v63  }
0x4c: {  	_ =	swait.ge [sflag:s24], $0x4000  }
0x4d: {  	[sflag:s24] =	ssyncset.done $0x0  }
0x4e: {  	[sflag:s24] =	ssyncadd.s32 $0xFFFFC000  }
.LBB2_1:
0x4f: {  	s26 =	simm.s32 $0x0;
	s28 =	simm.s32 $0x200  }
.LBB2_2:
0x50: {  	p1 =	sne.s32 s28, $0xFE00;
	[tilespmem:s26+$0x18170] =	vst v0  }
0x51: {  	[tilespmem:s26+$0x18100] =	vst v0  }
0x52: {  	[tilespmem:s26+$0x18110] =	vst v0  }
.Ltmp2:
0x53: {  	[tilespmem:s26+$0x18120] =	vst v0;
	(pc) =	sbr.rel @p1 .LBB2_2-.Ltmp2, $4  }
0x54: {  	[tilespmem:s26+$0x18130] =	vst v0  }
0x55: {  	[tilespmem:s26+$0x18140] =	vst v0  }
0x56: {  	[tilespmem:s26+$0x18150] =	vst v0  }
0x57: {  	[tilespmem:s26+$0x18160] =	vst v0;
	s26 =	sshra.s32 s28, $0x2;
	s28 =	sadd.s32 $0x200, s28  }
0x58: {  	[tilespmem:s26+$0x18170] =	vst v0  }
0x59: {  	[tilespmem:s26+$0x18100] =	vst v0  }
0x5a: {  	[tilespmem:s26+$0x18110] =	vst v0  }
0x5b: {  	[tilespmem:s26+$0x18120] =	vst v0  }
0x5c: {  	[tilespmem:s26+$0x18130] =	vst v0  }
0x5d: {  	[tilespmem:s26+$0x18140] =	vst v0  }
0x5e: {  	[tilespmem:s26+$0x18150] =	vst v0  }
0x5f: {  	[tilespmem:s26+$0x18160] =	vst v0  }
0x60: {  	[spmem:s7] =	stream.linear.scatter [tilespmem:s23], [sflag:$0x2], $0x4000, $0x38;
	[tilespmem:$0x1C100] =	vst v63  }
0x61: {  	_ =	swait.ge [sflag:s24], $0x4000  }
0x62: {  	[sflag:s24] =	ssyncset.done $0x0  }
0x63: {  	[sflag:s24] =	ssyncadd.s32 $0xFFFFC000  }
0x64: {  	[spmem:s8] =	stream.linear.scatter [tilespmem:s23], [sflag:$0x2], $0x4000, $0x38;
	[tilespmem:$0x1C100] =	vst v63  }
0x65: {  	_ =	swait.ge [sflag:s24], $0x4000  }
0x66: {  	[sflag:s24] =	ssyncset.done $0x0  }
0x67: {  	[sflag:s24] =	ssyncadd.s32 $0xFFFFC000  }
0x68: {  	[spmem:s9] =	stream.linear.scatter [tilespmem:s23], [sflag:$0x2], $0x4000, $0x38;
	[tilespmem:$0x1C100] =	vst v63  }
0x69: {  	_ =	swait.ge [sflag:s24], $0x4000  }
0x6a: {  	[sflag:s24] =	ssyncset.done $0x0  }
0x6b: {  	[sflag:s24] =	ssyncadd.s32 $0xFFFFC000  }
0x6c: {  	[spmem:s10] =	stream.linear.scatter [tilespmem:s23], [sflag:$0x2], $0x4000, $0x38;
	[tilespmem:$0x1C100] =	vst v63  }
0x6d: {  	_ =	swait.ge [sflag:s24], $0x4000  }
0x6e: {  	[sflag:s24] =	ssyncset.done $0x0  }
0x6f: {  	[sflag:s24] =	ssyncadd.s32 $0xFFFFC000  }
0x70: {  	[spmem:s11] =	stream.linear.scatter [tilespmem:s23], [sflag:$0x2], $0x4000, $0x38;
	[tilespmem:$0x1C100] =	vst v63  }
.Ltmp3:
0x71: {  	_ =	swait.ge [sflag:s24], $0x4000;
	(pc) =	sbr.rel @p0 .LBB2_7-.Ltmp3, $3  }
0x72: {  	[sflag:s24] =	ssyncset.done $0x0  }
0x73: {  	[sflag:s24] =	ssyncadd.s32 $0xFFFFC000  }
0x74: {  	[bflag:$0x0] =	sbarrier.arrive $0xFFFF;
	_ =	sdelay $0x1  }
0x75: {  	s0 =	stileid.u32  }
0x76: {  	p1 =	sgt.u32 s0, $0x4E1  }
0x77: {  	s26 =	sadd.s32 @!p1 $0x0, s20  }
0x78: {  	s28 =	simm.s32 @!p1 $0x0;
	s29 =	simm.s32 @!p1 $0x14000;
	s30 =	simm.s32 @!p1 $0x3  }
0x79: {  	[tilespmem:s29], [sflag:$0x3] =	stream.linear.gather @!p1 [hbm4b:s26+s28], $0x80, $0x38;
	[tilespmem:$0x1C100] =	vst v63  }
0x7a: {  	_ =	swait.ge @!p1 [sflag:s30], $0x80  }
0x7b: {  	[sflag:s30] =	ssyncset.done @!p1 $0x0  }
0x7c: {  	s31 =	simm.s32 @!p1 $0x14080;
	s26 =	sadd.s32 @!p1 $0x0, s19;
	[sflag:s30] =	ssyncadd.s32 @!p1 $0xFFFFFF80  }
0x7d: {  	[tilespmem:s31], [sflag:$0x3] =	stream.linear.gather @!p1 [hbm4b:s26+s28], $0x80, $0x38;
	[tilespmem:$0x1C100] =	vst v63  }
0x7e: {  	_ =	swait.ge @!p1 [sflag:s30], $0x80;
	p1 =	por p1, p1  }
0x7f: {  	[sflag:s30] =	ssyncset.done @!p1 $0x0;
	s26 =	simm.s32 @!p1 $0x80  }
0x80: {  	s28 =	simm.s32 @!p1 $0x14100;
	[sflag:s30] =	ssyncadd.s32 @!p1 $0xFFFFFF80;
	s30 =	simm.s32 @!p1 $0x1  }
0x81: {  	[tilespmem:s28], [sflag:$0x1] =	stream.indirect.gather @!p1 [hbm4b:s1+s26], $0x80, s29, s26, $0xb8;
	[tilespmem:$0x1C100] =	vst v63  }
0x82: {  	_ =	swait.ge @!p1 [sflag:s30], $0x4000  }
0x83: {  	[sflag:s30] =	ssyncset.done @!p1 $0x0  }
0x84: {  	[sflag:s30] =	ssyncadd.s32 @!p1 $0xFFFFC000  }
0x85: {  	[spmem:s5] =	stream.indirect.scatter.add.f32 @!p1 [tilespmem:s28], [sflag:$0x2], $0x80, s31, s26, $0xb8;
	[tilespmem:$0x1C100] =	vst v63  }
0x86: {  	s29 =	simm.s32 $0x200;
	s30 =	simm.s32 @!p1 $0x2;
	s28 =	sadd.s32 $0x10, s0  }
0x87: {  	s26 =	simm.s32 $0x100;
	p2 =	sgt.u32 s28, $0x4E1;
	_ =	swait.ge @!p1 [sflag:s30], $0x4000  }
.LBB2_5:
0x88: {  	s31 =	sadd.s32 @!p2 s26, s20;
	s0 =	simm.s32 @!p2 $0x0;
	[sflag:s30] =	ssyncset.done @!p1 $0x0  }
0x89: {  	s2 =	simm.s32 @!p2 $0x14000;
	s4 =	simm.s32 @!p2 $0x3;
	[sflag:s30] =	ssyncadd.s32 @!p1 $0xFFFFC000  }
0x8a: {  	[tilespmem:s2], [sflag:$0x3] =	stream.linear.gather @!p2 [hbm4b:s31+s0], $0x80, $0x38;
	[tilespmem:$0x1C100] =	vst v63  }
0x8b: {  	s30 =	smov.u32 s29;
	s29 =	sadd.s32 $0x100, s29;
	_ =	swait.ge @!p2 [sflag:s4], $0x80  }
0x8c: {  	s3 =	simm.s32 @!p2 $0x14080;
	s31 =	sadd.s32 @!p2 s26, s19;
	[sflag:s4] =	ssyncset.done @!p2 $0x0  }
0x8d: {  	p3 =	seq.s32 s29, $0x4F00;
	s26 =	smov.u32 s30;
	[sflag:s4] =	ssyncadd.s32 @!p2 $0xFFFFFF80  }
0x8e: {  	[tilespmem:s3], [sflag:$0x3] =	stream.linear.gather @!p2 [hbm4b:s31+s0], $0x80, $0x38;
	[tilespmem:$0x1C100] =	vst v63  }
0x8f: {  	p1 =	por p2, p2;
	_ =	swait.ge @!p2 [sflag:s4], $0x80  }
0x90: {  	s0 =	simm.s32 @!p1 $0x80;
	s31 =	simm.s32 @!p1 $0x14100;
	[sflag:s4] =	ssyncset.done @!p1 $0x0  }
0x91: {  	[sflag:s4] =	ssyncadd.s32 @!p1 $0xFFFFFF80;
	s4 =	simm.s32 @!p1 $0x1  }
0x92: {  	[tilespmem:s31], [sflag:$0x1] =	stream.indirect.gather @!p1 [hbm4b:s1+s0], $0x80, s2, s0, $0xb8;
	[tilespmem:$0x1C100] =	vst v63  }
.Ltmp4:
0x93: {  	_ =	swait.ge @!p1 [sflag:s4], $0x4000;
	(pc) =	sbr.rel @!p3 .LBB2_5-.Ltmp4, $4  }
0x94: {  	[sflag:s4] =	ssyncset.done @!p1 $0x0  }
0x95: {  	s28 =	sadd.s32 $0x10, s28;
	s30 =	simm.s32 @!p1 $0x2;
	[sflag:s4] =	ssyncadd.s32 @!p1 $0xFFFFC000  }
0x96: {  	[spmem:s5] =	stream.indirect.scatter.add.f32 @!p1 [tilespmem:s31], [sflag:$0x2], $0x80, s3, s0, $0xb8;
	[tilespmem:$0x1C100] =	vst v63  }
0x97: {  	p2 =	sgt.u32 s28, $0x4E1;
	_ =	swait.ge @!p1 [sflag:s30], $0x4000  }
0x98: {  	s0 =	sadd.s32 @!p2 s26, s20;
	s2 =	simm.s32 @!p2 $0x0;
	[sflag:s30] =	ssyncset.done @!p1 $0x0  }
0x99: {  	s3 =	simm.s32 @!p2 $0x14000;
	s4 =	simm.s32 @!p2 $0x3;
	[sflag:s30] =	ssyncadd.s32 @!p1 $0xFFFFC000  }
0x9a: {  	[tilespmem:s3], [sflag:$0x3] =	stream.linear.gather @!p2 [hbm4b:s0+s2], $0x80, $0x38;
	[tilespmem:$0x1C100] =	vst v63  }
0x9b: {  	_ =	swait.ge @!p2 [sflag:s4], $0x80  }
0x9c: {  	[sflag:s4] =	ssyncset.done @!p2 $0x0  }
0x9d: {  	s0 =	sadd.s32 @!p2 s26, s19;
	s26 =	simm.s32 @!p2 $0x14080;
	[sflag:s4] =	ssyncadd.s32 @!p2 $0xFFFFFF80  }
0x9e: {  	[tilespmem:s26], [sflag:$0x3] =	stream.linear.gather @!p2 [hbm4b:s0+s2], $0x80, $0x38;
	[tilespmem:$0x1C100] =	vst v63  }
0x9f: {  	p1 =	por p2, p2;
	_ =	swait.ge @!p2 [sflag:s4], $0x80  }
0xa0: {  	s0 =	simm.s32 @!p1 $0x80;
	[sflag:s4] =	ssyncset.done @!p1 $0x0  }
0xa1: {  	s2 =	simm.s32 @!p1 $0x14100;
	[sflag:s4] =	ssyncadd.s32 @!p1 $0xFFFFFF80;
	s4 =	simm.s32 @!p1 $0x1  }
0xa2: {  	[tilespmem:s2], [sflag:$0x1] =	stream.indirect.gather @!p1 [hbm4b:s1+s0], $0x80, s3, s0, $0xb8;
	[tilespmem:$0x1C100] =	vst v63  }
0xa3: {  	_ =	swait.ge @!p1 [sflag:s4], $0x4000  }
0xa4: {  	[sflag:s4] =	ssyncset.done @!p1 $0x0  }
0xa5: {  	[sflag:s4] =	ssyncadd.s32 @!p1 $0xFFFFC000  }
0xa6: {  	[spmem:s5] =	stream.indirect.scatter.add.f32 @!p1 [tilespmem:s2], [sflag:$0x2], $0x80, s26, s0, $0xb8;
	[tilespmem:$0x1C100] =	vst v63  }
.Ltmp5:
0xa7: {  	s3 =	simm.s32 @!p1 $0x2;
	(pc) =	sbr.rel .LBB2_10-.Ltmp5, $4  }
0xa8: {  	_ =	swait.ge @!p1 [sflag:s3], $0x4000  }
0xa9: {  	[sflag:s3] =	ssyncset.done @!p1 $0x0  }
0xaa: {  	[sflag:s3] =	ssyncadd.s32 @!p1 $0xFFFFC000  }
0xab: {  	s26 =	rddreg [dreg:$0x3]  }
.LBB2_7:
0xac: {  	p1 =	sgt.u32 s12, $0x9C3  }
0xad: {  	s0 =	sadd.s32 @!p1 $0x0, s22  }
0xae: {  	s2 =	simm.s32 @!p1 $0x0;
	s3 =	simm.s32 @!p1 $0x14000;
	s4 =	simm.s32 @!p1 $0x3  }
0xaf: {  	[tilespmem:s3], [sflag:$0x3] =	stream.linear.gather @!p1 [hbm4b:s0+s2], $0x80, $0x38;
	[tilespmem:$0x1C100] =	vst v63  }
0xb0: {  	_ =	swait.ge @!p1 [sflag:s4], $0x80  }
0xb1: {  	[sflag:s4] =	ssyncset.done @!p1 $0x0  }
0xb2: {  	s26 =	simm.s32 @!p1 $0x14080;
	s0 =	sadd.s32 @!p1 $0x0, s21;
	[sflag:s4] =	ssyncadd.s32 @!p1 $0xFFFFFF80  }
0xb3: {  	[tilespmem:s26], [sflag:$0x3] =	stream.linear.gather @!p1 [hbm4b:s0+s2], $0x80, $0x38;
	[tilespmem:$0x1C100] =	vst v63  }
0xb4: {  	_ =	swait.ge @!p1 [sflag:s4], $0x80;
	p1 =	por p1, p1  }
0xb5: {  	[sflag:s4] =	ssyncset.done @!p1 $0x0;
	s0 =	simm.s32 @!p1 $0x80  }
0xb6: {  	s2 =	simm.s32 @!p1 $0x14100;
	[sflag:s4] =	ssyncadd.s32 @!p1 $0xFFFFFF80;
	s4 =	simm.s32 @!p1 $0x1  }
0xb7: {  	[tilespmem:s2], [sflag:$0x1] =	stream.indirect.gather @!p1 [hbm4b:s1+s0], $0x80, s3, s0, $0xb8;
	[tilespmem:$0x1C100] =	vst v63  }
0xb8: {  	_ =	swait.ge @!p1 [sflag:s4], $0x4000  }
0xb9: {  	s28 =	sadd.s32 $0x10, s12;
	[sflag:s4] =	ssyncset.done @!p1 $0x0  }
0xba: {  	s29 =	simm.s32 $0x200;
	s30 =	simm.s32 @!p1 $0x2;
	[sflag:s4] =	ssyncadd.s32 @!p1 $0xFFFFC000  }
0xbb: {  	[spmem:s5] =	stream.indirect.scatter.add.f32 @!p1 [tilespmem:s2], [sflag:$0x2], $0x80, s26, s0, $0xb8;
	[tilespmem:$0x1C100] =	vst v63  }
0xbc: {  	p2 =	sgt.u32 s28, $0x9C3;
	s26 =	simm.s32 $0x100;
	_ =	swait.ge @!p1 [sflag:s30], $0x4000  }
.LBB2_8:
0xbd: {  	s0 =	sadd.s32 @!p2 s26, s22;
	s2 =	simm.s32 @!p2 $0x0;
	[sflag:s30] =	ssyncset.done @!p1 $0x0  }
0xbe: {  	s3 =	simm.s32 @!p2 $0x14000;
	s4 =	simm.s32 @!p2 $0x3;
	[sflag:s30] =	ssyncadd.s32 @!p1 $0xFFFFC000  }
0xbf: {  	[tilespmem:s3], [sflag:$0x3] =	stream.linear.gather @!p2 [hbm4b:s0+s2], $0x80, $0x38;
	[tilespmem:$0x1C100] =	vst v63  }
0xc0: {  	s0 =	smov.u32 s29;
	s29 =	sadd.s32 $0x100, s29;
	_ =	swait.ge @!p2 [sflag:s4], $0x80  }
0xc1: {  	s31 =	simm.s32 @!p2 $0x14080;
	s30 =	sadd.s32 @!p2 s26, s21;
	[sflag:s4] =	ssyncset.done @!p2 $0x0  }
0xc2: {  	p3 =	sne.s32 s29, $0x4F00;
	s26 =	smov.u32 s0;
	[sflag:s4] =	ssyncadd.s32 @!p2 $0xFFFFFF80  }
0xc3: {  	[tilespmem:s31], [sflag:$0x3] =	stream.linear.gather @!p2 [hbm4b:s30+s2], $0x80, $0x38;
	[tilespmem:$0x1C100] =	vst v63  }
0xc4: {  	p1 =	por p2, p2;
	_ =	swait.ge @!p2 [sflag:s4], $0x80  }
0xc5: {  	s0 =	simm.s32 @!p1 $0x80;
	s2 =	simm.s32 @!p1 $0x14100;
	[sflag:s4] =	ssyncset.done @!p1 $0x0  }
0xc6: {  	[sflag:s4] =	ssyncadd.s32 @!p1 $0xFFFFFF80;
	s4 =	simm.s32 @!p1 $0x1  }
0xc7: {  	[tilespmem:s2], [sflag:$0x1] =	stream.indirect.gather @!p1 [hbm4b:s1+s0], $0x80, s3, s0, $0xb8;
	[tilespmem:$0x1C100] =	vst v63  }
.Ltmp6:
0xc8: {  	_ =	swait.ge @!p1 [sflag:s4], $0x4000;
	(pc) =	sbr.rel @p3 .LBB2_8-.Ltmp6, $4  }
0xc9: {  	[sflag:s4] =	ssyncset.done @!p1 $0x0  }
0xca: {  	s28 =	sadd.s32 $0x10, s28;
	s30 =	simm.s32 @!p1 $0x2;
	[sflag:s4] =	ssyncadd.s32 @!p1 $0xFFFFC000  }
0xcb: {  	[spmem:s5] =	stream.indirect.scatter.add.f32 @!p1 [tilespmem:s2], [sflag:$0x2], $0x80, s31, s0, $0xb8;
	[tilespmem:$0x1C100] =	vst v63  }
0xcc: {  	p2 =	sgt.u32 s28, $0x9C3;
	_ =	swait.ge @!p1 [sflag:s30], $0x4000  }
.Ltmp7:
0xcd: {  	_ = 	snop;
	(pc) =	sbr.rel .LBB2_9-.Ltmp7, $1  }
0xce: {  	_ =	sdelay $0x3  }
.LBB2_11:
0xcf: {  	_ =	sfence.sel $0x180000  }
0xd0: {  	[bflag:$0x0] =	sbarrier.arrive $0xFFFF  }
0xd1: {  	_ =	strace $0x9000004A  }
0xd2: {  	s0 =	stileid.u32;
	[bflag:$0x2] =	sbarrier.arrive $0xFFFF  }
0xd3: {  	p0 =	sne.s32 s0, $0x0;
	s0 =	rddreg [dreg:$0x6]  }
0xd4: {  	s0 =	sadd.s32 @!p0 $0x100000, s0  }
0xd5: {  	[sflag:s0] =	ssyncadd.tile.s32 @!p0 $0x1;
	_ =	shalt  }
.Lfunc_end2:
_tile_overlayer_lowered:
.L_overlay_start_2:
0xd6: {  	(tag) =	ssettag $0x2  }
0xd7: {  	s0 =	rddreg [dreg:$0x0];
	s2 =	stileid.u32  }
0xd8: {  	s1 =	rddreg [dreg:$0x1];
	p0 =	sne.s32 s2, $0x0  }
0xd9: {  	s3 =	rddreg [dreg:$0x2];
	[bflag:$0x3] =	sbarrier.arrive $0xFFFF;
	s2 =	simm.s32 @!p0 $0x1C02  }
0xda: {  	[timem:s3], [sflag:s2] =	dma.local @!p0 [hbm:s0], s1  }
0xdb: {  	s0 =	simm.s32 @!p0 $0x2  }
0xdc: {  	_ =	swait.ge @!p0 [sflag:s0], s1  }
0xdd: {  	s1 =	ssub.s32 @!p0 $0x0, s1;
	[sflag:s0] =	ssyncset.done @!p0 $0x0  }
0xde: {  	[sflag:s0] =	ssyncadd.s32 @!p0 s1  }
0xdf: {  	[bflag:$0x3] =	sbarrier.arrive $0xFFFF  }
0xe0: {  	_ =	shalt  }

// kernel: kernel.15.cloned.1.call-start
scs
__scs_entry_jumppad:
0x0: {  	(pc) =	sbr.rel $0x88, $3  }
0x1: {  	(tag) =	ssettag $0x0;
	lr =	simm.s32 $0x1  }
0x2: {  	[smem:$0x3F92] =	sst lr;
	_ =	strace $0xD0000000  }
0x3: {  	_ = 	snop  }
0x4: {  	_ = 	snop  }
0x5: {  	_ = 	snop  }
0x6: {  	_ = 	snop  }
0x7: {  	_ = 	snop  }
__scs_overlays_trampoline_lowered:
0x8: {  	[smem:$0x3FA1] =	sst s0  }
0x9: {  	[smem:$0x3FA2] =	sst s1  }
0xa: {  	[smem:$0x3FA3] =	sst s2  }
0xb: {  	[smem:$0x3FA4] =	sst s3  }
0xc: {  	[smem:$0x3FA5] =	sst s4  }
0xd: {  	[smem:$0x3FA6] =	sst s5  }
0xe: {  	[smem:$0x3FA7] =	sst s6  }
0xf: {  	[smem:$0x3FA8] =	sst s7  }
0x10: {  	[smem:$0x3FA9] =	sst s8  }
0x11: {  	[smem:$0x3FAA] =	sst s9;
	s0 =	simm.s32 @!p0 $0x0  }
0x12: {  	s1 =	sld [smem:$0x3F90];
	s0 =	simm.s32 @p0 $0x1  }
0x13: {  	[smem:$0x3FAB] =	sst s0;
	s0 =	simm.s32 @!p1 $0x0  }
0x14: {  	s2 =	sld [smem:$0x3F8F];
	s0 =	simm.s32 @p1 $0x1  }
0x15: {  	[smem:$0x3FAC] =	sst s0;
	s0 =	simm.s32 @!p2 $0x0  }
0x16: {  	s3 =	sld [smem:$0x3FDB];
	s0 =	simm.s32 @p2 $0x1  }
0x17: {  	s4 =	simm.s32 $0x1BF5;
	[smem:$0x3FAE] =	sst s0  }
0x18: {  	s0 =	sld [smem:$0x3F91];
	_ =	swait.ge [sflag:s4], $0x0  }
0x19: {  	s7 =	sld [smem:$0x3F92]  }
0x1a: {  	s8 =	sadd.s32 $0xFFFFE003, lr  }
0x1b: {  	s9 =	sadd.s32 $0xFFFFFEF7, lr;
	s5 =	simm.s32 $0xFFFFFFFF;
	p2 =	slt.u32 s8, $0xFFFFF086  }
0x1c: {  	p1 =	slt.u32 s9, $0xF7A;
	s5 =	simm.s32 @!p2 $0x0  }
0x1d: {  	s5 =	simm.s32 @p1 $0x1;
	p0 =	seq.s32 s7, s2  }
0x1e: {  	s7 =	smul.u32 @!p0 $0xF7A, s2;
	p2 =	seq.s32 @!p0 s5, $0x0  }
0x1f: {  	s9 =	smul.u32 $0xF7A, s1;
	s8 =	simm.s32 @!p0 $0x1BF5;
	p2 =	por !p2, p0  }
0x20: {  	[sflag:s8] =	ssyncset.s32 @!p0 $0xFFFFF086;
	s6 =	sadd.s32 @!p0 s3, s7;
	s7 =	simm.s32 @!p0 $0x108  }
0x21: {  	s3 =	sadd.s32 s3, s9;
	s6 =	sadd.s32 @!p0 $0x88, s6;
	s7 =	simm.s32 @p2 $0x1082  }
0x22: {  	[simem:s7], [sflag:s8] =	dma.local @!p0 [hbm:s6], $0xF7A  }
0x23: {  	s9 =	sor.u32 $0xD0000000, s2;
	s6 =	simm.s32 $0x108;
	_ =	swait.ge @!p0 [sflag:s8], $0x0  }
0x24: {  	s3 =	sadd.s32 $0x88, s3;
	s6 =	simm.s32 @!p1 $0x1082;
	[sflag:s4] =	ssyncset.s32 $0xFFFFF086  }
0x25: {  	[simem:s6], [sflag:s4] =	dma.local [hbm:s3], $0xF7A  }
0x26: {  	[smem:$0x3F92] =	sst s1;
	(tag) =	ssettag s2;
	_ =	strace s9  }
0x27: {  	s1 =	sld [smem:$0x3FA2]  }
0x28: {  	s2 =	sld [smem:$0x3FA3]  }
0x29: {  	s4 =	sld [smem:$0x3FA5]  }
0x2a: {  	p0 =	seq.s32 s5, $0x0;
	s5 =	sld [smem:$0x3FA6]  }
0x2b: {  	s6 =	sld [smem:$0x3FA7]  }
0x2c: {  	s7 =	sld [smem:$0x3FA8]  }
0x2d: {  	s3 =	simm.s32 $0x108;
	s8 =	sld [smem:$0x3FA9]  }
0x2e: {  	s3 =	simm.s32 @!p0 $0x1082;
	s9 =	sld [smem:$0x3FAA]  }
0x2f: {  	lr =	sadd.s32 s0, s3;
	s0 =	sld [smem:$0x3FA1]  }
0x30: {  	s3 =	sld [smem:$0x3FA4]  }
0x31: {  	[smem:$0x3FAD] =	sst s10  }
0x32: {  	s10 =	sld [smem:$0x3FAB];
	_ =	sdelay $0x3  }
0x33: {  	p0 =	seq.s32 s10, $0x1;
	s10 =	sld [smem:$0x3FAD];
	_ =	sdelay $0x3  }
0x34: {  	[smem:$0x3FAD] =	sst s10  }
0x35: {  	s10 =	sld [smem:$0x3FAC];
	_ =	sdelay $0x3  }
0x36: {  	p1 =	seq.s32 s10, $0x1;
	s10 =	sld [smem:$0x3FAD];
	_ =	sdelay $0x3  }
0x37: {  	[smem:$0x3FAD] =	sst s10  }
0x38: {  	s10 =	sld [smem:$0x3FAE]  }
0x39: {  	_ = 	snop;
	(pc) =	sbr.ind lr, $3  }
0x3a: {  	_ = 	snop  }
0x3b: {  	_ = 	snop  }
0x3c: {  	p2 =	seq.s32 s10, $0x1;
	s10 =	sld [smem:$0x3FAD]  }
0x3d: {  	_ =	shalt  }
0x3e: {  	_ =	shalt  }
0x3f: {  	_ =	shalt  }
0x40: {  	_ =	shalt  }
0x41: {  	_ =	shalt  }
0x42: {  	_ =	shalt  }
0x43: {  	_ =	shalt  }
0x44: {  	_ =	shalt  }
0x45: {  	_ =	shalt  }
0x46: {  	_ =	shalt  }
0x47: {  	_ =	shalt  }
0x48: {  	_ =	shalt  }
0x49: {  	_ =	shalt  }
0x4a: {  	_ =	shalt  }
0x4b: {  	_ =	shalt  }
0x4c: {  	_ =	shalt  }
0x4d: {  	_ =	shalt  }
0x4e: {  	_ =	shalt  }
0x4f: {  	_ =	shalt  }
0x50: {  	_ =	shalt  }
0x51: {  	_ =	shalt  }
0x52: {  	_ =	shalt  }
0x53: {  	_ =	shalt  }
0x54: {  	_ =	shalt  }
0x55: {  	_ =	shalt  }
0x56: {  	_ =	shalt  }
0x57: {  	_ =	shalt  }
0x58: {  	_ =	shalt  }
0x59: {  	_ =	shalt  }
0x5a: {  	_ =	shalt  }
0x5b: {  	_ =	shalt  }
0x5c: {  	_ =	shalt  }
0x5d: {  	_ =	shalt  }
0x5e: {  	_ =	shalt  }
0x5f: {  	_ =	shalt  }
0x60: {  	_ =	shalt  }
0x61: {  	_ =	shalt  }
0x62: {  	_ =	shalt  }
0x63: {  	_ =	shalt  }
0x64: {  	_ =	shalt  }
0x65: {  	_ =	shalt  }
0x66: {  	_ =	shalt  }
0x67: {  	_ =	shalt  }
0x68: {  	_ =	shalt  }
0x69: {  	_ =	shalt  }
0x6a: {  	_ =	shalt  }
0x6b: {  	_ =	shalt  }
0x6c: {  	_ =	shalt  }
0x6d: {  	_ =	shalt  }
0x6e: {  	_ =	shalt  }
0x6f: {  	_ =	shalt  }
0x70: {  	_ =	shalt  }
0x71: {  	_ =	shalt  }
0x72: {  	_ =	shalt  }
0x73: {  	_ =	shalt  }
0x74: {  	_ =	shalt  }
0x75: {  	_ =	shalt  }
0x76: {  	_ =	shalt  }
0x77: {  	_ =	shalt  }
0x78: {  	_ =	shalt  }
0x79: {  	_ =	shalt  }
0x7a: {  	_ =	shalt  }
0x7b: {  	_ =	shalt  }
0x7c: {  	_ =	shalt  }
0x7d: {  	_ =	shalt  }
0x7e: {  	_ =	shalt  }
0x7f: {  	_ =	shalt  }
0x80: {  	_ =	shalt  }
0x81: {  	_ =	shalt  }
0x82: {  	_ =	shalt  }
0x83: {  	_ =	shalt  }
0x84: {  	_ =	shalt  }
0x85: {  	_ =	shalt  }
0x86: {  	_ =	shalt  }
0x87: {  	_ =	shalt  }
.Lfunc_end0:
.L_simem_size_0:
called_computation.2_lowered:
.L_overlay_start_0:
0x88: {  	s2 =	sld [smem:$0x3FD9]  }
0x89: {  	s3 =	sld [smem:$0x3FFE];
	_ =	sdelay $0x1  }
0x8a: {  	s1 =	srdreg.scid  }
0x8b: {  	s0 =	sand.u32 $0x1, s1  }
0x8c: {  	s14 =	sshll.u32 s0, $0xA;
	s2 =	sadd.s32 s3, s2  }
0x8d: {  	s2 =	sadd.s32 s2, s14  }
0x8e: {  	[smem:$0x3FB9] =	sst s2  }
0x8f: {  	_ = 	snop  }
0x90: {  	s2 =	sld [smem:$0x3FD0];
	_ =	sdelay $0x2  }
0x91: {  	s15 =	simm.s32 $0xA;
	s4 =	simm.s32 $0x10  }
0x92: {  	[smem:s4], [sflag:s15] =	dma.local [hbm:s2], $0x1  }
0x93: {  	_ =	swait.eq [sflag:s15], $0x1  }
0x94: {  	s16 =	sld [smem:$0x11]  }
0x95: {  	s17 =	sld [smem:$0x12];
	[sflag:s15] =	ssyncset.done $0x0  }
0x96: {  	s5 =	sld [smem:$0x16];
	[sflag:s15] =	ssyncadd.s32 $0xFFFFFFFF  }
0x97: {  	s18 =	sld [smem:$0x17];
	(tm) =	ssettm $0x1  }
0x98: {  	s6 =	sld [smem:$0x3FFB];
	_ =	sdelay $0x3  }
0x99: {  	_ =	strace s6  }
0x9a: {  	s6 =	sld [smem:$0x3FFC];
	_ =	sdelay $0x3  }
0x9b: {  	_ =	strace s6  }
0x9c: {  	s6 =	sld [smem:$0x3FFD];
	_ =	sdelay $0x3  }
0x9d: {  	_ =	strace s6  }
0x9e: {  	_ =	strace $0x8FFFFFFF  }
0x9f: {  	s19 =	sld [smem:$0x3FDB];
	_ =	sdelay $0x1  }
0xa0: {  	s7 =	simm.s32 $_scs_section_size  }
0xa1: {  	s8 =	simm.s32 $_size__tile_overlayer_lowered;
	s9 =	simm.s32 $_tile_overlayer_lowered  }
0xa2: {  	s22 =	simm.s32 $0x1BFF;
	s21 =	sshll.u32 s9, $0x1;
	s6 =	sadd.s32 s7, s19  }
0xa3: {  	s10 =	simm.s32 $0x0;
	s20 =	sshll.u32 s8, $0x1;
	s8 =	sadd.s32 s21, s6  }
0xa4: {  	[timem:s10], [sflag:s22] =	dma.local [hbm:s8], s20  }
0xa5: {  	_ =	swait.ge [sflag:s22], s20  }
0xa6: {  	s7 =	ssub.s32 $0x0, s20;
	[sflag:s22] =	ssyncset.done $0x0  }
0xa7: {  	[sflag:s22] =	ssyncadd.s32 s7;
	_ =	sdelay $0x1  }
0xa8: {  	s23 =	simm.s32 $0x1B8B  }
0xa9: {  	_ =	swait.ge [sflag:s23], $0x1  }
0xaa: {  	[sflag:s23] =	ssyncset.done $0x0  }
0xab: {  	s25 =	simm.s32 $0x1B8E;
	s24 =	sld [smem:$0x3FFE];
	[sflag:s23] =	ssyncadd.s32 $0xFFFFFFFF  }
0xac: {  	s26 =	simm.s32 $execute0_lowered;
	[smem:$0x3FD2] =	sst s25  }
0xad: {  	s8 =	sshll.u32 s26, $0x1;
	_ =	strace $0x8000004C;
	[dreg:$0x1] =	wrdreg $0xFFFFFFFF  }
0xae: {  	s28 =	simm.s32 $_size_execute0_lowered;
	s6 =	sadd.s32 s6, s8;
	[dreg:$0x0] =	wrdreg $0x0  }
0xaf: {  	s8 =	sshll.u32 s28, $0x1;
	[dreg:$0x2] =	wrdreg s6  }
0xb0: {  	[dreg:$0x3] =	wrdreg s8  }
0xb1: {  	[dreg:$0x4] =	wrdreg $0xC0  }
0xb2: {  	_ =	task [dreg:s10], $0x5FFFF  }
0xb3: {  	[dreg:$0x1] =	wrdreg $0xFFFFFFFF  }
0xb4: {  	[dreg:$0x0] =	wrdreg $0x60  }
0xb5: {  	[dreg:$0x2] =	wrdreg s17  }
0xb6: {  	[dreg:$0x3] =	wrdreg s16  }
0xb7: {  	[dreg:$0x4] =	wrdreg s5  }
0xb8: {  	[dreg:$0x5] =	wrdreg s18  }
0xb9: {  	[dreg:$0x6] =	wrdreg s24  }
0xba: {  	[dreg:$0x7] =	wrdreg $0x0  }
0xbb: {  	[dreg:$0x8] =	wrdreg $0x9  }
0xbc: {  	_ =	task.clear_ibuf [dreg:s10], $0x9FFFF;
	_ =	strace $0x9000004C  }
0xbd: {  	s29 =	simm.s32 $0x9;
	_ =	strace $0x8000004E  }
0xbe: {  	_ =	swait.ge [sflag:s29], $0x1  }
0xbf: {  	[sflag:s29] =	ssyncadd.s32 $0xFFFFFFFF  }
0xc0: {  	_ =	strace $0x9000004E  }
0xc1: {  	_ =	sfence  }
0xc2: {  	s30 =	sld [smem:$0x0];
	_ =	sdelay $0x2  }
0xc3: {  	s31 =	sshll.u32 s1, $0xD;
	s1 =	sshrl.u32 s1, $0x2  }
0xc4: {  	s3 =	sand.u32 $0x4000, s31;
	s1 =	sadd.s32 s1, s30  }
0xc5: {  	s0 =	sor.u32 s3, s0;
	s1 =	sshll.u32 s1, $0x11  }
0xc6: {  	s0 =	sor.u32 s1, s0  }
0xc7: {  	s0 =	sadd.s32 $0x8F2B, s0  }
0xc8: {  	[sflag:s0] =	ssyncadd.remote.s32 $0x1  }
0xc9: {  	_ =	sfence.sel $0xFFFF  }
0xca: {  	[dreg:$0x0] =	wrdreg $0xFFFFFFFF;
	(pc) =	sbr.abs _section_cstart, $3  }
0xcb: {  	[dreg:$0x1] =	wrdreg $0xFFFFFFFF  }
0xcc: {  	_ =	task.clear_ibuf [dreg:s10], $0x2FFFF;
	_ =	strace $0x9FFFFFFF  }
0xcd: {  	(tm) =	ssettm $0x7FFFFFFF  }
tec
execute0_lowered:
.L_overlay_start_1:
0x0: {  	(tag) =	ssettag $0x1  }
0x1: {  	s1 =	rddreg [dreg:$0x0]  }
0x2: {  	s2 =	rddreg [dreg:$0x1]  }
0x3: {  	s20 =	rddreg [dreg:$0x2]  }
0x4: {  	s19 =	rddreg [dreg:$0x3]  }
0x5: {  	s7 =	rddreg [dreg:$0x4]  }
0x6: {  	s3 =	rddreg [dreg:$0x5]  }
0x7: {  	s5 =	simm.s32 $0x0;
	s6 =	srdreg.scid;
	s4 =	stileid.u32  }
0x8: {  	s23 =	simm.s32 $0x0;
	[smem:$0x7FF] =	sst s5;
	s10 =	smul.u32 $0x280, s4  }
0x9: {  	s21 =	sand.u32 $0x1, s6;
	s0 =	sadd.s32 $0x2C400, s7;
	s9 =	smul.u32 $0x50000, s4  }
0xa: {  	s7 =	sadd.s32 $0x54400, s7;
	s13 =	smul.u32 $0x2800, s4;
	s22 =	sshll.u32 s4, $0x4  }
0xb: {  	_ =	strace $0x8000004D;
	[dreg:$0x7] =	wrdreg s0;
	s8 =	ssub.s32 $0x2, s21  }
0xc: {  	s19 =	sadd.s32 s22, s19;
	s20 =	sadd.s32 s22, s20;
	p0 =	sne.s32 s21, $0x0  }
0xd: {  	s21 =	simm.s32 $0x18100;
	s22 =	simm.s32 $0x2;
	s11 =	sshrl.u32 s8, $0x1  }
0xe: {  	s14 =	sadd.s32 $0x80, s10;
	s28 =	sshrl.u32 s9, $0x2;
	s15 =	sadd.s32 $0x100, s10  }
0xf: {  	s16 =	sadd.s32 $0x180, s10;
	s17 =	sadd.s32 $0x200, s10;
	s18 =	ssub.s32 s8, s11  }
.Ltmp0:
0x10: {  	s29 =	sshll.u32 s14, $0x7;
	s8 =	sadd.s32 s28, s3;
	(pc) =	sbr.rel .LBB2_1-.Ltmp0, $4  }
0x11: {  	s30 =	sshll.u32 s15, $0x7;
	s31 =	sshll.u32 s16, $0x7;
	s12 =	sshll.u32 s17, $0x7  }
0x12: {  	s14 =	sshll.u32 s14, $0x4;
	s15 =	sshll.u32 s15, $0x4;
	s16 =	sshll.u32 s16, $0x4  }
0x13: {  	s17 =	sshll.u32 s17, $0x4;
	s9 =	sadd.s32 s29, s3;
	s10 =	sadd.s32 s30, s3  }
0x14: {  	v0 =	vimm.f32 $0.0e+00;
	s11 =	sadd.s32 s31, s3;
	s12 =	sadd.s32 s12, s3;
	s18 =	smax.u32 s18, $0x1  }
.LBB2_9:
0x15: {  	s0 =	sadd.s32 @!p2 s24, s20;
	s6 =	simm.s32 @!p2 $0x0;
	[sflag:s28] =	ssyncset.done @!p1 $0x0  }
0x16: {  	s25 =	simm.s32 @!p2 $0x14000;
	s26 =	simm.s32 @!p2 $0x3;
	[sflag:s28] =	ssyncadd.s32 @!p1 $0xFFFFC000  }
0x17: {  	[tilespmem:s25], [sflag:$0x3] =	stream.linear.gather @!p2 [hbm4b:s0+s6], $0x80, $0x38;
	[tilespmem:$0x1C100] =	vst v63  }
0x18: {  	_ =	swait.ge @!p2 [sflag:s26], $0x80  }
0x19: {  	[sflag:s26] =	ssyncset.done @!p2 $0x0  }
0x1a: {  	s0 =	sadd.s32 @!p2 s24, s19;
	s24 =	simm.s32 @!p2 $0x14080;
	[sflag:s26] =	ssyncadd.s32 @!p2 $0xFFFFFF80  }
0x1b: {  	[tilespmem:s24], [sflag:$0x3] =	stream.linear.gather @!p2 [hbm4b:s0+s6], $0x80, $0x38;
	[tilespmem:$0x1C100] =	vst v63  }
0x1c: {  	p1 =	por p2, p2;
	_ =	swait.ge @!p2 [sflag:s26], $0x80  }
0x1d: {  	s0 =	simm.s32 @!p1 $0x80;
	[sflag:s26] =	ssyncset.done @!p1 $0x0  }
0x1e: {  	s6 =	simm.s32 @!p1 $0x14100;
	[sflag:s26] =	ssyncadd.s32 @!p1 $0xFFFFFF80;
	s26 =	simm.s32 @!p1 $0x1  }
0x1f: {  	[tilespmem:s6], [sflag:$0x1] =	stream.indirect.gather @!p1 [hbm4b:s2+s0], $0x80, s25, s0, $0xb8;
	[tilespmem:$0x1C100] =	vst v63  }
0x20: {  	_ =	swait.ge @!p1 [sflag:s26], $0x4000  }
0x21: {  	[sflag:s26] =	ssyncset.done @!p1 $0x0  }
0x22: {  	s25 =	simm.s32 @!p1 $0x2;
	[sflag:s26] =	ssyncadd.s32 @!p1 $0xFFFFC000  }
0x23: {  	[spmem:s3] =	stream.indirect.scatter.add.f32 @!p1 [tilespmem:s6], [sflag:$0x2], $0x80, s24, s0, $0xb8;
	[tilespmem:$0x1C100] =	vst v63  }
0x24: {  	_ =	swait.ge @!p1 [sflag:s25], $0x4000  }
0x25: {  	[sflag:s25] =	ssyncset.done @!p1 $0x0  }
0x26: {  	s24 =	smov.u32 s7;
	[sflag:s25] =	ssyncadd.s32 @!p1 $0xFFFFC000  }
.LBB2_10:
0x27: {  	[bflag:$0x0] =	sbarrier.arrive $0xFFFF  }
0x28: {  	[tilespmem:s21], [sflag:$0x2] =	stream.linear.gather [spmem:s8], $0x4000, $0x38;
	[tilespmem:$0x1C100] =	vst v63  }
0x29: {  	_ =	swait.ge [sflag:s22], $0x4000  }
0x2a: {  	[sflag:s22] =	ssyncset.done $0x0  }
0x2b: {  	s0 =	sadd.s32 s24, s13;
	[sflag:s22] =	ssyncadd.s32 $0xFFFFC000  }
0x2c: {  	[hbm4b:s0+s5] =	stream.linear.scatter [tilespmem:s21], [sflag:$0x2], $0x4000, $0x38;
	[tilespmem:$0x1C100] =	vst v63  }
0x2d: {  	_ =	swait.ge [sflag:s22], $0x4000  }
0x2e: {  	[sflag:s22] =	ssyncset.done $0x0  }
0x2f: {  	[sflag:s22] =	ssyncadd.s32 $0xFFFFC000  }
0x30: {  	[tilespmem:s21], [sflag:$0x2] =	stream.linear.gather [spmem:s9], $0x4000, $0x38;
	[tilespmem:$0x1C100] =	vst v63  }
0x31: {  	_ =	swait.ge [sflag:s22], $0x4000  }
0x32: {  	[sflag:s22] =	ssyncset.done $0x0  }
0x33: {  	s28 =	sadd.s32 s24, s14;
	[sflag:s22] =	ssyncadd.s32 $0xFFFFC000  }
0x34: {  	[hbm4b:s28+s5] =	stream.linear.scatter [tilespmem:s21], [sflag:$0x2], $0x4000, $0x38;
	[tilespmem:$0x1C100] =	vst v63  }
0x35: {  	_ =	swait.ge [sflag:s22], $0x4000  }
0x36: {  	[sflag:s22] =	ssyncset.done $0x0  }
0x37: {  	[sflag:s22] =	ssyncadd.s32 $0xFFFFC000  }
0x38: {  	[tilespmem:s21], [sflag:$0x2] =	stream.linear.gather [spmem:s10], $0x4000, $0x38;
	[tilespmem:$0x1C100] =	vst v63  }
0x39: {  	_ =	swait.ge [sflag:s22], $0x4000  }
0x3a: {  	[sflag:s22] =	ssyncset.done $0x0  }
0x3b: {  	s29 =	sadd.s32 s24, s15;
	[sflag:s22] =	ssyncadd.s32 $0xFFFFC000  }
0x3c: {  	[hbm4b:s29+s5] =	stream.linear.scatter [tilespmem:s21], [sflag:$0x2], $0x4000, $0x38;
	[tilespmem:$0x1C100] =	vst v63  }
0x3d: {  	_ =	swait.ge [sflag:s22], $0x4000  }
0x3e: {  	[sflag:s22] =	ssyncset.done $0x0  }
0x3f: {  	[sflag:s22] =	ssyncadd.s32 $0xFFFFC000  }
0x40: {  	[tilespmem:s21], [sflag:$0x2] =	stream.linear.gather [spmem:s11], $0x4000, $0x38;
	[tilespmem:$0x1C100] =	vst v63  }
0x41: {  	_ =	swait.ge [sflag:s22], $0x4000  }
0x42: {  	[sflag:s22] =	ssyncset.done $0x0  }
0x43: {  	s30 =	sadd.s32 s24, s16;
	[sflag:s22] =	ssyncadd.s32 $0xFFFFC000  }
0x44: {  	[hbm4b:s30+s5] =	stream.linear.scatter [tilespmem:s21], [sflag:$0x2], $0x4000, $0x38;
	[tilespmem:$0x1C100] =	vst v63  }
0x45: {  	_ =	swait.ge [sflag:s22], $0x4000  }
0x46: {  	[sflag:s22] =	ssyncset.done $0x0  }
0x47: {  	[sflag:s22] =	ssyncadd.s32 $0xFFFFC000  }
0x48: {  	[tilespmem:s21], [sflag:$0x2] =	stream.linear.gather [spmem:s12], $0x4000, $0x38;
	[tilespmem:$0x1C100] =	vst v63  }
0x49: {  	s23 =	sadd.s32 $0x1, s23;
	_ =	swait.ge [sflag:s22], $0x4000  }
0x4a: {  	p1 =	sne.s32 s23, s18;
	[sflag:s22] =	ssyncset.done $0x0  }
.Ltmp1:
0x4b: {  	s31 =	sadd.s32 s24, s17;
	[sflag:s22] =	ssyncadd.s32 $0xFFFFC000;
	(pc) =	sbr.rel @!p1 .LBB2_11-.Ltmp1, $4  }
0x4c: {  	[hbm4b:s31+s5] =	stream.linear.scatter [tilespmem:s21], [sflag:$0x2], $0x4000, $0x38;
	[tilespmem:$0x1C100] =	vst v63  }
0x4d: {  	_ =	swait.ge [sflag:s22], $0x4000  }
0x4e: {  	[sflag:s22] =	ssyncset.done $0x0  }
0x4f: {  	[sflag:s22] =	ssyncadd.s32 $0xFFFFC000  }
.LBB2_1:
0x50: {  	s24 =	simm.s32 $0x0;
	s25 =	simm.s32 $0x200  }
.LBB2_2:
0x51: {  	p1 =	sne.s32 s25, $0xFE00;
	[tilespmem:s24+$0x18170] =	vst v0  }
0x52: {  	[tilespmem:s24+$0x18100] =	vst v0  }
0x53: {  	[tilespmem:s24+$0x18110] =	vst v0  }
.Ltmp2:
0x54: {  	[tilespmem:s24+$0x18120] =	vst v0;
	(pc) =	sbr.rel @p1 .LBB2_2-.Ltmp2, $4  }
0x55: {  	[tilespmem:s24+$0x18130] =	vst v0  }
0x56: {  	[tilespmem:s24+$0x18140] =	vst v0  }
0x57: {  	[tilespmem:s24+$0x18150] =	vst v0  }
0x58: {  	[tilespmem:s24+$0x18160] =	vst v0;
	s24 =	sshra.s32 s25, $0x2;
	s25 =	sadd.s32 $0x200, s25  }
0x59: {  	[tilespmem:s24+$0x18170] =	vst v0  }
0x5a: {  	[tilespmem:s24+$0x18100] =	vst v0  }
0x5b: {  	[tilespmem:s24+$0x18110] =	vst v0  }
0x5c: {  	[tilespmem:s24+$0x18120] =	vst v0  }
0x5d: {  	[tilespmem:s24+$0x18130] =	vst v0  }
0x5e: {  	[tilespmem:s24+$0x18140] =	vst v0  }
0x5f: {  	[tilespmem:s24+$0x18150] =	vst v0  }
0x60: {  	[tilespmem:s24+$0x18160] =	vst v0  }
0x61: {  	[spmem:s8] =	stream.linear.scatter [tilespmem:s21], [sflag:$0x2], $0x4000, $0x38;
	[tilespmem:$0x1C100] =	vst v63  }
0x62: {  	_ =	swait.ge [sflag:s22], $0x4000  }
0x63: {  	[sflag:s22] =	ssyncset.done $0x0  }
0x64: {  	[sflag:s22] =	ssyncadd.s32 $0xFFFFC000  }
0x65: {  	[spmem:s9] =	stream.linear.scatter [tilespmem:s21], [sflag:$0x2], $0x4000, $0x38;
	[tilespmem:$0x1C100] =	vst v63  }
0x66: {  	_ =	swait.ge [sflag:s22], $0x4000  }
0x67: {  	[sflag:s22] =	ssyncset.done $0x0  }
0x68: {  	[sflag:s22] =	ssyncadd.s32 $0xFFFFC000  }
0x69: {  	[spmem:s10] =	stream.linear.scatter [tilespmem:s21], [sflag:$0x2], $0x4000, $0x38;
	[tilespmem:$0x1C100] =	vst v63  }
0x6a: {  	_ =	swait.ge [sflag:s22], $0x4000  }
0x6b: {  	[sflag:s22] =	ssyncset.done $0x0  }
0x6c: {  	[sflag:s22] =	ssyncadd.s32 $0xFFFFC000  }
0x6d: {  	[spmem:s11] =	stream.linear.scatter [tilespmem:s21], [sflag:$0x2], $0x4000, $0x38;
	[tilespmem:$0x1C100] =	vst v63  }
0x6e: {  	_ =	swait.ge [sflag:s22], $0x4000  }
0x6f: {  	[sflag:s22] =	ssyncset.done $0x0  }
0x70: {  	[sflag:s22] =	ssyncadd.s32 $0xFFFFC000  }
0x71: {  	[spmem:s12] =	stream.linear.scatter [tilespmem:s21], [sflag:$0x2], $0x4000, $0x38;
	[tilespmem:$0x1C100] =	vst v63  }
.Ltmp3:
0x72: {  	_ =	swait.ge [sflag:s22], $0x4000;
	(pc) =	sbr.rel @p0 .LBB2_7-.Ltmp3, $4  }
0x73: {  	[sflag:s22] =	ssyncset.done $0x0  }
0x74: {  	[sflag:s22] =	ssyncadd.s32 $0xFFFFC000  }
0x75: {  	[bflag:$0x0] =	sbarrier.arrive $0xFFFF  }
0x76: {  	p1 =	sgt.u32 s4, $0x9C3  }
0x77: {  	s24 =	sadd.s32 @!p1 $0x0, s20  }
0x78: {  	s25 =	simm.s32 @!p1 $0x0;
	s26 =	simm.s32 @!p1 $0x14000;
	s28 =	simm.s32 @!p1 $0x3  }
0x79: {  	[tilespmem:s26], [sflag:$0x3] =	stream.linear.gather @!p1 [hbm4b:s24+s25], $0x80, $0x38;
	[tilespmem:$0x1C100] =	vst v63  }
0x7a: {  	_ =	swait.ge @!p1 [sflag:s28], $0x80  }
0x7b: {  	[sflag:s28] =	ssyncset.done @!p1 $0x0  }
0x7c: {  	s29 =	simm.s32 @!p1 $0x14080;
	s24 =	sadd.s32 @!p1 $0x0, s19;
	[sflag:s28] =	ssyncadd.s32 @!p1 $0xFFFFFF80  }
0x7d: {  	[tilespmem:s29], [sflag:$0x3] =	stream.linear.gather @!p1 [hbm4b:s24+s25], $0x80, $0x38;
	[tilespmem:$0x1C100] =	vst v63  }
0x7e: {  	_ =	swait.ge @!p1 [sflag:s28], $0x80;
	p1 =	por p1, p1  }
0x7f: {  	[sflag:s28] =	ssyncset.done @!p1 $0x0;
	s24 =	simm.s32 @!p1 $0x80  }
0x80: {  	s25 =	simm.s32 @!p1 $0x14100;
	[sflag:s28] =	ssyncadd.s32 @!p1 $0xFFFFFF80;
	s28 =	simm.s32 @!p1 $0x1  }
0x81: {  	[tilespmem:s25], [sflag:$0x1] =	stream.indirect.gather @!p1 [hbm4b:s1+s24], $0x80, s26, s24, $0xb8;
	[tilespmem:$0x1C100] =	vst v63  }
0x82: {  	_ =	swait.ge @!p1 [sflag:s28], $0x4000  }
0x83: {  	[sflag:s28] =	ssyncset.done @!p1 $0x0  }
0x84: {  	[sflag:s28] =	ssyncadd.s32 @!p1 $0xFFFFC000  }
0x85: {  	[spmem:s3] =	stream.indirect.scatter.add.f32 @!p1 [tilespmem:s25], [sflag:$0x2], $0x80, s29, s24, $0xb8;
	[tilespmem:$0x1C100] =	vst v63  }
0x86: {  	s26 =	simm.s32 $0x200;
	s28 =	simm.s32 @!p1 $0x2;
	s25 =	sadd.s32 $0x10, s4  }
0x87: {  	s24 =	simm.s32 $0x100;
	p2 =	sgt.u32 s25, $0x9C3;
	_ =	swait.ge @!p1 [sflag:s28], $0x4000  }
.LBB2_5:
0x88: {  	s29 =	sadd.s32 @!p2 s24, s20;
	s30 =	simm.s32 @!p2 $0x0;
	[sflag:s28] =	ssyncset.done @!p1 $0x0  }
0x89: {  	s31 =	simm.s32 @!p2 $0x14000;
	s0 =	simm.s32 @!p2 $0x3;
	[sflag:s28] =	ssyncadd.s32 @!p1 $0xFFFFC000  }
0x8a: {  	[tilespmem:s31], [sflag:$0x3] =	stream.linear.gather @!p2 [hbm4b:s29+s30], $0x80, $0x38;
	[tilespmem:$0x1C100] =	vst v63  }
0x8b: {  	s28 =	smov.u32 s26;
	s26 =	sadd.s32 $0x100, s26;
	_ =	swait.ge @!p2 [sflag:s0], $0x80  }
0x8c: {  	s6 =	simm.s32 @!p2 $0x14080;
	s29 =	sadd.s32 @!p2 s24, s19;
	[sflag:s0] =	ssyncset.done @!p2 $0x0  }
0x8d: {  	p3 =	seq.s32 s26, $0x9D00;
	s24 =	smov.u32 s28;
	[sflag:s0] =	ssyncadd.s32 @!p2 $0xFFFFFF80  }
0x8e: {  	[tilespmem:s6], [sflag:$0x3] =	stream.linear.gather @!p2 [hbm4b:s29+s30], $0x80, $0x38;
	[tilespmem:$0x1C100] =	vst v63  }
0x8f: {  	p1 =	por p2, p2;
	_ =	swait.ge @!p2 [sflag:s0], $0x80  }
0x90: {  	s29 =	simm.s32 @!p1 $0x80;
	s30 =	simm.s32 @!p1 $0x14100;
	[sflag:s0] =	ssyncset.done @!p1 $0x0  }
0x91: {  	[sflag:s0] =	ssyncadd.s32 @!p1 $0xFFFFFF80;
	s0 =	simm.s32 @!p1 $0x1  }
0x92: {  	[tilespmem:s30], [sflag:$0x1] =	stream.indirect.gather @!p1 [hbm4b:s1+s29], $0x80, s31, s29, $0xb8;
	[tilespmem:$0x1C100] =	vst v63  }
.Ltmp4:
0x93: {  	_ =	swait.ge @!p1 [sflag:s0], $0x4000;
	(pc) =	sbr.rel @!p3 .LBB2_5-.Ltmp4, $4  }
0x94: {  	[sflag:s0] =	ssyncset.done @!p1 $0x0  }
0x95: {  	s25 =	sadd.s32 $0x10, s25;
	s28 =	simm.s32 @!p1 $0x2;
	[sflag:s0] =	ssyncadd.s32 @!p1 $0xFFFFC000  }
0x96: {  	[spmem:s3] =	stream.indirect.scatter.add.f32 @!p1 [tilespmem:s30], [sflag:$0x2], $0x80, s6, s29, $0xb8;
	[tilespmem:$0x1C100] =	vst v63  }
0x97: {  	p2 =	sgt.u32 s25, $0x9C3;
	_ =	swait.ge @!p1 [sflag:s28], $0x4000  }
0x98: {  	s0 =	sadd.s32 @!p2 s24, s20;
	s6 =	simm.s32 @!p2 $0x0;
	[sflag:s28] =	ssyncset.done @!p1 $0x0  }
0x99: {  	s25 =	simm.s32 @!p2 $0x14000;
	s26 =	simm.s32 @!p2 $0x3;
	[sflag:s28] =	ssyncadd.s32 @!p1 $0xFFFFC000  }
0x9a: {  	[tilespmem:s25], [sflag:$0x3] =	stream.linear.gather @!p2 [hbm4b:s0+s6], $0x80, $0x38;
	[tilespmem:$0x1C100] =	vst v63  }
0x9b: {  	_ =	swait.ge @!p2 [sflag:s26], $0x80  }
0x9c: {  	[sflag:s26] =	ssyncset.done @!p2 $0x0  }
0x9d: {  	s0 =	sadd.s32 @!p2 s24, s19;
	s24 =	simm.s32 @!p2 $0x14080;
	[sflag:s26] =	ssyncadd.s32 @!p2 $0xFFFFFF80  }
0x9e: {  	[tilespmem:s24], [sflag:$0x3] =	stream.linear.gather @!p2 [hbm4b:s0+s6], $0x80, $0x38;
	[tilespmem:$0x1C100] =	vst v63  }
0x9f: {  	p1 =	por p2, p2;
	_ =	swait.ge @!p2 [sflag:s26], $0x80  }
0xa0: {  	s0 =	simm.s32 @!p1 $0x80;
	[sflag:s26] =	ssyncset.done @!p1 $0x0  }
0xa1: {  	s6 =	simm.s32 @!p1 $0x14100;
	[sflag:s26] =	ssyncadd.s32 @!p1 $0xFFFFFF80;
	s26 =	simm.s32 @!p1 $0x1  }
0xa2: {  	[tilespmem:s6], [sflag:$0x1] =	stream.indirect.gather @!p1 [hbm4b:s1+s0], $0x80, s25, s0, $0xb8;
	[tilespmem:$0x1C100] =	vst v63  }
0xa3: {  	_ =	swait.ge @!p1 [sflag:s26], $0x4000  }
0xa4: {  	[sflag:s26] =	ssyncset.done @!p1 $0x0  }
.Ltmp5:
0xa5: {  	s25 =	simm.s32 @!p1 $0x2;
	[sflag:s26] =	ssyncadd.s32 @!p1 $0xFFFFC000;
	(pc) =	sbr.rel .LBB2_10-.Ltmp5, $4  }
0xa6: {  	[spmem:s3] =	stream.indirect.scatter.add.f32 @!p1 [tilespmem:s6], [sflag:$0x2], $0x80, s24, s0, $0xb8;
	[tilespmem:$0x1C100] =	vst v63  }
0xa7: {  	_ =	swait.ge @!p1 [sflag:s25], $0x4000  }
0xa8: {  	[sflag:s25] =	ssyncset.done @!p1 $0x0  }
0xa9: {  	s24 =	rddreg [dreg:$0x7];
	[sflag:s25] =	ssyncadd.s32 @!p1 $0xFFFFC000  }
.LBB2_7:
0xaa: {  	s0 =	sadd.s32 @!p1 $0x0, s20  }
0xab: {  	s6 =	simm.s32 @!p1 $0x0;
	s24 =	simm.s32 @!p1 $0x14000;
	s25 =	simm.s32 @!p1 $0x3  }
0xac: {  	[tilespmem:s24], [sflag:$0x3] =	stream.linear.gather @!p1 [hbm4b:s0+s6], $0x80, $0x38;
	[tilespmem:$0x1C100] =	vst v63  }
0xad: {  	_ =	swait.ge @!p1 [sflag:s25], $0x80  }
0xae: {  	[sflag:s25] =	ssyncset.done @!p1 $0x0  }
0xaf: {  	s26 =	simm.s32 @!p1 $0x14080;
	s0 =	sadd.s32 @!p1 $0x0, s19;
	[sflag:s25] =	ssyncadd.s32 @!p1 $0xFFFFFF80  }
0xb0: {  	[tilespmem:s26], [sflag:$0x3] =	stream.linear.gather @!p1 [hbm4b:s0+s6], $0x80, $0x38;
	[tilespmem:$0x1C100] =	vst v63  }
0xb1: {  	_ =	swait.ge @!p1 [sflag:s25], $0x80;
	p1 =	por p1, p1  }
0xb2: {  	[sflag:s25] =	ssyncset.done @!p1 $0x0;
	s0 =	simm.s32 @!p1 $0x80  }
0xb3: {  	s6 =	simm.s32 @!p1 $0x14100;
	[sflag:s25] =	ssyncadd.s32 @!p1 $0xFFFFFF80;
	s25 =	simm.s32 @!p1 $0x1  }
0xb4: {  	[tilespmem:s6], [sflag:$0x1] =	stream.indirect.gather @!p1 [hbm4b:s2+s0], $0x80, s24, s0, $0xb8;
	[tilespmem:$0x1C100] =	vst v63  }
0xb5: {  	_ =	swait.ge @!p1 [sflag:s25], $0x4000  }
0xb6: {  	s28 =	simm.s32 @!p1 $0x2;
	[sflag:s25] =	ssyncset.done @!p1 $0x0  }
0xb7: {  	s24 =	simm.s32 $0x100;
	[sflag:s25] =	ssyncadd.s32 @!p1 $0xFFFFC000;
	s25 =	sadd.s32 $0x10, s4  }
0xb8: {  	[spmem:s3] =	stream.indirect.scatter.add.f32 @!p1 [tilespmem:s6], [sflag:$0x2], $0x80, s26, s0, $0xb8;
	[tilespmem:$0x1C100] =	vst v63  }
0xb9: {  	s26 =	simm.s32 $0x200;
	p2 =	sgt.u32 s25, $0x9C3;
	_ =	swait.ge @!p1 [sflag:s28], $0x4000  }
.LBB2_8:
0xba: {  	s0 =	sadd.s32 @!p2 s24, s20;
	s6 =	simm.s32 @!p2 $0x0;
	[sflag:s28] =	ssyncset.done @!p1 $0x0  }
0xbb: {  	s29 =	simm.s32 @!p2 $0x14000;
	s30 =	simm.s32 @!p2 $0x3;
	[sflag:s28] =	ssyncadd.s32 @!p1 $0xFFFFC000  }
0xbc: {  	[tilespmem:s29], [sflag:$0x3] =	stream.linear.gather @!p2 [hbm4b:s0+s6], $0x80, $0x38;
	[tilespmem:$0x1C100] =	vst v63  }
0xbd: {  	s0 =	smov.u32 s26;
	s26 =	sadd.s32 $0x100, s26;
	_ =	swait.ge @!p2 [sflag:s30], $0x80  }
0xbe: {  	s31 =	simm.s32 @!p2 $0x14080;
	s28 =	sadd.s32 @!p2 s24, s19;
	[sflag:s30] =	ssyncset.done @!p2 $0x0  }
0xbf: {  	p3 =	sne.s32 s26, $0x9D00;
	s24 =	smov.u32 s0;
	[sflag:s30] =	ssyncadd.s32 @!p2 $0xFFFFFF80  }
0xc0: {  	[tilespmem:s31], [sflag:$0x3] =	stream.linear.gather @!p2 [hbm4b:s28+s6], $0x80, $0x38;
	[tilespmem:$0x1C100] =	vst v63  }
0xc1: {  	p1 =	por p2, p2;
	_ =	swait.ge @!p2 [sflag:s30], $0x80  }
0xc2: {  	s0 =	simm.s32 @!p1 $0x80;
	s6 =	simm.s32 @!p1 $0x14100;
	[sflag:s30] =	ssyncset.done @!p1 $0x0  }
0xc3: {  	s28 =	simm.s32 @!p1 $0x1;
	[sflag:s30] =	ssyncadd.s32 @!p1 $0xFFFFFF80  }
0xc4: {  	[tilespmem:s6], [sflag:$0x1] =	stream.indirect.gather @!p1 [hbm4b:s2+s0], $0x80, s29, s0, $0xb8;
	[tilespmem:$0x1C100] =	vst v63  }
.Ltmp6:
0xc5: {  	_ =	swait.ge @!p1 [sflag:s28], $0x4000;
	(pc) =	sbr.rel @p3 .LBB2_8-.Ltmp6, $4  }
0xc6: {  	[sflag:s28] =	ssyncset.done @!p1 $0x0  }
0xc7: {  	s25 =	sadd.s32 $0x10, s25;
	[sflag:s28] =	ssyncadd.s32 @!p1 $0xFFFFC000;
	s28 =	simm.s32 @!p1 $0x2  }
0xc8: {  	[spmem:s3] =	stream.indirect.scatter.add.f32 @!p1 [tilespmem:s6], [sflag:$0x2], $0x80, s31, s0, $0xb8;
	[tilespmem:$0x1C100] =	vst v63  }
0xc9: {  	p2 =	sgt.u32 s25, $0x9C3;
	_ =	swait.ge @!p1 [sflag:s28], $0x4000  }
.Ltmp7:
0xca: {  	_ = 	snop;
	(pc) =	sbr.rel .LBB2_9-.Ltmp7, $1  }
0xcb: {  	_ =	sdelay $0x3  }
.LBB2_11:
0xcc: {  	_ =	sfence.sel $0x180000  }
0xcd: {  	[bflag:$0x0] =	sbarrier.arrive $0xFFFF  }
0xce: {  	_ =	strace $0x9000004D  }
0xcf: {  	[bflag:$0x2] =	sbarrier.arrive $0xFFFF  }
0xd0: {  	p0 =	sne.s32 s4, $0x0;
	s0 =	rddreg [dreg:$0x6]  }
0xd1: {  	s0 =	sadd.s32 @!p0 $0x100000, s0  }
0xd2: {  	[sflag:s0] =	ssyncadd.tile.s32 @!p0 $0x1;
	_ =	shalt  }
.Lfunc_end2:
_tile_overlayer_lowered:
.L_overlay_start_2:
0xd3: {  	(tag) =	ssettag $0x2  }
0xd4: {  	s0 =	rddreg [dreg:$0x0];
	s2 =	stileid.u32  }
0xd5: {  	s1 =	rddreg [dreg:$0x1];
	p0 =	sne.s32 s2, $0x0  }
0xd6: {  	s3 =	rddreg [dreg:$0x2];
	[bflag:$0x3] =	sbarrier.arrive $0xFFFF;
	s2 =	simm.s32 @!p0 $0x1C02  }
0xd7: {  	[timem:s3], [sflag:s2] =	dma.local @!p0 [hbm:s0], s1  }
0xd8: {  	s0 =	simm.s32 @!p0 $0x2  }
0xd9: {  	_ =	swait.ge @!p0 [sflag:s0], s1  }
0xda: {  	s1 =	ssub.s32 @!p0 $0x0, s1;
	[sflag:s0] =	ssyncset.done @!p0 $0x0  }
0xdb: {  	[sflag:s0] =	ssyncadd.s32 @!p0 s1  }
0xdc: {  	[bflag:$0x3] =	sbarrier.arrive $0xFFFF  }
0xdd: {  	_ =	shalt  }

// kernel: kernel.9.cloned.1.call-start
scs
__scs_entry_jumppad:
0x0: {  	(pc) =	sbr.rel $0x88, $3  }
0x1: {  	(tag) =	ssettag $0x0;
	lr =	simm.s32 $0x1  }
0x2: {  	[smem:$0x3F92] =	sst lr;
	_ =	strace $0xD0000000  }
0x3: {  	_ = 	snop  }
0x4: {  	_ = 	snop  }
0x5: {  	_ = 	snop  }
0x6: {  	_ = 	snop  }
0x7: {  	_ = 	snop  }
__scs_overlays_trampoline_lowered:
0x8: {  	[smem:$0x3FA1] =	sst s0  }
0x9: {  	[smem:$0x3FA2] =	sst s1  }
0xa: {  	[smem:$0x3FA3] =	sst s2  }
0xb: {  	[smem:$0x3FA4] =	sst s3  }
0xc: {  	[smem:$0x3FA5] =	sst s4  }
0xd: {  	[smem:$0x3FA6] =	sst s5  }
0xe: {  	[smem:$0x3FA7] =	sst s6  }
0xf: {  	[smem:$0x3FA8] =	sst s7  }
0x10: {  	[smem:$0x3FA9] =	sst s8  }
0x11: {  	[smem:$0x3FAA] =	sst s9;
	s0 =	simm.s32 @!p0 $0x0  }
0x12: {  	s1 =	sld [smem:$0x3F90];
	s0 =	simm.s32 @p0 $0x1  }
0x13: {  	[smem:$0x3FAB] =	sst s0;
	s0 =	simm.s32 @!p1 $0x0  }
0x14: {  	s2 =	sld [smem:$0x3F8F];
	s0 =	simm.s32 @p1 $0x1  }
0x15: {  	[smem:$0x3FAC] =	sst s0;
	s0 =	simm.s32 @!p2 $0x0  }
0x16: {  	s3 =	sld [smem:$0x3FDB];
	s0 =	simm.s32 @p2 $0x1  }
0x17: {  	s4 =	simm.s32 $0x1BF5;
	[smem:$0x3FAE] =	sst s0  }
0x18: {  	s0 =	sld [smem:$0x3F91];
	_ =	swait.ge [sflag:s4], $0x0  }
0x19: {  	s7 =	sld [smem:$0x3F92]  }
0x1a: {  	s8 =	sadd.s32 $0xFFFFE003, lr  }
0x1b: {  	s9 =	sadd.s32 $0xFFFFFEF7, lr;
	s5 =	simm.s32 $0xFFFFFFFF;
	p2 =	slt.u32 s8, $0xFFFFF086  }
0x1c: {  	p1 =	slt.u32 s9, $0xF7A;
	s5 =	simm.s32 @!p2 $0x0  }
0x1d: {  	s5 =	simm.s32 @p1 $0x1;
	p0 =	seq.s32 s7, s2  }
0x1e: {  	s7 =	smul.u32 @!p0 $0xF7A, s2;
	p2 =	seq.s32 @!p0 s5, $0x0  }
0x1f: {  	s9 =	smul.u32 $0xF7A, s1;
	s8 =	simm.s32 @!p0 $0x1BF5;
	p2 =	por !p2, p0  }
0x20: {  	[sflag:s8] =	ssyncset.s32 @!p0 $0xFFFFF086;
	s6 =	sadd.s32 @!p0 s3, s7;
	s7 =	simm.s32 @!p0 $0x108  }
0x21: {  	s3 =	sadd.s32 s3, s9;
	s6 =	sadd.s32 @!p0 $0x88, s6;
	s7 =	simm.s32 @p2 $0x1082  }
0x22: {  	[simem:s7], [sflag:s8] =	dma.local @!p0 [hbm:s6], $0xF7A  }
0x23: {  	s9 =	sor.u32 $0xD0000000, s2;
	s6 =	simm.s32 $0x108;
	_ =	swait.ge @!p0 [sflag:s8], $0x0  }
0x24: {  	s3 =	sadd.s32 $0x88, s3;
	s6 =	simm.s32 @!p1 $0x1082;
	[sflag:s4] =	ssyncset.s32 $0xFFFFF086  }
0x25: {  	[simem:s6], [sflag:s4] =	dma.local [hbm:s3], $0xF7A  }
0x26: {  	[smem:$0x3F92] =	sst s1;
	(tag) =	ssettag s2;
	_ =	strace s9  }
0x27: {  	s1 =	sld [smem:$0x3FA2]  }
0x28: {  	s2 =	sld [smem:$0x3FA3]  }
0x29: {  	s4 =	sld [smem:$0x3FA5]  }
0x2a: {  	p0 =	seq.s32 s5, $0x0;
	s5 =	sld [smem:$0x3FA6]  }
0x2b: {  	s6 =	sld [smem:$0x3FA7]  }
0x2c: {  	s7 =	sld [smem:$0x3FA8]  }
0x2d: {  	s3 =	simm.s32 $0x108;
	s8 =	sld [smem:$0x3FA9]  }
0x2e: {  	s3 =	simm.s32 @!p0 $0x1082;
	s9 =	sld [smem:$0x3FAA]  }
0x2f: {  	lr =	sadd.s32 s0, s3;
	s0 =	sld [smem:$0x3FA1]  }
0x30: {  	s3 =	sld [smem:$0x3FA4]  }
0x31: {  	[smem:$0x3FAD] =	sst s10  }
0x32: {  	s10 =	sld [smem:$0x3FAB];
	_ =	sdelay $0x3  }
0x33: {  	p0 =	seq.s32 s10, $0x1;
	s10 =	sld [smem:$0x3FAD];
	_ =	sdelay $0x3  }
0x34: {  	[smem:$0x3FAD] =	sst s10  }
0x35: {  	s10 =	sld [smem:$0x3FAC];
	_ =	sdelay $0x3  }
0x36: {  	p1 =	seq.s32 s10, $0x1;
	s10 =	sld [smem:$0x3FAD];
	_ =	sdelay $0x3  }
0x37: {  	[smem:$0x3FAD] =	sst s10  }
0x38: {  	s10 =	sld [smem:$0x3FAE]  }
0x39: {  	_ = 	snop;
	(pc) =	sbr.ind lr, $3  }
0x3a: {  	_ = 	snop  }
0x3b: {  	_ = 	snop  }
0x3c: {  	p2 =	seq.s32 s10, $0x1;
	s10 =	sld [smem:$0x3FAD]  }
0x3d: {  	_ =	shalt  }
0x3e: {  	_ =	shalt  }
0x3f: {  	_ =	shalt  }
0x40: {  	_ =	shalt  }
0x41: {  	_ =	shalt  }
0x42: {  	_ =	shalt  }
0x43: {  	_ =	shalt  }
0x44: {  	_ =	shalt  }
0x45: {  	_ =	shalt  }
0x46: {  	_ =	shalt  }
0x47: {  	_ =	shalt  }
0x48: {  	_ =	shalt  }
0x49: {  	_ =	shalt  }
0x4a: {  	_ =	shalt  }
0x4b: {  	_ =	shalt  }
0x4c: {  	_ =	shalt  }
0x4d: {  	_ =	shalt  }
0x4e: {  	_ =	shalt  }
0x4f: {  	_ =	shalt  }
0x50: {  	_ =	shalt  }
0x51: {  	_ =	shalt  }
0x52: {  	_ =	shalt  }
0x53: {  	_ =	shalt  }
0x54: {  	_ =	shalt  }
0x55: {  	_ =	shalt  }
0x56: {  	_ =	shalt  }
0x57: {  	_ =	shalt  }
0x58: {  	_ =	shalt  }
0x59: {  	_ =	shalt  }
0x5a: {  	_ =	shalt  }
0x5b: {  	_ =	shalt  }
0x5c: {  	_ =	shalt  }
0x5d: {  	_ =	shalt  }
0x5e: {  	_ =	shalt  }
0x5f: {  	_ =	shalt  }
0x60: {  	_ =	shalt  }
0x61: {  	_ =	shalt  }
0x62: {  	_ =	shalt  }
0x63: {  	_ =	shalt  }
0x64: {  	_ =	shalt  }
0x65: {  	_ =	shalt  }
0x66: {  	_ =	shalt  }
0x67: {  	_ =	shalt  }
0x68: {  	_ =	shalt  }
0x69: {  	_ =	shalt  }
0x6a: {  	_ =	shalt  }
0x6b: {  	_ =	shalt  }
0x6c: {  	_ =	shalt  }
0x6d: {  	_ =	shalt  }
0x6e: {  	_ =	shalt  }
0x6f: {  	_ =	shalt  }
0x70: {  	_ =	shalt  }
0x71: {  	_ =	shalt  }
0x72: {  	_ =	shalt  }
0x73: {  	_ =	shalt  }
0x74: {  	_ =	shalt  }
0x75: {  	_ =	shalt  }
0x76: {  	_ =	shalt  }
0x77: {  	_ =	shalt  }
0x78: {  	_ =	shalt  }
0x79: {  	_ =	shalt  }
0x7a: {  	_ =	shalt  }
0x7b: {  	_ =	shalt  }
0x7c: {  	_ =	shalt  }
0x7d: {  	_ =	shalt  }
0x7e: {  	_ =	shalt  }
0x7f: {  	_ =	shalt  }
0x80: {  	_ =	shalt  }
0x81: {  	_ =	shalt  }
0x82: {  	_ =	shalt  }
0x83: {  	_ =	shalt  }
0x84: {  	_ =	shalt  }
0x85: {  	_ =	shalt  }
0x86: {  	_ =	shalt  }
0x87: {  	_ =	shalt  }
.Lfunc_end0:
.L_simem_size_0:
called_computation_lowered:
.L_overlay_start_0:
0x88: {  	s2 =	sld [smem:$0x3FD9]  }
0x89: {  	s3 =	sld [smem:$0x3FFE];
	_ =	sdelay $0x1  }
0x8a: {  	s1 =	srdreg.scid  }
0x8b: {  	s0 =	sand.u32 $0x1, s1  }
0x8c: {  	s14 =	sshll.u32 s0, $0xA;
	s2 =	sadd.s32 s3, s2  }
0x8d: {  	s2 =	sadd.s32 s2, s14  }
0x8e: {  	[smem:$0x3FB9] =	sst s2  }
0x8f: {  	_ = 	snop  }
0x90: {  	s2 =	sld [smem:$0x3FD0];
	_ =	sdelay $0x2  }
0x91: {  	s15 =	simm.s32 $0xA;
	s4 =	simm.s32 $0x10  }
0x92: {  	[smem:s4], [sflag:s15] =	dma.local [hbm:s2], $0x1  }
0x93: {  	_ =	swait.eq [sflag:s15], $0x1  }
0x94: {  	s16 =	sld [smem:$0x12]  }
0x95: {  	s17 =	sld [smem:$0x13];
	[sflag:s15] =	ssyncset.done $0x0  }
0x96: {  	s5 =	sld [smem:$0x16];
	[sflag:s15] =	ssyncadd.s32 $0xFFFFFFFF  }
0x97: {  	s18 =	sld [smem:$0x17];
	(tm) =	ssettm $0x1  }
0x98: {  	s6 =	sld [smem:$0x3FFB];
	_ =	sdelay $0x3  }
0x99: {  	_ =	strace s6  }
0x9a: {  	s6 =	sld [smem:$0x3FFC];
	_ =	sdelay $0x3  }
0x9b: {  	_ =	strace s6  }
0x9c: {  	s6 =	sld [smem:$0x3FFD];
	_ =	sdelay $0x3  }
0x9d: {  	_ =	strace s6  }
0x9e: {  	_ =	strace $0x8FFFFFFF  }
0x9f: {  	s19 =	sld [smem:$0x3FDB];
	_ =	sdelay $0x1  }
0xa0: {  	s7 =	simm.s32 $_scs_section_size  }
0xa1: {  	s8 =	simm.s32 $_size__tile_overlayer_lowered;
	s9 =	simm.s32 $_tile_overlayer_lowered  }
0xa2: {  	s22 =	simm.s32 $0x1BFF;
	s21 =	sshll.u32 s9, $0x1;
	s6 =	sadd.s32 s7, s19  }
0xa3: {  	s10 =	simm.s32 $0x0;
	s20 =	sshll.u32 s8, $0x1;
	s8 =	sadd.s32 s21, s6  }
0xa4: {  	[timem:s10], [sflag:s22] =	dma.local [hbm:s8], s20  }
0xa5: {  	_ =	swait.ge [sflag:s22], s20  }
0xa6: {  	s7 =	ssub.s32 $0x0, s20;
	[sflag:s22] =	ssyncset.done $0x0  }
0xa7: {  	[sflag:s22] =	ssyncadd.s32 s7;
	_ =	sdelay $0x1  }
0xa8: {  	s23 =	simm.s32 $0x1B8B  }
0xa9: {  	_ =	swait.ge [sflag:s23], $0x1  }
0xaa: {  	[sflag:s23] =	ssyncset.done $0x0  }
0xab: {  	s25 =	simm.s32 $0x1B8E;
	s24 =	sld [smem:$0x3FFE];
	[sflag:s23] =	ssyncadd.s32 $0xFFFFFFFF  }
0xac: {  	s26 =	simm.s32 $execute0_lowered;
	[smem:$0x3FD2] =	sst s25  }
0xad: {  	s8 =	sshll.u32 s26, $0x1;
	_ =	strace $0x80000046;
	[dreg:$0x1] =	wrdreg $0xFFFFFFFF  }
0xae: {  	s28 =	simm.s32 $_size_execute0_lowered;
	s6 =	sadd.s32 s6, s8;
	[dreg:$0x0] =	wrdreg $0x0  }
0xaf: {  	s8 =	sshll.u32 s28, $0x1;
	[dreg:$0x2] =	wrdreg s6  }
0xb0: {  	[dreg:$0x3] =	wrdreg s8  }
0xb1: {  	[dreg:$0x4] =	wrdreg $0xC0  }
0xb2: {  	_ =	task [dreg:s10], $0x5FFFF  }
0xb3: {  	[dreg:$0x1] =	wrdreg $0xFFFFFFFF  }
0xb4: {  	[dreg:$0x0] =	wrdreg $0x60  }
0xb5: {  	[dreg:$0x2] =	wrdreg s5  }
0xb6: {  	[dreg:$0x3] =	wrdreg s18  }
0xb7: {  	[dreg:$0x4] =	wrdreg s16  }
0xb8: {  	[dreg:$0x5] =	wrdreg s17  }
0xb9: {  	[dreg:$0x6] =	wrdreg s24  }
0xba: {  	[dreg:$0x7] =	wrdreg $0x0  }
0xbb: {  	[dreg:$0x8] =	wrdreg $0x9  }
0xbc: {  	_ =	task.clear_ibuf [dreg:s10], $0x9FFFF;
	_ =	strace $0x90000046  }
0xbd: {  	s29 =	simm.s32 $0x9;
	_ =	strace $0x80000048  }
0xbe: {  	_ =	swait.ge [sflag:s29], $0x1  }
0xbf: {  	[sflag:s29] =	ssyncadd.s32 $0xFFFFFFFF  }
0xc0: {  	_ =	strace $0x90000048  }
0xc1: {  	_ =	sfence  }
0xc2: {  	s30 =	sld [smem:$0x0];
	_ =	sdelay $0x2  }
0xc3: {  	s31 =	sshll.u32 s1, $0xD;
	s1 =	sshrl.u32 s1, $0x2  }
0xc4: {  	s3 =	sand.u32 $0x4000, s31;
	s1 =	sadd.s32 s1, s30  }
0xc5: {  	s0 =	sor.u32 s3, s0;
	s1 =	sshll.u32 s1, $0x11  }
0xc6: {  	s0 =	sor.u32 s1, s0  }
0xc7: {  	s0 =	sadd.s32 $0x8F2B, s0  }
0xc8: {  	[sflag:s0] =	ssyncadd.remote.s32 $0x1  }
0xc9: {  	_ =	sfence.sel $0xFFFF  }
0xca: {  	[dreg:$0x0] =	wrdreg $0xFFFFFFFF;
	(pc) =	sbr.abs _section_cstart, $3  }
0xcb: {  	[dreg:$0x1] =	wrdreg $0xFFFFFFFF  }
0xcc: {  	_ =	task.clear_ibuf [dreg:s10], $0x2FFFF;
	_ =	strace $0x9FFFFFFF  }
0xcd: {  	(tm) =	ssettm $0x7FFFFFFF  }
tec
execute0_lowered:
.L_overlay_start_1:
0x0: {  	(tag) =	ssettag $0x1  }
0x1: {  	s19 =	rddreg [dreg:$0x0]  }
0x2: {  	s18 =	rddreg [dreg:$0x1]  }
0x3: {  	s1 =	rddreg [dreg:$0x2]  }
0x4: {  	s2 =	rddreg [dreg:$0x3]  }
0x5: {  	s6 =	rddreg [dreg:$0x4]  }
0x6: {  	s4 =	rddreg [dreg:$0x5]  }
0x7: {  	s0 =	rddreg [dreg:$0x6];
	s3 =	stileid.u32  }
0x8: {  	s5 =	simm.s32 $0x0;
	s7 =	srdreg.scid;
	s9 =	smul.u32 $0x280, s3  }
0x9: {  	s22 =	simm.s32 $0x0;
	[smem:$0x7FF] =	sst s5;
	s8 =	smul.u32 $0x50000, s3  }
0xa: {  	s20 =	sand.u32 $0x1, s7;
	s6 =	sadd.s32 $0x4400, s6;
	s12 =	smul.u32 $0x2800, s3  }
0xb: {  	s21 =	sshll.u32 s3, $0x4;
	_ =	strace $0x80000047;
	s7 =	ssub.s32 $0x2, s20  }
0xc: {  	s18 =	sadd.s32 s21, s18;
	s19 =	sadd.s32 s21, s19;
	p0 =	sne.s32 s20, $0x0  }
0xd: {  	s20 =	simm.s32 $0x14080;
	s21 =	simm.s32 $0x1;
	s10 =	sshrl.u32 s7, $0x1  }
0xe: {  	s13 =	sadd.s32 $0x80, s9;
	s28 =	sshrl.u32 s8, $0x2;
	s14 =	sadd.s32 $0x100, s9  }
0xf: {  	s15 =	sadd.s32 $0x180, s9;
	s16 =	sadd.s32 $0x200, s9;
	s17 =	ssub.s32 s7, s10  }
.Ltmp0:
0x10: {  	s29 =	sshll.u32 s13, $0x7;
	s7 =	sadd.s32 s28, s4;
	(pc) =	sbr.rel .LBB2_1-.Ltmp0, $4  }
0x11: {  	s30 =	sshll.u32 s14, $0x7;
	s31 =	sshll.u32 s15, $0x7;
	s11 =	sshll.u32 s16, $0x7  }
0x12: {  	s13 =	sshll.u32 s13, $0x4;
	s14 =	sshll.u32 s14, $0x4;
	s15 =	sshll.u32 s15, $0x4  }
0x13: {  	s16 =	sshll.u32 s16, $0x4;
	s8 =	sadd.s32 s29, s4;
	s9 =	sadd.s32 s30, s4  }
0x14: {  	v0 =	vimm.f32 $0.0e+00;
	s10 =	sadd.s32 s31, s4;
	s11 =	sadd.s32 s11, s4;
	s17 =	smax.u32 s17, $0x1  }
.LBB2_9:
0x15: {  	s24 =	simm.s32 @!p2 $0x0  }
0x16: {  	[sflag:s25] =	ssyncset.done @!p1 $0x0;
	p1 =	por p1, p1;
	p3 =	por p2, p2  }
0x17: {  	s26 =	simm.s32 @!p2 $0x14000;
	s28 =	simm.s32 @!p3 $0x2;
	[sflag:s25] =	ssyncadd.s32 @!p1 $0xFFFFC000  }
0x18: {  	[tilespmem:s26], [sflag:$0x2] =	stream.linear.gather @!p3 [hbm4b:s23+s24], $0x80, $0x38;
	[tilespmem:$0x18080] =	vst v63  }
0x19: {  	_ =	swait.ge @!p3 [sflag:s28], $0x80  }
0x1a: {  	s25 =	simm.s32 @!p3 $0x14080;
	[sflag:s28] =	ssyncset.done @!p3 $0x0  }
0x1b: {  	s23 =	simm.s32 @!p3 $0x1;
	s24 =	simm.s32 @!p3 $0x80;
	[sflag:s28] =	ssyncadd.s32 @!p3 $0xFFFFFF80  }
0x1c: {  	[spmem:s4] =	stream.indirect.scatter.add.f32 @!p3 [tilespmem:s25], [sflag:$0x1], $0x80, s26, s24, $0xb8;
	[tilespmem:$0x18080] =	vst v63  }
0x1d: {  	_ =	swait.ge @!p3 [sflag:s23], $0x4000  }
0x1e: {  	p1 =	por p3, p3;
	[sflag:s23] =	ssyncset.done @!p3 $0x0  }
0x1f: {  	[sflag:s23] =	ssyncadd.s32 @!p1 $0xFFFFC000;
	s23 =	smov.u32 s6  }
.LBB2_10:
0x20: {  	[bflag:$0x0] =	sbarrier.arrive $0xFFFF  }
0x21: {  	[tilespmem:s20], [sflag:$0x1] =	stream.linear.gather [spmem:s7], $0x4000, $0x38;
	[tilespmem:$0x18080] =	vst v63  }
0x22: {  	_ =	swait.ge [sflag:s21], $0x4000  }
0x23: {  	[sflag:s21] =	ssyncset.done $0x0  }
0x24: {  	s24 =	sadd.s32 s23, s12;
	[sflag:s21] =	ssyncadd.s32 $0xFFFFC000  }
0x25: {  	[hbm4b:s24+s5] =	stream.linear.scatter [tilespmem:s20], [sflag:$0x1], $0x4000, $0x38;
	[tilespmem:$0x18080] =	vst v63  }
0x26: {  	_ =	swait.ge [sflag:s21], $0x4000  }
0x27: {  	[sflag:s21] =	ssyncset.done $0x0  }
0x28: {  	[sflag:s21] =	ssyncadd.s32 $0xFFFFC000  }
0x29: {  	[tilespmem:s20], [sflag:$0x1] =	stream.linear.gather [spmem:s8], $0x4000, $0x38;
	[tilespmem:$0x18080] =	vst v63  }
0x2a: {  	_ =	swait.ge [sflag:s21], $0x4000  }
0x2b: {  	[sflag:s21] =	ssyncset.done $0x0  }
0x2c: {  	s28 =	sadd.s32 s23, s13;
	[sflag:s21] =	ssyncadd.s32 $0xFFFFC000  }
0x2d: {  	[hbm4b:s28+s5] =	stream.linear.scatter [tilespmem:s20], [sflag:$0x1], $0x4000, $0x38;
	[tilespmem:$0x18080] =	vst v63  }
0x2e: {  	_ =	swait.ge [sflag:s21], $0x4000  }
0x2f: {  	[sflag:s21] =	ssyncset.done $0x0  }
0x30: {  	[sflag:s21] =	ssyncadd.s32 $0xFFFFC000  }
0x31: {  	[tilespmem:s20], [sflag:$0x1] =	stream.linear.gather [spmem:s9], $0x4000, $0x38;
	[tilespmem:$0x18080] =	vst v63  }
0x32: {  	_ =	swait.ge [sflag:s21], $0x4000  }
0x33: {  	[sflag:s21] =	ssyncset.done $0x0  }
0x34: {  	s29 =	sadd.s32 s23, s14;
	[sflag:s21] =	ssyncadd.s32 $0xFFFFC000  }
0x35: {  	[hbm4b:s29+s5] =	stream.linear.scatter [tilespmem:s20], [sflag:$0x1], $0x4000, $0x38;
	[tilespmem:$0x18080] =	vst v63  }
0x36: {  	_ =	swait.ge [sflag:s21], $0x4000  }
0x37: {  	[sflag:s21] =	ssyncset.done $0x0  }
0x38: {  	[sflag:s21] =	ssyncadd.s32 $0xFFFFC000  }
0x39: {  	[tilespmem:s20], [sflag:$0x1] =	stream.linear.gather [spmem:s10], $0x4000, $0x38;
	[tilespmem:$0x18080] =	vst v63  }
0x3a: {  	_ =	swait.ge [sflag:s21], $0x4000  }
0x3b: {  	[sflag:s21] =	ssyncset.done $0x0  }
0x3c: {  	s30 =	sadd.s32 s23, s15;
	[sflag:s21] =	ssyncadd.s32 $0xFFFFC000  }
0x3d: {  	[hbm4b:s30+s5] =	stream.linear.scatter [tilespmem:s20], [sflag:$0x1], $0x4000, $0x38;
	[tilespmem:$0x18080] =	vst v63  }
0x3e: {  	_ =	swait.ge [sflag:s21], $0x4000  }
0x3f: {  	[sflag:s21] =	ssyncset.done $0x0  }
0x40: {  	[sflag:s21] =	ssyncadd.s32 $0xFFFFC000  }
0x41: {  	[tilespmem:s20], [sflag:$0x1] =	stream.linear.gather [spmem:s11], $0x4000, $0x38;
	[tilespmem:$0x18080] =	vst v63  }
0x42: {  	s22 =	sadd.s32 $0x1, s22;
	_ =	swait.ge [sflag:s21], $0x4000  }
0x43: {  	p1 =	sne.s32 s22, s17;
	[sflag:s21] =	ssyncset.done $0x0  }
.Ltmp1:
0x44: {  	s31 =	sadd.s32 s23, s16;
	[sflag:s21] =	ssyncadd.s32 $0xFFFFC000;
	(pc) =	sbr.rel @!p1 .LBB2_11-.Ltmp1, $4  }
0x45: {  	[hbm4b:s31+s5] =	stream.linear.scatter [tilespmem:s20], [sflag:$0x1], $0x4000, $0x38;
	[tilespmem:$0x18080] =	vst v63  }
0x46: {  	_ =	swait.ge [sflag:s21], $0x4000  }
0x47: {  	[sflag:s21] =	ssyncset.done $0x0  }
0x48: {  	[sflag:s21] =	ssyncadd.s32 $0xFFFFC000  }
.LBB2_1:
0x49: {  	s23 =	simm.s32 $0x0;
	s24 =	simm.s32 $0x200  }
.LBB2_2:
0x4a: {  	p1 =	sne.s32 s24, $0xFE00;
	[tilespmem:s23+$0x140F0] =	vst v0  }
0x4b: {  	[tilespmem:s23+$0x14080] =	vst v0  }
0x4c: {  	[tilespmem:s23+$0x14090] =	vst v0  }
.Ltmp2:
0x4d: {  	[tilespmem:s23+$0x140A0] =	vst v0;
	(pc) =	sbr.rel @p1 .LBB2_2-.Ltmp2, $4  }
0x4e: {  	[tilespmem:s23+$0x140B0] =	vst v0  }
0x4f: {  	[tilespmem:s23+$0x140C0] =	vst v0  }
0x50: {  	[tilespmem:s23+$0x140D0] =	vst v0  }
0x51: {  	[tilespmem:s23+$0x140E0] =	vst v0;
	s23 =	sshra.s32 s24, $0x2;
	s24 =	sadd.s32 $0x200, s24  }
0x52: {  	[tilespmem:s23+$0x140F0] =	vst v0  }
0x53: {  	[tilespmem:s23+$0x14080] =	vst v0  }
0x54: {  	[tilespmem:s23+$0x14090] =	vst v0  }
0x55: {  	[tilespmem:s23+$0x140A0] =	vst v0  }
0x56: {  	[tilespmem:s23+$0x140B0] =	vst v0  }
0x57: {  	[tilespmem:s23+$0x140C0] =	vst v0  }
0x58: {  	[tilespmem:s23+$0x140D0] =	vst v0  }
0x59: {  	[tilespmem:s23+$0x140E0] =	vst v0  }
0x5a: {  	[spmem:s7] =	stream.linear.scatter [tilespmem:s20], [sflag:$0x1], $0x4000, $0x38;
	[tilespmem:$0x18080] =	vst v63  }
0x5b: {  	_ =	swait.ge [sflag:s21], $0x4000  }
0x5c: {  	[sflag:s21] =	ssyncset.done $0x0  }
0x5d: {  	[sflag:s21] =	ssyncadd.s32 $0xFFFFC000  }
0x5e: {  	[spmem:s8] =	stream.linear.scatter [tilespmem:s20], [sflag:$0x1], $0x4000, $0x38;
	[tilespmem:$0x18080] =	vst v63  }
0x5f: {  	_ =	swait.ge [sflag:s21], $0x4000  }
0x60: {  	[sflag:s21] =	ssyncset.done $0x0  }
0x61: {  	[sflag:s21] =	ssyncadd.s32 $0xFFFFC000  }
0x62: {  	[spmem:s9] =	stream.linear.scatter [tilespmem:s20], [sflag:$0x1], $0x4000, $0x38;
	[tilespmem:$0x18080] =	vst v63  }
0x63: {  	_ =	swait.ge [sflag:s21], $0x4000  }
0x64: {  	[sflag:s21] =	ssyncset.done $0x0  }
0x65: {  	[sflag:s21] =	ssyncadd.s32 $0xFFFFC000  }
0x66: {  	[spmem:s10] =	stream.linear.scatter [tilespmem:s20], [sflag:$0x1], $0x4000, $0x38;
	[tilespmem:$0x18080] =	vst v63  }
0x67: {  	_ =	swait.ge [sflag:s21], $0x4000  }
0x68: {  	[sflag:s21] =	ssyncset.done $0x0  }
0x69: {  	[sflag:s21] =	ssyncadd.s32 $0xFFFFC000  }
0x6a: {  	[spmem:s11] =	stream.linear.scatter [tilespmem:s20], [sflag:$0x1], $0x4000, $0x38;
	[tilespmem:$0x18080] =	vst v63  }
0x6b: {  	_ =	swait.ge [sflag:s21], $0x4000  }
0x6c: {  	[sflag:s21] =	ssyncset.done $0x0  }
0x6d: {  	s30 =	simm.s32 $0x0;
	[sflag:s21] =	ssyncadd.s32 $0xFFFFC000  }
0x6e: {  	[tilespmem:s20], [sflag:$0x1] =	stream.linear.gather [hbm4b:s1+s30], $0x4000, $0x38;
	[tilespmem:$0x18080] =	vst v63  }
.Ltmp3:
0x6f: {  	_ =	swait.ge [sflag:s21], $0x4000;
	(pc) =	sbr.rel @p0 .LBB2_7-.Ltmp3, $4  }
0x70: {  	[sflag:s21] =	ssyncset.done $0x0  }
0x71: {  	s31 =	sadd.s32 $0x0, s3;
	[sflag:s21] =	ssyncadd.s32 $0xFFFFC000  }
0x72: {  	p2 =	sgt.u32 s31, $0x9C3;
	[bflag:$0x0] =	sbarrier.arrive $0xFFFF  }
0x73: {  	p1 =	por p2, p2  }
0x74: {  	s23 =	simm.s32 @!p2 $0x0;
	s24 =	simm.s32 @!p2 $0x14000;
	s25 =	simm.s32 @!p1 $0x2  }
0x75: {  	[tilespmem:s24], [sflag:$0x2] =	stream.linear.gather @!p1 [hbm4b:s19+s23], $0x80, $0x38;
	[tilespmem:$0x18080] =	vst v63  }
0x76: {  	_ =	swait.ge @!p1 [sflag:s25], $0x80  }
0x77: {  	s31 =	sadd.s32 $0x10, s3;
	[sflag:s25] =	ssyncset.done @!p1 $0x0  }
0x78: {  	s23 =	simm.s32 @!p1 $0x80;
	[sflag:s25] =	ssyncadd.s32 @!p1 $0xFFFFFF80;
	s25 =	simm.s32 @!p1 $0x14080  }
0x79: {  	[spmem:s4] =	stream.indirect.scatter.add.f32 @!p1 [tilespmem:s25], [sflag:$0x1], $0x80, s24, s23, $0xb8;
	[tilespmem:$0x18080] =	vst v63  }
0x7a: {  	p2 =	sgt.u32 s31, $0x9C3;
	s25 =	simm.s32 @!p1 $0x1  }
0x7b: {  	s24 =	simm.s32 $0x20;
	s23 =	sadd.s32 $0x100, s19;
	_ =	swait.ge @!p1 [sflag:s25], $0x4000  }
.LBB2_5:
0x7c: {  	s26 =	simm.s32 @!p2 $0x0  }
0x7d: {  	s28 =	simm.s32 @!p2 $0x14000;
	[sflag:s25] =	ssyncset.done @!p1 $0x0;
	s29 =	smov.u32 s24  }
0x7e: {  	p3 =	por p1, p1;
	p1 =	por p2, p2;
	s24 =	sadd.s32 $0x10, s24  }
0x7f: {  	s30 =	simm.s32 @!p1 $0x2;
	[sflag:s25] =	ssyncadd.s32 @!p3 $0xFFFFC000;
	p3 =	seq.s32 s24, $0x9D0  }
0x80: {  	[tilespmem:s28], [sflag:$0x2] =	stream.linear.gather @!p1 [hbm4b:s23+s26], $0x80, $0x38;
	[tilespmem:$0x18080] =	vst v63  }
.Ltmp4:
0x81: {  	_ =	swait.ge @!p1 [sflag:s30], $0x80;
	(pc) =	sbr.rel @!p3 .LBB2_5-.Ltmp4, $4  }
0x82: {  	s25 =	simm.s32 @!p1 $0x1;
	s26 =	sadd.s32 s29, s3;
	[sflag:s30] =	ssyncset.done @!p1 $0x0  }
0x83: {  	s29 =	simm.s32 @!p1 $0x80;
	[sflag:s30] =	ssyncadd.s32 @!p1 $0xFFFFFF80;
	s30 =	simm.s32 @!p1 $0x14080  }
0x84: {  	[spmem:s4] =	stream.indirect.scatter.add.f32 @!p1 [tilespmem:s30], [sflag:$0x1], $0x80, s28, s29, $0xb8;
	[tilespmem:$0x18080] =	vst v63  }
0x85: {  	s23 =	sadd.s32 $0x100, s23;
	p2 =	sgt.u32 s26, $0x9C3;
	_ =	swait.ge @!p1 [sflag:s25], $0x4000  }
0x86: {  	s24 =	simm.s32 @!p2 $0x0  }
0x87: {  	[sflag:s25] =	ssyncset.done @!p1 $0x0;
	p1 =	por p1, p1;
	p3 =	por p2, p2  }
0x88: {  	s26 =	simm.s32 @!p2 $0x14000;
	s28 =	simm.s32 @!p3 $0x2;
	[sflag:s25] =	ssyncadd.s32 @!p1 $0xFFFFC000  }
0x89: {  	[tilespmem:s26], [sflag:$0x2] =	stream.linear.gather @!p3 [hbm4b:s23+s24], $0x80, $0x38;
	[tilespmem:$0x18080] =	vst v63  }
0x8a: {  	_ =	swait.ge @!p3 [sflag:s28], $0x80  }
0x8b: {  	s25 =	simm.s32 @!p3 $0x14080;
	s23 =	simm.s32 @!p3 $0x1;
	[sflag:s28] =	ssyncset.done @!p3 $0x0  }
.Ltmp5:
0x8c: {  	s24 =	simm.s32 @!p3 $0x80;
	[sflag:s28] =	ssyncadd.s32 @!p3 $0xFFFFFF80;
	(pc) =	sbr.rel .LBB2_10-.Ltmp5, $4  }
0x8d: {  	[spmem:s4] =	stream.indirect.scatter.add.f32 @!p3 [tilespmem:s25], [sflag:$0x1], $0x80, s26, s24, $0xb8;
	[tilespmem:$0x18080] =	vst v63  }
0x8e: {  	_ =	swait.ge @!p3 [sflag:s23], $0x4000  }
0x8f: {  	p1 =	por p3, p3;
	[sflag:s23] =	ssyncset.done @!p3 $0x0  }
0x90: {  	[sflag:s23] =	ssyncadd.s32 @!p1 $0xFFFFC000;
	s23 =	smov.u32 s2  }
.LBB2_7:
0x91: {  	s23 =	simm.s32 @!p2 $0x0;
	s24 =	simm.s32 @!p2 $0x14000;
	s25 =	simm.s32 @!p1 $0x2  }
0x92: {  	[tilespmem:s24], [sflag:$0x2] =	stream.linear.gather @!p1 [hbm4b:s18+s23], $0x80, $0x38;
	[tilespmem:$0x18080] =	vst v63  }
0x93: {  	_ =	swait.ge @!p1 [sflag:s25], $0x80  }
0x94: {  	s31 =	sadd.s32 $0x10, s3;
	[sflag:s25] =	ssyncset.done @!p1 $0x0  }
0x95: {  	s23 =	simm.s32 @!p1 $0x80;
	[sflag:s25] =	ssyncadd.s32 @!p1 $0xFFFFFF80;
	s25 =	simm.s32 @!p1 $0x14080  }
0x96: {  	[spmem:s4] =	stream.indirect.scatter.add.f32 @!p1 [tilespmem:s25], [sflag:$0x1], $0x80, s24, s23, $0xb8;
	[tilespmem:$0x18080] =	vst v63  }
0x97: {  	p2 =	sgt.u32 s31, $0x9C3;
	s25 =	simm.s32 @!p1 $0x1  }
0x98: {  	s24 =	simm.s32 $0x20;
	s23 =	sadd.s32 $0x100, s18;
	_ =	swait.ge @!p1 [sflag:s25], $0x4000  }
.LBB2_8:
0x99: {  	s26 =	simm.s32 @!p2 $0x0  }
0x9a: {  	s28 =	simm.s32 @!p2 $0x14000;
	[sflag:s25] =	ssyncset.done @!p1 $0x0;
	s29 =	smov.u32 s24  }
0x9b: {  	p3 =	por p1, p1;
	p1 =	por p2, p2;
	s24 =	sadd.s32 $0x10, s24  }
0x9c: {  	s30 =	simm.s32 @!p1 $0x2;
	[sflag:s25] =	ssyncadd.s32 @!p3 $0xFFFFC000;
	p3 =	sne.s32 s24, $0x9D0  }
0x9d: {  	[tilespmem:s28], [sflag:$0x2] =	stream.linear.gather @!p1 [hbm4b:s23+s26], $0x80, $0x38;
	[tilespmem:$0x18080] =	vst v63  }
.Ltmp6:
0x9e: {  	_ =	swait.ge @!p1 [sflag:s30], $0x80;
	(pc) =	sbr.rel @p3 .LBB2_8-.Ltmp6, $4  }
0x9f: {  	s25 =	simm.s32 @!p1 $0x1;
	s26 =	sadd.s32 s29, s3;
	[sflag:s30] =	ssyncset.done @!p1 $0x0  }
0xa0: {  	s29 =	simm.s32 @!p1 $0x80;
	[sflag:s30] =	ssyncadd.s32 @!p1 $0xFFFFFF80;
	s30 =	simm.s32 @!p1 $0x14080  }
0xa1: {  	[spmem:s4] =	stream.indirect.scatter.add.f32 @!p1 [tilespmem:s30], [sflag:$0x1], $0x80, s28, s29, $0xb8;
	[tilespmem:$0x18080] =	vst v63  }
0xa2: {  	s23 =	sadd.s32 $0x100, s23;
	p2 =	sgt.u32 s26, $0x9C3;
	_ =	swait.ge @!p1 [sflag:s25], $0x4000  }
.Ltmp7:
0xa3: {  	_ = 	snop;
	(pc) =	sbr.rel .LBB2_9-.Ltmp7, $1  }
0xa4: {  	_ =	sdelay $0x3  }
.LBB2_11:
0xa5: {  	_ =	sfence.sel $0x180000  }
0xa6: {  	[bflag:$0x0] =	sbarrier.arrive $0xFFFF  }
0xa7: {  	p0 =	sne.s32 s3, $0x0;
	_ =	strace $0x90000047  }
0xa8: {  	s0 =	sadd.s32 @!p0 $0x100000, s0;
	[bflag:$0x2] =	sbarrier.arrive $0xFFFF  }
0xa9: {  	[sflag:s0] =	ssyncadd.tile.s32 @!p0 $0x1;
	_ =	shalt  }
.Lfunc_end2:
_tile_overlayer_lowered:
.L_overlay_start_2:
0xaa: {  	(tag) =	ssettag $0x2  }
0xab: {  	s0 =	rddreg [dreg:$0x0];
	s2 =	stileid.u32  }
0xac: {  	s1 =	rddreg [dreg:$0x1];
	p0 =	sne.s32 s2, $0x0  }
0xad: {  	s3 =	rddreg [dreg:$0x2];
	[bflag:$0x3] =	sbarrier.arrive $0xFFFF;
	s2 =	simm.s32 @!p0 $0x1C01  }
0xae: {  	[timem:s3], [sflag:s2] =	dma.local @!p0 [hbm:s0], s1  }
0xaf: {  	s0 =	simm.s32 @!p0 $0x1  }
0xb0: {  	_ =	swait.ge @!p0 [sflag:s0], s1  }
0xb1: {  	s1 =	ssub.s32 @!p0 $0x0, s1;
	[sflag:s0] =	ssyncset.done @!p0 $0x0  }
0xb2: {  	[sflag:s0] =	ssyncadd.s32 @!p0 s1  }
0xb3: {  	[bflag:$0x3] =	sbarrier.arrive $0xFFFF  }
0xb4: {  	_ =	shalt  }

</sc_bundles>
